<compile_context>
chip_gen: v7x
topology: tpu7x:2x2x1
jax: 0.10.2.dev20260603
libtpu: 0.0.44.dev20260713+nightly
codegen_flags: <defaults>
</compile_context>

<pallas_src>
import functools

import jax
import jax.numpy as jnp
from jax import lax
from jax.experimental import pallas as pl
from jax.experimental.pallas import tpu as pltpu
from jax.experimental.pallas import tpu_sc as plsc

N = 10000
S = 32
E = 320000
D_FEAT = 128
D_EDGE = 16
P = 64
OUT = 64

NC = 2
NS = 16
NW = NC * NS
L = 16

EC = 128
N_ECHUNK = E // EC
KN = 4
N_NCHUNK = N // KN
BASE_CH = N_ECHUNK // NW
EXTRA = N_ECHUNK - BASE_CH * NW
MAXC = BASE_CH + 1

_mesh = plsc.VectorSubcoreMesh(core_axis_name="c", subcore_axis_name="s")
_sc_params = pltpu.CompilerParams(use_tc_tiling_on_sc=False)


def _worker_id():
    return lax.axis_index("s") * NC + lax.axis_index("c")


def _chunk_range():
    wid = _worker_id()
    base_chunk = wid * BASE_CH + jnp.minimum(wid, EXTRA)
    n_iter = BASE_CH + jnp.where(wid < EXTRA, 1, 0)
    return wid, base_chunk, n_iter


@functools.partial(
    pl.kernel,
    mesh=_mesh,
    out_type=jax.ShapeDtypeStruct((E, OUT), jnp.float32),
    scratch_types=[
        pltpu.VMEM((MAXC * EC,), jnp.int32),
        pltpu.VMEM((MAXC * EC,), jnp.int32),
        pltpu.VMEM((2, EC, OUT), jnp.float32),
        pltpu.VMEM((2, EC, OUT), jnp.float32),
        pltpu.VMEM((2, EC, OUT), jnp.float32),
        pltpu.SemaphoreType.DMA,
        pltpu.SemaphoreType.DMA,
    ],
    compiler_params=_sc_params,
)
def _sc_edge_stage(g_hbm, adjt_hbm, s_hbm,
                   i0_v, i1_v, r0_v, r1_v, o_v, sem_g, sem_o):
    wid, base_chunk, n_iter = _chunk_range()
    e_start = base_chunk * EC

    pltpu.sync_copy(adjt_hbm.at[0, pl.ds(e_start, BASE_CH * EC)],
                    i0_v.at[pl.ds(0, BASE_CH * EC)])
    pltpu.sync_copy(adjt_hbm.at[1, pl.ds(e_start, BASE_CH * EC)],
                    i1_v.at[pl.ds(0, BASE_CH * EC)])

    @pl.when(wid < EXTRA)
    def _():
        pltpu.sync_copy(adjt_hbm.at[0, pl.ds(e_start + BASE_CH * EC, EC)],
                        i0_v.at[pl.ds(BASE_CH * EC, EC)])
        pltpu.sync_copy(adjt_hbm.at[1, pl.ds(e_start + BASE_CH * EC, EC)],
                        i1_v.at[pl.ds(BASE_CH * EC, EC)])

    def issue(c, slot):
        pltpu.async_copy(g_hbm.at[i0_v.at[pl.ds(c * EC, EC)]], r0_v.at[slot], sem_g)
        pltpu.async_copy(g_hbm.at[i1_v.at[pl.ds(c * EC, EC)]], r1_v.at[slot], sem_g)

    def drain_gathers(slot):
        pltpu.make_async_copy(g_hbm.at[i0_v.at[pl.ds(0, EC)]], r0_v.at[slot], sem_g).wait()
        pltpu.make_async_copy(g_hbm.at[i1_v.at[pl.ds(0, EC)]], r1_v.at[slot], sem_g).wait()

    def compute(slot):
        def body(c2, _):
            for u in range(2):
                c = c2 * 2 + u
                for k in range(OUT // L):
                    sl = pl.ds(k * L, L)
                    o_v[slot, c, sl] = r0_v[slot, c, sl] + r1_v[slot, c, sl]
            return _
        lax.fori_loop(0, EC // 2, body, None)

    def fire_store(c, slot):
        pltpu.async_copy(o_v.at[slot], s_hbm.at[pl.ds((base_chunk + c) * EC, EC)], sem_o)

    def drain_store(slot):
        pltpu.make_async_copy(o_v.at[slot], s_hbm.at[pl.ds(0, EC)], sem_o).wait()

    issue(0, 0)
    issue(1, 1)

    def pair_body(p, _):
        for slot in range(2):
            c = 2 * p + slot

            @pl.when(c >= 2)
            def _():
                drain_store(slot)

            drain_gathers(slot)
            compute(slot)
            fire_store(c, slot)

            @pl.when(c + 2 < n_iter)
            def _():
                issue(c + 2, slot)
        return _

    lax.fori_loop(0, BASE_CH // 2, pair_body, None)

    @pl.when(n_iter > BASE_CH)
    def _():
        drain_store(0)
        drain_gathers(0)
        compute(0)
        fire_store(BASE_CH, 0)

    drain_store(1)
    drain_store(0)


@functools.partial(
    pl.kernel,
    mesh=_mesh,
    out_type=(
        jax.ShapeDtypeStruct((N, OUT), jnp.float32),
        jax.ShapeDtypeStruct((N, OUT), jnp.float32),
    ),
    scratch_types=[
        pltpu.VMEM((MAXC * KN * S,), jnp.int32),
        pltpu.VMEM((2, KN * S, OUT), jnp.float32),
        pltpu.VMEM((2, KN * S, 2 * OUT), jnp.float32),
        pltpu.VMEM((2, KN, OUT), jnp.float32),
        pltpu.VMEM((2, KN, OUT), jnp.float32),
        pltpu.SemaphoreType.DMA,
        pltpu.SemaphoreType.DMA,
    ],
    compiler_params=_sc_params,
)
def _sc_node_stage(n2e_hbm, s_hbm, tq_hbm, m0_hbm, me_hbm,
                   idx_v, nr_v, tr_v, m0_v, me_v, sem_g, sem_o):
    wid, base_chunk, n_iter = _chunk_range()
    i_start = base_chunk * KN * S
    CL = KN * S

    pltpu.sync_copy(n2e_hbm.at[pl.ds(i_start, BASE_CH * CL)],
                    idx_v.at[pl.ds(0, BASE_CH * CL)])

    @pl.when(wid < EXTRA)
    def _():
        pltpu.sync_copy(n2e_hbm.at[pl.ds(i_start + BASE_CH * CL, CL)],
                        idx_v.at[pl.ds(BASE_CH * CL, CL)])

    def issue(c, slot):
        pltpu.async_copy(s_hbm.at[idx_v.at[pl.ds(c * CL, CL)]], nr_v.at[slot], sem_g)
        pltpu.async_copy(tq_hbm.at[idx_v.at[pl.ds(c * CL, CL)]], tr_v.at[slot], sem_g)

    def drain_gathers(slot):
        pltpu.make_async_copy(s_hbm.at[idx_v.at[pl.ds(0, CL)]], nr_v.at[slot], sem_g).wait()
        pltpu.make_async_copy(tq_hbm.at[idx_v.at[pl.ds(0, CL)]], tr_v.at[slot], sem_g).wait()

    def compute(slot):
        for jn in range(KN):
            def acc_body(s, accs):
                base = jn * S + s
                new = tuple(
                    accs[k] + jnp.maximum(
                        nr_v[slot, base, pl.ds(k * L, L)]
                        + tr_v[slot, base, pl.ds(k * L, L)], 0.0)
                    for k in range(OUT // L)
                ) + tuple(
                    accs[OUT // L + k] + tr_v[slot, base, pl.ds(OUT + k * L, L)]
                    for k in range(OUT // L)
                )
                return new

            zeros = tuple(jnp.zeros((L,), jnp.float32) for _ in range(2 * (OUT // L)))
            accs = lax.fori_loop(0, S, acc_body, zeros)
            for k in range(OUT // L):
                me_v[slot, jn, pl.ds(k * L, L)] = accs[k]
                m0_v[slot, jn, pl.ds(k * L, L)] = accs[OUT // L + k]

    def fire_store(c, slot):
        n0 = (base_chunk + c) * KN
        pltpu.async_copy(m0_v.at[slot], m0_hbm.at[pl.ds(n0, KN)], sem_o)
        pltpu.async_copy(me_v.at[slot], me_hbm.at[pl.ds(n0, KN)], sem_o)

    def drain_store(slot):
        pltpu.make_async_copy(m0_v.at[slot], m0_hbm.at[pl.ds(0, KN)], sem_o).wait()
        pltpu.make_async_copy(me_v.at[slot], me_hbm.at[pl.ds(0, KN)], sem_o).wait()

    issue(0, 0)
    issue(1, 1)

    def pair_body(p, _):
        for slot in range(2):
            c = 2 * p + slot

            @pl.when(c >= 2)
            def _():
                drain_store(slot)

            drain_gathers(slot)
            compute(slot)
            fire_store(c, slot)

            @pl.when(c + 2 < n_iter)
            def _():
                issue(c + 2, slot)
        return _

    lax.fori_loop(0, BASE_CH // 2, pair_body, None)

    @pl.when(n_iter > BASE_CH)
    def _():
        drain_store(0)
        drain_gathers(0)
        compute(0)
        fire_store(BASE_CH, 0)

    drain_store(1)
    drain_store(0)


def _prep_body(feats_ref, wp_ref, wen0_ref, wep_ref, wes0_ref, wnn0_ref,
               g_ref, w2_ref):
    h = jnp.dot(feats_ref[...], wp_ref[...], preferred_element_type=jnp.float32)
    g_ref[...] = 0.5 * jnp.dot(h, wen0_ref[...], preferred_element_type=jnp.float32)
    wces = jnp.dot(wep_ref[...], wes0_ref[...], preferred_element_type=jnp.float32)
    wcn0 = jnp.dot(wep_ref[...], wnn0_ref[...], preferred_element_type=jnp.float32)
    w2_ref[...] = jnp.concatenate([wces, wcn0], axis=-1)


def _tq_body(eet_ref, w_ref, tq_ref):
    tq_ref[...] = jax.lax.dot_general(
        eet_ref[...], w_ref[...],
        dimension_numbers=(((0,), (0,)), ((), ())),
        preferred_element_type=jnp.float32)


def _final_body(id_ref, m0_ref, me_ref, wns0_ref, wns1_ref, wnn1_ref,
                o_ref):
    inv_s = 1.0 / S
    nf0 = jnp.maximum(jnp.dot(id_ref[...], wns0_ref[...], preferred_element_type=jnp.float32)
                      + m0_ref[...] * inv_s, 0.0)
    m1 = jnp.dot(me_ref[...] * inv_s, wnn1_ref[...], preferred_element_type=jnp.float32)
    nf1 = jnp.maximum(jnp.dot(nf0, wns1_ref[...], preferred_element_type=jnp.float32) + m1, 0.0)
    o_ref[...] = jnp.concatenate([nf0, nf1], axis=-1)


_TBLOCK = 6400


def kernel(feats, node2edge_idx, edge_emb, edge_node_adj, id_emb,
           W_prep, W_edge_prep,
           W_e_self_0, W_e_neigh_0, W_n_self_0, W_n_neigh_0,
           W_e_self_1, W_e_neigh_1, W_n_self_1, W_n_neigh_1):
    g, w2 = pl.pallas_call(
        _prep_body,
        out_shape=[
            jax.ShapeDtypeStruct((N, P), jnp.float32),
            jax.ShapeDtypeStruct((D_EDGE, 2 * OUT), jnp.float32),
        ],
    )(feats, W_prep, W_e_neigh_0, W_edge_prep, W_e_self_0, W_n_neigh_0)

    adjt = edge_node_adj.T

    tq = pl.pallas_call(
        _tq_body,
        grid=(E // _TBLOCK,),
        in_specs=[
            pl.BlockSpec((D_EDGE, _TBLOCK), lambda i: (0, i)),
            pl.BlockSpec((D_EDGE, 2 * OUT), lambda i: (0, 0)),
        ],
        out_specs=pl.BlockSpec((_TBLOCK, 2 * OUT), lambda i: (i, 0)),
        out_shape=jax.ShapeDtypeStruct((E, 2 * OUT), jnp.float32),
        compiler_params=pltpu.CompilerParams(
            dimension_semantics=("parallel",)),
    )(edge_emb.T, w2)

    s = _sc_edge_stage(g, adjt)

    n2e_flat = jnp.reshape(node2edge_idx, (N * S,))
    m0_sum, me_sum = _sc_node_stage(n2e_flat, s, tq)

    out = pl.pallas_call(
        _final_body,
        out_shape=jax.ShapeDtypeStruct((N, 2 * OUT), jnp.float32),
    )(id_emb, m0_sum, me_sum, W_n_self_0, W_n_self_1, W_n_neigh_1)

    return out[None]

# --- scband reference (transcript-rebuilt; emitter-appended) ---
"""Pipeline reference for scband-base-conch-16406775071373 (READ-ONLY COPY).

The authoritative reference and input builder live on the scoring server;
editing this copy changes nothing except your own understanding.
"""

import jax, jax.numpy as jnp
import numpy as np

N = 10000
S = 32
E = 320000
D_FEAT = 128
D_EDGE = 16
P = 64
OUT = 64
DEPTH = 2


def setup_inputs(seed: int = 0) -> dict:
    key = jax.random.key(seed)
    ks = jax.random.split(key, 16)
    return {
        'feats': jax.random.normal(ks[0], (N, D_FEAT), dtype=jnp.float32),
        'node2edge_idx': jax.random.randint(ks[1], (N, S), 0, E, dtype=jnp.int32),
        'edge_emb': jax.random.normal(ks[2], (E, D_EDGE), dtype=jnp.float32),
        'edge_node_adj': jax.random.randint(ks[3], (E, 2), 0, N, dtype=jnp.int32),
        'id_emb': jax.random.normal(ks[4], (N, P), dtype=jnp.float32) * 0.05,
        'W_prep': jax.random.normal(ks[5], (D_FEAT, P), dtype=jnp.float32) / np.sqrt(D_FEAT),
        'W_edge_prep': jax.random.normal(ks[6], (D_EDGE, P), dtype=jnp.float32) / np.sqrt(D_EDGE),
        'W_e_self_0': jax.random.normal(ks[7], (P, OUT), dtype=jnp.float32) / np.sqrt(P),
        'W_e_neigh_0': jax.random.normal(ks[8], (P, OUT), dtype=jnp.float32) / np.sqrt(P),
        'W_n_self_0': jax.random.normal(ks[9], (P, OUT), dtype=jnp.float32) / np.sqrt(P),
        'W_n_neigh_0': jax.random.normal(ks[10], (P, OUT), dtype=jnp.float32) / np.sqrt(P),
        'W_e_self_1': jax.random.normal(ks[11], (OUT, OUT), dtype=jnp.float32) / np.sqrt(OUT),
        'W_e_neigh_1': jax.random.normal(ks[12], (OUT, OUT), dtype=jnp.float32) / np.sqrt(OUT),
        'W_n_self_1': jax.random.normal(ks[13], (OUT, OUT), dtype=jnp.float32) / np.sqrt(OUT),
        'W_n_neigh_1': jax.random.normal(ks[14], (OUT, OUT), dtype=jnp.float32) / np.sqrt(OUT),
    }


def _mean_agg(self_feat, neigh_flat, n_neigh, W_self, W_neigh):
    # MeanAggregator: activation(self @ W_self + mean(neigh) @ W_neigh)
    neigh = neigh_flat.reshape(self_feat.shape[0], n_neigh, neigh_flat.shape[-1]).mean(axis=1)
    return jax.nn.relu(self_feat @ W_self + neigh @ W_neigh)


def reference(feats, node2edge_idx, edge_emb, edge_node_adj, id_emb,
              W_prep, W_edge_prep,
              W_e_self_0, W_e_neigh_0, W_n_self_0, W_n_neigh_0,
              W_e_self_1, W_e_neigh_1, W_n_self_1, W_n_neigh_1):
    edge_W = [(W_e_self_0, W_e_neigh_0), (W_e_self_1, W_e_neigh_1)]
    node_W = [(W_n_self_0, W_n_neigh_0), (W_n_self_1, W_n_neigh_1)]
    # prep: original detaches input feats before projecting
    all_feats = jax.lax.stop_gradient(feats) @ W_prep            # prep layer_idx=1
    dummy_feats = id_emb                                          # prep layer_idx=0 (id embedding)
    all_edges = edge_emb @ W_edge_prep                            # edge_prep[mp], identity perm (shuffle=False)
    skip_buffer = []
    for layer_idx in range(DEPTH):
        # edge aggregation: gather the 2 endpoint node feats per edge
        chunk_node = jnp.take(all_feats, edge_node_adj.reshape(-1), axis=0)   # [2E, d]
        next_edges = _mean_agg(all_edges, chunk_node, 2, *edge_W[layer_idx])
        # node aggregation: gather S incident edge feats per node
        self_feat = dummy_feats if layer_idx == 0 else all_feats
        chunk_edge = jnp.take(all_edges, node2edge_idx.reshape(-1), axis=0)   # [N*S, d]
        next_feats = _mean_agg(self_feat, chunk_edge, S, *node_W[layer_idx])
        skip_buffer.append(next_feats)
        all_feats = next_feats
        all_edges = next_edges
    # n_mp = 1 metapath -> output [1, N, DEPTH*OUT]
    output = jnp.concatenate(skip_buffer, axis=-1)[None, :, :]
    return output

if __name__ == "__main__":
    import jax
    _d = setup_inputs()
    print(jax.jit(kernel)(*tuple(_d.values())))

</pallas_src>

<mosaic_0001>
#map = affine_map<(d0, d1) -> (0)>
#map1 = affine_map<(d0, d1) -> (0, 0)>
module attributes {stable_mosaic.version = 14 : i64} {
  func.func @_sc_node_stage(%arg0: i32, %arg1: i32, %arg2: memref<320000xi32, #tpu.memory_space<hbm>>, %arg3: memref<320000x64xf32, #tpu.memory_space<hbm>>, %arg4: memref<320000x128xf32, #tpu.memory_space<hbm>>, %arg5: memref<10000x64xf32, #tpu.memory_space<hbm>>, %arg6: memref<10000x64xf32, #tpu.memory_space<hbm>>, %arg7: memref<10112xi32, #tpu.memory_space<vmem>>, %arg8: memref<2x128x64xf32, #tpu.memory_space<vmem>>, %arg9: memref<2x128x128xf32, #tpu.memory_space<vmem>>, %arg10: memref<2x4x64xf32, #tpu.memory_space<vmem>>, %arg11: memref<2x4x64xf32, #tpu.memory_space<vmem>>, %arg12: memref<!tpu.dma_semaphore, #tpu.memory_space<semaphore_mem>>, %arg13: memref<!tpu.dma_semaphore, #tpu.memory_space<semaphore_mem>>) attributes {dimension_semantics = [#tpu.dimension_semantics<core_parallel>, #tpu.dimension_semantics<subcore_parallel>], iteration_bounds = array<i64: 2, 16>, scalar_prefetch = 0 : i64, scratch_operands = 7 : i64, tpu.core_type = #tpu.core_type<sc_vector_subcore>, window_params = [{transform_indices = #map}, {transform_indices = #map1}, {transform_indices = #map1}, {transform_indices = #map1}, {transform_indices = #map1}]} {
    %mul3A = arith.constant 2 : i32
    %mul3A_0 = arith.muli %arg1, %mul3A : i32
    %add3A = arith.addi %mul3A_0, %arg0 : i32
    %mul3A_1 = arith.constant 78 : i32
    %mul3A_2 = arith.muli %add3A, %mul3A_1 : i32
    %min3A = arith.constant 4 : i32
    %min3A_3 = arith.minsi %add3A, %min3A : i32
    %add3A_4 = arith.addi %mul3A_2, %min3A_3 : i32
    %lt3A = arith.constant 4 : i32
    %lt3A_5 = arith.cmpi slt, %add3A, %lt3A : i32
    %jit3A = arith.constant 1 : i32
    %jit3A_6 = arith.constant 0 : i32
    %select_n3A = arith.select %lt3A_5, %jit3A, %jit3A_6 : i32
    %add3A_7 = arith.constant 78 : i32
    %add3A_8 = arith.addi %add3A_7, %select_n3A : i32
    %mul3A_9 = arith.constant 4 : i32
    %mul3A_10 = arith.muli %add3A_4, %mul3A_9 : i32
    %mul3A_11 = arith.constant 32 : i32
    %mul3A_12 = arith.muli %mul3A_10, %mul3A_11 : i32
    "tpu.region"() ({
      %run_scoped3A = tpu.sem_alloc : memref<!tpu.dma_semaphore, #tpu.memory_space<semaphore_mem>>
      %dma_start3A_122 = arith.constant 0 : i32
      %dma_start3A_123 = tpu.memref_slice %arg7[%dma_start3A_122] : memref<10112xi32, #tpu.memory_space<vmem>> -> memref<9984xi32, #tpu.memory_space<vmem>>
      %dma_start3A_124 = tpu.memref_slice %arg2[%mul3A_12] : memref<320000xi32, #tpu.memory_space<hbm>> -> memref<9984xi32, #tpu.memory_space<hbm>>
      %dma_start3A_125 = arith.constant 0 : i32
      %dma_start3A_126 = tpu.memref_slice %arg7[%dma_start3A_125] : memref<10112xi32, #tpu.memory_space<vmem>> -> memref<9984xi32, #tpu.memory_space<vmem>>
      %dma_start3A_127 = tpu.memref_slice %arg2[%mul3A_12] : memref<320000xi32, #tpu.memory_space<hbm>> -> memref<9984xi32, #tpu.memory_space<hbm>>
      tpu.enqueue_dma source(%dma_start3A_127 : memref<9984xi32, #tpu.memory_space<hbm>>) target(%dma_start3A_126 : memref<9984xi32, #tpu.memory_space<vmem>>) target_semaphore(%run_scoped3A : memref<!tpu.dma_semaphore, #tpu.memory_space<semaphore_mem>>)
      %dma_wait3A_128 = arith.constant 0 : i32
      %dma_wait3A_129 = tpu.memref_slice %arg7[%dma_wait3A_128] : memref<10112xi32, #tpu.memory_space<vmem>> -> memref<9984xi32, #tpu.memory_space<vmem>>
      %dma_wait3A_130 = tpu.memref_slice %arg2[%mul3A_12] : memref<320000xi32, #tpu.memory_space<hbm>> -> memref<9984xi32, #tpu.memory_space<hbm>>
      %dma_wait3A_131 = arith.constant 0 : i32
      %dma_wait3A_132 = tpu.memref_slice %arg7[%dma_wait3A_131] : memref<10112xi32, #tpu.memory_space<vmem>> -> memref<9984xi32, #tpu.memory_space<vmem>>
      %dma_wait3A_133 = tpu.memref_slice %arg2[%mul3A_12] : memref<320000xi32, #tpu.memory_space<hbm>> -> memref<9984xi32, #tpu.memory_space<hbm>>
      tpu.wait_dma2 semaphore(%run_scoped3A : memref<!tpu.dma_semaphore, #tpu.memory_space<semaphore_mem>>) src(%dma_wait3A_133 : memref<9984xi32, #tpu.memory_space<hbm>>) dst(%dma_wait3A_132 : memref<9984xi32, #tpu.memory_space<vmem>>)
      tpu.yield
    }) : () -> ()
    %lt3A_13 = arith.constant 4 : i32
    %lt3A_14 = arith.cmpi slt, %add3A, %lt3A_13 : i32
    %convert_element_type3A = arith.extui %lt3A_14 : i1 to i32
    %cond3A = arith.constant 0 : i32
    %cond3A_15 = arith.cmpi ne, %convert_element_type3A, %cond3A : i32
    scf.if %cond3A_15 {
      %add3A_122 = arith.constant 9984 : i32
      %add3A_123 = arith.addi %mul3A_12, %add3A_122 : i32
      "tpu.region"() ({
        %run_scoped3A = tpu.sem_alloc : memref<!tpu.dma_semaphore, #tpu.memory_space<semaphore_mem>>
        %dma_start3A_124 = arith.constant 9984 : i32
        %dma_start3A_125 = tpu.memref_slice %arg7[%dma_start3A_124] : memref<10112xi32, #tpu.memory_space<vmem>> -> memref<128xi32, #tpu.memory_space<vmem>>
        %dma_start3A_126 = tpu.memref_slice %arg2[%add3A_123] : memref<320000xi32, #tpu.memory_space<hbm>> -> memref<128xi32, #tpu.memory_space<hbm>>
        %dma_start3A_127 = arith.constant 9984 : i32
        %dma_start3A_128 = tpu.memref_slice %arg7[%dma_start3A_127] : memref<10112xi32, #tpu.memory_space<vmem>> -> memref<128xi32, #tpu.memory_space<vmem>>
        %dma_start3A_129 = tpu.memref_slice %arg2[%add3A_123] : memref<320000xi32, #tpu.memory_space<hbm>> -> memref<128xi32, #tpu.memory_space<hbm>>
        tpu.enqueue_dma source(%dma_start3A_129 : memref<128xi32, #tpu.memory_space<hbm>>) target(%dma_start3A_128 : memref<128xi32, #tpu.memory_space<vmem>>) target_semaphore(%run_scoped3A : memref<!tpu.dma_semaphore, #tpu.memory_space<semaphore_mem>>)
        %dma_wait3A_130 = arith.constant 9984 : i32
        %dma_wait3A_131 = tpu.memref_slice %arg7[%dma_wait3A_130] : memref<10112xi32, #tpu.memory_space<vmem>> -> memref<128xi32, #tpu.memory_space<vmem>>
        %dma_wait3A_132 = tpu.memref_slice %arg2[%add3A_123] : memref<320000xi32, #tpu.memory_space<hbm>> -> memref<128xi32, #tpu.memory_space<hbm>>
        %dma_wait3A_133 = arith.constant 9984 : i32
        %dma_wait3A_134 = tpu.memref_slice %arg7[%dma_wait3A_133] : memref<10112xi32, #tpu.memory_space<vmem>> -> memref<128xi32, #tpu.memory_space<vmem>>
        %dma_wait3A_135 = tpu.memref_slice %arg2[%add3A_123] : memref<320000xi32, #tpu.memory_space<hbm>> -> memref<128xi32, #tpu.memory_space<hbm>>
        tpu.wait_dma2 semaphore(%run_scoped3A : memref<!tpu.dma_semaphore, #tpu.memory_space<semaphore_mem>>) src(%dma_wait3A_135 : memref<128xi32, #tpu.memory_space<hbm>>) dst(%dma_wait3A_134 : memref<128xi32, #tpu.memory_space<vmem>>)
        tpu.yield
      }) : () -> ()
    } else {
    }
    %dma_start3A = arith.constant 0 : i32
    %dma_start3A_16 = arith.constant 0 : i32
    %dma_start3A_17 = arith.constant 0 : i32
    %dma_start3A_18 = tpu.memref_slice %arg8[%dma_start3A, %dma_start3A_16, %dma_start3A_17] : memref<2x128x64xf32, #tpu.memory_space<vmem>> -> memref<1x128x64xf32, #tpu.memory_space<vmem>>
    %dma_start3A_19 = tpu.memref_squeeze %dma_start3A_18 : memref<1x128x64xf32, #tpu.memory_space<vmem>> -> memref<128x64xf32, #tpu.memory_space<vmem>>
    %dma_start3A_20 = arith.constant 0 : i32
    %dma_start3A_21 = tpu.memref_slice %arg7[%dma_start3A_20] : memref<10112xi32, #tpu.memory_space<vmem>> -> memref<128xi32, #tpu.memory_space<vmem>>
    %dma_start3A_22 = arith.constant 0 : i32
    %dma_start3A_23 = arith.constant 0 : i32
    %dma_start3A_24 = tpu.memref_slice %arg3[%dma_start3A_22, %dma_start3A_23] : memref<320000x64xf32, #tpu.memory_space<hbm>> -> memref<320000x64xf32, #tpu.memory_space<hbm>>
    tpu.enqueue_indirect_dma source(%dma_start3A_24 : memref<320000x64xf32, #tpu.memory_space<hbm>>) target(%dma_start3A_19 : memref<128x64xf32, #tpu.memory_space<vmem>>) offsets(%dma_start3A_21 : memref<128xi32, #tpu.memory_space<vmem>>) semaphore(%arg12 : memref<!tpu.dma_semaphore, #tpu.memory_space<semaphore_mem>>)
    %dma_start3A_25 = arith.constant 0 : i32
    %dma_start3A_26 = arith.constant 0 : i32
    %dma_start3A_27 = arith.constant 0 : i32
    %dma_start3A_28 = tpu.memref_slice %arg9[%dma_start3A_25, %dma_start3A_26, %dma_start3A_27] : memref<2x128x128xf32, #tpu.memory_space<vmem>> -> memref<1x128x128xf32, #tpu.memory_space<vmem>>
    %dma_start3A_29 = tpu.memref_squeeze %dma_start3A_28 : memref<1x128x128xf32, #tpu.memory_space<vmem>> -> memref<128x128xf32, #tpu.memory_space<vmem>>
    %dma_start3A_30 = arith.constant 0 : i32
    %dma_start3A_31 = tpu.memref_slice %arg7[%dma_start3A_30] : memref<10112xi32, #tpu.memory_space<vmem>> -> memref<128xi32, #tpu.memory_space<vmem>>
    %dma_start3A_32 = arith.constant 0 : i32
    %dma_start3A_33 = arith.constant 0 : i32
    %dma_start3A_34 = tpu.memref_slice %arg4[%dma_start3A_32, %dma_start3A_33] : memref<320000x128xf32, #tpu.memory_space<hbm>> -> memref<320000x128xf32, #tpu.memory_space<hbm>>
    tpu.enqueue_indirect_dma source(%dma_start3A_34 : memref<320000x128xf32, #tpu.memory_space<hbm>>) target(%dma_start3A_29 : memref<128x128xf32, #tpu.memory_space<vmem>>) offsets(%dma_start3A_31 : memref<128xi32, #tpu.memory_space<vmem>>) semaphore(%arg12 : memref<!tpu.dma_semaphore, #tpu.memory_space<semaphore_mem>>)
    %dma_start3A_35 = arith.constant 1 : i32
    %dma_start3A_36 = arith.constant 0 : i32
    %dma_start3A_37 = arith.constant 0 : i32
    %dma_start3A_38 = tpu.memref_slice %arg8[%dma_start3A_35, %dma_start3A_36, %dma_start3A_37] : memref<2x128x64xf32, #tpu.memory_space<vmem>> -> memref<1x128x64xf32, #tpu.memory_space<vmem>>
    %dma_start3A_39 = tpu.memref_squeeze %dma_start3A_38 : memref<1x128x64xf32, #tpu.memory_space<vmem>> -> memref<128x64xf32, #tpu.memory_space<vmem>>
    %dma_start3A_40 = arith.constant 128 : i32
    %dma_start3A_41 = tpu.memref_slice %arg7[%dma_start3A_40] : memref<10112xi32, #tpu.memory_space<vmem>> -> memref<128xi32, #tpu.memory_space<vmem>>
    %dma_start3A_42 = arith.constant 0 : i32
    %dma_start3A_43 = arith.constant 0 : i32
    %dma_start3A_44 = tpu.memref_slice %arg3[%dma_start3A_42, %dma_start3A_43] : memref<320000x64xf32, #tpu.memory_space<hbm>> -> memref<320000x64xf32, #tpu.memory_space<hbm>>
    tpu.enqueue_indirect_dma source(%dma_start3A_44 : memref<320000x64xf32, #tpu.memory_space<hbm>>) target(%dma_start3A_39 : memref<128x64xf32, #tpu.memory_space<vmem>>) offsets(%dma_start3A_41 : memref<128xi32, #tpu.memory_space<vmem>>) semaphore(%arg12 : memref<!tpu.dma_semaphore, #tpu.memory_space<semaphore_mem>>)
    %dma_start3A_45 = arith.constant 1 : i32
    %dma_start3A_46 = arith.constant 0 : i32
    %dma_start3A_47 = arith.constant 0 : i32
    %dma_start3A_48 = tpu.memref_slice %arg9[%dma_start3A_45, %dma_start3A_46, %dma_start3A_47] : memref<2x128x128xf32, #tpu.memory_space<vmem>> -> memref<1x128x128xf32, #tpu.memory_space<vmem>>
    %dma_start3A_49 = tpu.memref_squeeze %dma_start3A_48 : memref<1x128x128xf32, #tpu.memory_space<vmem>> -> memref<128x128xf32, #tpu.memory_space<vmem>>
    %dma_start3A_50 = arith.constant 128 : i32
    %dma_start3A_51 = tpu.memref_slice %arg7[%dma_start3A_50] : memref<10112xi32, #tpu.memory_space<vmem>> -> memref<128xi32, #tpu.memory_space<vmem>>
    %dma_start3A_52 = arith.constant 0 : i32
    %dma_start3A_53 = arith.constant 0 : i32
    %dma_start3A_54 = tpu.memref_slice %arg4[%dma_start3A_52, %dma_start3A_53] : memref<320000x128xf32, #tpu.memory_space<hbm>> -> memref<320000x128xf32, #tpu.memory_space<hbm>>
    tpu.enqueue_indirect_dma source(%dma_start3A_54 : memref<320000x128xf32, #tpu.memory_space<hbm>>) target(%dma_start3A_49 : memref<128x128xf32, #tpu.memory_space<vmem>>) offsets(%dma_start3A_51 : memref<128xi32, #tpu.memory_space<vmem>>) semaphore(%arg12 : memref<!tpu.dma_semaphore, #tpu.memory_space<semaphore_mem>>)
    %scan3A = arith.constant 0 : i32
    %scan3A_55 = arith.constant 39 : i32
    %scan3A_56 = arith.addi %scan3A, %scan3A_55 : i32
    %scan3A_57 = arith.constant 1 : i32
    scf.for %scan3A_122 = %scan3A to %scan3A_56 step %scan3A_57  : i32 {
      %mul3A_123 = arith.constant 2 : i32
      %mul3A_124 = arith.muli %mul3A_123, %scan3A_122 : i32
      %add3A_125 = arith.constant 0 : i32
      %add3A_126 = arith.addi %mul3A_124, %add3A_125 : i32
      %ge3A = arith.constant 2 : i32
      %ge3A_127 = arith.cmpi sge, %add3A_126, %ge3A : i32
      %convert_element_type3A_128 = arith.extui %ge3A_127 : i1 to i32
      %cond3A_129 = arith.constant 0 : i32
      %cond3A_130 = arith.cmpi ne, %convert_element_type3A_128, %cond3A_129 : i32
      scf.if %cond3A_130 {
        %dma_wait3A_936 = arith.constant 0 : i32
        %dma_wait3A_937 = arith.constant 0 : i32
        %dma_wait3A_938 = arith.constant 0 : i32
        %dma_wait3A_939 = tpu.memref_slice %arg10[%dma_wait3A_936, %dma_wait3A_937, %dma_wait3A_938] : memref<2x4x64xf32, #tpu.memory_space<vmem>> -> memref<1x4x64xf32, #tpu.memory_space<vmem>>
        %dma_wait3A_940 = tpu.memref_squeeze %dma_wait3A_939 : memref<1x4x64xf32, #tpu.memory_space<vmem>> -> memref<4x64xf32, #tpu.memory_space<vmem>>
        %dma_wait3A_941 = arith.constant 0 : i32
        %dma_wait3A_942 = arith.constant 0 : i32
        %dma_wait3A_943 = tpu.memref_slice %arg5[%dma_wait3A_941, %dma_wait3A_942] : memref<10000x64xf32, #tpu.memory_space<hbm>> -> memref<4x64xf32, #tpu.memory_space<hbm>>
        %dma_wait3A_944 = arith.constant 0 : i32
        %dma_wait3A_945 = arith.constant 0 : i32
        %dma_wait3A_946 = tpu.memref_slice %arg5[%dma_wait3A_944, %dma_wait3A_945] : memref<10000x64xf32, #tpu.memory_space<hbm>> -> memref<4x64xf32, #tpu.memory_space<hbm>>
        %dma_wait3A_947 = arith.constant 0 : i32
        %dma_wait3A_948 = arith.constant 0 : i32
        %dma_wait3A_949 = tpu.memref_slice %arg10[%dma_wait3A_936, %dma_wait3A_947, %dma_wait3A_948] : memref<2x4x64xf32, #tpu.memory_space<vmem>> -> memref<1x4x64xf32, #tpu.memory_space<vmem>>
        %dma_wait3A_950 = tpu.memref_squeeze %dma_wait3A_949 : memref<1x4x64xf32, #tpu.memory_space<vmem>> -> memref<4x64xf32, #tpu.memory_space<vmem>>
        tpu.wait_dma2 semaphore(%arg13 : memref<!tpu.dma_semaphore, #tpu.memory_space<semaphore_mem>>) src(%dma_wait3A_950 : memref<4x64xf32, #tpu.memory_space<vmem>>) dst(%dma_wait3A_946 : memref<4x64xf32, #tpu.memory_space<hbm>>)
        %dma_wait3A_951 = arith.constant 0 : i32
        %dma_wait3A_952 = arith.constant 0 : i32
        %dma_wait3A_953 = arith.constant 0 : i32
        %dma_wait3A_954 = tpu.memref_slice %arg11[%dma_wait3A_951, %dma_wait3A_952, %dma_wait3A_953] : memref<2x4x64xf32, #tpu.memory_space<vmem>> -> memref<1x4x64xf32, #tpu.memory_space<vmem>>
        %dma_wait3A_955 = tpu.memref_squeeze %dma_wait3A_954 : memref<1x4x64xf32, #tpu.memory_space<vmem>> -> memref<4x64xf32, #tpu.memory_space<vmem>>
        %dma_wait3A_956 = arith.constant 0 : i32
        %dma_wait3A_957 = arith.constant 0 : i32
        %dma_wait3A_958 = tpu.memref_slice %arg6[%dma_wait3A_956, %dma_wait3A_957] : memref<10000x64xf32, #tpu.memory_space<hbm>> -> memref<4x64xf32, #tpu.memory_space<hbm>>
        %dma_wait3A_959 = arith.constant 0 : i32
        %dma_wait3A_960 = arith.constant 0 : i32
        %dma_wait3A_961 = tpu.memref_slice %arg6[%dma_wait3A_959, %dma_wait3A_960] : memref<10000x64xf32, #tpu.memory_space<hbm>> -> memref<4x64xf32, #tpu.memory_space<hbm>>
        %dma_wait3A_962 = arith.constant 0 : i32
        %dma_wait3A_963 = arith.constant 0 : i32
        %dma_wait3A_964 = tpu.memref_slice %arg11[%dma_wait3A_951, %dma_wait3A_962, %dma_wait3A_963] : memref<2x4x64xf32, #tpu.memory_space<vmem>> -> memref<1x4x64xf32, #tpu.memory_space<vmem>>
        %dma_wait3A_965 = tpu.memref_squeeze %dma_wait3A_964 : memref<1x4x64xf32, #tpu.memory_space<vmem>> -> memref<4x64xf32, #tpu.memory_space<vmem>>
        tpu.wait_dma2 semaphore(%arg13 : memref<!tpu.dma_semaphore, #tpu.memory_space<semaphore_mem>>) src(%dma_wait3A_965 : memref<4x64xf32, #tpu.memory_space<vmem>>) dst(%dma_wait3A_961 : memref<4x64xf32, #tpu.memory_space<hbm>>)
      } else {
      }
      %dma_wait3A_131 = arith.constant 0 : i32
      %dma_wait3A_132 = arith.constant 0 : i32
      %dma_wait3A_133 = arith.constant 0 : i32
      %dma_wait3A_134 = tpu.memref_slice %arg8[%dma_wait3A_131, %dma_wait3A_132, %dma_wait3A_133] : memref<2x128x64xf32, #tpu.memory_space<vmem>> -> memref<1x128x64xf32, #tpu.memory_space<vmem>>
      %dma_wait3A_135 = tpu.memref_squeeze %dma_wait3A_134 : memref<1x128x64xf32, #tpu.memory_space<vmem>> -> memref<128x64xf32, #tpu.memory_space<vmem>>
      %dma_wait3A_136 = arith.constant 0 : i32
      %dma_wait3A_137 = tpu.memref_slice %arg7[%dma_wait3A_136] : memref<10112xi32, #tpu.memory_space<vmem>> -> memref<128xi32, #tpu.memory_space<vmem>>
      %dma_wait3A_138 = arith.constant 0 : i32
      %dma_wait3A_139 = arith.constant 0 : i32
      %dma_wait3A_140 = tpu.memref_slice %arg3[%dma_wait3A_138, %dma_wait3A_139] : memref<320000x64xf32, #tpu.memory_space<hbm>> -> memref<320000x64xf32, #tpu.memory_space<hbm>>
      tpu.wait_indirect_dma semaphore(%arg12 : memref<!tpu.dma_semaphore, #tpu.memory_space<semaphore_mem>>) src(%dma_wait3A_140 : memref<320000x64xf32, #tpu.memory_space<hbm>>) dst(%dma_wait3A_135 : memref<128x64xf32, #tpu.memory_space<vmem>>)
      %dma_wait3A_141 = arith.constant 0 : i32
      %dma_wait3A_142 = arith.constant 0 : i32
      %dma_wait3A_143 = arith.constant 0 : i32
      %dma_wait3A_144 = tpu.memref_slice %arg9[%dma_wait3A_141, %dma_wait3A_142, %dma_wait3A_143] : memref<2x128x128xf32, #tpu.memory_space<vmem>> -> memref<1x128x128xf32, #tpu.memory_space<vmem>>
      %dma_wait3A_145 = tpu.memref_squeeze %dma_wait3A_144 : memref<1x128x128xf32, #tpu.memory_space<vmem>> -> memref<128x128xf32, #tpu.memory_space<vmem>>
      %dma_wait3A_146 = arith.constant 0 : i32
      %dma_wait3A_147 = tpu.memref_slice %arg7[%dma_wait3A_146] : memref<10112xi32, #tpu.memory_space<vmem>> -> memref<128xi32, #tpu.memory_space<vmem>>
      %dma_wait3A_148 = arith.constant 0 : i32
      %dma_wait3A_149 = arith.constant 0 : i32
      %dma_wait3A_150 = tpu.memref_slice %arg4[%dma_wait3A_148, %dma_wait3A_149] : memref<320000x128xf32, #tpu.memory_space<hbm>> -> memref<320000x128xf32, #tpu.memory_space<hbm>>
      tpu.wait_indirect_dma semaphore(%arg12 : memref<!tpu.dma_semaphore, #tpu.memory_space<semaphore_mem>>) src(%dma_wait3A_150 : memref<320000x128xf32, #tpu.memory_space<hbm>>) dst(%dma_wait3A_145 : memref<128x128xf32, #tpu.memory_space<vmem>>)
      %broadcast_in_dim3A = arith.constant 0.000000e+00 : f32
      %broadcast_in_dim3A_151 = vector.broadcast %broadcast_in_dim3A : f32 to vector<16xf32>
      %broadcast_in_dim3A_152 = arith.constant 0.000000e+00 : f32
      %broadcast_in_dim3A_153 = vector.broadcast %broadcast_in_dim3A_152 : f32 to vector<16xf32>
      %broadcast_in_dim3A_154 = arith.constant 0.000000e+00 : f32
      %broadcast_in_dim3A_155 = vector.broadcast %broadcast_in_dim3A_154 : f32 to vector<16xf32>
      %broadcast_in_dim3A_156 = arith.constant 0.000000e+00 : f32
      %broadcast_in_dim3A_157 = vector.broadcast %broadcast_in_dim3A_156 : f32 to vector<16xf32>
      %broadcast_in_dim3A_158 = arith.constant 0.000000e+00 : f32
      %broadcast_in_dim3A_159 = vector.broadcast %broadcast_in_dim3A_158 : f32 to vector<16xf32>
      %broadcast_in_dim3A_160 = arith.constant 0.000000e+00 : f32
      %broadcast_in_dim3A_161 = vector.broadcast %broadcast_in_dim3A_160 : f32 to vector<16xf32>
      %broadcast_in_dim3A_162 = arith.constant 0.000000e+00 : f32
      %broadcast_in_dim3A_163 = vector.broadcast %broadcast_in_dim3A_162 : f32 to vector<16xf32>
      %broadcast_in_dim3A_164 = arith.constant 0.000000e+00 : f32
      %broadcast_in_dim3A_165 = vector.broadcast %broadcast_in_dim3A_164 : f32 to vector<16xf32>
      %scan3A_166 = arith.constant 0 : i32
      %scan3A_167 = arith.constant 32 : i32
      %scan3A_168 = arith.addi %scan3A_166, %scan3A_167 : i32
      %scan3A_169 = arith.constant 1 : i32
      %scan3A_170:8 = scf.for %scan3A_936 = %scan3A_166 to %scan3A_168 step %scan3A_169 iter_args(%scan3A_937 = %broadcast_in_dim3A_151, %scan3A_938 = %broadcast_in_dim3A_153, %scan3A_939 = %broadcast_in_dim3A_155, %scan3A_940 = %broadcast_in_dim3A_157, %scan3A_941 = %broadcast_in_dim3A_159, %scan3A_942 = %broadcast_in_dim3A_161, %scan3A_943 = %broadcast_in_dim3A_163, %scan3A_944 = %broadcast_in_dim3A_165) -> (vector<16xf32>, vector<16xf32>, vector<16xf32>, vector<16xf32>, vector<16xf32>, vector<16xf32>, vector<16xf32>, vector<16xf32>)  : i32 {
        %add3A_945 = arith.constant 0 : i32
        %add3A_946 = arith.addi %add3A_945, %scan3A_936 : i32
        %get3A = arith.constant 0 : i32
        %get3A_947 = arith.index_cast %get3A : i32 to index
        %get3A_948 = arith.index_cast %add3A_946 : i32 to index
        %get3A_949 = arith.constant 0 : index
        %get3A_950 = tpu.vector_load %arg8[%get3A_947, %get3A_948, %get3A_949] {strides = array<i32>} : memref<2x128x64xf32, #tpu.memory_space<vmem>>, vector<1x1x16xf32>,
        %get3A_951 = vector.shape_cast %get3A_950 : vector<1x1x16xf32> to vector<16xf32>
        %get3A_952 = arith.constant 0 : i32
        %get3A_953 = arith.index_cast %get3A_952 : i32 to index
        %get3A_954 = arith.index_cast %add3A_946 : i32 to index
        %get3A_955 = arith.constant 0 : index
        %get3A_956 = tpu.vector_load %arg9[%get3A_953, %get3A_954, %get3A_955] {strides = array<i32>} : memref<2x128x128xf32, #tpu.memory_space<vmem>>, vector<1x1x16xf32>,
        %get3A_957 = vector.shape_cast %get3A_956 : vector<1x1x16xf32> to vector<16xf32>
        %add3A_958 = arith.addf %get3A_951, %get3A_957 : vector<16xf32>
        %max3A = arith.constant 0.000000e+00 : f32
        %max3A_959 = vector.broadcast %max3A : f32 to vector<16xf32>
        %max3A_960 = arith.maximumf %add3A_958, %max3A_959 : vector<16xf32>
        %add3A_961 = arith.addf %scan3A_937, %max3A_960 : vector<16xf32>
        %get3A_962 = arith.constant 0 : i32
        %get3A_963 = arith.index_cast %get3A_962 : i32 to index
        %get3A_964 = arith.index_cast %add3A_946 : i32 to index
        %get3A_965 = arith.constant 16 : index
        %get3A_966 = tpu.vector_load %arg8[%get3A_963, %get3A_964, %get3A_965] {strides = array<i32>} : memref<2x128x64xf32, #tpu.memory_space<vmem>>, vector<1x1x16xf32>,
        %get3A_967 = vector.shape_cast %get3A_966 : vector<1x1x16xf32> to vector<16xf32>
        %get3A_968 = arith.constant 0 : i32
        %get3A_969 = arith.index_cast %get3A_968 : i32 to index
        %get3A_970 = arith.index_cast %add3A_946 : i32 to index
        %get3A_971 = arith.constant 16 : index
        %get3A_972 = tpu.vector_load %arg9[%get3A_969, %get3A_970, %get3A_971] {strides = array<i32>} : memref<2x128x128xf32, #tpu.memory_space<vmem>>, vector<1x1x16xf32>,
        %get3A_973 = vector.shape_cast %get3A_972 : vector<1x1x16xf32> to vector<16xf32>
        %add3A_974 = arith.addf %get3A_967, %get3A_973 : vector<16xf32>
        %max3A_975 = arith.constant 0.000000e+00 : f32
        %max3A_976 = vector.broadcast %max3A_975 : f32 to vector<16xf32>
        %max3A_977 = arith.maximumf %add3A_974, %max3A_976 : vector<16xf32>
        %add3A_978 = arith.addf %scan3A_938, %max3A_977 : vector<16xf32>
        %get3A_979 = arith.constant 0 : i32
        %get3A_980 = arith.index_cast %get3A_979 : i32 to index
        %get3A_981 = arith.index_cast %add3A_946 : i32 to index
        %get3A_982 = arith.constant 32 : index
        %get3A_983 = tpu.vector_load %arg8[%get3A_980, %get3A_981, %get3A_982] {strides = array<i32>} : memref<2x128x64xf32, #tpu.memory_space<vmem>>, vector<1x1x16xf32>,
        %get3A_984 = vector.shape_cast %get3A_983 : vector<1x1x16xf32> to vector<16xf32>
        %get3A_985 = arith.constant 0 : i32
        %get3A_986 = arith.index_cast %get3A_985 : i32 to index
        %get3A_987 = arith.index_cast %add3A_946 : i32 to index
        %get3A_988 = arith.constant 32 : index
        %get3A_989 = tpu.vector_load %arg9[%get3A_986, %get3A_987, %get3A_988] {strides = array<i32>} : memref<2x128x128xf32, #tpu.memory_space<vmem>>, vector<1x1x16xf32>,
        %get3A_990 = vector.shape_cast %get3A_989 : vector<1x1x16xf32> to vector<16xf32>
        %add3A_991 = arith.addf %get3A_984, %get3A_990 : vector<16xf32>
        %max3A_992 = arith.constant 0.000000e+00 : f32
        %max3A_993 = vector.broadcast %max3A_992 : f32 to vector<16xf32>
        %max3A_994 = arith.maximumf %add3A_991, %max3A_993 : vector<16xf32>
        %add3A_995 = arith.addf %scan3A_939, %max3A_994 : vector<16xf32>
        %get3A_996 = arith.constant 0 : i32
        %get3A_997 = arith.index_cast %get3A_996 : i32 to index
        %get3A_998 = arith.index_cast %add3A_946 : i32 to index
        %get3A_999 = arith.constant 48 : index
        %get3A_1000 = tpu.vector_load %arg8[%get3A_997, %get3A_998, %get3A_999] {strides = array<i32>} : memref<2x128x64xf32, #tpu.memory_space<vmem>>, vector<1x1x16xf32>,
        %get3A_1001 = vector.shape_cast %get3A_1000 : vector<1x1x16xf32> to vector<16xf32>
        %get3A_1002 = arith.constant 0 : i32
        %get3A_1003 = arith.index_cast %get3A_1002 : i32 to index
        %get3A_1004 = arith.index_cast %add3A_946 : i32 to index
        %get3A_1005 = arith.constant 48 : index
        %get3A_1006 = tpu.vector_load %arg9[%get3A_1003, %get3A_1004, %get3A_1005] {strides = array<i32>} : memref<2x128x128xf32, #tpu.memory_space<vmem>>, vector<1x1x16xf32>,
        %get3A_1007 = vector.shape_cast %get3A_1006 : vector<1x1x16xf32> to vector<16xf32>
        %add3A_1008 = arith.addf %get3A_1001, %get3A_1007 : vector<16xf32>
        %max3A_1009 = arith.constant 0.000000e+00 : f32
        %max3A_1010 = vector.broadcast %max3A_1009 : f32 to vector<16xf32>
        %max3A_1011 = arith.maximumf %add3A_1008, %max3A_1010 : vector<16xf32>
        %add3A_1012 = arith.addf %scan3A_940, %max3A_1011 : vector<16xf32>
        %get3A_1013 = arith.constant 0 : i32
        %get3A_1014 = arith.index_cast %get3A_1013 : i32 to index
        %get3A_1015 = arith.index_cast %add3A_946 : i32 to index
        %get3A_1016 = arith.constant 64 : index
        %get3A_1017 = tpu.vector_load %arg9[%get3A_1014, %get3A_1015, %get3A_1016] {strides = array<i32>} : memref<2x128x128xf32, #tpu.memory_space<vmem>>, vector<1x1x16xf32>,
        %get3A_1018 = vector.shape_cast %get3A_1017 : vector<1x1x16xf32> to vector<16xf32>
        %add3A_1019 = arith.addf %scan3A_941, %get3A_1018 : vector<16xf32>
        %get3A_1020 = arith.constant 0 : i32
        %get3A_1021 = arith.index_cast %get3A_1020 : i32 to index
        %get3A_1022 = arith.index_cast %add3A_946 : i32 to index
        %get3A_1023 = arith.constant 80 : index
        %get3A_1024 = tpu.vector_load %arg9[%get3A_1021, %get3A_1022, %get3A_1023] {strides = array<i32>} : memref<2x128x128xf32, #tpu.memory_space<vmem>>, vector<1x1x16xf32>,
        %get3A_1025 = vector.shape_cast %get3A_1024 : vector<1x1x16xf32> to vector<16xf32>
        %add3A_1026 = arith.addf %scan3A_942, %get3A_1025 : vector<16xf32>
        %get3A_1027 = arith.constant 0 : i32
        %get3A_1028 = arith.index_cast %get3A_1027 : i32 to index
        %get3A_1029 = arith.index_cast %add3A_946 : i32 to index
        %get3A_1030 = arith.constant 96 : index
        %get3A_1031 = tpu.vector_load %arg9[%get3A_1028, %get3A_1029, %get3A_1030] {strides = array<i32>} : memref<2x128x128xf32, #tpu.memory_space<vmem>>, vector<1x1x16xf32>,
        %get3A_1032 = vector.shape_cast %get3A_1031 : vector<1x1x16xf32> to vector<16xf32>
        %add3A_1033 = arith.addf %scan3A_943, %get3A_1032 : vector<16xf32>
        %get3A_1034 = arith.constant 0 : i32
        %get3A_1035 = arith.index_cast %get3A_1034 : i32 to index
        %get3A_1036 = arith.index_cast %add3A_946 : i32 to index
        %get3A_1037 = arith.constant 112 : index
        %get3A_1038 = tpu.vector_load %arg9[%get3A_1035, %get3A_1036, %get3A_1037] {strides = array<i32>} : memref<2x128x128xf32, #tpu.memory_space<vmem>>, vector<1x1x16xf32>,
        %get3A_1039 = vector.shape_cast %get3A_1038 : vector<1x1x16xf32> to vector<16xf32>
        %add3A_1040 = arith.addf %scan3A_944, %get3A_1039 : vector<16xf32>
        scf.yield %add3A_961, %add3A_978, %add3A_995, %add3A_1012, %add3A_1019, %add3A_1026, %add3A_1033, %add3A_1040 : vector<16xf32>, vector<16xf32>, vector<16xf32>, vector<16xf32>, vector<16xf32>, vector<16xf32>, vector<16xf32>, vector<16xf32>
      }
      %scan3A_171 = arith.constant 32 : i32
      %swap3A = arith.constant 0 : i32
      %swap3A_172 = arith.constant 0 : i32
      %swap3A_173 = arith.index_cast %swap3A : i32 to index
      %swap3A_174 = arith.index_cast %swap3A_172 : i32 to index
      %swap3A_175 = arith.constant 0 : index
      %swap3A_176 = tpu.vector_load %arg11[%swap3A_173, %swap3A_174, %swap3A_175] {strides = array<i32>} : memref<2x4x64xf32, #tpu.memory_space<vmem>>, vector<1x1x16xf32>,
      %swap3A_177 = vector.shape_cast %swap3A_176 : vector<1x1x16xf32> to vector<16xf32>
      %swap3A_178 = vector.shape_cast %scan3A_170#0 : vector<16xf32> to vector<1x1x16xf32>
      tpu.vector_store %arg11[%swap3A_173, %swap3A_174, %swap3A_175], %swap3A_178 {strides = array<i32>} : memref<2x4x64xf32, #tpu.memory_space<vmem>>, vector<1x1x16xf32>,
      %swap3A_179 = arith.constant 0 : i32
      %swap3A_180 = arith.constant 0 : i32
      %swap3A_181 = arith.index_cast %swap3A_179 : i32 to index
      %swap3A_182 = arith.index_cast %swap3A_180 : i32 to index
      %swap3A_183 = arith.constant 0 : index
      %swap3A_184 = tpu.vector_load %arg10[%swap3A_181, %swap3A_182, %swap3A_183] {strides = array<i32>} : memref<2x4x64xf32, #tpu.memory_space<vmem>>, vector<1x1x16xf32>,
      %swap3A_185 = vector.shape_cast %swap3A_184 : vector<1x1x16xf32> to vector<16xf32>
      %swap3A_186 = vector.shape_cast %scan3A_170#4 : vector<16xf32> to vector<1x1x16xf32>
      tpu.vector_store %arg10[%swap3A_181, %swap3A_182, %swap3A_183], %swap3A_186 {strides = array<i32>} : memref<2x4x64xf32, #tpu.memory_space<vmem>>, vector<1x1x16xf32>,
      %swap3A_187 = arith.constant 0 : i32
      %swap3A_188 = arith.constant 0 : i32
      %swap3A_189 = arith.index_cast %swap3A_187 : i32 to index
      %swap3A_190 = arith.index_cast %swap3A_188 : i32 to index
      %swap3A_191 = arith.constant 16 : index
      %swap3A_192 = tpu.vector_load %arg11[%swap3A_189, %swap3A_190, %swap3A_191] {strides = array<i32>} : memref<2x4x64xf32, #tpu.memory_space<vmem>>, vector<1x1x16xf32>,
      %swap3A_193 = vector.shape_cast %swap3A_192 : vector<1x1x16xf32> to vector<16xf32>
      %swap3A_194 = vector.shape_cast %scan3A_170#1 : vector<16xf32> to vector<1x1x16xf32>
      tpu.vector_store %arg11[%swap3A_189, %swap3A_190, %swap3A_191], %swap3A_194 {strides = array<i32>} : memref<2x4x64xf32, #tpu.memory_space<vmem>>, vector<1x1x16xf32>,
      %swap3A_195 = arith.constant 0 : i32
      %swap3A_196 = arith.constant 0 : i32
      %swap3A_197 = arith.index_cast %swap3A_195 : i32 to index
      %swap3A_198 = arith.index_cast %swap3A_196 : i32 to index
      %swap3A_199 = arith.constant 16 : index
      %swap3A_200 = tpu.vector_load %arg10[%swap3A_197, %swap3A_198, %swap3A_199] {strides = array<i32>} : memref<2x4x64xf32, #tpu.memory_space<vmem>>, vector<1x1x16xf32>,
      %swap3A_201 = vector.shape_cast %swap3A_200 : vector<1x1x16xf32> to vector<16xf32>
      %swap3A_202 = vector.shape_cast %scan3A_170#5 : vector<16xf32> to vector<1x1x16xf32>
      tpu.vector_store %arg10[%swap3A_197, %swap3A_198, %swap3A_199], %swap3A_202 {strides = array<i32>} : memref<2x4x64xf32, #tpu.memory_space<vmem>>, vector<1x1x16xf32>,
      %swap3A_203 = arith.constant 0 : i32
      %swap3A_204 = arith.constant 0 : i32
      %swap3A_205 = arith.index_cast %swap3A_203 : i32 to index
      %swap3A_206 = arith.index_cast %swap3A_204 : i32 to index
      %swap3A_207 = arith.constant 32 : index
      %swap3A_208 = tpu.vector_load %arg11[%swap3A_205, %swap3A_206, %swap3A_207] {strides = array<i32>} : memref<2x4x64xf32, #tpu.memory_space<vmem>>, vector<1x1x16xf32>,
      %swap3A_209 = vector.shape_cast %swap3A_208 : vector<1x1x16xf32> to vector<16xf32>
      %swap3A_210 = vector.shape_cast %scan3A_170#2 : vector<16xf32> to vector<1x1x16xf32>
      tpu.vector_store %arg11[%swap3A_205, %swap3A_206, %swap3A_207], %swap3A_210 {strides = array<i32>} : memref<2x4x64xf32, #tpu.memory_space<vmem>>, vector<1x1x16xf32>,
      %swap3A_211 = arith.constant 0 : i32
      %swap3A_212 = arith.constant 0 : i32
      %swap3A_213 = arith.index_cast %swap3A_211 : i32 to index
      %swap3A_214 = arith.index_cast %swap3A_212 : i32 to index
      %swap3A_215 = arith.constant 32 : index
      %swap3A_216 = tpu.vector_load %arg10[%swap3A_213, %swap3A_214, %swap3A_215] {strides = array<i32>} : memref<2x4x64xf32, #tpu.memory_space<vmem>>, vector<1x1x16xf32>,
      %swap3A_217 = vector.shape_cast %swap3A_216 : vector<1x1x16xf32> to vector<16xf32>
      %swap3A_218 = vector.shape_cast %scan3A_170#6 : vector<16xf32> to vector<1x1x16xf32>
      tpu.vector_store %arg10[%swap3A_213, %swap3A_214, %swap3A_215], %swap3A_218 {strides = array<i32>} : memref<2x4x64xf32, #tpu.memory_space<vmem>>, vector<1x1x16xf32>,
      %swap3A_219 = arith.constant 0 : i32
      %swap3A_220 = arith.constant 0 : i32
      %swap3A_221 = arith.index_cast %swap3A_219 : i32 to index
      %swap3A_222 = arith.index_cast %swap3A_220 : i32 to index
      %swap3A_223 = arith.constant 48 : index
      %swap3A_224 = tpu.vector_load %arg11[%swap3A_221, %swap3A_222, %swap3A_223] {strides = array<i32>} : memref<2x4x64xf32, #tpu.memory_space<vmem>>, vector<1x1x16xf32>,
      %swap3A_225 = vector.shape_cast %swap3A_224 : vector<1x1x16xf32> to vector<16xf32>
      %swap3A_226 = vector.shape_cast %scan3A_170#3 : vector<16xf32> to vector<1x1x16xf32>
      tpu.vector_store %arg11[%swap3A_221, %swap3A_222, %swap3A_223], %swap3A_226 {strides = array<i32>} : memref<2x4x64xf32, #tpu.memory_space<vmem>>, vector<1x1x16xf32>,
      %swap3A_227 = arith.constant 0 : i32
      %swap3A_228 = arith.constant 0 : i32
      %swap3A_229 = arith.index_cast %swap3A_227 : i32 to index
      %swap3A_230 = arith.index_cast %swap3A_228 : i32 to index
      %swap3A_231 = arith.constant 48 : index
      %swap3A_232 = tpu.vector_load %arg10[%swap3A_229, %swap3A_230, %swap3A_231] {strides = array<i32>} : memref<2x4x64xf32, #tpu.memory_space<vmem>>, vector<1x1x16xf32>,
      %swap3A_233 = vector.shape_cast %swap3A_232 : vector<1x1x16xf32> to vector<16xf32>
      %swap3A_234 = vector.shape_cast %scan3A_170#7 : vector<16xf32> to vector<1x1x16xf32>
      tpu.vector_store %arg10[%swap3A_229, %swap3A_230, %swap3A_231], %swap3A_234 {strides = array<i32>} : memref<2x4x64xf32, #tpu.memory_space<vmem>>, vector<1x1x16xf32>,
      %broadcast_in_dim3A_235 = arith.constant 0.000000e+00 : f32
      %broadcast_in_dim3A_236 = vector.broadcast %broadcast_in_dim3A_235 : f32 to vector<16xf32>
      %broadcast_in_dim3A_237 = arith.constant 0.000000e+00 : f32
      %broadcast_in_dim3A_238 = vector.broadcast %broadcast_in_dim3A_237 : f32 to vector<16xf32>
      %broadcast_in_dim3A_239 = arith.constant 0.000000e+00 : f32
      %broadcast_in_dim3A_240 = vector.broadcast %broadcast_in_dim3A_239 : f32 to vector<16xf32>
      %broadcast_in_dim3A_241 = arith.constant 0.000000e+00 : f32
      %broadcast_in_dim3A_242 = vector.broadcast %broadcast_in_dim3A_241 : f32 to vector<16xf32>
      %broadcast_in_dim3A_243 = arith.constant 0.000000e+00 : f32
      %broadcast_in_dim3A_244 = vector.broadcast %broadcast_in_dim3A_243 : f32 to vector<16xf32>
      %broadcast_in_dim3A_245 = arith.constant 0.000000e+00 : f32
      %broadcast_in_dim3A_246 = vector.broadcast %broadcast_in_dim3A_245 : f32 to vector<16xf32>
      %broadcast_in_dim3A_247 = arith.constant 0.000000e+00 : f32
      %broadcast_in_dim3A_248 = vector.broadcast %broadcast_in_dim3A_247 : f32 to vector<16xf32>
      %broadcast_in_dim3A_249 = arith.constant 0.000000e+00 : f32
      %broadcast_in_dim3A_250 = vector.broadcast %broadcast_in_dim3A_249 : f32 to vector<16xf32>
      %scan3A_251 = arith.constant 0 : i32
      %scan3A_252 = arith.constant 32 : i32
      %scan3A_253 = arith.addi %scan3A_251, %scan3A_252 : i32
      %scan3A_254 = arith.constant 1 : i32
      %scan3A_255:8 = scf.for %scan3A_936 = %scan3A_251 to %scan3A_253 step %scan3A_254 iter_args(%scan3A_937 = %broadcast_in_dim3A_236, %scan3A_938 = %broadcast_in_dim3A_238, %scan3A_939 = %broadcast_in_dim3A_240, %scan3A_940 = %broadcast_in_dim3A_242, %scan3A_941 = %broadcast_in_dim3A_244, %scan3A_942 = %broadcast_in_dim3A_246, %scan3A_943 = %broadcast_in_dim3A_248, %scan3A_944 = %broadcast_in_dim3A_250) -> (vector<16xf32>, vector<16xf32>, vector<16xf32>, vector<16xf32>, vector<16xf32>, vector<16xf32>, vector<16xf32>, vector<16xf32>)  : i32 {
        %add3A_945 = arith.constant 32 : i32
        %add3A_946 = arith.addi %add3A_945, %scan3A_936 : i32
        %get3A = arith.constant 0 : i32
        %get3A_947 = arith.index_cast %get3A : i32 to index
        %get3A_948 = arith.index_cast %add3A_946 : i32 to index
        %get3A_949 = arith.constant 0 : index
        %get3A_950 = tpu.vector_load %arg8[%get3A_947, %get3A_948, %get3A_949] {strides = array<i32>} : memref<2x128x64xf32, #tpu.memory_space<vmem>>, vector<1x1x16xf32>,
        %get3A_951 = vector.shape_cast %get3A_950 : vector<1x1x16xf32> to vector<16xf32>
        %get3A_952 = arith.constant 0 : i32
        %get3A_953 = arith.index_cast %get3A_952 : i32 to index
        %get3A_954 = arith.index_cast %add3A_946 : i32 to index
        %get3A_955 = arith.constant 0 : index
        %get3A_956 = tpu.vector_load %arg9[%get3A_953, %get3A_954, %get3A_955] {strides = array<i32>} : memref<2x128x128xf32, #tpu.memory_space<vmem>>, vector<1x1x16xf32>,
        %get3A_957 = vector.shape_cast %get3A_956 : vector<1x1x16xf32> to vector<16xf32>
        %add3A_958 = arith.addf %get3A_951, %get3A_957 : vector<16xf32>
        %max3A = arith.constant 0.000000e+00 : f32
        %max3A_959 = vector.broadcast %max3A : f32 to vector<16xf32>
        %max3A_960 = arith.maximumf %add3A_958, %max3A_959 : vector<16xf32>
        %add3A_961 = arith.addf %scan3A_937, %max3A_960 : vector<16xf32>
        %get3A_962 = arith.constant 0 : i32
        %get3A_963 = arith.index_cast %get3A_962 : i32 to index
        %get3A_964 = arith.index_cast %add3A_946 : i32 to index
        %get3A_965 = arith.constant 16 : index
        %get3A_966 = tpu.vector_load %arg8[%get3A_963, %get3A_964, %get3A_965] {strides = array<i32>} : memref<2x128x64xf32, #tpu.memory_space<vmem>>, vector<1x1x16xf32>,
        %get3A_967 = vector.shape_cast %get3A_966 : vector<1x1x16xf32> to vector<16xf32>
        %get3A_968 = arith.constant 0 : i32
        %get3A_969 = arith.index_cast %get3A_968 : i32 to index
        %get3A_970 = arith.index_cast %add3A_946 : i32 to index
        %get3A_971 = arith.constant 16 : index
        %get3A_972 = tpu.vector_load %arg9[%get3A_969, %get3A_970, %get3A_971] {strides = array<i32>} : memref<2x128x128xf32, #tpu.memory_space<vmem>>, vector<1x1x16xf32>,
        %get3A_973 = vector.shape_cast %get3A_972 : vector<1x1x16xf32> to vector<16xf32>
        %add3A_974 = arith.addf %get3A_967, %get3A_973 : vector<16xf32>
        %max3A_975 = arith.constant 0.000000e+00 : f32
        %max3A_976 = vector.broadcast %max3A_975 : f32 to vector<16xf32>
        %max3A_977 = arith.maximumf %add3A_974, %max3A_976 : vector<16xf32>
        %add3A_978 = arith.addf %scan3A_938, %max3A_977 : vector<16xf32>
        %get3A_979 = arith.constant 0 : i32
        %get3A_980 = arith.index_cast %get3A_979 : i32 to index
        %get3A_981 = arith.index_cast %add3A_946 : i32 to index
        %get3A_982 = arith.constant 32 : index
        %get3A_983 = tpu.vector_load %arg8[%get3A_980, %get3A_981, %get3A_982] {strides = array<i32>} : memref<2x128x64xf32, #tpu.memory_space<vmem>>, vector<1x1x16xf32>,
        %get3A_984 = vector.shape_cast %get3A_983 : vector<1x1x16xf32> to vector<16xf32>
        %get3A_985 = arith.constant 0 : i32
        %get3A_986 = arith.index_cast %get3A_985 : i32 to index
        %get3A_987 = arith.index_cast %add3A_946 : i32 to index
        %get3A_988 = arith.constant 32 : index
        %get3A_989 = tpu.vector_load %arg9[%get3A_986, %get3A_987, %get3A_988] {strides = array<i32>} : memref<2x128x128xf32, #tpu.memory_space<vmem>>, vector<1x1x16xf32>,
        %get3A_990 = vector.shape_cast %get3A_989 : vector<1x1x16xf32> to vector<16xf32>
        %add3A_991 = arith.addf %get3A_984, %get3A_990 : vector<16xf32>
        %max3A_992 = arith.constant 0.000000e+00 : f32
        %max3A_993 = vector.broadcast %max3A_992 : f32 to vector<16xf32>
        %max3A_994 = arith.maximumf %add3A_991, %max3A_993 : vector<16xf32>
        %add3A_995 = arith.addf %scan3A_939, %max3A_994 : vector<16xf32>
        %get3A_996 = arith.constant 0 : i32
        %get3A_997 = arith.index_cast %get3A_996 : i32 to index
        %get3A_998 = arith.index_cast %add3A_946 : i32 to index
        %get3A_999 = arith.constant 48 : index
        %get3A_1000 = tpu.vector_load %arg8[%get3A_997, %get3A_998, %get3A_999] {strides = array<i32>} : memref<2x128x64xf32, #tpu.memory_space<vmem>>, vector<1x1x16xf32>,
        %get3A_1001 = vector.shape_cast %get3A_1000 : vector<1x1x16xf32> to vector<16xf32>
        %get3A_1002 = arith.constant 0 : i32
        %get3A_1003 = arith.index_cast %get3A_1002 : i32 to index
        %get3A_1004 = arith.index_cast %add3A_946 : i32 to index
        %get3A_1005 = arith.constant 48 : index
        %get3A_1006 = tpu.vector_load %arg9[%get3A_1003, %get3A_1004, %get3A_1005] {strides = array<i32>} : memref<2x128x128xf32, #tpu.memory_space<vmem>>, vector<1x1x16xf32>,
        %get3A_1007 = vector.shape_cast %get3A_1006 : vector<1x1x16xf32> to vector<16xf32>
        %add3A_1008 = arith.addf %get3A_1001, %get3A_1007 : vector<16xf32>
        %max3A_1009 = arith.constant 0.000000e+00 : f32
        %max3A_1010 = vector.broadcast %max3A_1009 : f32 to vector<16xf32>
        %max3A_1011 = arith.maximumf %add3A_1008, %max3A_1010 : vector<16xf32>
        %add3A_1012 = arith.addf %scan3A_940, %max3A_1011 : vector<16xf32>
        %get3A_1013 = arith.constant 0 : i32
        %get3A_1014 = arith.index_cast %get3A_1013 : i32 to index
        %get3A_1015 = arith.index_cast %add3A_946 : i32 to index
        %get3A_1016 = arith.constant 64 : index
        %get3A_1017 = tpu.vector_load %arg9[%get3A_1014, %get3A_1015, %get3A_1016] {strides = array<i32>} : memref<2x128x128xf32, #tpu.memory_space<vmem>>, vector<1x1x16xf32>,
        %get3A_1018 = vector.shape_cast %get3A_1017 : vector<1x1x16xf32> to vector<16xf32>
        %add3A_1019 = arith.addf %scan3A_941, %get3A_1018 : vector<16xf32>
        %get3A_1020 = arith.constant 0 : i32
        %get3A_1021 = arith.index_cast %get3A_1020 : i32 to index
        %get3A_1022 = arith.index_cast %add3A_946 : i32 to index
        %get3A_1023 = arith.constant 80 : index
        %get3A_1024 = tpu.vector_load %arg9[%get3A_1021, %get3A_1022, %get3A_1023] {strides = array<i32>} : memref<2x128x128xf32, #tpu.memory_space<vmem>>, vector<1x1x16xf32>,
        %get3A_1025 = vector.shape_cast %get3A_1024 : vector<1x1x16xf32> to vector<16xf32>
        %add3A_1026 = arith.addf %scan3A_942, %get3A_1025 : vector<16xf32>
        %get3A_1027 = arith.constant 0 : i32
        %get3A_1028 = arith.index_cast %get3A_1027 : i32 to index
        %get3A_1029 = arith.index_cast %add3A_946 : i32 to index
        %get3A_1030 = arith.constant 96 : index
        %get3A_1031 = tpu.vector_load %arg9[%get3A_1028, %get3A_1029, %get3A_1030] {strides = array<i32>} : memref<2x128x128xf32, #tpu.memory_space<vmem>>, vector<1x1x16xf32>,
        %get3A_1032 = vector.shape_cast %get3A_1031 : vector<1x1x16xf32> to vector<16xf32>
        %add3A_1033 = arith.addf %scan3A_943, %get3A_1032 : vector<16xf32>
        %get3A_1034 = arith.constant 0 : i32
        %get3A_1035 = arith.index_cast %get3A_1034 : i32 to index
        %get3A_1036 = arith.index_cast %add3A_946 : i32 to index
        %get3A_1037 = arith.constant 112 : index
        %get3A_1038 = tpu.vector_load %arg9[%get3A_1035, %get3A_1036, %get3A_1037] {strides = array<i32>} : memref<2x128x128xf32, #tpu.memory_space<vmem>>, vector<1x1x16xf32>,
        %get3A_1039 = vector.shape_cast %get3A_1038 : vector<1x1x16xf32> to vector<16xf32>
        %add3A_1040 = arith.addf %scan3A_944, %get3A_1039 : vector<16xf32>
        scf.yield %add3A_961, %add3A_978, %add3A_995, %add3A_1012, %add3A_1019, %add3A_1026, %add3A_1033, %add3A_1040 : vector<16xf32>, vector<16xf32>, vector<16xf32>, vector<16xf32>, vector<16xf32>, vector<16xf32>, vector<16xf32>, vector<16xf32>
      }
      %scan3A_256 = arith.constant 32 : i32
      %swap3A_257 = arith.constant 0 : i32
      %swap3A_258 = arith.constant 1 : i32
      %swap3A_259 = arith.index_cast %swap3A_257 : i32 to index
      %swap3A_260 = arith.index_cast %swap3A_258 : i32 to index
      %swap3A_261 = arith.constant 0 : index
      %swap3A_262 = tpu.vector_load %arg11[%swap3A_259, %swap3A_260, %swap3A_261] {strides = array<i32>} : memref<2x4x64xf32, #tpu.memory_space<vmem>>, vector<1x1x16xf32>,
      %swap3A_263 = vector.shape_cast %swap3A_262 : vector<1x1x16xf32> to vector<16xf32>
      %swap3A_264 = vector.shape_cast %scan3A_255#0 : vector<16xf32> to vector<1x1x16xf32>
      tpu.vector_store %arg11[%swap3A_259, %swap3A_260, %swap3A_261], %swap3A_264 {strides = array<i32>} : memref<2x4x64xf32, #tpu.memory_space<vmem>>, vector<1x1x16xf32>,
      %swap3A_265 = arith.constant 0 : i32
      %swap3A_266 = arith.constant 1 : i32
      %swap3A_267 = arith.index_cast %swap3A_265 : i32 to index
      %swap3A_268 = arith.index_cast %swap3A_266 : i32 to index
      %swap3A_269 = arith.constant 0 : index
      %swap3A_270 = tpu.vector_load %arg10[%swap3A_267, %swap3A_268, %swap3A_269] {strides = array<i32>} : memref<2x4x64xf32, #tpu.memory_space<vmem>>, vector<1x1x16xf32>,
      %swap3A_271 = vector.shape_cast %swap3A_270 : vector<1x1x16xf32> to vector<16xf32>
      %swap3A_272 = vector.shape_cast %scan3A_255#4 : vector<16xf32> to vector<1x1x16xf32>
      tpu.vector_store %arg10[%swap3A_267, %swap3A_268, %swap3A_269], %swap3A_272 {strides = array<i32>} : memref<2x4x64xf32, #tpu.memory_space<vmem>>, vector<1x1x16xf32>,
      %swap3A_273 = arith.constant 0 : i32
      %swap3A_274 = arith.constant 1 : i32
      %swap3A_275 = arith.index_cast %swap3A_273 : i32 to index
      %swap3A_276 = arith.index_cast %swap3A_274 : i32 to index
      %swap3A_277 = arith.constant 16 : index
      %swap3A_278 = tpu.vector_load %arg11[%swap3A_275, %swap3A_276, %swap3A_277] {strides = array<i32>} : memref<2x4x64xf32, #tpu.memory_space<vmem>>, vector<1x1x16xf32>,
      %swap3A_279 = vector.shape_cast %swap3A_278 : vector<1x1x16xf32> to vector<16xf32>
      %swap3A_280 = vector.shape_cast %scan3A_255#1 : vector<16xf32> to vector<1x1x16xf32>
      tpu.vector_store %arg11[%swap3A_275, %swap3A_276, %swap3A_277], %swap3A_280 {strides = array<i32>} : memref<2x4x64xf32, #tpu.memory_space<vmem>>, vector<1x1x16xf32>,
      %swap3A_281 = arith.constant 0 : i32
      %swap3A_282 = arith.constant 1 : i32
      %swap3A_283 = arith.index_cast %swap3A_281 : i32 to index
      %swap3A_284 = arith.index_cast %swap3A_282 : i32 to index
      %swap3A_285 = arith.constant 16 : index
      %swap3A_286 = tpu.vector_load %arg10[%swap3A_283, %swap3A_284, %swap3A_285] {strides = array<i32>} : memref<2x4x64xf32, #tpu.memory_space<vmem>>, vector<1x1x16xf32>,
      %swap3A_287 = vector.shape_cast %swap3A_286 : vector<1x1x16xf32> to vector<16xf32>
      %swap3A_288 = vector.shape_cast %scan3A_255#5 : vector<16xf32> to vector<1x1x16xf32>
      tpu.vector_store %arg10[%swap3A_283, %swap3A_284, %swap3A_285], %swap3A_288 {strides = array<i32>} : memref<2x4x64xf32, #tpu.memory_space<vmem>>, vector<1x1x16xf32>,
      %swap3A_289 = arith.constant 0 : i32
      %swap3A_290 = arith.constant 1 : i32
      %swap3A_291 = arith.index_cast %swap3A_289 : i32 to index
      %swap3A_292 = arith.index_cast %swap3A_290 : i32 to index
      %swap3A_293 = arith.constant 32 : index
      %swap3A_294 = tpu.vector_load %arg11[%swap3A_291, %swap3A_292, %swap3A_293] {strides = array<i32>} : memref<2x4x64xf32, #tpu.memory_space<vmem>>, vector<1x1x16xf32>,
      %swap3A_295 = vector.shape_cast %swap3A_294 : vector<1x1x16xf32> to vector<16xf32>
      %swap3A_296 = vector.shape_cast %scan3A_255#2 : vector<16xf32> to vector<1x1x16xf32>
      tpu.vector_store %arg11[%swap3A_291, %swap3A_292, %swap3A_293], %swap3A_296 {strides = array<i32>} : memref<2x4x64xf32, #tpu.memory_space<vmem>>, vector<1x1x16xf32>,
      %swap3A_297 = arith.constant 0 : i32
      %swap3A_298 = arith.constant 1 : i32
      %swap3A_299 = arith.index_cast %swap3A_297 : i32 to index
      %swap3A_300 = arith.index_cast %swap3A_298 : i32 to index
      %swap3A_301 = arith.constant 32 : index
      %swap3A_302 = tpu.vector_load %arg10[%swap3A_299, %swap3A_300, %swap3A_301] {strides = array<i32>} : memref<2x4x64xf32, #tpu.memory_space<vmem>>, vector<1x1x16xf32>,
      %swap3A_303 = vector.shape_cast %swap3A_302 : vector<1x1x16xf32> to vector<16xf32>
      %swap3A_304 = vector.shape_cast %scan3A_255#6 : vector<16xf32> to vector<1x1x16xf32>
      tpu.vector_store %arg10[%swap3A_299, %swap3A_300, %swap3A_301], %swap3A_304 {strides = array<i32>} : memref<2x4x64xf32, #tpu.memory_space<vmem>>, vector<1x1x16xf32>,
      %swap3A_305 = arith.constant 0 : i32
      %swap3A_306 = arith.constant 1 : i32
      %swap3A_307 = arith.index_cast %swap3A_305 : i32 to index
      %swap3A_308 = arith.index_cast %swap3A_306 : i32 to index
      %swap3A_309 = arith.constant 48 : index
      %swap3A_310 = tpu.vector_load %arg11[%swap3A_307, %swap3A_308, %swap3A_309] {strides = array<i32>} : memref<2x4x64xf32, #tpu.memory_space<vmem>>, vector<1x1x16xf32>,
      %swap3A_311 = vector.shape_cast %swap3A_310 : vector<1x1x16xf32> to vector<16xf32>
      %swap3A_312 = vector.shape_cast %scan3A_255#3 : vector<16xf32> to vector<1x1x16xf32>
      tpu.vector_store %arg11[%swap3A_307, %swap3A_308, %swap3A_309], %swap3A_312 {strides = array<i32>} : memref<2x4x64xf32, #tpu.memory_space<vmem>>, vector<1x1x16xf32>,
      %swap3A_313 = arith.constant 0 : i32
      %swap3A_314 = arith.constant 1 : i32
      %swap3A_315 = arith.index_cast %swap3A_313 : i32 to index
      %swap3A_316 = arith.index_cast %swap3A_314 : i32 to index
      %swap3A_317 = arith.constant 48 : index
      %swap3A_318 = tpu.vector_load %arg10[%swap3A_315, %swap3A_316, %swap3A_317] {strides = array<i32>} : memref<2x4x64xf32, #tpu.memory_space<vmem>>, vector<1x1x16xf32>,
      %swap3A_319 = vector.shape_cast %swap3A_318 : vector<1x1x16xf32> to vector<16xf32>
      %swap3A_320 = vector.shape_cast %scan3A_255#7 : vector<16xf32> to vector<1x1x16xf32>
      tpu.vector_store %arg10[%swap3A_315, %swap3A_316, %swap3A_317], %swap3A_320 {strides = array<i32>} : memref<2x4x64xf32, #tpu.memory_space<vmem>>, vector<1x1x16xf32>,
      %broadcast_in_dim3A_321 = arith.constant 0.000000e+00 : f32
      %broadcast_in_dim3A_322 = vector.broadcast %broadcast_in_dim3A_321 : f32 to vector<16xf32>
      %broadcast_in_dim3A_323 = arith.constant 0.000000e+00 : f32
      %broadcast_in_dim3A_324 = vector.broadcast %broadcast_in_dim3A_323 : f32 to vector<16xf32>
      %broadcast_in_dim3A_325 = arith.constant 0.000000e+00 : f32
      %broadcast_in_dim3A_326 = vector.broadcast %broadcast_in_dim3A_325 : f32 to vector<16xf32>
      %broadcast_in_dim3A_327 = arith.constant 0.000000e+00 : f32
      %broadcast_in_dim3A_328 = vector.broadcast %broadcast_in_dim3A_327 : f32 to vector<16xf32>
      %broadcast_in_dim3A_329 = arith.constant 0.000000e+00 : f32
      %broadcast_in_dim3A_330 = vector.broadcast %broadcast_in_dim3A_329 : f32 to vector<16xf32>
      %broadcast_in_dim3A_331 = arith.constant 0.000000e+00 : f32
      %broadcast_in_dim3A_332 = vector.broadcast %broadcast_in_dim3A_331 : f32 to vector<16xf32>
      %broadcast_in_dim3A_333 = arith.constant 0.000000e+00 : f32
      %broadcast_in_dim3A_334 = vector.broadcast %broadcast_in_dim3A_333 : f32 to vector<16xf32>
      %broadcast_in_dim3A_335 = arith.constant 0.000000e+00 : f32
      %broadcast_in_dim3A_336 = vector.broadcast %broadcast_in_dim3A_335 : f32 to vector<16xf32>
      %scan3A_337 = arith.constant 0 : i32
      %scan3A_338 = arith.constant 32 : i32
      %scan3A_339 = arith.addi %scan3A_337, %scan3A_338 : i32
      %scan3A_340 = arith.constant 1 : i32
      %scan3A_341:8 = scf.for %scan3A_936 = %scan3A_337 to %scan3A_339 step %scan3A_340 iter_args(%scan3A_937 = %broadcast_in_dim3A_322, %scan3A_938 = %broadcast_in_dim3A_324, %scan3A_939 = %broadcast_in_dim3A_326, %scan3A_940 = %broadcast_in_dim3A_328, %scan3A_941 = %broadcast_in_dim3A_330, %scan3A_942 = %broadcast_in_dim3A_332, %scan3A_943 = %broadcast_in_dim3A_334, %scan3A_944 = %broadcast_in_dim3A_336) -> (vector<16xf32>, vector<16xf32>, vector<16xf32>, vector<16xf32>, vector<16xf32>, vector<16xf32>, vector<16xf32>, vector<16xf32>)  : i32 {
        %add3A_945 = arith.constant 64 : i32
        %add3A_946 = arith.addi %add3A_945, %scan3A_936 : i32
        %get3A = arith.constant 0 : i32
        %get3A_947 = arith.index_cast %get3A : i32 to index
        %get3A_948 = arith.index_cast %add3A_946 : i32 to index
        %get3A_949 = arith.constant 0 : index
        %get3A_950 = tpu.vector_load %arg8[%get3A_947, %get3A_948, %get3A_949] {strides = array<i32>} : memref<2x128x64xf32, #tpu.memory_space<vmem>>, vector<1x1x16xf32>,
        %get3A_951 = vector.shape_cast %get3A_950 : vector<1x1x16xf32> to vector<16xf32>
        %get3A_952 = arith.constant 0 : i32
        %get3A_953 = arith.index_cast %get3A_952 : i32 to index
        %get3A_954 = arith.index_cast %add3A_946 : i32 to index
        %get3A_955 = arith.constant 0 : index
        %get3A_956 = tpu.vector_load %arg9[%get3A_953, %get3A_954, %get3A_955] {strides = array<i32>} : memref<2x128x128xf32, #tpu.memory_space<vmem>>, vector<1x1x16xf32>,
        %get3A_957 = vector.shape_cast %get3A_956 : vector<1x1x16xf32> to vector<16xf32>
        %add3A_958 = arith.addf %get3A_951, %get3A_957 : vector<16xf32>
        %max3A = arith.constant 0.000000e+00 : f32
        %max3A_959 = vector.broadcast %max3A : f32 to vector<16xf32>
        %max3A_960 = arith.maximumf %add3A_958, %max3A_959 : vector<16xf32>
        %add3A_961 = arith.addf %scan3A_937, %max3A_960 : vector<16xf32>
        %get3A_962 = arith.constant 0 : i32
        %get3A_963 = arith.index_cast %get3A_962 : i32 to index
        %get3A_964 = arith.index_cast %add3A_946 : i32 to index
        %get3A_965 = arith.constant 16 : index
        %get3A_966 = tpu.vector_load %arg8[%get3A_963, %get3A_964, %get3A_965] {strides = array<i32>} : memref<2x128x64xf32, #tpu.memory_space<vmem>>, vector<1x1x16xf32>,
        %get3A_967 = vector.shape_cast %get3A_966 : vector<1x1x16xf32> to vector<16xf32>
        %get3A_968 = arith.constant 0 : i32
        %get3A_969 = arith.index_cast %get3A_968 : i32 to index
        %get3A_970 = arith.index_cast %add3A_946 : i32 to index
        %get3A_971 = arith.constant 16 : index
        %get3A_972 = tpu.vector_load %arg9[%get3A_969, %get3A_970, %get3A_971] {strides = array<i32>} : memref<2x128x128xf32, #tpu.memory_space<vmem>>, vector<1x1x16xf32>,
        %get3A_973 = vector.shape_cast %get3A_972 : vector<1x1x16xf32> to vector<16xf32>
        %add3A_974 = arith.addf %get3A_967, %get3A_973 : vector<16xf32>
        %max3A_975 = arith.constant 0.000000e+00 : f32
        %max3A_976 = vector.broadcast %max3A_975 : f32 to vector<16xf32>
        %max3A_977 = arith.maximumf %add3A_974, %max3A_976 : vector<16xf32>
        %add3A_978 = arith.addf %scan3A_938, %max3A_977 : vector<16xf32>
        %get3A_979 = arith.constant 0 : i32
        %get3A_980 = arith.index_cast %get3A_979 : i32 to index
        %get3A_981 = arith.index_cast %add3A_946 : i32 to index
        %get3A_982 = arith.constant 32 : index
        %get3A_983 = tpu.vector_load %arg8[%get3A_980, %get3A_981, %get3A_982] {strides = array<i32>} : memref<2x128x64xf32, #tpu.memory_space<vmem>>, vector<1x1x16xf32>,
        %get3A_984 = vector.shape_cast %get3A_983 : vector<1x1x16xf32> to vector<16xf32>
        %get3A_985 = arith.constant 0 : i32
        %get3A_986 = arith.index_cast %get3A_985 : i32 to index
        %get3A_987 = arith.index_cast %add3A_946 : i32 to index
        %get3A_988 = arith.constant 32 : index
        %get3A_989 = tpu.vector_load %arg9[%get3A_986, %get3A_987, %get3A_988] {strides = array<i32>} : memref<2x128x128xf32, #tpu.memory_space<vmem>>, vector<1x1x16xf32>,
        %get3A_990 = vector.shape_cast %get3A_989 : vector<1x1x16xf32> to vector<16xf32>
        %add3A_991 = arith.addf %get3A_984, %get3A_990 : vector<16xf32>
        %max3A_992 = arith.constant 0.000000e+00 : f32
        %max3A_993 = vector.broadcast %max3A_992 : f32 to vector<16xf32>
        %max3A_994 = arith.maximumf %add3A_991, %max3A_993 : vector<16xf32>
        %add3A_995 = arith.addf %scan3A_939, %max3A_994 : vector<16xf32>
        %get3A_996 = arith.constant 0 : i32
        %get3A_997 = arith.index_cast %get3A_996 : i32 to index
        %get3A_998 = arith.index_cast %add3A_946 : i32 to index
        %get3A_999 = arith.constant 48 : index
        %get3A_1000 = tpu.vector_load %arg8[%get3A_997, %get3A_998, %get3A_999] {strides = array<i32>} : memref<2x128x64xf32, #tpu.memory_space<vmem>>, vector<1x1x16xf32>,
        %get3A_1001 = vector.shape_cast %get3A_1000 : vector<1x1x16xf32> to vector<16xf32>
        %get3A_1002 = arith.constant 0 : i32
        %get3A_1003 = arith.index_cast %get3A_1002 : i32 to index
        %get3A_1004 = arith.index_cast %add3A_946 : i32 to index
        %get3A_1005 = arith.constant 48 : index
        %get3A_1006 = tpu.vector_load %arg9[%get3A_1003, %get3A_1004, %get3A_1005] {strides = array<i32>} : memref<2x128x128xf32, #tpu.memory_space<vmem>>, vector<1x1x16xf32>,
        %get3A_1007 = vector.shape_cast %get3A_1006 : vector<1x1x16xf32> to vector<16xf32>
        %add3A_1008 = arith.addf %get3A_1001, %get3A_1007 : vector<16xf32>
        %max3A_1009 = arith.constant 0.000000e+00 : f32
        %max3A_1010 = vector.broadcast %max3A_1009 : f32 to vector<16xf32>
        %max3A_1011 = arith.maximumf %add3A_1008, %max3A_1010 : vector<16xf32>
        %add3A_1012 = arith.addf %scan3A_940, %max3A_1011 : vector<16xf32>
        %get3A_1013 = arith.constant 0 : i32
        %get3A_1014 = arith.index_cast %get3A_1013 : i32 to index
        %get3A_1015 = arith.index_cast %add3A_946 : i32 to index
        %get3A_1016 = arith.constant 64 : index
        %get3A_1017 = tpu.vector_load %arg9[%get3A_1014, %get3A_1015, %get3A_1016] {strides = array<i32>} : memref<2x128x128xf32, #tpu.memory_space<vmem>>, vector<1x1x16xf32>,
        %get3A_1018 = vector.shape_cast %get3A_1017 : vector<1x1x16xf32> to vector<16xf32>
        %add3A_1019 = arith.addf %scan3A_941, %get3A_1018 : vector<16xf32>
        %get3A_1020 = arith.constant 0 : i32
        %get3A_1021 = arith.index_cast %get3A_1020 : i32 to index
        %get3A_1022 = arith.index_cast %add3A_946 : i32 to index
        %get3A_1023 = arith.constant 80 : index
        %get3A_1024 = tpu.vector_load %arg9[%get3A_1021, %get3A_1022, %get3A_1023] {strides = array<i32>} : memref<2x128x128xf32, #tpu.memory_space<vmem>>, vector<1x1x16xf32>,
        %get3A_1025 = vector.shape_cast %get3A_1024 : vector<1x1x16xf32> to vector<16xf32>
        %add3A_1026 = arith.addf %scan3A_942, %get3A_1025 : vector<16xf32>
        %get3A_1027 = arith.constant 0 : i32
        %get3A_1028 = arith.index_cast %get3A_1027 : i32 to index
        %get3A_1029 = arith.index_cast %add3A_946 : i32 to index
        %get3A_1030 = arith.constant 96 : index
        %get3A_1031 = tpu.vector_load %arg9[%get3A_1028, %get3A_1029, %get3A_1030] {strides = array<i32>} : memref<2x128x128xf32, #tpu.memory_space<vmem>>, vector<1x1x16xf32>,
        %get3A_1032 = vector.shape_cast %get3A_1031 : vector<1x1x16xf32> to vector<16xf32>
        %add3A_1033 = arith.addf %scan3A_943, %get3A_1032 : vector<16xf32>
        %get3A_1034 = arith.constant 0 : i32
        %get3A_1035 = arith.index_cast %get3A_1034 : i32 to index
        %get3A_1036 = arith.index_cast %add3A_946 : i32 to index
        %get3A_1037 = arith.constant 112 : index
        %get3A_1038 = tpu.vector_load %arg9[%get3A_1035, %get3A_1036, %get3A_1037] {strides = array<i32>} : memref<2x128x128xf32, #tpu.memory_space<vmem>>, vector<1x1x16xf32>,
        %get3A_1039 = vector.shape_cast %get3A_1038 : vector<1x1x16xf32> to vector<16xf32>
        %add3A_1040 = arith.addf %scan3A_944, %get3A_1039 : vector<16xf32>
        scf.yield %add3A_961, %add3A_978, %add3A_995, %add3A_1012, %add3A_1019, %add3A_1026, %add3A_1033, %add3A_1040 : vector<16xf32>, vector<16xf32>, vector<16xf32>, vector<16xf32>, vector<16xf32>, vector<16xf32>, vector<16xf32>, vector<16xf32>
      }
      %scan3A_342 = arith.constant 32 : i32
      %swap3A_343 = arith.constant 0 : i32
      %swap3A_344 = arith.constant 2 : i32
      %swap3A_345 = arith.index_cast %swap3A_343 : i32 to index
      %swap3A_346 = arith.index_cast %swap3A_344 : i32 to index
      %swap3A_347 = arith.constant 0 : index
      %swap3A_348 = tpu.vector_load %arg11[%swap3A_345, %swap3A_346, %swap3A_347] {strides = array<i32>} : memref<2x4x64xf32, #tpu.memory_space<vmem>>, vector<1x1x16xf32>,
      %swap3A_349 = vector.shape_cast %swap3A_348 : vector<1x1x16xf32> to vector<16xf32>
      %swap3A_350 = vector.shape_cast %scan3A_341#0 : vector<16xf32> to vector<1x1x16xf32>
      tpu.vector_store %arg11[%swap3A_345, %swap3A_346, %swap3A_347], %swap3A_350 {strides = array<i32>} : memref<2x4x64xf32, #tpu.memory_space<vmem>>, vector<1x1x16xf32>,
      %swap3A_351 = arith.constant 0 : i32
      %swap3A_352 = arith.constant 2 : i32
      %swap3A_353 = arith.index_cast %swap3A_351 : i32 to index
      %swap3A_354 = arith.index_cast %swap3A_352 : i32 to index
      %swap3A_355 = arith.constant 0 : index
      %swap3A_356 = tpu.vector_load %arg10[%swap3A_353, %swap3A_354, %swap3A_355] {strides = array<i32>} : memref<2x4x64xf32, #tpu.memory_space<vmem>>, vector<1x1x16xf32>,
      %swap3A_357 = vector.shape_cast %swap3A_356 : vector<1x1x16xf32> to vector<16xf32>
      %swap3A_358 = vector.shape_cast %scan3A_341#4 : vector<16xf32> to vector<1x1x16xf32>
      tpu.vector_store %arg10[%swap3A_353, %swap3A_354, %swap3A_355], %swap3A_358 {strides = array<i32>} : memref<2x4x64xf32, #tpu.memory_space<vmem>>, vector<1x1x16xf32>,
      %swap3A_359 = arith.constant 0 : i32
      %swap3A_360 = arith.constant 2 : i32
      %swap3A_361 = arith.index_cast %swap3A_359 : i32 to index
      %swap3A_362 = arith.index_cast %swap3A_360 : i32 to index
      %swap3A_363 = arith.constant 16 : index
      %swap3A_364 = tpu.vector_load %arg11[%swap3A_361, %swap3A_362, %swap3A_363] {strides = array<i32>} : memref<2x4x64xf32, #tpu.memory_space<vmem>>, vector<1x1x16xf32>,
      %swap3A_365 = vector.shape_cast %swap3A_364 : vector<1x1x16xf32> to vector<16xf32>
      %swap3A_366 = vector.shape_cast %scan3A_341#1 : vector<16xf32> to vector<1x1x16xf32>
      tpu.vector_store %arg11[%swap3A_361, %swap3A_362, %swap3A_363], %swap3A_366 {strides = array<i32>} : memref<2x4x64xf32, #tpu.memory_space<vmem>>, vector<1x1x16xf32>,
      %swap3A_367 = arith.constant 0 : i32
      %swap3A_368 = arith.constant 2 : i32
      %swap3A_369 = arith.index_cast %swap3A_367 : i32 to index
      %swap3A_370 = arith.index_cast %swap3A_368 : i32 to index
      %swap3A_371 = arith.constant 16 : index
      %swap3A_372 = tpu.vector_load %arg10[%swap3A_369, %swap3A_370, %swap3A_371] {strides = array<i32>} : memref<2x4x64xf32, #tpu.memory_space<vmem>>, vector<1x1x16xf32>,
      %swap3A_373 = vector.shape_cast %swap3A_372 : vector<1x1x16xf32> to vector<16xf32>
      %swap3A_374 = vector.shape_cast %scan3A_341#5 : vector<16xf32> to vector<1x1x16xf32>
      tpu.vector_store %arg10[%swap3A_369, %swap3A_370, %swap3A_371], %swap3A_374 {strides = array<i32>} : memref<2x4x64xf32, #tpu.memory_space<vmem>>, vector<1x1x16xf32>,
      %swap3A_375 = arith.constant 0 : i32
      %swap3A_376 = arith.constant 2 : i32
      %swap3A_377 = arith.index_cast %swap3A_375 : i32 to index
      %swap3A_378 = arith.index_cast %swap3A_376 : i32 to index
      %swap3A_379 = arith.constant 32 : index
      %swap3A_380 = tpu.vector_load %arg11[%swap3A_377, %swap3A_378, %swap3A_379] {strides = array<i32>} : memref<2x4x64xf32, #tpu.memory_space<vmem>>, vector<1x1x16xf32>,
      %swap3A_381 = vector.shape_cast %swap3A_380 : vector<1x1x16xf32> to vector<16xf32>
      %swap3A_382 = vector.shape_cast %scan3A_341#2 : vector<16xf32> to vector<1x1x16xf32>
      tpu.vector_store %arg11[%swap3A_377, %swap3A_378, %swap3A_379], %swap3A_382 {strides = array<i32>} : memref<2x4x64xf32, #tpu.memory_space<vmem>>, vector<1x1x16xf32>,
      %swap3A_383 = arith.constant 0 : i32
      %swap3A_384 = arith.constant 2 : i32
      %swap3A_385 = arith.index_cast %swap3A_383 : i32 to index
      %swap3A_386 = arith.index_cast %swap3A_384 : i32 to index
      %swap3A_387 = arith.constant 32 : index
      %swap3A_388 = tpu.vector_load %arg10[%swap3A_385, %swap3A_386, %swap3A_387] {strides = array<i32>} : memref<2x4x64xf32, #tpu.memory_space<vmem>>, vector<1x1x16xf32>,
      %swap3A_389 = vector.shape_cast %swap3A_388 : vector<1x1x16xf32> to vector<16xf32>
      %swap3A_390 = vector.shape_cast %scan3A_341#6 : vector<16xf32> to vector<1x1x16xf32>
      tpu.vector_store %arg10[%swap3A_385, %swap3A_386, %swap3A_387], %swap3A_390 {strides = array<i32>} : memref<2x4x64xf32, #tpu.memory_space<vmem>>, vector<1x1x16xf32>,
      %swap3A_391 = arith.constant 0 : i32
      %swap3A_392 = arith.constant 2 : i32
      %swap3A_393 = arith.index_cast %swap3A_391 : i32 to index
      %swap3A_394 = arith.index_cast %swap3A_392 : i32 to index
      %swap3A_395 = arith.constant 48 : index
      %swap3A_396 = tpu.vector_load %arg11[%swap3A_393, %swap3A_394, %swap3A_395] {strides = array<i32>} : memref<2x4x64xf32, #tpu.memory_space<vmem>>, vector<1x1x16xf32>,
      %swap3A_397 = vector.shape_cast %swap3A_396 : vector<1x1x16xf32> to vector<16xf32>
      %swap3A_398 = vector.shape_cast %scan3A_341#3 : vector<16xf32> to vector<1x1x16xf32>
      tpu.vector_store %arg11[%swap3A_393, %swap3A_394, %swap3A_395], %swap3A_398 {strides = array<i32>} : memref<2x4x64xf32, #tpu.memory_space<vmem>>, vector<1x1x16xf32>,
      %swap3A_399 = arith.constant 0 : i32
      %swap3A_400 = arith.constant 2 : i32
      %swap3A_401 = arith.index_cast %swap3A_399 : i32 to index
      %swap3A_402 = arith.index_cast %swap3A_400 : i32 to index
      %swap3A_403 = arith.constant 48 : index
      %swap3A_404 = tpu.vector_load %arg10[%swap3A_401, %swap3A_402, %swap3A_403] {strides = array<i32>} : memref<2x4x64xf32, #tpu.memory_space<vmem>>, vector<1x1x16xf32>,
      %swap3A_405 = vector.shape_cast %swap3A_404 : vector<1x1x16xf32> to vector<16xf32>
      %swap3A_406 = vector.shape_cast %scan3A_341#7 : vector<16xf32> to vector<1x1x16xf32>
      tpu.vector_store %arg10[%swap3A_401, %swap3A_402, %swap3A_403], %swap3A_406 {strides = array<i32>} : memref<2x4x64xf32, #tpu.memory_space<vmem>>, vector<1x1x16xf32>,
      %broadcast_in_dim3A_407 = arith.constant 0.000000e+00 : f32
      %broadcast_in_dim3A_408 = vector.broadcast %broadcast_in_dim3A_407 : f32 to vector<16xf32>
      %broadcast_in_dim3A_409 = arith.constant 0.000000e+00 : f32
      %broadcast_in_dim3A_410 = vector.broadcast %broadcast_in_dim3A_409 : f32 to vector<16xf32>
      %broadcast_in_dim3A_411 = arith.constant 0.000000e+00 : f32
      %broadcast_in_dim3A_412 = vector.broadcast %broadcast_in_dim3A_411 : f32 to vector<16xf32>
      %broadcast_in_dim3A_413 = arith.constant 0.000000e+00 : f32
      %broadcast_in_dim3A_414 = vector.broadcast %broadcast_in_dim3A_413 : f32 to vector<16xf32>
      %broadcast_in_dim3A_415 = arith.constant 0.000000e+00 : f32
      %broadcast_in_dim3A_416 = vector.broadcast %broadcast_in_dim3A_415 : f32 to vector<16xf32>
      %broadcast_in_dim3A_417 = arith.constant 0.000000e+00 : f32
      %broadcast_in_dim3A_418 = vector.broadcast %broadcast_in_dim3A_417 : f32 to vector<16xf32>
      %broadcast_in_dim3A_419 = arith.constant 0.000000e+00 : f32
      %broadcast_in_dim3A_420 = vector.broadcast %broadcast_in_dim3A_419 : f32 to vector<16xf32>
      %broadcast_in_dim3A_421 = arith.constant 0.000000e+00 : f32
      %broadcast_in_dim3A_422 = vector.broadcast %broadcast_in_dim3A_421 : f32 to vector<16xf32>
      %scan3A_423 = arith.constant 0 : i32
      %scan3A_424 = arith.constant 32 : i32
      %scan3A_425 = arith.addi %scan3A_423, %scan3A_424 : i32
      %scan3A_426 = arith.constant 1 : i32
      %scan3A_427:8 = scf.for %scan3A_936 = %scan3A_423 to %scan3A_425 step %scan3A_426 iter_args(%scan3A_937 = %broadcast_in_dim3A_408, %scan3A_938 = %broadcast_in_dim3A_410, %scan3A_939 = %broadcast_in_dim3A_412, %scan3A_940 = %broadcast_in_dim3A_414, %scan3A_941 = %broadcast_in_dim3A_416, %scan3A_942 = %broadcast_in_dim3A_418, %scan3A_943 = %broadcast_in_dim3A_420, %scan3A_944 = %broadcast_in_dim3A_422) -> (vector<16xf32>, vector<16xf32>, vector<16xf32>, vector<16xf32>, vector<16xf32>, vector<16xf32>, vector<16xf32>, vector<16xf32>)  : i32 {
        %add3A_945 = arith.constant 96 : i32
        %add3A_946 = arith.addi %add3A_945, %scan3A_936 : i32
        %get3A = arith.constant 0 : i32
        %get3A_947 = arith.index_cast %get3A : i32 to index
        %get3A_948 = arith.index_cast %add3A_946 : i32 to index
        %get3A_949 = arith.constant 0 : index
        %get3A_950 = tpu.vector_load %arg8[%get3A_947, %get3A_948, %get3A_949] {strides = array<i32>} : memref<2x128x64xf32, #tpu.memory_space<vmem>>, vector<1x1x16xf32>,
        %get3A_951 = vector.shape_cast %get3A_950 : vector<1x1x16xf32> to vector<16xf32>
        %get3A_952 = arith.constant 0 : i32
        %get3A_953 = arith.index_cast %get3A_952 : i32 to index
        %get3A_954 = arith.index_cast %add3A_946 : i32 to index
        %get3A_955 = arith.constant 0 : index
        %get3A_956 = tpu.vector_load %arg9[%get3A_953, %get3A_954, %get3A_955] {strides = array<i32>} : memref<2x128x128xf32, #tpu.memory_space<vmem>>, vector<1x1x16xf32>,
        %get3A_957 = vector.shape_cast %get3A_956 : vector<1x1x16xf32> to vector<16xf32>
        %add3A_958 = arith.addf %get3A_951, %get3A_957 : vector<16xf32>
        %max3A = arith.constant 0.000000e+00 : f32
        %max3A_959 = vector.broadcast %max3A : f32 to vector<16xf32>
        %max3A_960 = arith.maximumf %add3A_958, %max3A_959 : vector<16xf32>
        %add3A_961 = arith.addf %scan3A_937, %max3A_960 : vector<16xf32>
        %get3A_962 = arith.constant 0 : i32
        %get3A_963 = arith.index_cast %get3A_962 : i32 to index
        %get3A_964 = arith.index_cast %add3A_946 : i32 to index
        %get3A_965 = arith.constant 16 : index
        %get3A_966 = tpu.vector_load %arg8[%get3A_963, %get3A_964, %get3A_965] {strides = array<i32>} : memref<2x128x64xf32, #tpu.memory_space<vmem>>, vector<1x1x16xf32>,
        %get3A_967 = vector.shape_cast %get3A_966 : vector<1x1x16xf32> to vector<16xf32>
        %get3A_968 = arith.constant 0 : i32
        %get3A_969 = arith.index_cast %get3A_968 : i32 to index
        %get3A_970 = arith.index_cast %add3A_946 : i32 to index
        %get3A_971 = arith.constant 16 : index
        %get3A_972 = tpu.vector_load %arg9[%get3A_969, %get3A_970, %get3A_971] {strides = array<i32>} : memref<2x128x128xf32, #tpu.memory_space<vmem>>, vector<1x1x16xf32>,
        %get3A_973 = vector.shape_cast %get3A_972 : vector<1x1x16xf32> to vector<16xf32>
        %add3A_974 = arith.addf %get3A_967, %get3A_973 : vector<16xf32>
        %max3A_975 = arith.constant 0.000000e+00 : f32
        %max3A_976 = vector.broadcast %max3A_975 : f32 to vector<16xf32>
        %max3A_977 = arith.maximumf %add3A_974, %max3A_976 : vector<16xf32>
        %add3A_978 = arith.addf %scan3A_938, %max3A_977 : vector<16xf32>
        %get3A_979 = arith.constant 0 : i32
        %get3A_980 = arith.index_cast %get3A_979 : i32 to index
        %get3A_981 = arith.index_cast %add3A_946 : i32 to index
        %get3A_982 = arith.constant 32 : index
        %get3A_983 = tpu.vector_load %arg8[%get3A_980, %get3A_981, %get3A_982] {strides = array<i32>} : memref<2x128x64xf32, #tpu.memory_space<vmem>>, vector<1x1x16xf32>,
        %get3A_984 = vector.shape_cast %get3A_983 : vector<1x1x16xf32> to vector<16xf32>
        %get3A_985 = arith.constant 0 : i32
        %get3A_986 = arith.index_cast %get3A_985 : i32 to index
        %get3A_987 = arith.index_cast %add3A_946 : i32 to index
        %get3A_988 = arith.constant 32 : index
        %get3A_989 = tpu.vector_load %arg9[%get3A_986, %get3A_987, %get3A_988] {strides = array<i32>} : memref<2x128x128xf32, #tpu.memory_space<vmem>>, vector<1x1x16xf32>,
        %get3A_990 = vector.shape_cast %get3A_989 : vector<1x1x16xf32> to vector<16xf32>
        %add3A_991 = arith.addf %get3A_984, %get3A_990 : vector<16xf32>
        %max3A_992 = arith.constant 0.000000e+00 : f32
        %max3A_993 = vector.broadcast %max3A_992 : f32 to vector<16xf32>
        %max3A_994 = arith.maximumf %add3A_991, %max3A_993 : vector<16xf32>
        %add3A_995 = arith.addf %scan3A_939, %max3A_994 : vector<16xf32>
        %get3A_996 = arith.constant 0 : i32
        %get3A_997 = arith.index_cast %get3A_996 : i32 to index
        %get3A_998 = arith.index_cast %add3A_946 : i32 to index
        %get3A_999 = arith.constant 48 : index
        %get3A_1000 = tpu.vector_load %arg8[%get3A_997, %get3A_998, %get3A_999] {strides = array<i32>} : memref<2x128x64xf32, #tpu.memory_space<vmem>>, vector<1x1x16xf32>,
        %get3A_1001 = vector.shape_cast %get3A_1000 : vector<1x1x16xf32> to vector<16xf32>
        %get3A_1002 = arith.constant 0 : i32
        %get3A_1003 = arith.index_cast %get3A_1002 : i32 to index
        %get3A_1004 = arith.index_cast %add3A_946 : i32 to index
        %get3A_1005 = arith.constant 48 : index
        %get3A_1006 = tpu.vector_load %arg9[%get3A_1003, %get3A_1004, %get3A_1005] {strides = array<i32>} : memref<2x128x128xf32, #tpu.memory_space<vmem>>, vector<1x1x16xf32>,
        %get3A_1007 = vector.shape_cast %get3A_1006 : vector<1x1x16xf32> to vector<16xf32>
        %add3A_1008 = arith.addf %get3A_1001, %get3A_1007 : vector<16xf32>
        %max3A_1009 = arith.constant 0.000000e+00 : f32
        %max3A_1010 = vector.broadcast %max3A_1009 : f32 to vector<16xf32>
        %max3A_1011 = arith.maximumf %add3A_1008, %max3A_1010 : vector<16xf32>
        %add3A_1012 = arith.addf %scan3A_940, %max3A_1011 : vector<16xf32>
        %get3A_1013 = arith.constant 0 : i32
        %get3A_1014 = arith.index_cast %get3A_1013 : i32 to index
        %get3A_1015 = arith.index_cast %add3A_946 : i32 to index
        %get3A_1016 = arith.constant 64 : index
        %get3A_1017 = tpu.vector_load %arg9[%get3A_1014, %get3A_1015, %get3A_1016] {strides = array<i32>} : memref<2x128x128xf32, #tpu.memory_space<vmem>>, vector<1x1x16xf32>,
        %get3A_1018 = vector.shape_cast %get3A_1017 : vector<1x1x16xf32> to vector<16xf32>
        %add3A_1019 = arith.addf %scan3A_941, %get3A_1018 : vector<16xf32>
        %get3A_1020 = arith.constant 0 : i32
        %get3A_1021 = arith.index_cast %get3A_1020 : i32 to index
        %get3A_1022 = arith.index_cast %add3A_946 : i32 to index
        %get3A_1023 = arith.constant 80 : index
        %get3A_1024 = tpu.vector_load %arg9[%get3A_1021, %get3A_1022, %get3A_1023] {strides = array<i32>} : memref<2x128x128xf32, #tpu.memory_space<vmem>>, vector<1x1x16xf32>,
        %get3A_1025 = vector.shape_cast %get3A_1024 : vector<1x1x16xf32> to vector<16xf32>
        %add3A_1026 = arith.addf %scan3A_942, %get3A_1025 : vector<16xf32>
        %get3A_1027 = arith.constant 0 : i32
        %get3A_1028 = arith.index_cast %get3A_1027 : i32 to index
        %get3A_1029 = arith.index_cast %add3A_946 : i32 to index
        %get3A_1030 = arith.constant 96 : index
        %get3A_1031 = tpu.vector_load %arg9[%get3A_1028, %get3A_1029, %get3A_1030] {strides = array<i32>} : memref<2x128x128xf32, #tpu.memory_space<vmem>>, vector<1x1x16xf32>,
        %get3A_1032 = vector.shape_cast %get3A_1031 : vector<1x1x16xf32> to vector<16xf32>
        %add3A_1033 = arith.addf %scan3A_943, %get3A_1032 : vector<16xf32>
        %get3A_1034 = arith.constant 0 : i32
        %get3A_1035 = arith.index_cast %get3A_1034 : i32 to index
        %get3A_1036 = arith.index_cast %add3A_946 : i32 to index
        %get3A_1037 = arith.constant 112 : index
        %get3A_1038 = tpu.vector_load %arg9[%get3A_1035, %get3A_1036, %get3A_1037] {strides = array<i32>} : memref<2x128x128xf32, #tpu.memory_space<vmem>>, vector<1x1x16xf32>,
        %get3A_1039 = vector.shape_cast %get3A_1038 : vector<1x1x16xf32> to vector<16xf32>
        %add3A_1040 = arith.addf %scan3A_944, %get3A_1039 : vector<16xf32>
        scf.yield %add3A_961, %add3A_978, %add3A_995, %add3A_1012, %add3A_1019, %add3A_1026, %add3A_1033, %add3A_1040 : vector<16xf32>, vector<16xf32>, vector<16xf32>, vector<16xf32>, vector<16xf32>, vector<16xf32>, vector<16xf32>, vector<16xf32>
      }
      %scan3A_428 = arith.constant 32 : i32
      %swap3A_429 = arith.constant 0 : i32
      %swap3A_430 = arith.constant 3 : i32
      %swap3A_431 = arith.index_cast %swap3A_429 : i32 to index
      %swap3A_432 = arith.index_cast %swap3A_430 : i32 to index
      %swap3A_433 = arith.constant 0 : index
      %swap3A_434 = tpu.vector_load %arg11[%swap3A_431, %swap3A_432, %swap3A_433] {strides = array<i32>} : memref<2x4x64xf32, #tpu.memory_space<vmem>>, vector<1x1x16xf32>,
      %swap3A_435 = vector.shape_cast %swap3A_434 : vector<1x1x16xf32> to vector<16xf32>
      %swap3A_436 = vector.shape_cast %scan3A_427#0 : vector<16xf32> to vector<1x1x16xf32>
      tpu.vector_store %arg11[%swap3A_431, %swap3A_432, %swap3A_433], %swap3A_436 {strides = array<i32>} : memref<2x4x64xf32, #tpu.memory_space<vmem>>, vector<1x1x16xf32>,
      %swap3A_437 = arith.constant 0 : i32
      %swap3A_438 = arith.constant 3 : i32
      %swap3A_439 = arith.index_cast %swap3A_437 : i32 to index
      %swap3A_440 = arith.index_cast %swap3A_438 : i32 to index
      %swap3A_441 = arith.constant 0 : index
      %swap3A_442 = tpu.vector_load %arg10[%swap3A_439, %swap3A_440, %swap3A_441] {strides = array<i32>} : memref<2x4x64xf32, #tpu.memory_space<vmem>>, vector<1x1x16xf32>,
      %swap3A_443 = vector.shape_cast %swap3A_442 : vector<1x1x16xf32> to vector<16xf32>
      %swap3A_444 = vector.shape_cast %scan3A_427#4 : vector<16xf32> to vector<1x1x16xf32>
      tpu.vector_store %arg10[%swap3A_439, %swap3A_440, %swap3A_441], %swap3A_444 {strides = array<i32>} : memref<2x4x64xf32, #tpu.memory_space<vmem>>, vector<1x1x16xf32>,
      %swap3A_445 = arith.constant 0 : i32
      %swap3A_446 = arith.constant 3 : i32
      %swap3A_447 = arith.index_cast %swap3A_445 : i32 to index
      %swap3A_448 = arith.index_cast %swap3A_446 : i32 to index
      %swap3A_449 = arith.constant 16 : index
      %swap3A_450 = tpu.vector_load %arg11[%swap3A_447, %swap3A_448, %swap3A_449] {strides = array<i32>} : memref<2x4x64xf32, #tpu.memory_space<vmem>>, vector<1x1x16xf32>,
      %swap3A_451 = vector.shape_cast %swap3A_450 : vector<1x1x16xf32> to vector<16xf32>
      %swap3A_452 = vector.shape_cast %scan3A_427#1 : vector<16xf32> to vector<1x1x16xf32>
      tpu.vector_store %arg11[%swap3A_447, %swap3A_448, %swap3A_449], %swap3A_452 {strides = array<i32>} : memref<2x4x64xf32, #tpu.memory_space<vmem>>, vector<1x1x16xf32>,
      %swap3A_453 = arith.constant 0 : i32
      %swap3A_454 = arith.constant 3 : i32
      %swap3A_455 = arith.index_cast %swap3A_453 : i32 to index
      %swap3A_456 = arith.index_cast %swap3A_454 : i32 to index
      %swap3A_457 = arith.constant 16 : index
      %swap3A_458 = tpu.vector_load %arg10[%swap3A_455, %swap3A_456, %swap3A_457] {strides = array<i32>} : memref<2x4x64xf32, #tpu.memory_space<vmem>>, vector<1x1x16xf32>,
      %swap3A_459 = vector.shape_cast %swap3A_458 : vector<1x1x16xf32> to vector<16xf32>
      %swap3A_460 = vector.shape_cast %scan3A_427#5 : vector<16xf32> to vector<1x1x16xf32>
      tpu.vector_store %arg10[%swap3A_455, %swap3A_456, %swap3A_457], %swap3A_460 {strides = array<i32>} : memref<2x4x64xf32, #tpu.memory_space<vmem>>, vector<1x1x16xf32>,
      %swap3A_461 = arith.constant 0 : i32
      %swap3A_462 = arith.constant 3 : i32
      %swap3A_463 = arith.index_cast %swap3A_461 : i32 to index
      %swap3A_464 = arith.index_cast %swap3A_462 : i32 to index
      %swap3A_465 = arith.constant 32 : index
      %swap3A_466 = tpu.vector_load %arg11[%swap3A_463, %swap3A_464, %swap3A_465] {strides = array<i32>} : memref<2x4x64xf32, #tpu.memory_space<vmem>>, vector<1x1x16xf32>,
      %swap3A_467 = vector.shape_cast %swap3A_466 : vector<1x1x16xf32> to vector<16xf32>
      %swap3A_468 = vector.shape_cast %scan3A_427#2 : vector<16xf32> to vector<1x1x16xf32>
      tpu.vector_store %arg11[%swap3A_463, %swap3A_464, %swap3A_465], %swap3A_468 {strides = array<i32>} : memref<2x4x64xf32, #tpu.memory_space<vmem>>, vector<1x1x16xf32>,
      %swap3A_469 = arith.constant 0 : i32
      %swap3A_470 = arith.constant 3 : i32
      %swap3A_471 = arith.index_cast %swap3A_469 : i32 to index
      %swap3A_472 = arith.index_cast %swap3A_470 : i32 to index
      %swap3A_473 = arith.constant 32 : index
      %swap3A_474 = tpu.vector_load %arg10[%swap3A_471, %swap3A_472, %swap3A_473] {strides = array<i32>} : memref<2x4x64xf32, #tpu.memory_space<vmem>>, vector<1x1x16xf32>,
      %swap3A_475 = vector.shape_cast %swap3A_474 : vector<1x1x16xf32> to vector<16xf32>
      %swap3A_476 = vector.shape_cast %scan3A_427#6 : vector<16xf32> to vector<1x1x16xf32>
      tpu.vector_store %arg10[%swap3A_471, %swap3A_472, %swap3A_473], %swap3A_476 {strides = array<i32>} : memref<2x4x64xf32, #tpu.memory_space<vmem>>, vector<1x1x16xf32>,
      %swap3A_477 = arith.constant 0 : i32
      %swap3A_478 = arith.constant 3 : i32
      %swap3A_479 = arith.index_cast %swap3A_477 : i32 to index
      %swap3A_480 = arith.index_cast %swap3A_478 : i32 to index
      %swap3A_481 = arith.constant 48 : index
      %swap3A_482 = tpu.vector_load %arg11[%swap3A_479, %swap3A_480, %swap3A_481] {strides = array<i32>} : memref<2x4x64xf32, #tpu.memory_space<vmem>>, vector<1x1x16xf32>,
      %swap3A_483 = vector.shape_cast %swap3A_482 : vector<1x1x16xf32> to vector<16xf32>
      %swap3A_484 = vector.shape_cast %scan3A_427#3 : vector<16xf32> to vector<1x1x16xf32>
      tpu.vector_store %arg11[%swap3A_479, %swap3A_480, %swap3A_481], %swap3A_484 {strides = array<i32>} : memref<2x4x64xf32, #tpu.memory_space<vmem>>, vector<1x1x16xf32>,
      %swap3A_485 = arith.constant 0 : i32
      %swap3A_486 = arith.constant 3 : i32
      %swap3A_487 = arith.index_cast %swap3A_485 : i32 to index
      %swap3A_488 = arith.index_cast %swap3A_486 : i32 to index
      %swap3A_489 = arith.constant 48 : index
      %swap3A_490 = tpu.vector_load %arg10[%swap3A_487, %swap3A_488, %swap3A_489] {strides = array<i32>} : memref<2x4x64xf32, #tpu.memory_space<vmem>>, vector<1x1x16xf32>,
      %swap3A_491 = vector.shape_cast %swap3A_490 : vector<1x1x16xf32> to vector<16xf32>
      %swap3A_492 = vector.shape_cast %scan3A_427#7 : vector<16xf32> to vector<1x1x16xf32>
      tpu.vector_store %arg10[%swap3A_487, %swap3A_488, %swap3A_489], %swap3A_492 {strides = array<i32>} : memref<2x4x64xf32, #tpu.memory_space<vmem>>, vector<1x1x16xf32>,
      %add3A_493 = arith.addi %add3A_4, %add3A_126 : i32
      %mul3A_494 = arith.constant 4 : i32
      %mul3A_495 = arith.muli %add3A_493, %mul3A_494 : i32
      %dma_start3A_496 = arith.constant 0 : i32
      %dma_start3A_497 = arith.constant 0 : i32
      %dma_start3A_498 = arith.constant 0 : i32
      %dma_start3A_499 = tpu.memref_slice %arg10[%dma_start3A_496, %dma_start3A_497, %dma_start3A_498] : memref<2x4x64xf32, #tpu.memory_space<vmem>> -> memref<1x4x64xf32, #tpu.memory_space<vmem>>
      %dma_start3A_500 = tpu.memref_squeeze %dma_start3A_499 : memref<1x4x64xf32, #tpu.memory_space<vmem>> -> memref<4x64xf32, #tpu.memory_space<vmem>>
      %dma_start3A_501 = arith.constant 0 : i32
      %dma_start3A_502 = tpu.memref_slice %arg5[%mul3A_495, %dma_start3A_501] : memref<10000x64xf32, #tpu.memory_space<hbm>> -> memref<4x64xf32, #tpu.memory_space<hbm>>
      %dma_start3A_503 = arith.constant 0 : i32
      %dma_start3A_504 = tpu.memref_slice %arg5[%mul3A_495, %dma_start3A_503] : memref<10000x64xf32, #tpu.memory_space<hbm>> -> memref<4x64xf32, #tpu.memory_space<hbm>>
      %dma_start3A_505 = arith.constant 0 : i32
      %dma_start3A_506 = arith.constant 0 : i32
      %dma_start3A_507 = tpu.memref_slice %arg10[%dma_start3A_496, %dma_start3A_505, %dma_start3A_506] : memref<2x4x64xf32, #tpu.memory_space<vmem>> -> memref<1x4x64xf32, #tpu.memory_space<vmem>>
      %dma_start3A_508 = tpu.memref_squeeze %dma_start3A_507 : memref<1x4x64xf32, #tpu.memory_space<vmem>> -> memref<4x64xf32, #tpu.memory_space<vmem>>
      tpu.enqueue_dma source(%dma_start3A_508 : memref<4x64xf32, #tpu.memory_space<vmem>>) target(%dma_start3A_504 : memref<4x64xf32, #tpu.memory_space<hbm>>) target_semaphore(%arg13 : memref<!tpu.dma_semaphore, #tpu.memory_space<semaphore_mem>>)
      %dma_start3A_509 = arith.constant 0 : i32
      %dma_start3A_510 = arith.constant 0 : i32
      %dma_start3A_511 = arith.constant 0 : i32
      %dma_start3A_512 = tpu.memref_slice %arg11[%dma_start3A_509, %dma_start3A_510, %dma_start3A_511] : memref<2x4x64xf32, #tpu.memory_space<vmem>> -> memref<1x4x64xf32, #tpu.memory_space<vmem>>
      %dma_start3A_513 = tpu.memref_squeeze %dma_start3A_512 : memref<1x4x64xf32, #tpu.memory_space<vmem>> -> memref<4x64xf32, #tpu.memory_space<vmem>>
      %dma_start3A_514 = arith.constant 0 : i32
      %dma_start3A_515 = tpu.memref_slice %arg6[%mul3A_495, %dma_start3A_514] : memref<10000x64xf32, #tpu.memory_space<hbm>> -> memref<4x64xf32, #tpu.memory_space<hbm>>
      %dma_start3A_516 = arith.constant 0 : i32
      %dma_start3A_517 = tpu.memref_slice %arg6[%mul3A_495, %dma_start3A_516] : memref<10000x64xf32, #tpu.memory_space<hbm>> -> memref<4x64xf32, #tpu.memory_space<hbm>>
      %dma_start3A_518 = arith.constant 0 : i32
      %dma_start3A_519 = arith.constant 0 : i32
      %dma_start3A_520 = tpu.memref_slice %arg11[%dma_start3A_509, %dma_start3A_518, %dma_start3A_519] : memref<2x4x64xf32, #tpu.memory_space<vmem>> -> memref<1x4x64xf32, #tpu.memory_space<vmem>>
      %dma_start3A_521 = tpu.memref_squeeze %dma_start3A_520 : memref<1x4x64xf32, #tpu.memory_space<vmem>> -> memref<4x64xf32, #tpu.memory_space<vmem>>
      tpu.enqueue_dma source(%dma_start3A_521 : memref<4x64xf32, #tpu.memory_space<vmem>>) target(%dma_start3A_517 : memref<4x64xf32, #tpu.memory_space<hbm>>) target_semaphore(%arg13 : memref<!tpu.dma_semaphore, #tpu.memory_space<semaphore_mem>>)
      %add3A_522 = arith.constant 2 : i32
      %add3A_523 = arith.addi %add3A_126, %add3A_522 : i32
      %lt3A_524 = arith.cmpi slt, %add3A_523, %add3A_8 : i32
      %convert_element_type3A_525 = arith.extui %lt3A_524 : i1 to i32
      %cond3A_526 = arith.constant 0 : i32
      %cond3A_527 = arith.cmpi ne, %convert_element_type3A_525, %cond3A_526 : i32
      scf.if %cond3A_527 {
        %add3A_936 = arith.constant 2 : i32
        %add3A_937 = arith.addi %add3A_126, %add3A_936 : i32
        %mul3A_938 = arith.constant 128 : i32
        %mul3A_939 = arith.muli %add3A_937, %mul3A_938 : i32
        %dma_start3A_940 = arith.constant 0 : i32
        %dma_start3A_941 = arith.constant 0 : i32
        %dma_start3A_942 = arith.constant 0 : i32
        %dma_start3A_943 = tpu.memref_slice %arg8[%dma_start3A_940, %dma_start3A_941, %dma_start3A_942] : memref<2x128x64xf32, #tpu.memory_space<vmem>> -> memref<1x128x64xf32, #tpu.memory_space<vmem>>
        %dma_start3A_944 = tpu.memref_squeeze %dma_start3A_943 : memref<1x128x64xf32, #tpu.memory_space<vmem>> -> memref<128x64xf32, #tpu.memory_space<vmem>>
        %dma_start3A_945 = tpu.memref_slice %arg7[%mul3A_939] : memref<10112xi32, #tpu.memory_space<vmem>> -> memref<128xi32, #tpu.memory_space<vmem>>
        %dma_start3A_946 = arith.constant 0 : i32
        %dma_start3A_947 = arith.constant 0 : i32
        %dma_start3A_948 = tpu.memref_slice %arg3[%dma_start3A_946, %dma_start3A_947] : memref<320000x64xf32, #tpu.memory_space<hbm>> -> memref<320000x64xf32, #tpu.memory_space<hbm>>
        tpu.enqueue_indirect_dma source(%dma_start3A_948 : memref<320000x64xf32, #tpu.memory_space<hbm>>) target(%dma_start3A_944 : memref<128x64xf32, #tpu.memory_space<vmem>>) offsets(%dma_start3A_945 : memref<128xi32, #tpu.memory_space<vmem>>) semaphore(%arg12 : memref<!tpu.dma_semaphore, #tpu.memory_space<semaphore_mem>>)
        %mul3A_949 = arith.constant 128 : i32
        %mul3A_950 = arith.muli %add3A_937, %mul3A_949 : i32
        %dma_start3A_951 = arith.constant 0 : i32
        %dma_start3A_952 = arith.constant 0 : i32
        %dma_start3A_953 = arith.constant 0 : i32
        %dma_start3A_954 = tpu.memref_slice %arg9[%dma_start3A_951, %dma_start3A_952, %dma_start3A_953] : memref<2x128x128xf32, #tpu.memory_space<vmem>> -> memref<1x128x128xf32, #tpu.memory_space<vmem>>
        %dma_start3A_955 = tpu.memref_squeeze %dma_start3A_954 : memref<1x128x128xf32, #tpu.memory_space<vmem>> -> memref<128x128xf32, #tpu.memory_space<vmem>>
        %dma_start3A_956 = tpu.memref_slice %arg7[%mul3A_950] : memref<10112xi32, #tpu.memory_space<vmem>> -> memref<128xi32, #tpu.memory_space<vmem>>
        %dma_start3A_957 = arith.constant 0 : i32
        %dma_start3A_958 = arith.constant 0 : i32
        %dma_start3A_959 = tpu.memref_slice %arg4[%dma_start3A_957, %dma_start3A_958] : memref<320000x128xf32, #tpu.memory_space<hbm>> -> memref<320000x128xf32, #tpu.memory_space<hbm>>
        tpu.enqueue_indirect_dma source(%dma_start3A_959 : memref<320000x128xf32, #tpu.memory_space<hbm>>) target(%dma_start3A_955 : memref<128x128xf32, #tpu.memory_space<vmem>>) offsets(%dma_start3A_956 : memref<128xi32, #tpu.memory_space<vmem>>) semaphore(%arg12 : memref<!tpu.dma_semaphore, #tpu.memory_space<semaphore_mem>>)
      } else {
      }
      %mul3A_528 = arith.constant 2 : i32
      %mul3A_529 = arith.muli %mul3A_528, %scan3A_122 : i32
      %add3A_530 = arith.constant 1 : i32
      %add3A_531 = arith.addi %mul3A_529, %add3A_530 : i32
      %ge3A_532 = arith.constant 2 : i32
      %ge3A_533 = arith.cmpi sge, %add3A_531, %ge3A_532 : i32
      %convert_element_type3A_534 = arith.extui %ge3A_533 : i1 to i32
      %cond3A_535 = arith.constant 0 : i32
      %cond3A_536 = arith.cmpi ne, %convert_element_type3A_534, %cond3A_535 : i32
      scf.if %cond3A_536 {
        %dma_wait3A_936 = arith.constant 1 : i32
        %dma_wait3A_937 = arith.constant 0 : i32
        %dma_wait3A_938 = arith.constant 0 : i32
        %dma_wait3A_939 = tpu.memref_slice %arg10[%dma_wait3A_936, %dma_wait3A_937, %dma_wait3A_938] : memref<2x4x64xf32, #tpu.memory_space<vmem>> -> memref<1x4x64xf32, #tpu.memory_space<vmem>>
        %dma_wait3A_940 = tpu.memref_squeeze %dma_wait3A_939 : memref<1x4x64xf32, #tpu.memory_space<vmem>> -> memref<4x64xf32, #tpu.memory_space<vmem>>
        %dma_wait3A_941 = arith.constant 0 : i32
        %dma_wait3A_942 = arith.constant 0 : i32
        %dma_wait3A_943 = tpu.memref_slice %arg5[%dma_wait3A_941, %dma_wait3A_942] : memref<10000x64xf32, #tpu.memory_space<hbm>> -> memref<4x64xf32, #tpu.memory_space<hbm>>
        %dma_wait3A_944 = arith.constant 0 : i32
        %dma_wait3A_945 = arith.constant 0 : i32
        %dma_wait3A_946 = tpu.memref_slice %arg5[%dma_wait3A_944, %dma_wait3A_945] : memref<10000x64xf32, #tpu.memory_space<hbm>> -> memref<4x64xf32, #tpu.memory_space<hbm>>
        %dma_wait3A_947 = arith.constant 0 : i32
        %dma_wait3A_948 = arith.constant 0 : i32
        %dma_wait3A_949 = tpu.memref_slice %arg10[%dma_wait3A_936, %dma_wait3A_947, %dma_wait3A_948] : memref<2x4x64xf32, #tpu.memory_space<vmem>> -> memref<1x4x64xf32, #tpu.memory_space<vmem>>
        %dma_wait3A_950 = tpu.memref_squeeze %dma_wait3A_949 : memref<1x4x64xf32, #tpu.memory_space<vmem>> -> memref<4x64xf32, #tpu.memory_space<vmem>>
        tpu.wait_dma2 semaphore(%arg13 : memref<!tpu.dma_semaphore, #tpu.memory_space<semaphore_mem>>) src(%dma_wait3A_950 : memref<4x64xf32, #tpu.memory_space<vmem>>) dst(%dma_wait3A_946 : memref<4x64xf32, #tpu.memory_space<hbm>>)
        %dma_wait3A_951 = arith.constant 1 : i32
        %dma_wait3A_952 = arith.constant 0 : i32
        %dma_wait3A_953 = arith.constant 0 : i32
        %dma_wait3A_954 = tpu.memref_slice %arg11[%dma_wait3A_951, %dma_wait3A_952, %dma_wait3A_953] : memref<2x4x64xf32, #tpu.memory_space<vmem>> -> memref<1x4x64xf32, #tpu.memory_space<vmem>>
        %dma_wait3A_955 = tpu.memref_squeeze %dma_wait3A_954 : memref<1x4x64xf32, #tpu.memory_space<vmem>> -> memref<4x64xf32, #tpu.memory_space<vmem>>
        %dma_wait3A_956 = arith.constant 0 : i32
        %dma_wait3A_957 = arith.constant 0 : i32
        %dma_wait3A_958 = tpu.memref_slice %arg6[%dma_wait3A_956, %dma_wait3A_957] : memref<10000x64xf32, #tpu.memory_space<hbm>> -> memref<4x64xf32, #tpu.memory_space<hbm>>
        %dma_wait3A_959 = arith.constant 0 : i32
        %dma_wait3A_960 = arith.constant 0 : i32
        %dma_wait3A_961 = tpu.memref_slice %arg6[%dma_wait3A_959, %dma_wait3A_960] : memref<10000x64xf32, #tpu.memory_space<hbm>> -> memref<4x64xf32, #tpu.memory_space<hbm>>
        %dma_wait3A_962 = arith.constant 0 : i32
        %dma_wait3A_963 = arith.constant 0 : i32
        %dma_wait3A_964 = tpu.memref_slice %arg11[%dma_wait3A_951, %dma_wait3A_962, %dma_wait3A_963] : memref<2x4x64xf32, #tpu.memory_space<vmem>> -> memref<1x4x64xf32, #tpu.memory_space<vmem>>
        %dma_wait3A_965 = tpu.memref_squeeze %dma_wait3A_964 : memref<1x4x64xf32, #tpu.memory_space<vmem>> -> memref<4x64xf32, #tpu.memory_space<vmem>>
        tpu.wait_dma2 semaphore(%arg13 : memref<!tpu.dma_semaphore, #tpu.memory_space<semaphore_mem>>) src(%dma_wait3A_965 : memref<4x64xf32, #tpu.memory_space<vmem>>) dst(%dma_wait3A_961 : memref<4x64xf32, #tpu.memory_space<hbm>>)
      } else {
      }
      %dma_wait3A_537 = arith.constant 1 : i32
      %dma_wait3A_538 = arith.constant 0 : i32
      %dma_wait3A_539 = arith.constant 0 : i32
      %dma_wait3A_540 = tpu.memref_slice %arg8[%dma_wait3A_537, %dma_wait3A_538, %dma_wait3A_539] : memref<2x128x64xf32, #tpu.memory_space<vmem>> -> memref<1x128x64xf32, #tpu.memory_space<vmem>>
      %dma_wait3A_541 = tpu.memref_squeeze %dma_wait3A_540 : memref<1x128x64xf32, #tpu.memory_space<vmem>> -> memref<128x64xf32, #tpu.memory_space<vmem>>
      %dma_wait3A_542 = arith.constant 0 : i32
      %dma_wait3A_543 = tpu.memref_slice %arg7[%dma_wait3A_542] : memref<10112xi32, #tpu.memory_space<vmem>> -> memref<128xi32, #tpu.memory_space<vmem>>
      %dma_wait3A_544 = arith.constant 0 : i32
      %dma_wait3A_545 = arith.constant 0 : i32
      %dma_wait3A_546 = tpu.memref_slice %arg3[%dma_wait3A_544, %dma_wait3A_545] : memref<320000x64xf32, #tpu.memory_space<hbm>> -> memref<320000x64xf32, #tpu.memory_space<hbm>>
      tpu.wait_indirect_dma semaphore(%arg12 : memref<!tpu.dma_semaphore, #tpu.memory_space<semaphore_mem>>) src(%dma_wait3A_546 : memref<320000x64xf32, #tpu.memory_space<hbm>>) dst(%dma_wait3A_541 : memref<128x64xf32, #tpu.memory_space<vmem>>)
      %dma_wait3A_547 = arith.constant 1 : i32
      %dma_wait3A_548 = arith.constant 0 : i32
      %dma_wait3A_549 = arith.constant 0 : i32
      %dma_wait3A_550 = tpu.memref_slice %arg9[%dma_wait3A_547, %dma_wait3A_548, %dma_wait3A_549] : memref<2x128x128xf32, #tpu.memory_space<vmem>> -> memref<1x128x128xf32, #tpu.memory_space<vmem>>
      %dma_wait3A_551 = tpu.memref_squeeze %dma_wait3A_550 : memref<1x128x128xf32, #tpu.memory_space<vmem>> -> memref<128x128xf32, #tpu.memory_space<vmem>>
      %dma_wait3A_552 = arith.constant 0 : i32
      %dma_wait3A_553 = tpu.memref_slice %arg7[%dma_wait3A_552] : memref<10112xi32, #tpu.memory_space<vmem>> -> memref<128xi32, #tpu.memory_space<vmem>>
      %dma_wait3A_554 = arith.constant 0 : i32
      %dma_wait3A_555 = arith.constant 0 : i32
      %dma_wait3A_556 = tpu.memref_slice %arg4[%dma_wait3A_554, %dma_wait3A_555] : memref<320000x128xf32, #tpu.memory_space<hbm>> -> memref<320000x128xf32, #tpu.memory_space<hbm>>
      tpu.wait_indirect_dma semaphore(%arg12 : memref<!tpu.dma_semaphore, #tpu.memory_space<semaphore_mem>>) src(%dma_wait3A_556 : memref<320000x128xf32, #tpu.memory_space<hbm>>) dst(%dma_wait3A_551 : memref<128x128xf32, #tpu.memory_space<vmem>>)
      %broadcast_in_dim3A_557 = arith.constant 0.000000e+00 : f32
      %broadcast_in_dim3A_558 = vector.broadcast %broadcast_in_dim3A_557 : f32 to vector<16xf32>
      %broadcast_in_dim3A_559 = arith.constant 0.000000e+00 : f32
      %broadcast_in_dim3A_560 = vector.broadcast %broadcast_in_dim3A_559 : f32 to vector<16xf32>
      %broadcast_in_dim3A_561 = arith.constant 0.000000e+00 : f32
      %broadcast_in_dim3A_562 = vector.broadcast %broadcast_in_dim3A_561 : f32 to vector<16xf32>
      %broadcast_in_dim3A_563 = arith.constant 0.000000e+00 : f32
      %broadcast_in_dim3A_564 = vector.broadcast %broadcast_in_dim3A_563 : f32 to vector<16xf32>
      %broadcast_in_dim3A_565 = arith.constant 0.000000e+00 : f32
      %broadcast_in_dim3A_566 = vector.broadcast %broadcast_in_dim3A_565 : f32 to vector<16xf32>
      %broadcast_in_dim3A_567 = arith.constant 0.000000e+00 : f32
      %broadcast_in_dim3A_568 = vector.broadcast %broadcast_in_dim3A_567 : f32 to vector<16xf32>
      %broadcast_in_dim3A_569 = arith.constant 0.000000e+00 : f32
      %broadcast_in_dim3A_570 = vector.broadcast %broadcast_in_dim3A_569 : f32 to vector<16xf32>
      %broadcast_in_dim3A_571 = arith.constant 0.000000e+00 : f32
      %broadcast_in_dim3A_572 = vector.broadcast %broadcast_in_dim3A_571 : f32 to vector<16xf32>
      %scan3A_573 = arith.constant 0 : i32
      %scan3A_574 = arith.constant 32 : i32
      %scan3A_575 = arith.addi %scan3A_573, %scan3A_574 : i32
      %scan3A_576 = arith.constant 1 : i32
      %scan3A_577:8 = scf.for %scan3A_936 = %scan3A_573 to %scan3A_575 step %scan3A_576 iter_args(%scan3A_937 = %broadcast_in_dim3A_558, %scan3A_938 = %broadcast_in_dim3A_560, %scan3A_939 = %broadcast_in_dim3A_562, %scan3A_940 = %broadcast_in_dim3A_564, %scan3A_941 = %broadcast_in_dim3A_566, %scan3A_942 = %broadcast_in_dim3A_568, %scan3A_943 = %broadcast_in_dim3A_570, %scan3A_944 = %broadcast_in_dim3A_572) -> (vector<16xf32>, vector<16xf32>, vector<16xf32>, vector<16xf32>, vector<16xf32>, vector<16xf32>, vector<16xf32>, vector<16xf32>)  : i32 {
        %add3A_945 = arith.constant 0 : i32
        %add3A_946 = arith.addi %add3A_945, %scan3A_936 : i32
        %get3A = arith.constant 1 : i32
        %get3A_947 = arith.index_cast %get3A : i32 to index
        %get3A_948 = arith.index_cast %add3A_946 : i32 to index
        %get3A_949 = arith.constant 0 : index
        %get3A_950 = tpu.vector_load %arg8[%get3A_947, %get3A_948, %get3A_949] {strides = array<i32>} : memref<2x128x64xf32, #tpu.memory_space<vmem>>, vector<1x1x16xf32>,
        %get3A_951 = vector.shape_cast %get3A_950 : vector<1x1x16xf32> to vector<16xf32>
        %get3A_952 = arith.constant 1 : i32
        %get3A_953 = arith.index_cast %get3A_952 : i32 to index
        %get3A_954 = arith.index_cast %add3A_946 : i32 to index
        %get3A_955 = arith.constant 0 : index
        %get3A_956 = tpu.vector_load %arg9[%get3A_953, %get3A_954, %get3A_955] {strides = array<i32>} : memref<2x128x128xf32, #tpu.memory_space<vmem>>, vector<1x1x16xf32>,
        %get3A_957 = vector.shape_cast %get3A_956 : vector<1x1x16xf32> to vector<16xf32>
        %add3A_958 = arith.addf %get3A_951, %get3A_957 : vector<16xf32>
        %max3A = arith.constant 0.000000e+00 : f32
        %max3A_959 = vector.broadcast %max3A : f32 to vector<16xf32>
        %max3A_960 = arith.maximumf %add3A_958, %max3A_959 : vector<16xf32>
        %add3A_961 = arith.addf %scan3A_937, %max3A_960 : vector<16xf32>
        %get3A_962 = arith.constant 1 : i32
        %get3A_963 = arith.index_cast %get3A_962 : i32 to index
        %get3A_964 = arith.index_cast %add3A_946 : i32 to index
        %get3A_965 = arith.constant 16 : index
        %get3A_966 = tpu.vector_load %arg8[%get3A_963, %get3A_964, %get3A_965] {strides = array<i32>} : memref<2x128x64xf32, #tpu.memory_space<vmem>>, vector<1x1x16xf32>,
        %get3A_967 = vector.shape_cast %get3A_966 : vector<1x1x16xf32> to vector<16xf32>
        %get3A_968 = arith.constant 1 : i32
        %get3A_969 = arith.index_cast %get3A_968 : i32 to index
        %get3A_970 = arith.index_cast %add3A_946 : i32 to index
        %get3A_971 = arith.constant 16 : index
        %get3A_972 = tpu.vector_load %arg9[%get3A_969, %get3A_970, %get3A_971] {strides = array<i32>} : memref<2x128x128xf32, #tpu.memory_space<vmem>>, vector<1x1x16xf32>,
        %get3A_973 = vector.shape_cast %get3A_972 : vector<1x1x16xf32> to vector<16xf32>
        %add3A_974 = arith.addf %get3A_967, %get3A_973 : vector<16xf32>
        %max3A_975 = arith.constant 0.000000e+00 : f32
        %max3A_976 = vector.broadcast %max3A_975 : f32 to vector<16xf32>
        %max3A_977 = arith.maximumf %add3A_974, %max3A_976 : vector<16xf32>
        %add3A_978 = arith.addf %scan3A_938, %max3A_977 : vector<16xf32>
        %get3A_979 = arith.constant 1 : i32
        %get3A_980 = arith.index_cast %get3A_979 : i32 to index
        %get3A_981 = arith.index_cast %add3A_946 : i32 to index
        %get3A_982 = arith.constant 32 : index
        %get3A_983 = tpu.vector_load %arg8[%get3A_980, %get3A_981, %get3A_982] {strides = array<i32>} : memref<2x128x64xf32, #tpu.memory_space<vmem>>, vector<1x1x16xf32>,
        %get3A_984 = vector.shape_cast %get3A_983 : vector<1x1x16xf32> to vector<16xf32>
        %get3A_985 = arith.constant 1 : i32
        %get3A_986 = arith.index_cast %get3A_985 : i32 to index
        %get3A_987 = arith.index_cast %add3A_946 : i32 to index
        %get3A_988 = arith.constant 32 : index
        %get3A_989 = tpu.vector_load %arg9[%get3A_986, %get3A_987, %get3A_988] {strides = array<i32>} : memref<2x128x128xf32, #tpu.memory_space<vmem>>, vector<1x1x16xf32>,
        %get3A_990 = vector.shape_cast %get3A_989 : vector<1x1x16xf32> to vector<16xf32>
        %add3A_991 = arith.addf %get3A_984, %get3A_990 : vector<16xf32>
        %max3A_992 = arith.constant 0.000000e+00 : f32
        %max3A_993 = vector.broadcast %max3A_992 : f32 to vector<16xf32>
        %max3A_994 = arith.maximumf %add3A_991, %max3A_993 : vector<16xf32>
        %add3A_995 = arith.addf %scan3A_939, %max3A_994 : vector<16xf32>
        %get3A_996 = arith.constant 1 : i32
        %get3A_997 = arith.index_cast %get3A_996 : i32 to index
        %get3A_998 = arith.index_cast %add3A_946 : i32 to index
        %get3A_999 = arith.constant 48 : index
        %get3A_1000 = tpu.vector_load %arg8[%get3A_997, %get3A_998, %get3A_999] {strides = array<i32>} : memref<2x128x64xf32, #tpu.memory_space<vmem>>, vector<1x1x16xf32>,
        %get3A_1001 = vector.shape_cast %get3A_1000 : vector<1x1x16xf32> to vector<16xf32>
        %get3A_1002 = arith.constant 1 : i32
        %get3A_1003 = arith.index_cast %get3A_1002 : i32 to index
        %get3A_1004 = arith.index_cast %add3A_946 : i32 to index
        %get3A_1005 = arith.constant 48 : index
        %get3A_1006 = tpu.vector_load %arg9[%get3A_1003, %get3A_1004, %get3A_1005] {strides = array<i32>} : memref<2x128x128xf32, #tpu.memory_space<vmem>>, vector<1x1x16xf32>,
        %get3A_1007 = vector.shape_cast %get3A_1006 : vector<1x1x16xf32> to vector<16xf32>
        %add3A_1008 = arith.addf %get3A_1001, %get3A_1007 : vector<16xf32>
        %max3A_1009 = arith.constant 0.000000e+00 : f32
        %max3A_1010 = vector.broadcast %max3A_1009 : f32 to vector<16xf32>
        %max3A_1011 = arith.maximumf %add3A_1008, %max3A_1010 : vector<16xf32>
        %add3A_1012 = arith.addf %scan3A_940, %max3A_1011 : vector<16xf32>
        %get3A_1013 = arith.constant 1 : i32
        %get3A_1014 = arith.index_cast %get3A_1013 : i32 to index
        %get3A_1015 = arith.index_cast %add3A_946 : i32 to index
        %get3A_1016 = arith.constant 64 : index
        %get3A_1017 = tpu.vector_load %arg9[%get3A_1014, %get3A_1015, %get3A_1016] {strides = array<i32>} : memref<2x128x128xf32, #tpu.memory_space<vmem>>, vector<1x1x16xf32>,
        %get3A_1018 = vector.shape_cast %get3A_1017 : vector<1x1x16xf32> to vector<16xf32>
        %add3A_1019 = arith.addf %scan3A_941, %get3A_1018 : vector<16xf32>
        %get3A_1020 = arith.constant 1 : i32
        %get3A_1021 = arith.index_cast %get3A_1020 : i32 to index
        %get3A_1022 = arith.index_cast %add3A_946 : i32 to index
        %get3A_1023 = arith.constant 80 : index
        %get3A_1024 = tpu.vector_load %arg9[%get3A_1021, %get3A_1022, %get3A_1023] {strides = array<i32>} : memref<2x128x128xf32, #tpu.memory_space<vmem>>, vector<1x1x16xf32>,
        %get3A_1025 = vector.shape_cast %get3A_1024 : vector<1x1x16xf32> to vector<16xf32>
        %add3A_1026 = arith.addf %scan3A_942, %get3A_1025 : vector<16xf32>
        %get3A_1027 = arith.constant 1 : i32
        %get3A_1028 = arith.index_cast %get3A_1027 : i32 to index
        %get3A_1029 = arith.index_cast %add3A_946 : i32 to index
        %get3A_1030 = arith.constant 96 : index
        %get3A_1031 = tpu.vector_load %arg9[%get3A_1028, %get3A_1029, %get3A_1030] {strides = array<i32>} : memref<2x128x128xf32, #tpu.memory_space<vmem>>, vector<1x1x16xf32>,
        %get3A_1032 = vector.shape_cast %get3A_1031 : vector<1x1x16xf32> to vector<16xf32>
        %add3A_1033 = arith.addf %scan3A_943, %get3A_1032 : vector<16xf32>
        %get3A_1034 = arith.constant 1 : i32
        %get3A_1035 = arith.index_cast %get3A_1034 : i32 to index
        %get3A_1036 = arith.index_cast %add3A_946 : i32 to index
        %get3A_1037 = arith.constant 112 : index
        %get3A_1038 = tpu.vector_load %arg9[%get3A_1035, %get3A_1036, %get3A_1037] {strides = array<i32>} : memref<2x128x128xf32, #tpu.memory_space<vmem>>, vector<1x1x16xf32>,
        %get3A_1039 = vector.shape_cast %get3A_1038 : vector<1x1x16xf32> to vector<16xf32>
        %add3A_1040 = arith.addf %scan3A_944, %get3A_1039 : vector<16xf32>
        scf.yield %add3A_961, %add3A_978, %add3A_995, %add3A_1012, %add3A_1019, %add3A_1026, %add3A_1033, %add3A_1040 : vector<16xf32>, vector<16xf32>, vector<16xf32>, vector<16xf32>, vector<16xf32>, vector<16xf32>, vector<16xf32>, vector<16xf32>
      }
      %scan3A_578 = arith.constant 32 : i32
      %swap3A_579 = arith.constant 1 : i32
      %swap3A_580 = arith.constant 0 : i32
      %swap3A_581 = arith.index_cast %swap3A_579 : i32 to index
      %swap3A_582 = arith.index_cast %swap3A_580 : i32 to index
      %swap3A_583 = arith.constant 0 : index
      %swap3A_584 = tpu.vector_load %arg11[%swap3A_581, %swap3A_582, %swap3A_583] {strides = array<i32>} : memref<2x4x64xf32, #tpu.memory_space<vmem>>, vector<1x1x16xf32>,
      %swap3A_585 = vector.shape_cast %swap3A_584 : vector<1x1x16xf32> to vector<16xf32>
      %swap3A_586 = vector.shape_cast %scan3A_577#0 : vector<16xf32> to vector<1x1x16xf32>
      tpu.vector_store %arg11[%swap3A_581, %swap3A_582, %swap3A_583], %swap3A_586 {strides = array<i32>} : memref<2x4x64xf32, #tpu.memory_space<vmem>>, vector<1x1x16xf32>,
      %swap3A_587 = arith.constant 1 : i32
      %swap3A_588 = arith.constant 0 : i32
      %swap3A_589 = arith.index_cast %swap3A_587 : i32 to index
      %swap3A_590 = arith.index_cast %swap3A_588 : i32 to index
      %swap3A_591 = arith.constant 0 : index
      %swap3A_592 = tpu.vector_load %arg10[%swap3A_589, %swap3A_590, %swap3A_591] {strides = array<i32>} : memref<2x4x64xf32, #tpu.memory_space<vmem>>, vector<1x1x16xf32>,
      %swap3A_593 = vector.shape_cast %swap3A_592 : vector<1x1x16xf32> to vector<16xf32>
      %swap3A_594 = vector.shape_cast %scan3A_577#4 : vector<16xf32> to vector<1x1x16xf32>
      tpu.vector_store %arg10[%swap3A_589, %swap3A_590, %swap3A_591], %swap3A_594 {strides = array<i32>} : memref<2x4x64xf32, #tpu.memory_space<vmem>>, vector<1x1x16xf32>,
      %swap3A_595 = arith.constant 1 : i32
      %swap3A_596 = arith.constant 0 : i32
      %swap3A_597 = arith.index_cast %swap3A_595 : i32 to index
      %swap3A_598 = arith.index_cast %swap3A_596 : i32 to index
      %swap3A_599 = arith.constant 16 : index
      %swap3A_600 = tpu.vector_load %arg11[%swap3A_597, %swap3A_598, %swap3A_599] {strides = array<i32>} : memref<2x4x64xf32, #tpu.memory_space<vmem>>, vector<1x1x16xf32>,
      %swap3A_601 = vector.shape_cast %swap3A_600 : vector<1x1x16xf32> to vector<16xf32>
      %swap3A_602 = vector.shape_cast %scan3A_577#1 : vector<16xf32> to vector<1x1x16xf32>
      tpu.vector_store %arg11[%swap3A_597, %swap3A_598, %swap3A_599], %swap3A_602 {strides = array<i32>} : memref<2x4x64xf32, #tpu.memory_space<vmem>>, vector<1x1x16xf32>,
      %swap3A_603 = arith.constant 1 : i32
      %swap3A_604 = arith.constant 0 : i32
      %swap3A_605 = arith.index_cast %swap3A_603 : i32 to index
      %swap3A_606 = arith.index_cast %swap3A_604 : i32 to index
      %swap3A_607 = arith.constant 16 : index
      %swap3A_608 = tpu.vector_load %arg10[%swap3A_605, %swap3A_606, %swap3A_607] {strides = array<i32>} : memref<2x4x64xf32, #tpu.memory_space<vmem>>, vector<1x1x16xf32>,
      %swap3A_609 = vector.shape_cast %swap3A_608 : vector<1x1x16xf32> to vector<16xf32>
      %swap3A_610 = vector.shape_cast %scan3A_577#5 : vector<16xf32> to vector<1x1x16xf32>
      tpu.vector_store %arg10[%swap3A_605, %swap3A_606, %swap3A_607], %swap3A_610 {strides = array<i32>} : memref<2x4x64xf32, #tpu.memory_space<vmem>>, vector<1x1x16xf32>,
      %swap3A_611 = arith.constant 1 : i32
      %swap3A_612 = arith.constant 0 : i32
      %swap3A_613 = arith.index_cast %swap3A_611 : i32 to index
      %swap3A_614 = arith.index_cast %swap3A_612 : i32 to index
      %swap3A_615 = arith.constant 32 : index
      %swap3A_616 = tpu.vector_load %arg11[%swap3A_613, %swap3A_614, %swap3A_615] {strides = array<i32>} : memref<2x4x64xf32, #tpu.memory_space<vmem>>, vector<1x1x16xf32>,
      %swap3A_617 = vector.shape_cast %swap3A_616 : vector<1x1x16xf32> to vector<16xf32>
      %swap3A_618 = vector.shape_cast %scan3A_577#2 : vector<16xf32> to vector<1x1x16xf32>
      tpu.vector_store %arg11[%swap3A_613, %swap3A_614, %swap3A_615], %swap3A_618 {strides = array<i32>} : memref<2x4x64xf32, #tpu.memory_space<vmem>>, vector<1x1x16xf32>,
      %swap3A_619 = arith.constant 1 : i32
      %swap3A_620 = arith.constant 0 : i32
      %swap3A_621 = arith.index_cast %swap3A_619 : i32 to index
      %swap3A_622 = arith.index_cast %swap3A_620 : i32 to index
      %swap3A_623 = arith.constant 32 : index
      %swap3A_624 = tpu.vector_load %arg10[%swap3A_621, %swap3A_622, %swap3A_623] {strides = array<i32>} : memref<2x4x64xf32, #tpu.memory_space<vmem>>, vector<1x1x16xf32>,
      %swap3A_625 = vector.shape_cast %swap3A_624 : vector<1x1x16xf32> to vector<16xf32>
      %swap3A_626 = vector.shape_cast %scan3A_577#6 : vector<16xf32> to vector<1x1x16xf32>
      tpu.vector_store %arg10[%swap3A_621, %swap3A_622, %swap3A_623], %swap3A_626 {strides = array<i32>} : memref<2x4x64xf32, #tpu.memory_space<vmem>>, vector<1x1x16xf32>,
      %swap3A_627 = arith.constant 1 : i32
      %swap3A_628 = arith.constant 0 : i32
      %swap3A_629 = arith.index_cast %swap3A_627 : i32 to index
      %swap3A_630 = arith.index_cast %swap3A_628 : i32 to index
      %swap3A_631 = arith.constant 48 : index
      %swap3A_632 = tpu.vector_load %arg11[%swap3A_629, %swap3A_630, %swap3A_631] {strides = array<i32>} : memref<2x4x64xf32, #tpu.memory_space<vmem>>, vector<1x1x16xf32>,
      %swap3A_633 = vector.shape_cast %swap3A_632 : vector<1x1x16xf32> to vector<16xf32>
      %swap3A_634 = vector.shape_cast %scan3A_577#3 : vector<16xf32> to vector<1x1x16xf32>
      tpu.vector_store %arg11[%swap3A_629, %swap3A_630, %swap3A_631], %swap3A_634 {strides = array<i32>} : memref<2x4x64xf32, #tpu.memory_space<vmem>>, vector<1x1x16xf32>,
      %swap3A_635 = arith.constant 1 : i32
      %swap3A_636 = arith.constant 0 : i32
      %swap3A_637 = arith.index_cast %swap3A_635 : i32 to index
      %swap3A_638 = arith.index_cast %swap3A_636 : i32 to index
      %swap3A_639 = arith.constant 48 : index
      %swap3A_640 = tpu.vector_load %arg10[%swap3A_637, %swap3A_638, %swap3A_639] {strides = array<i32>} : memref<2x4x64xf32, #tpu.memory_space<vmem>>, vector<1x1x16xf32>,
      %swap3A_641 = vector.shape_cast %swap3A_640 : vector<1x1x16xf32> to vector<16xf32>
      %swap3A_642 = vector.shape_cast %scan3A_577#7 : vector<16xf32> to vector<1x1x16xf32>
      tpu.vector_store %arg10[%swap3A_637, %swap3A_638, %swap3A_639], %swap3A_642 {strides = array<i32>} : memref<2x4x64xf32, #tpu.memory_space<vmem>>, vector<1x1x16xf32>,
      %broadcast_in_dim3A_643 = arith.constant 0.000000e+00 : f32
      %broadcast_in_dim3A_644 = vector.broadcast %broadcast_in_dim3A_643 : f32 to vector<16xf32>
      %broadcast_in_dim3A_645 = arith.constant 0.000000e+00 : f32
      %broadcast_in_dim3A_646 = vector.broadcast %broadcast_in_dim3A_645 : f32 to vector<16xf32>
      %broadcast_in_dim3A_647 = arith.constant 0.000000e+00 : f32
      %broadcast_in_dim3A_648 = vector.broadcast %broadcast_in_dim3A_647 : f32 to vector<16xf32>
      %broadcast_in_dim3A_649 = arith.constant 0.000000e+00 : f32
      %broadcast_in_dim3A_650 = vector.broadcast %broadcast_in_dim3A_649 : f32 to vector<16xf32>
      %broadcast_in_dim3A_651 = arith.constant 0.000000e+00 : f32
      %broadcast_in_dim3A_652 = vector.broadcast %broadcast_in_dim3A_651 : f32 to vector<16xf32>
      %broadcast_in_dim3A_653 = arith.constant 0.000000e+00 : f32
      %broadcast_in_dim3A_654 = vector.broadcast %broadcast_in_dim3A_653 : f32 to vector<16xf32>
      %broadcast_in_dim3A_655 = arith.constant 0.000000e+00 : f32
      %broadcast_in_dim3A_656 = vector.broadcast %broadcast_in_dim3A_655 : f32 to vector<16xf32>
      %broadcast_in_dim3A_657 = arith.constant 0.000000e+00 : f32
      %broadcast_in_dim3A_658 = vector.broadcast %broadcast_in_dim3A_657 : f32 to vector<16xf32>
      %scan3A_659 = arith.constant 0 : i32
      %scan3A_660 = arith.constant 32 : i32
      %scan3A_661 = arith.addi %scan3A_659, %scan3A_660 : i32
      %scan3A_662 = arith.constant 1 : i32
      %scan3A_663:8 = scf.for %scan3A_936 = %scan3A_659 to %scan3A_661 step %scan3A_662 iter_args(%scan3A_937 = %broadcast_in_dim3A_644, %scan3A_938 = %broadcast_in_dim3A_646, %scan3A_939 = %broadcast_in_dim3A_648, %scan3A_940 = %broadcast_in_dim3A_650, %scan3A_941 = %broadcast_in_dim3A_652, %scan3A_942 = %broadcast_in_dim3A_654, %scan3A_943 = %broadcast_in_dim3A_656, %scan3A_944 = %broadcast_in_dim3A_658) -> (vector<16xf32>, vector<16xf32>, vector<16xf32>, vector<16xf32>, vector<16xf32>, vector<16xf32>, vector<16xf32>, vector<16xf32>)  : i32 {
        %add3A_945 = arith.constant 32 : i32
        %add3A_946 = arith.addi %add3A_945, %scan3A_936 : i32
        %get3A = arith.constant 1 : i32
        %get3A_947 = arith.index_cast %get3A : i32 to index
        %get3A_948 = arith.index_cast %add3A_946 : i32 to index
        %get3A_949 = arith.constant 0 : index
        %get3A_950 = tpu.vector_load %arg8[%get3A_947, %get3A_948, %get3A_949] {strides = array<i32>} : memref<2x128x64xf32, #tpu.memory_space<vmem>>, vector<1x1x16xf32>,
        %get3A_951 = vector.shape_cast %get3A_950 : vector<1x1x16xf32> to vector<16xf32>
        %get3A_952 = arith.constant 1 : i32
        %get3A_953 = arith.index_cast %get3A_952 : i32 to index
        %get3A_954 = arith.index_cast %add3A_946 : i32 to index
        %get3A_955 = arith.constant 0 : index
        %get3A_956 = tpu.vector_load %arg9[%get3A_953, %get3A_954, %get3A_955] {strides = array<i32>} : memref<2x128x128xf32, #tpu.memory_space<vmem>>, vector<1x1x16xf32>,
        %get3A_957 = vector.shape_cast %get3A_956 : vector<1x1x16xf32> to vector<16xf32>
        %add3A_958 = arith.addf %get3A_951, %get3A_957 : vector<16xf32>
        %max3A = arith.constant 0.000000e+00 : f32
        %max3A_959 = vector.broadcast %max3A : f32 to vector<16xf32>
        %max3A_960 = arith.maximumf %add3A_958, %max3A_959 : vector<16xf32>
        %add3A_961 = arith.addf %scan3A_937, %max3A_960 : vector<16xf32>
        %get3A_962 = arith.constant 1 : i32
        %get3A_963 = arith.index_cast %get3A_962 : i32 to index
        %get3A_964 = arith.index_cast %add3A_946 : i32 to index
        %get3A_965 = arith.constant 16 : index
        %get3A_966 = tpu.vector_load %arg8[%get3A_963, %get3A_964, %get3A_965] {strides = array<i32>} : memref<2x128x64xf32, #tpu.memory_space<vmem>>, vector<1x1x16xf32>,
        %get3A_967 = vector.shape_cast %get3A_966 : vector<1x1x16xf32> to vector<16xf32>
        %get3A_968 = arith.constant 1 : i32
        %get3A_969 = arith.index_cast %get3A_968 : i32 to index
        %get3A_970 = arith.index_cast %add3A_946 : i32 to index
        %get3A_971 = arith.constant 16 : index
        %get3A_972 = tpu.vector_load %arg9[%get3A_969, %get3A_970, %get3A_971] {strides = array<i32>} : memref<2x128x128xf32, #tpu.memory_space<vmem>>, vector<1x1x16xf32>,
        %get3A_973 = vector.shape_cast %get3A_972 : vector<1x1x16xf32> to vector<16xf32>
        %add3A_974 = arith.addf %get3A_967, %get3A_973 : vector<16xf32>
        %max3A_975 = arith.constant 0.000000e+00 : f32
        %max3A_976 = vector.broadcast %max3A_975 : f32 to vector<16xf32>
        %max3A_977 = arith.maximumf %add3A_974, %max3A_976 : vector<16xf32>
        %add3A_978 = arith.addf %scan3A_938, %max3A_977 : vector<16xf32>
        %get3A_979 = arith.constant 1 : i32
        %get3A_980 = arith.index_cast %get3A_979 : i32 to index
        %get3A_981 = arith.index_cast %add3A_946 : i32 to index
        %get3A_982 = arith.constant 32 : index
        %get3A_983 = tpu.vector_load %arg8[%get3A_980, %get3A_981, %get3A_982] {strides = array<i32>} : memref<2x128x64xf32, #tpu.memory_space<vmem>>, vector<1x1x16xf32>,
        %get3A_984 = vector.shape_cast %get3A_983 : vector<1x1x16xf32> to vector<16xf32>
        %get3A_985 = arith.constant 1 : i32
        %get3A_986 = arith.index_cast %get3A_985 : i32 to index
        %get3A_987 = arith.index_cast %add3A_946 : i32 to index
        %get3A_988 = arith.constant 32 : index
        %get3A_989 = tpu.vector_load %arg9[%get3A_986, %get3A_987, %get3A_988] {strides = array<i32>} : memref<2x128x128xf32, #tpu.memory_space<vmem>>, vector<1x1x16xf32>,
        %get3A_990 = vector.shape_cast %get3A_989 : vector<1x1x16xf32> to vector<16xf32>
        %add3A_991 = arith.addf %get3A_984, %get3A_990 : vector<16xf32>
        %max3A_992 = arith.constant 0.000000e+00 : f32
        %max3A_993 = vector.broadcast %max3A_992 : f32 to vector<16xf32>
        %max3A_994 = arith.maximumf %add3A_991, %max3A_993 : vector<16xf32>
        %add3A_995 = arith.addf %scan3A_939, %max3A_994 : vector<16xf32>
        %get3A_996 = arith.constant 1 : i32
        %get3A_997 = arith.index_cast %get3A_996 : i32 to index
        %get3A_998 = arith.index_cast %add3A_946 : i32 to index
        %get3A_999 = arith.constant 48 : index
        %get3A_1000 = tpu.vector_load %arg8[%get3A_997, %get3A_998, %get3A_999] {strides = array<i32>} : memref<2x128x64xf32, #tpu.memory_space<vmem>>, vector<1x1x16xf32>,
        %get3A_1001 = vector.shape_cast %get3A_1000 : vector<1x1x16xf32> to vector<16xf32>
        %get3A_1002 = arith.constant 1 : i32
        %get3A_1003 = arith.index_cast %get3A_1002 : i32 to index
        %get3A_1004 = arith.index_cast %add3A_946 : i32 to index
        %get3A_1005 = arith.constant 48 : index
        %get3A_1006 = tpu.vector_load %arg9[%get3A_1003, %get3A_1004, %get3A_1005] {strides = array<i32>} : memref<2x128x128xf32, #tpu.memory_space<vmem>>, vector<1x1x16xf32>,
        %get3A_1007 = vector.shape_cast %get3A_1006 : vector<1x1x16xf32> to vector<16xf32>
        %add3A_1008 = arith.addf %get3A_1001, %get3A_1007 : vector<16xf32>
        %max3A_1009 = arith.constant 0.000000e+00 : f32
        %max3A_1010 = vector.broadcast %max3A_1009 : f32 to vector<16xf32>
        %max3A_1011 = arith.maximumf %add3A_1008, %max3A_1010 : vector<16xf32>
        %add3A_1012 = arith.addf %scan3A_940, %max3A_1011 : vector<16xf32>
        %get3A_1013 = arith.constant 1 : i32
        %get3A_1014 = arith.index_cast %get3A_1013 : i32 to index
        %get3A_1015 = arith.index_cast %add3A_946 : i32 to index
        %get3A_1016 = arith.constant 64 : index
        %get3A_1017 = tpu.vector_load %arg9[%get3A_1014, %get3A_1015, %get3A_1016] {strides = array<i32>} : memref<2x128x128xf32, #tpu.memory_space<vmem>>, vector<1x1x16xf32>,
        %get3A_1018 = vector.shape_cast %get3A_1017 : vector<1x1x16xf32> to vector<16xf32>
        %add3A_1019 = arith.addf %scan3A_941, %get3A_1018 : vector<16xf32>
        %get3A_1020 = arith.constant 1 : i32
        %get3A_1021 = arith.index_cast %get3A_1020 : i32 to index
        %get3A_1022 = arith.index_cast %add3A_946 : i32 to index
        %get3A_1023 = arith.constant 80 : index
        %get3A_1024 = tpu.vector_load %arg9[%get3A_1021, %get3A_1022, %get3A_1023] {strides = array<i32>} : memref<2x128x128xf32, #tpu.memory_space<vmem>>, vector<1x1x16xf32>,
        %get3A_1025 = vector.shape_cast %get3A_1024 : vector<1x1x16xf32> to vector<16xf32>
        %add3A_1026 = arith.addf %scan3A_942, %get3A_1025 : vector<16xf32>
        %get3A_1027 = arith.constant 1 : i32
        %get3A_1028 = arith.index_cast %get3A_1027 : i32 to index
        %get3A_1029 = arith.index_cast %add3A_946 : i32 to index
        %get3A_1030 = arith.constant 96 : index
        %get3A_1031 = tpu.vector_load %arg9[%get3A_1028, %get3A_1029, %get3A_1030] {strides = array<i32>} : memref<2x128x128xf32, #tpu.memory_space<vmem>>, vector<1x1x16xf32>,
        %get3A_1032 = vector.shape_cast %get3A_1031 : vector<1x1x16xf32> to vector<16xf32>
        %add3A_1033 = arith.addf %scan3A_943, %get3A_1032 : vector<16xf32>
        %get3A_1034 = arith.constant 1 : i32
        %get3A_1035 = arith.index_cast %get3A_1034 : i32 to index
        %get3A_1036 = arith.index_cast %add3A_946 : i32 to index
        %get3A_1037 = arith.constant 112 : index
        %get3A_1038 = tpu.vector_load %arg9[%get3A_1035, %get3A_1036, %get3A_1037] {strides = array<i32>} : memref<2x128x128xf32, #tpu.memory_space<vmem>>, vector<1x1x16xf32>,
        %get3A_1039 = vector.shape_cast %get3A_1038 : vector<1x1x16xf32> to vector<16xf32>
        %add3A_1040 = arith.addf %scan3A_944, %get3A_1039 : vector<16xf32>
        scf.yield %add3A_961, %add3A_978, %add3A_995, %add3A_1012, %add3A_1019, %add3A_1026, %add3A_1033, %add3A_1040 : vector<16xf32>, vector<16xf32>, vector<16xf32>, vector<16xf32>, vector<16xf32>, vector<16xf32>, vector<16xf32>, vector<16xf32>
      }
      %scan3A_664 = arith.constant 32 : i32
      %swap3A_665 = arith.constant 1 : i32
      %swap3A_666 = arith.constant 1 : i32
      %swap3A_667 = arith.index_cast %swap3A_665 : i32 to index
      %swap3A_668 = arith.index_cast %swap3A_666 : i32 to index
      %swap3A_669 = arith.constant 0 : index
      %swap3A_670 = tpu.vector_load %arg11[%swap3A_667, %swap3A_668, %swap3A_669] {strides = array<i32>} : memref<2x4x64xf32, #tpu.memory_space<vmem>>, vector<1x1x16xf32>,
      %swap3A_671 = vector.shape_cast %swap3A_670 : vector<1x1x16xf32> to vector<16xf32>
      %swap3A_672 = vector.shape_cast %scan3A_663#0 : vector<16xf32> to vector<1x1x16xf32>
      tpu.vector_store %arg11[%swap3A_667, %swap3A_668, %swap3A_669], %swap3A_672 {strides = array<i32>} : memref<2x4x64xf32, #tpu.memory_space<vmem>>, vector<1x1x16xf32>,
      %swap3A_673 = arith.constant 1 : i32
      %swap3A_674 = arith.constant 1 : i32
      %swap3A_675 = arith.index_cast %swap3A_673 : i32 to index
      %swap3A_676 = arith.index_cast %swap3A_674 : i32 to index
      %swap3A_677 = arith.constant 0 : index
      %swap3A_678 = tpu.vector_load %arg10[%swap3A_675, %swap3A_676, %swap3A_677] {strides = array<i32>} : memref<2x4x64xf32, #tpu.memory_space<vmem>>, vector<1x1x16xf32>,
      %swap3A_679 = vector.shape_cast %swap3A_678 : vector<1x1x16xf32> to vector<16xf32>
      %swap3A_680 = vector.shape_cast %scan3A_663#4 : vector<16xf32> to vector<1x1x16xf32>
      tpu.vector_store %arg10[%swap3A_675, %swap3A_676, %swap3A_677], %swap3A_680 {strides = array<i32>} : memref<2x4x64xf32, #tpu.memory_space<vmem>>, vector<1x1x16xf32>,
      %swap3A_681 = arith.constant 1 : i32
      %swap3A_682 = arith.constant 1 : i32
      %swap3A_683 = arith.index_cast %swap3A_681 : i32 to index
      %swap3A_684 = arith.index_cast %swap3A_682 : i32 to index
      %swap3A_685 = arith.constant 16 : index
      %swap3A_686 = tpu.vector_load %arg11[%swap3A_683, %swap3A_684, %swap3A_685] {strides = array<i32>} : memref<2x4x64xf32, #tpu.memory_space<vmem>>, vector<1x1x16xf32>,
      %swap3A_687 = vector.shape_cast %swap3A_686 : vector<1x1x16xf32> to vector<16xf32>
      %swap3A_688 = vector.shape_cast %scan3A_663#1 : vector<16xf32> to vector<1x1x16xf32>
      tpu.vector_store %arg11[%swap3A_683, %swap3A_684, %swap3A_685], %swap3A_688 {strides = array<i32>} : memref<2x4x64xf32, #tpu.memory_space<vmem>>, vector<1x1x16xf32>,
      %swap3A_689 = arith.constant 1 : i32
      %swap3A_690 = arith.constant 1 : i32
      %swap3A_691 = arith.index_cast %swap3A_689 : i32 to index
      %swap3A_692 = arith.index_cast %swap3A_690 : i32 to index
      %swap3A_693 = arith.constant 16 : index
      %swap3A_694 = tpu.vector_load %arg10[%swap3A_691, %swap3A_692, %swap3A_693] {strides = array<i32>} : memref<2x4x64xf32, #tpu.memory_space<vmem>>, vector<1x1x16xf32>,
      %swap3A_695 = vector.shape_cast %swap3A_694 : vector<1x1x16xf32> to vector<16xf32>
      %swap3A_696 = vector.shape_cast %scan3A_663#5 : vector<16xf32> to vector<1x1x16xf32>
      tpu.vector_store %arg10[%swap3A_691, %swap3A_692, %swap3A_693], %swap3A_696 {strides = array<i32>} : memref<2x4x64xf32, #tpu.memory_space<vmem>>, vector<1x1x16xf32>,
      %swap3A_697 = arith.constant 1 : i32
      %swap3A_698 = arith.constant 1 : i32
      %swap3A_699 = arith.index_cast %swap3A_697 : i32 to index
      %swap3A_700 = arith.index_cast %swap3A_698 : i32 to index
      %swap3A_701 = arith.constant 32 : index
      %swap3A_702 = tpu.vector_load %arg11[%swap3A_699, %swap3A_700, %swap3A_701] {strides = array<i32>} : memref<2x4x64xf32, #tpu.memory_space<vmem>>, vector<1x1x16xf32>,
      %swap3A_703 = vector.shape_cast %swap3A_702 : vector<1x1x16xf32> to vector<16xf32>
      %swap3A_704 = vector.shape_cast %scan3A_663#2 : vector<16xf32> to vector<1x1x16xf32>
      tpu.vector_store %arg11[%swap3A_699, %swap3A_700, %swap3A_701], %swap3A_704 {strides = array<i32>} : memref<2x4x64xf32, #tpu.memory_space<vmem>>, vector<1x1x16xf32>,
      %swap3A_705 = arith.constant 1 : i32
      %swap3A_706 = arith.constant 1 : i32
      %swap3A_707 = arith.index_cast %swap3A_705 : i32 to index
      %swap3A_708 = arith.index_cast %swap3A_706 : i32 to index
      %swap3A_709 = arith.constant 32 : index
      %swap3A_710 = tpu.vector_load %arg10[%swap3A_707, %swap3A_708, %swap3A_709] {strides = array<i32>} : memref<2x4x64xf32, #tpu.memory_space<vmem>>, vector<1x1x16xf32>,
      %swap3A_711 = vector.shape_cast %swap3A_710 : vector<1x1x16xf32> to vector<16xf32>
      %swap3A_712 = vector.shape_cast %scan3A_663#6 : vector<16xf32> to vector<1x1x16xf32>
      tpu.vector_store %arg10[%swap3A_707, %swap3A_708, %swap3A_709], %swap3A_712 {strides = array<i32>} : memref<2x4x64xf32, #tpu.memory_space<vmem>>, vector<1x1x16xf32>,
      %swap3A_713 = arith.constant 1 : i32
      %swap3A_714 = arith.constant 1 : i32
      %swap3A_715 = arith.index_cast %swap3A_713 : i32 to index
      %swap3A_716 = arith.index_cast %swap3A_714 : i32 to index
      %swap3A_717 = arith.constant 48 : index
      %swap3A_718 = tpu.vector_load %arg11[%swap3A_715, %swap3A_716, %swap3A_717] {strides = array<i32>} : memref<2x4x64xf32, #tpu.memory_space<vmem>>, vector<1x1x16xf32>,
      %swap3A_719 = vector.shape_cast %swap3A_718 : vector<1x1x16xf32> to vector<16xf32>
      %swap3A_720 = vector.shape_cast %scan3A_663#3 : vector<16xf32> to vector<1x1x16xf32>
      tpu.vector_store %arg11[%swap3A_715, %swap3A_716, %swap3A_717], %swap3A_720 {strides = array<i32>} : memref<2x4x64xf32, #tpu.memory_space<vmem>>, vector<1x1x16xf32>,
      %swap3A_721 = arith.constant 1 : i32
      %swap3A_722 = arith.constant 1 : i32
      %swap3A_723 = arith.index_cast %swap3A_721 : i32 to index
      %swap3A_724 = arith.index_cast %swap3A_722 : i32 to index
      %swap3A_725 = arith.constant 48 : index
      %swap3A_726 = tpu.vector_load %arg10[%swap3A_723, %swap3A_724, %swap3A_725] {strides = array<i32>} : memref<2x4x64xf32, #tpu.memory_space<vmem>>, vector<1x1x16xf32>,
      %swap3A_727 = vector.shape_cast %swap3A_726 : vector<1x1x16xf32> to vector<16xf32>
      %swap3A_728 = vector.shape_cast %scan3A_663#7 : vector<16xf32> to vector<1x1x16xf32>
      tpu.vector_store %arg10[%swap3A_723, %swap3A_724, %swap3A_725], %swap3A_728 {strides = array<i32>} : memref<2x4x64xf32, #tpu.memory_space<vmem>>, vector<1x1x16xf32>,
      %broadcast_in_dim3A_729 = arith.constant 0.000000e+00 : f32
      %broadcast_in_dim3A_730 = vector.broadcast %broadcast_in_dim3A_729 : f32 to vector<16xf32>
      %broadcast_in_dim3A_731 = arith.constant 0.000000e+00 : f32
      %broadcast_in_dim3A_732 = vector.broadcast %broadcast_in_dim3A_731 : f32 to vector<16xf32>
      %broadcast_in_dim3A_733 = arith.constant 0.000000e+00 : f32
      %broadcast_in_dim3A_734 = vector.broadcast %broadcast_in_dim3A_733 : f32 to vector<16xf32>
      %broadcast_in_dim3A_735 = arith.constant 0.000000e+00 : f32
      %broadcast_in_dim3A_736 = vector.broadcast %broadcast_in_dim3A_735 : f32 to vector<16xf32>
      %broadcast_in_dim3A_737 = arith.constant 0.000000e+00 : f32
      %broadcast_in_dim3A_738 = vector.broadcast %broadcast_in_dim3A_737 : f32 to vector<16xf32>
      %broadcast_in_dim3A_739 = arith.constant 0.000000e+00 : f32
      %broadcast_in_dim3A_740 = vector.broadcast %broadcast_in_dim3A_739 : f32 to vector<16xf32>
      %broadcast_in_dim3A_741 = arith.constant 0.000000e+00 : f32
      %broadcast_in_dim3A_742 = vector.broadcast %broadcast_in_dim3A_741 : f32 to vector<16xf32>
      %broadcast_in_dim3A_743 = arith.constant 0.000000e+00 : f32
      %broadcast_in_dim3A_744 = vector.broadcast %broadcast_in_dim3A_743 : f32 to vector<16xf32>
      %scan3A_745 = arith.constant 0 : i32
      %scan3A_746 = arith.constant 32 : i32
      %scan3A_747 = arith.addi %scan3A_745, %scan3A_746 : i32
      %scan3A_748 = arith.constant 1 : i32
      %scan3A_749:8 = scf.for %scan3A_936 = %scan3A_745 to %scan3A_747 step %scan3A_748 iter_args(%scan3A_937 = %broadcast_in_dim3A_730, %scan3A_938 = %broadcast_in_dim3A_732, %scan3A_939 = %broadcast_in_dim3A_734, %scan3A_940 = %broadcast_in_dim3A_736, %scan3A_941 = %broadcast_in_dim3A_738, %scan3A_942 = %broadcast_in_dim3A_740, %scan3A_943 = %broadcast_in_dim3A_742, %scan3A_944 = %broadcast_in_dim3A_744) -> (vector<16xf32>, vector<16xf32>, vector<16xf32>, vector<16xf32>, vector<16xf32>, vector<16xf32>, vector<16xf32>, vector<16xf32>)  : i32 {
        %add3A_945 = arith.constant 64 : i32
        %add3A_946 = arith.addi %add3A_945, %scan3A_936 : i32
        %get3A = arith.constant 1 : i32
        %get3A_947 = arith.index_cast %get3A : i32 to index
        %get3A_948 = arith.index_cast %add3A_946 : i32 to index
        %get3A_949 = arith.constant 0 : index
        %get3A_950 = tpu.vector_load %arg8[%get3A_947, %get3A_948, %get3A_949] {strides = array<i32>} : memref<2x128x64xf32, #tpu.memory_space<vmem>>, vector<1x1x16xf32>,
        %get3A_951 = vector.shape_cast %get3A_950 : vector<1x1x16xf32> to vector<16xf32>
        %get3A_952 = arith.constant 1 : i32
        %get3A_953 = arith.index_cast %get3A_952 : i32 to index
        %get3A_954 = arith.index_cast %add3A_946 : i32 to index
        %get3A_955 = arith.constant 0 : index
        %get3A_956 = tpu.vector_load %arg9[%get3A_953, %get3A_954, %get3A_955] {strides = array<i32>} : memref<2x128x128xf32, #tpu.memory_space<vmem>>, vector<1x1x16xf32>,
        %get3A_957 = vector.shape_cast %get3A_956 : vector<1x1x16xf32> to vector<16xf32>
        %add3A_958 = arith.addf %get3A_951, %get3A_957 : vector<16xf32>
        %max3A = arith.constant 0.000000e+00 : f32
        %max3A_959 = vector.broadcast %max3A : f32 to vector<16xf32>
        %max3A_960 = arith.maximumf %add3A_958, %max3A_959 : vector<16xf32>
        %add3A_961 = arith.addf %scan3A_937, %max3A_960 : vector<16xf32>
        %get3A_962 = arith.constant 1 : i32
        %get3A_963 = arith.index_cast %get3A_962 : i32 to index
        %get3A_964 = arith.index_cast %add3A_946 : i32 to index
        %get3A_965 = arith.constant 16 : index
        %get3A_966 = tpu.vector_load %arg8[%get3A_963, %get3A_964, %get3A_965] {strides = array<i32>} : memref<2x128x64xf32, #tpu.memory_space<vmem>>, vector<1x1x16xf32>,
        %get3A_967 = vector.shape_cast %get3A_966 : vector<1x1x16xf32> to vector<16xf32>
        %get3A_968 = arith.constant 1 : i32
        %get3A_969 = arith.index_cast %get3A_968 : i32 to index
        %get3A_970 = arith.index_cast %add3A_946 : i32 to index
        %get3A_971 = arith.constant 16 : index
        %get3A_972 = tpu.vector_load %arg9[%get3A_969, %get3A_970, %get3A_971] {strides = array<i32>} : memref<2x128x128xf32, #tpu.memory_space<vmem>>, vector<1x1x16xf32>,
        %get3A_973 = vector.shape_cast %get3A_972 : vector<1x1x16xf32> to vector<16xf32>
        %add3A_974 = arith.addf %get3A_967, %get3A_973 : vector<16xf32>
        %max3A_975 = arith.constant 0.000000e+00 : f32
        %max3A_976 = vector.broadcast %max3A_975 : f32 to vector<16xf32>
        %max3A_977 = arith.maximumf %add3A_974, %max3A_976 : vector<16xf32>
        %add3A_978 = arith.addf %scan3A_938, %max3A_977 : vector<16xf32>
        %get3A_979 = arith.constant 1 : i32
        %get3A_980 = arith.index_cast %get3A_979 : i32 to index
        %get3A_981 = arith.index_cast %add3A_946 : i32 to index
        %get3A_982 = arith.constant 32 : index
        %get3A_983 = tpu.vector_load %arg8[%get3A_980, %get3A_981, %get3A_982] {strides = array<i32>} : memref<2x128x64xf32, #tpu.memory_space<vmem>>, vector<1x1x16xf32>,
        %get3A_984 = vector.shape_cast %get3A_983 : vector<1x1x16xf32> to vector<16xf32>
        %get3A_985 = arith.constant 1 : i32
        %get3A_986 = arith.index_cast %get3A_985 : i32 to index
        %get3A_987 = arith.index_cast %add3A_946 : i32 to index
        %get3A_988 = arith.constant 32 : index
        %get3A_989 = tpu.vector_load %arg9[%get3A_986, %get3A_987, %get3A_988] {strides = array<i32>} : memref<2x128x128xf32, #tpu.memory_space<vmem>>, vector<1x1x16xf32>,
        %get3A_990 = vector.shape_cast %get3A_989 : vector<1x1x16xf32> to vector<16xf32>
        %add3A_991 = arith.addf %get3A_984, %get3A_990 : vector<16xf32>
        %max3A_992 = arith.constant 0.000000e+00 : f32
        %max3A_993 = vector.broadcast %max3A_992 : f32 to vector<16xf32>
        %max3A_994 = arith.maximumf %add3A_991, %max3A_993 : vector<16xf32>
        %add3A_995 = arith.addf %scan3A_939, %max3A_994 : vector<16xf32>
        %get3A_996 = arith.constant 1 : i32
        %get3A_997 = arith.index_cast %get3A_996 : i32 to index
        %get3A_998 = arith.index_cast %add3A_946 : i32 to index
        %get3A_999 = arith.constant 48 : index
        %get3A_1000 = tpu.vector_load %arg8[%get3A_997, %get3A_998, %get3A_999] {strides = array<i32>} : memref<2x128x64xf32, #tpu.memory_space<vmem>>, vector<1x1x16xf32>,
        %get3A_1001 = vector.shape_cast %get3A_1000 : vector<1x1x16xf32> to vector<16xf32>
        %get3A_1002 = arith.constant 1 : i32
        %get3A_1003 = arith.index_cast %get3A_1002 : i32 to index
        %get3A_1004 = arith.index_cast %add3A_946 : i32 to index
        %get3A_1005 = arith.constant 48 : index
        %get3A_1006 = tpu.vector_load %arg9[%get3A_1003, %get3A_1004, %get3A_1005] {strides = array<i32>} : memref<2x128x128xf32, #tpu.memory_space<vmem>>, vector<1x1x16xf32>,
        %get3A_1007 = vector.shape_cast %get3A_1006 : vector<1x1x16xf32> to vector<16xf32>
        %add3A_1008 = arith.addf %get3A_1001, %get3A_1007 : vector<16xf32>
        %max3A_1009 = arith.constant 0.000000e+00 : f32
        %max3A_1010 = vector.broadcast %max3A_1009 : f32 to vector<16xf32>
        %max3A_1011 = arith.maximumf %add3A_1008, %max3A_1010 : vector<16xf32>
        %add3A_1012 = arith.addf %scan3A_940, %max3A_1011 : vector<16xf32>
        %get3A_1013 = arith.constant 1 : i32
        %get3A_1014 = arith.index_cast %get3A_1013 : i32 to index
        %get3A_1015 = arith.index_cast %add3A_946 : i32 to index
        %get3A_1016 = arith.constant 64 : index
        %get3A_1017 = tpu.vector_load %arg9[%get3A_1014, %get3A_1015, %get3A_1016] {strides = array<i32>} : memref<2x128x128xf32, #tpu.memory_space<vmem>>, vector<1x1x16xf32>,
        %get3A_1018 = vector.shape_cast %get3A_1017 : vector<1x1x16xf32> to vector<16xf32>
        %add3A_1019 = arith.addf %scan3A_941, %get3A_1018 : vector<16xf32>
        %get3A_1020 = arith.constant 1 : i32
        %get3A_1021 = arith.index_cast %get3A_1020 : i32 to index
        %get3A_1022 = arith.index_cast %add3A_946 : i32 to index
        %get3A_1023 = arith.constant 80 : index
        %get3A_1024 = tpu.vector_load %arg9[%get3A_1021, %get3A_1022, %get3A_1023] {strides = array<i32>} : memref<2x128x128xf32, #tpu.memory_space<vmem>>, vector<1x1x16xf32>,
        %get3A_1025 = vector.shape_cast %get3A_1024 : vector<1x1x16xf32> to vector<16xf32>
        %add3A_1026 = arith.addf %scan3A_942, %get3A_1025 : vector<16xf32>
        %get3A_1027 = arith.constant 1 : i32
        %get3A_1028 = arith.index_cast %get3A_1027 : i32 to index
        %get3A_1029 = arith.index_cast %add3A_946 : i32 to index
        %get3A_1030 = arith.constant 96 : index
        %get3A_1031 = tpu.vector_load %arg9[%get3A_1028, %get3A_1029, %get3A_1030] {strides = array<i32>} : memref<2x128x128xf32, #tpu.memory_space<vmem>>, vector<1x1x16xf32>,
        %get3A_1032 = vector.shape_cast %get3A_1031 : vector<1x1x16xf32> to vector<16xf32>
        %add3A_1033 = arith.addf %scan3A_943, %get3A_1032 : vector<16xf32>
        %get3A_1034 = arith.constant 1 : i32
        %get3A_1035 = arith.index_cast %get3A_1034 : i32 to index
        %get3A_1036 = arith.index_cast %add3A_946 : i32 to index
        %get3A_1037 = arith.constant 112 : index
        %get3A_1038 = tpu.vector_load %arg9[%get3A_1035, %get3A_1036, %get3A_1037] {strides = array<i32>} : memref<2x128x128xf32, #tpu.memory_space<vmem>>, vector<1x1x16xf32>,
        %get3A_1039 = vector.shape_cast %get3A_1038 : vector<1x1x16xf32> to vector<16xf32>
        %add3A_1040 = arith.addf %scan3A_944, %get3A_1039 : vector<16xf32>
        scf.yield %add3A_961, %add3A_978, %add3A_995, %add3A_1012, %add3A_1019, %add3A_1026, %add3A_1033, %add3A_1040 : vector<16xf32>, vector<16xf32>, vector<16xf32>, vector<16xf32>, vector<16xf32>, vector<16xf32>, vector<16xf32>, vector<16xf32>
      }
      %scan3A_750 = arith.constant 32 : i32
      %swap3A_751 = arith.constant 1 : i32
      %swap3A_752 = arith.constant 2 : i32
      %swap3A_753 = arith.index_cast %swap3A_751 : i32 to index
      %swap3A_754 = arith.index_cast %swap3A_752 : i32 to index
      %swap3A_755 = arith.constant 0 : index
      %swap3A_756 = tpu.vector_load %arg11[%swap3A_753, %swap3A_754, %swap3A_755] {strides = array<i32>} : memref<2x4x64xf32, #tpu.memory_space<vmem>>, vector<1x1x16xf32>,
      %swap3A_757 = vector.shape_cast %swap3A_756 : vector<1x1x16xf32> to vector<16xf32>
      %swap3A_758 = vector.shape_cast %scan3A_749#0 : vector<16xf32> to vector<1x1x16xf32>
      tpu.vector_store %arg11[%swap3A_753, %swap3A_754, %swap3A_755], %swap3A_758 {strides = array<i32>} : memref<2x4x64xf32, #tpu.memory_space<vmem>>, vector<1x1x16xf32>,
      %swap3A_759 = arith.constant 1 : i32
      %swap3A_760 = arith.constant 2 : i32
      %swap3A_761 = arith.index_cast %swap3A_759 : i32 to index
      %swap3A_762 = arith.index_cast %swap3A_760 : i32 to index
      %swap3A_763 = arith.constant 0 : index
      %swap3A_764 = tpu.vector_load %arg10[%swap3A_761, %swap3A_762, %swap3A_763] {strides = array<i32>} : memref<2x4x64xf32, #tpu.memory_space<vmem>>, vector<1x1x16xf32>,
      %swap3A_765 = vector.shape_cast %swap3A_764 : vector<1x1x16xf32> to vector<16xf32>
      %swap3A_766 = vector.shape_cast %scan3A_749#4 : vector<16xf32> to vector<1x1x16xf32>
      tpu.vector_store %arg10[%swap3A_761, %swap3A_762, %swap3A_763], %swap3A_766 {strides = array<i32>} : memref<2x4x64xf32, #tpu.memory_space<vmem>>, vector<1x1x16xf32>,
      %swap3A_767 = arith.constant 1 : i32
      %swap3A_768 = arith.constant 2 : i32
      %swap3A_769 = arith.index_cast %swap3A_767 : i32 to index
      %swap3A_770 = arith.index_cast %swap3A_768 : i32 to index
      %swap3A_771 = arith.constant 16 : index
      %swap3A_772 = tpu.vector_load %arg11[%swap3A_769, %swap3A_770, %swap3A_771] {strides = array<i32>} : memref<2x4x64xf32, #tpu.memory_space<vmem>>, vector<1x1x16xf32>,
      %swap3A_773 = vector.shape_cast %swap3A_772 : vector<1x1x16xf32> to vector<16xf32>
      %swap3A_774 = vector.shape_cast %scan3A_749#1 : vector<16xf32> to vector<1x1x16xf32>
      tpu.vector_store %arg11[%swap3A_769, %swap3A_770, %swap3A_771], %swap3A_774 {strides = array<i32>} : memref<2x4x64xf32, #tpu.memory_space<vmem>>, vector<1x1x16xf32>,
      %swap3A_775 = arith.constant 1 : i32
      %swap3A_776 = arith.constant 2 : i32
      %swap3A_777 = arith.index_cast %swap3A_775 : i32 to index
      %swap3A_778 = arith.index_cast %swap3A_776 : i32 to index
      %swap3A_779 = arith.constant 16 : index
      %swap3A_780 = tpu.vector_load %arg10[%swap3A_777, %swap3A_778, %swap3A_779] {strides = array<i32>} : memref<2x4x64xf32, #tpu.memory_space<vmem>>, vector<1x1x16xf32>,
      %swap3A_781 = vector.shape_cast %swap3A_780 : vector<1x1x16xf32> to vector<16xf32>
      %swap3A_782 = vector.shape_cast %scan3A_749#5 : vector<16xf32> to vector<1x1x16xf32>
      tpu.vector_store %arg10[%swap3A_777, %swap3A_778, %swap3A_779], %swap3A_782 {strides = array<i32>} : memref<2x4x64xf32, #tpu.memory_space<vmem>>, vector<1x1x16xf32>,
      %swap3A_783 = arith.constant 1 : i32
      %swap3A_784 = arith.constant 2 : i32
      %swap3A_785 = arith.index_cast %swap3A_783 : i32 to index
      %swap3A_786 = arith.index_cast %swap3A_784 : i32 to index
      %swap3A_787 = arith.constant 32 : index
      %swap3A_788 = tpu.vector_load %arg11[%swap3A_785, %swap3A_786, %swap3A_787] {strides = array<i32>} : memref<2x4x64xf32, #tpu.memory_space<vmem>>, vector<1x1x16xf32>,
      %swap3A_789 = vector.shape_cast %swap3A_788 : vector<1x1x16xf32> to vector<16xf32>
      %swap3A_790 = vector.shape_cast %scan3A_749#2 : vector<16xf32> to vector<1x1x16xf32>
      tpu.vector_store %arg11[%swap3A_785, %swap3A_786, %swap3A_787], %swap3A_790 {strides = array<i32>} : memref<2x4x64xf32, #tpu.memory_space<vmem>>, vector<1x1x16xf32>,
      %swap3A_791 = arith.constant 1 : i32
      %swap3A_792 = arith.constant 2 : i32
      %swap3A_793 = arith.index_cast %swap3A_791 : i32 to index
      %swap3A_794 = arith.index_cast %swap3A_792 : i32 to index
      %swap3A_795 = arith.constant 32 : index
      %swap3A_796 = tpu.vector_load %arg10[%swap3A_793, %swap3A_794, %swap3A_795] {strides = array<i32>} : memref<2x4x64xf32, #tpu.memory_space<vmem>>, vector<1x1x16xf32>,
      %swap3A_797 = vector.shape_cast %swap3A_796 : vector<1x1x16xf32> to vector<16xf32>
      %swap3A_798 = vector.shape_cast %scan3A_749#6 : vector<16xf32> to vector<1x1x16xf32>
      tpu.vector_store %arg10[%swap3A_793, %swap3A_794, %swap3A_795], %swap3A_798 {strides = array<i32>} : memref<2x4x64xf32, #tpu.memory_space<vmem>>, vector<1x1x16xf32>,
      %swap3A_799 = arith.constant 1 : i32
      %swap3A_800 = arith.constant 2 : i32
      %swap3A_801 = arith.index_cast %swap3A_799 : i32 to index
      %swap3A_802 = arith.index_cast %swap3A_800 : i32 to index
      %swap3A_803 = arith.constant 48 : index
      %swap3A_804 = tpu.vector_load %arg11[%swap3A_801, %swap3A_802, %swap3A_803] {strides = array<i32>} : memref<2x4x64xf32, #tpu.memory_space<vmem>>, vector<1x1x16xf32>,
      %swap3A_805 = vector.shape_cast %swap3A_804 : vector<1x1x16xf32> to vector<16xf32>
      %swap3A_806 = vector.shape_cast %scan3A_749#3 : vector<16xf32> to vector<1x1x16xf32>
      tpu.vector_store %arg11[%swap3A_801, %swap3A_802, %swap3A_803], %swap3A_806 {strides = array<i32>} : memref<2x4x64xf32, #tpu.memory_space<vmem>>, vector<1x1x16xf32>,
      %swap3A_807 = arith.constant 1 : i32
      %swap3A_808 = arith.constant 2 : i32
      %swap3A_809 = arith.index_cast %swap3A_807 : i32 to index
      %swap3A_810 = arith.index_cast %swap3A_808 : i32 to index
      %swap3A_811 = arith.constant 48 : index
      %swap3A_812 = tpu.vector_load %arg10[%swap3A_809, %swap3A_810, %swap3A_811] {strides = array<i32>} : memref<2x4x64xf32, #tpu.memory_space<vmem>>, vector<1x1x16xf32>,
      %swap3A_813 = vector.shape_cast %swap3A_812 : vector<1x1x16xf32> to vector<16xf32>
      %swap3A_814 = vector.shape_cast %scan3A_749#7 : vector<16xf32> to vector<1x1x16xf32>
      tpu.vector_store %arg10[%swap3A_809, %swap3A_810, %swap3A_811], %swap3A_814 {strides = array<i32>} : memref<2x4x64xf32, #tpu.memory_space<vmem>>, vector<1x1x16xf32>,
      %broadcast_in_dim3A_815 = arith.constant 0.000000e+00 : f32
      %broadcast_in_dim3A_816 = vector.broadcast %broadcast_in_dim3A_815 : f32 to vector<16xf32>
      %broadcast_in_dim3A_817 = arith.constant 0.000000e+00 : f32
      %broadcast_in_dim3A_818 = vector.broadcast %broadcast_in_dim3A_817 : f32 to vector<16xf32>
      %broadcast_in_dim3A_819 = arith.constant 0.000000e+00 : f32
      %broadcast_in_dim3A_820 = vector.broadcast %broadcast_in_dim3A_819 : f32 to vector<16xf32>
      %broadcast_in_dim3A_821 = arith.constant 0.000000e+00 : f32
      %broadcast_in_dim3A_822 = vector.broadcast %broadcast_in_dim3A_821 : f32 to vector<16xf32>
      %broadcast_in_dim3A_823 = arith.constant 0.000000e+00 : f32
      %broadcast_in_dim3A_824 = vector.broadcast %broadcast_in_dim3A_823 : f32 to vector<16xf32>
      %broadcast_in_dim3A_825 = arith.constant 0.000000e+00 : f32
      %broadcast_in_dim3A_826 = vector.broadcast %broadcast_in_dim3A_825 : f32 to vector<16xf32>
      %broadcast_in_dim3A_827 = arith.constant 0.000000e+00 : f32
      %broadcast_in_dim3A_828 = vector.broadcast %broadcast_in_dim3A_827 : f32 to vector<16xf32>
      %broadcast_in_dim3A_829 = arith.constant 0.000000e+00 : f32
      %broadcast_in_dim3A_830 = vector.broadcast %broadcast_in_dim3A_829 : f32 to vector<16xf32>
      %scan3A_831 = arith.constant 0 : i32
      %scan3A_832 = arith.constant 32 : i32
      %scan3A_833 = arith.addi %scan3A_831, %scan3A_832 : i32
      %scan3A_834 = arith.constant 1 : i32
      %scan3A_835:8 = scf.for %scan3A_936 = %scan3A_831 to %scan3A_833 step %scan3A_834 iter_args(%scan3A_937 = %broadcast_in_dim3A_816, %scan3A_938 = %broadcast_in_dim3A_818, %scan3A_939 = %broadcast_in_dim3A_820, %scan3A_940 = %broadcast_in_dim3A_822, %scan3A_941 = %broadcast_in_dim3A_824, %scan3A_942 = %broadcast_in_dim3A_826, %scan3A_943 = %broadcast_in_dim3A_828, %scan3A_944 = %broadcast_in_dim3A_830) -> (vector<16xf32>, vector<16xf32>, vector<16xf32>, vector<16xf32>, vector<16xf32>, vector<16xf32>, vector<16xf32>, vector<16xf32>)  : i32 {
        %add3A_945 = arith.constant 96 : i32
        %add3A_946 = arith.addi %add3A_945, %scan3A_936 : i32
        %get3A = arith.constant 1 : i32
        %get3A_947 = arith.index_cast %get3A : i32 to index
        %get3A_948 = arith.index_cast %add3A_946 : i32 to index
        %get3A_949 = arith.constant 0 : index
        %get3A_950 = tpu.vector_load %arg8[%get3A_947, %get3A_948, %get3A_949] {strides = array<i32>} : memref<2x128x64xf32, #tpu.memory_space<vmem>>, vector<1x1x16xf32>,
        %get3A_951 = vector.shape_cast %get3A_950 : vector<1x1x16xf32> to vector<16xf32>
        %get3A_952 = arith.constant 1 : i32
        %get3A_953 = arith.index_cast %get3A_952 : i32 to index
        %get3A_954 = arith.index_cast %add3A_946 : i32 to index
        %get3A_955 = arith.constant 0 : index
        %get3A_956 = tpu.vector_load %arg9[%get3A_953, %get3A_954, %get3A_955] {strides = array<i32>} : memref<2x128x128xf32, #tpu.memory_space<vmem>>, vector<1x1x16xf32>,
        %get3A_957 = vector.shape_cast %get3A_956 : vector<1x1x16xf32> to vector<16xf32>
        %add3A_958 = arith.addf %get3A_951, %get3A_957 : vector<16xf32>
        %max3A = arith.constant 0.000000e+00 : f32
        %max3A_959 = vector.broadcast %max3A : f32 to vector<16xf32>
        %max3A_960 = arith.maximumf %add3A_958, %max3A_959 : vector<16xf32>
        %add3A_961 = arith.addf %scan3A_937, %max3A_960 : vector<16xf32>
        %get3A_962 = arith.constant 1 : i32
        %get3A_963 = arith.index_cast %get3A_962 : i32 to index
        %get3A_964 = arith.index_cast %add3A_946 : i32 to index
        %get3A_965 = arith.constant 16 : index
        %get3A_966 = tpu.vector_load %arg8[%get3A_963, %get3A_964, %get3A_965] {strides = array<i32>} : memref<2x128x64xf32, #tpu.memory_space<vmem>>, vector<1x1x16xf32>,
        %get3A_967 = vector.shape_cast %get3A_966 : vector<1x1x16xf32> to vector<16xf32>
        %get3A_968 = arith.constant 1 : i32
        %get3A_969 = arith.index_cast %get3A_968 : i32 to index
        %get3A_970 = arith.index_cast %add3A_946 : i32 to index
        %get3A_971 = arith.constant 16 : index
        %get3A_972 = tpu.vector_load %arg9[%get3A_969, %get3A_970, %get3A_971] {strides = array<i32>} : memref<2x128x128xf32, #tpu.memory_space<vmem>>, vector<1x1x16xf32>,
        %get3A_973 = vector.shape_cast %get3A_972 : vector<1x1x16xf32> to vector<16xf32>
        %add3A_974 = arith.addf %get3A_967, %get3A_973 : vector<16xf32>
        %max3A_975 = arith.constant 0.000000e+00 : f32
        %max3A_976 = vector.broadcast %max3A_975 : f32 to vector<16xf32>
        %max3A_977 = arith.maximumf %add3A_974, %max3A_976 : vector<16xf32>
        %add3A_978 = arith.addf %scan3A_938, %max3A_977 : vector<16xf32>
        %get3A_979 = arith.constant 1 : i32
        %get3A_980 = arith.index_cast %get3A_979 : i32 to index
        %get3A_981 = arith.index_cast %add3A_946 : i32 to index
        %get3A_982 = arith.constant 32 : index
        %get3A_983 = tpu.vector_load %arg8[%get3A_980, %get3A_981, %get3A_982] {strides = array<i32>} : memref<2x128x64xf32, #tpu.memory_space<vmem>>, vector<1x1x16xf32>,
        %get3A_984 = vector.shape_cast %get3A_983 : vector<1x1x16xf32> to vector<16xf32>
        %get3A_985 = arith.constant 1 : i32
        %get3A_986 = arith.index_cast %get3A_985 : i32 to index
        %get3A_987 = arith.index_cast %add3A_946 : i32 to index
        %get3A_988 = arith.constant 32 : index
        %get3A_989 = tpu.vector_load %arg9[%get3A_986, %get3A_987, %get3A_988] {strides = array<i32>} : memref<2x128x128xf32, #tpu.memory_space<vmem>>, vector<1x1x16xf32>,
        %get3A_990 = vector.shape_cast %get3A_989 : vector<1x1x16xf32> to vector<16xf32>
        %add3A_991 = arith.addf %get3A_984, %get3A_990 : vector<16xf32>
        %max3A_992 = arith.constant 0.000000e+00 : f32
        %max3A_993 = vector.broadcast %max3A_992 : f32 to vector<16xf32>
        %max3A_994 = arith.maximumf %add3A_991, %max3A_993 : vector<16xf32>
        %add3A_995 = arith.addf %scan3A_939, %max3A_994 : vector<16xf32>
        %get3A_996 = arith.constant 1 : i32
        %get3A_997 = arith.index_cast %get3A_996 : i32 to index
        %get3A_998 = arith.index_cast %add3A_946 : i32 to index
        %get3A_999 = arith.constant 48 : index
        %get3A_1000 = tpu.vector_load %arg8[%get3A_997, %get3A_998, %get3A_999] {strides = array<i32>} : memref<2x128x64xf32, #tpu.memory_space<vmem>>, vector<1x1x16xf32>,
        %get3A_1001 = vector.shape_cast %get3A_1000 : vector<1x1x16xf32> to vector<16xf32>
        %get3A_1002 = arith.constant 1 : i32
        %get3A_1003 = arith.index_cast %get3A_1002 : i32 to index
        %get3A_1004 = arith.index_cast %add3A_946 : i32 to index
        %get3A_1005 = arith.constant 48 : index
        %get3A_1006 = tpu.vector_load %arg9[%get3A_1003, %get3A_1004, %get3A_1005] {strides = array<i32>} : memref<2x128x128xf32, #tpu.memory_space<vmem>>, vector<1x1x16xf32>,
        %get3A_1007 = vector.shape_cast %get3A_1006 : vector<1x1x16xf32> to vector<16xf32>
        %add3A_1008 = arith.addf %get3A_1001, %get3A_1007 : vector<16xf32>
        %max3A_1009 = arith.constant 0.000000e+00 : f32
        %max3A_1010 = vector.broadcast %max3A_1009 : f32 to vector<16xf32>
        %max3A_1011 = arith.maximumf %add3A_1008, %max3A_1010 : vector<16xf32>
        %add3A_1012 = arith.addf %scan3A_940, %max3A_1011 : vector<16xf32>
        %get3A_1013 = arith.constant 1 : i32
        %get3A_1014 = arith.index_cast %get3A_1013 : i32 to index
        %get3A_1015 = arith.index_cast %add3A_946 : i32 to index
        %get3A_1016 = arith.constant 64 : index
        %get3A_1017 = tpu.vector_load %arg9[%get3A_1014, %get3A_1015, %get3A_1016] {strides = array<i32>} : memref<2x128x128xf32, #tpu.memory_space<vmem>>, vector<1x1x16xf32>,
        %get3A_1018 = vector.shape_cast %get3A_1017 : vector<1x1x16xf32> to vector<16xf32>
        %add3A_1019 = arith.addf %scan3A_941, %get3A_1018 : vector<16xf32>
        %get3A_1020 = arith.constant 1 : i32
        %get3A_1021 = arith.index_cast %get3A_1020 : i32 to index
        %get3A_1022 = arith.index_cast %add3A_946 : i32 to index
        %get3A_1023 = arith.constant 80 : index
        %get3A_1024 = tpu.vector_load %arg9[%get3A_1021, %get3A_1022, %get3A_1023] {strides = array<i32>} : memref<2x128x128xf32, #tpu.memory_space<vmem>>, vector<1x1x16xf32>,
        %get3A_1025 = vector.shape_cast %get3A_1024 : vector<1x1x16xf32> to vector<16xf32>
        %add3A_1026 = arith.addf %scan3A_942, %get3A_1025 : vector<16xf32>
        %get3A_1027 = arith.constant 1 : i32
        %get3A_1028 = arith.index_cast %get3A_1027 : i32 to index
        %get3A_1029 = arith.index_cast %add3A_946 : i32 to index
        %get3A_1030 = arith.constant 96 : index
        %get3A_1031 = tpu.vector_load %arg9[%get3A_1028, %get3A_1029, %get3A_1030] {strides = array<i32>} : memref<2x128x128xf32, #tpu.memory_space<vmem>>, vector<1x1x16xf32>,
        %get3A_1032 = vector.shape_cast %get3A_1031 : vector<1x1x16xf32> to vector<16xf32>
        %add3A_1033 = arith.addf %scan3A_943, %get3A_1032 : vector<16xf32>
        %get3A_1034 = arith.constant 1 : i32
        %get3A_1035 = arith.index_cast %get3A_1034 : i32 to index
        %get3A_1036 = arith.index_cast %add3A_946 : i32 to index
        %get3A_1037 = arith.constant 112 : index
        %get3A_1038 = tpu.vector_load %arg9[%get3A_1035, %get3A_1036, %get3A_1037] {strides = array<i32>} : memref<2x128x128xf32, #tpu.memory_space<vmem>>, vector<1x1x16xf32>,
        %get3A_1039 = vector.shape_cast %get3A_1038 : vector<1x1x16xf32> to vector<16xf32>
        %add3A_1040 = arith.addf %scan3A_944, %get3A_1039 : vector<16xf32>
        scf.yield %add3A_961, %add3A_978, %add3A_995, %add3A_1012, %add3A_1019, %add3A_1026, %add3A_1033, %add3A_1040 : vector<16xf32>, vector<16xf32>, vector<16xf32>, vector<16xf32>, vector<16xf32>, vector<16xf32>, vector<16xf32>, vector<16xf32>
      }
      %scan3A_836 = arith.constant 32 : i32
      %swap3A_837 = arith.constant 1 : i32
      %swap3A_838 = arith.constant 3 : i32
      %swap3A_839 = arith.index_cast %swap3A_837 : i32 to index
      %swap3A_840 = arith.index_cast %swap3A_838 : i32 to index
      %swap3A_841 = arith.constant 0 : index
      %swap3A_842 = tpu.vector_load %arg11[%swap3A_839, %swap3A_840, %swap3A_841] {strides = array<i32>} : memref<2x4x64xf32, #tpu.memory_space<vmem>>, vector<1x1x16xf32>,
      %swap3A_843 = vector.shape_cast %swap3A_842 : vector<1x1x16xf32> to vector<16xf32>
      %swap3A_844 = vector.shape_cast %scan3A_835#0 : vector<16xf32> to vector<1x1x16xf32>
      tpu.vector_store %arg11[%swap3A_839, %swap3A_840, %swap3A_841], %swap3A_844 {strides = array<i32>} : memref<2x4x64xf32, #tpu.memory_space<vmem>>, vector<1x1x16xf32>,
      %swap3A_845 = arith.constant 1 : i32
      %swap3A_846 = arith.constant 3 : i32
      %swap3A_847 = arith.index_cast %swap3A_845 : i32 to index
      %swap3A_848 = arith.index_cast %swap3A_846 : i32 to index
      %swap3A_849 = arith.constant 0 : index
      %swap3A_850 = tpu.vector_load %arg10[%swap3A_847, %swap3A_848, %swap3A_849] {strides = array<i32>} : memref<2x4x64xf32, #tpu.memory_space<vmem>>, vector<1x1x16xf32>,
      %swap3A_851 = vector.shape_cast %swap3A_850 : vector<1x1x16xf32> to vector<16xf32>
      %swap3A_852 = vector.shape_cast %scan3A_835#4 : vector<16xf32> to vector<1x1x16xf32>
      tpu.vector_store %arg10[%swap3A_847, %swap3A_848, %swap3A_849], %swap3A_852 {strides = array<i32>} : memref<2x4x64xf32, #tpu.memory_space<vmem>>, vector<1x1x16xf32>,
      %swap3A_853 = arith.constant 1 : i32
      %swap3A_854 = arith.constant 3 : i32
      %swap3A_855 = arith.index_cast %swap3A_853 : i32 to index
      %swap3A_856 = arith.index_cast %swap3A_854 : i32 to index
      %swap3A_857 = arith.constant 16 : index
      %swap3A_858 = tpu.vector_load %arg11[%swap3A_855, %swap3A_856, %swap3A_857] {strides = array<i32>} : memref<2x4x64xf32, #tpu.memory_space<vmem>>, vector<1x1x16xf32>,
      %swap3A_859 = vector.shape_cast %swap3A_858 : vector<1x1x16xf32> to vector<16xf32>
      %swap3A_860 = vector.shape_cast %scan3A_835#1 : vector<16xf32> to vector<1x1x16xf32>
      tpu.vector_store %arg11[%swap3A_855, %swap3A_856, %swap3A_857], %swap3A_860 {strides = array<i32>} : memref<2x4x64xf32, #tpu.memory_space<vmem>>, vector<1x1x16xf32>,
      %swap3A_861 = arith.constant 1 : i32
      %swap3A_862 = arith.constant 3 : i32
      %swap3A_863 = arith.index_cast %swap3A_861 : i32 to index
      %swap3A_864 = arith.index_cast %swap3A_862 : i32 to index
      %swap3A_865 = arith.constant 16 : index
      %swap3A_866 = tpu.vector_load %arg10[%swap3A_863, %swap3A_864, %swap3A_865] {strides = array<i32>} : memref<2x4x64xf32, #tpu.memory_space<vmem>>, vector<1x1x16xf32>,
      %swap3A_867 = vector.shape_cast %swap3A_866 : vector<1x1x16xf32> to vector<16xf32>
      %swap3A_868 = vector.shape_cast %scan3A_835#5 : vector<16xf32> to vector<1x1x16xf32>
      tpu.vector_store %arg10[%swap3A_863, %swap3A_864, %swap3A_865], %swap3A_868 {strides = array<i32>} : memref<2x4x64xf32, #tpu.memory_space<vmem>>, vector<1x1x16xf32>,
      %swap3A_869 = arith.constant 1 : i32
      %swap3A_870 = arith.constant 3 : i32
      %swap3A_871 = arith.index_cast %swap3A_869 : i32 to index
      %swap3A_872 = arith.index_cast %swap3A_870 : i32 to index
      %swap3A_873 = arith.constant 32 : index
      %swap3A_874 = tpu.vector_load %arg11[%swap3A_871, %swap3A_872, %swap3A_873] {strides = array<i32>} : memref<2x4x64xf32, #tpu.memory_space<vmem>>, vector<1x1x16xf32>,
      %swap3A_875 = vector.shape_cast %swap3A_874 : vector<1x1x16xf32> to vector<16xf32>
      %swap3A_876 = vector.shape_cast %scan3A_835#2 : vector<16xf32> to vector<1x1x16xf32>
      tpu.vector_store %arg11[%swap3A_871, %swap3A_872, %swap3A_873], %swap3A_876 {strides = array<i32>} : memref<2x4x64xf32, #tpu.memory_space<vmem>>, vector<1x1x16xf32>,
      %swap3A_877 = arith.constant 1 : i32
      %swap3A_878 = arith.constant 3 : i32
      %swap3A_879 = arith.index_cast %swap3A_877 : i32 to index
      %swap3A_880 = arith.index_cast %swap3A_878 : i32 to index
      %swap3A_881 = arith.constant 32 : index
      %swap3A_882 = tpu.vector_load %arg10[%swap3A_879, %swap3A_880, %swap3A_881] {strides = array<i32>} : memref<2x4x64xf32, #tpu.memory_space<vmem>>, vector<1x1x16xf32>,
      %swap3A_883 = vector.shape_cast %swap3A_882 : vector<1x1x16xf32> to vector<16xf32>
      %swap3A_884 = vector.shape_cast %scan3A_835#6 : vector<16xf32> to vector<1x1x16xf32>
      tpu.vector_store %arg10[%swap3A_879, %swap3A_880, %swap3A_881], %swap3A_884 {strides = array<i32>} : memref<2x4x64xf32, #tpu.memory_space<vmem>>, vector<1x1x16xf32>,
      %swap3A_885 = arith.constant 1 : i32
      %swap3A_886 = arith.constant 3 : i32
      %swap3A_887 = arith.index_cast %swap3A_885 : i32 to index
      %swap3A_888 = arith.index_cast %swap3A_886 : i32 to index
      %swap3A_889 = arith.constant 48 : index
      %swap3A_890 = tpu.vector_load %arg11[%swap3A_887, %swap3A_888, %swap3A_889] {strides = array<i32>} : memref<2x4x64xf32, #tpu.memory_space<vmem>>, vector<1x1x16xf32>,
      %swap3A_891 = vector.shape_cast %swap3A_890 : vector<1x1x16xf32> to vector<16xf32>
      %swap3A_892 = vector.shape_cast %scan3A_835#3 : vector<16xf32> to vector<1x1x16xf32>
      tpu.vector_store %arg11[%swap3A_887, %swap3A_888, %swap3A_889], %swap3A_892 {strides = array<i32>} : memref<2x4x64xf32, #tpu.memory_space<vmem>>, vector<1x1x16xf32>,
      %swap3A_893 = arith.constant 1 : i32
      %swap3A_894 = arith.constant 3 : i32
      %swap3A_895 = arith.index_cast %swap3A_893 : i32 to index
      %swap3A_896 = arith.index_cast %swap3A_894 : i32 to index
      %swap3A_897 = arith.constant 48 : index
      %swap3A_898 = tpu.vector_load %arg10[%swap3A_895, %swap3A_896, %swap3A_897] {strides = array<i32>} : memref<2x4x64xf32, #tpu.memory_space<vmem>>, vector<1x1x16xf32>,
      %swap3A_899 = vector.shape_cast %swap3A_898 : vector<1x1x16xf32> to vector<16xf32>
      %swap3A_900 = vector.shape_cast %scan3A_835#7 : vector<16xf32> to vector<1x1x16xf32>
      tpu.vector_store %arg10[%swap3A_895, %swap3A_896, %swap3A_897], %swap3A_900 {strides = array<i32>} : memref<2x4x64xf32, #tpu.memory_space<vmem>>, vector<1x1x16xf32>,
      %add3A_901 = arith.addi %add3A_4, %add3A_531 : i32
      %mul3A_902 = arith.constant 4 : i32
      %mul3A_903 = arith.muli %add3A_901, %mul3A_902 : i32
      %dma_start3A_904 = arith.constant 1 : i32
      %dma_start3A_905 = arith.constant 0 : i32
      %dma_start3A_906 = arith.constant 0 : i32
      %dma_start3A_907 = tpu.memref_slice %arg10[%dma_start3A_904, %dma_start3A_905, %dma_start3A_906] : memref<2x4x64xf32, #tpu.memory_space<vmem>> -> memref<1x4x64xf32, #tpu.memory_space<vmem>>
      %dma_start3A_908 = tpu.memref_squeeze %dma_start3A_907 : memref<1x4x64xf32, #tpu.memory_space<vmem>> -> memref<4x64xf32, #tpu.memory_space<vmem>>
      %dma_start3A_909 = arith.constant 0 : i32
      %dma_start3A_910 = tpu.memref_slice %arg5[%mul3A_903, %dma_start3A_909] : memref<10000x64xf32, #tpu.memory_space<hbm>> -> memref<4x64xf32, #tpu.memory_space<hbm>>
      %dma_start3A_911 = arith.constant 0 : i32
      %dma_start3A_912 = tpu.memref_slice %arg5[%mul3A_903, %dma_start3A_911] : memref<10000x64xf32, #tpu.memory_space<hbm>> -> memref<4x64xf32, #tpu.memory_space<hbm>>
      %dma_start3A_913 = arith.constant 0 : i32
      %dma_start3A_914 = arith.constant 0 : i32
      %dma_start3A_915 = tpu.memref_slice %arg10[%dma_start3A_904, %dma_start3A_913, %dma_start3A_914] : memref<2x4x64xf32, #tpu.memory_space<vmem>> -> memref<1x4x64xf32, #tpu.memory_space<vmem>>
      %dma_start3A_916 = tpu.memref_squeeze %dma_start3A_915 : memref<1x4x64xf32, #tpu.memory_space<vmem>> -> memref<4x64xf32, #tpu.memory_space<vmem>>
      tpu.enqueue_dma source(%dma_start3A_916 : memref<4x64xf32, #tpu.memory_space<vmem>>) target(%dma_start3A_912 : memref<4x64xf32, #tpu.memory_space<hbm>>) target_semaphore(%arg13 : memref<!tpu.dma_semaphore, #tpu.memory_space<semaphore_mem>>)
      %dma_start3A_917 = arith.constant 1 : i32
      %dma_start3A_918 = arith.constant 0 : i32
      %dma_start3A_919 = arith.constant 0 : i32
      %dma_start3A_920 = tpu.memref_slice %arg11[%dma_start3A_917, %dma_start3A_918, %dma_start3A_919] : memref<2x4x64xf32, #tpu.memory_space<vmem>> -> memref<1x4x64xf32, #tpu.memory_space<vmem>>
      %dma_start3A_921 = tpu.memref_squeeze %dma_start3A_920 : memref<1x4x64xf32, #tpu.memory_space<vmem>> -> memref<4x64xf32, #tpu.memory_space<vmem>>
      %dma_start3A_922 = arith.constant 0 : i32
      %dma_start3A_923 = tpu.memref_slice %arg6[%mul3A_903, %dma_start3A_922] : memref<10000x64xf32, #tpu.memory_space<hbm>> -> memref<4x64xf32, #tpu.memory_space<hbm>>
      %dma_start3A_924 = arith.constant 0 : i32
      %dma_start3A_925 = tpu.memref_slice %arg6[%mul3A_903, %dma_start3A_924] : memref<10000x64xf32, #tpu.memory_space<hbm>> -> memref<4x64xf32, #tpu.memory_space<hbm>>
      %dma_start3A_926 = arith.constant 0 : i32
      %dma_start3A_927 = arith.constant 0 : i32
      %dma_start3A_928 = tpu.memref_slice %arg11[%dma_start3A_917, %dma_start3A_926, %dma_start3A_927] : memref<2x4x64xf32, #tpu.memory_space<vmem>> -> memref<1x4x64xf32, #tpu.memory_space<vmem>>
      %dma_start3A_929 = tpu.memref_squeeze %dma_start3A_928 : memref<1x4x64xf32, #tpu.memory_space<vmem>> -> memref<4x64xf32, #tpu.memory_space<vmem>>
      tpu.enqueue_dma source(%dma_start3A_929 : memref<4x64xf32, #tpu.memory_space<vmem>>) target(%dma_start3A_925 : memref<4x64xf32, #tpu.memory_space<hbm>>) target_semaphore(%arg13 : memref<!tpu.dma_semaphore, #tpu.memory_space<semaphore_mem>>)
      %add3A_930 = arith.constant 2 : i32
      %add3A_931 = arith.addi %add3A_531, %add3A_930 : i32
      %lt3A_932 = arith.cmpi slt, %add3A_931, %add3A_8 : i32
      %convert_element_type3A_933 = arith.extui %lt3A_932 : i1 to i32
      %cond3A_934 = arith.constant 0 : i32
      %cond3A_935 = arith.cmpi ne, %convert_element_type3A_933, %cond3A_934 : i32
      scf.if %cond3A_935 {
        %add3A_936 = arith.constant 2 : i32
        %add3A_937 = arith.addi %add3A_531, %add3A_936 : i32
        %mul3A_938 = arith.constant 128 : i32
        %mul3A_939 = arith.muli %add3A_937, %mul3A_938 : i32
        %dma_start3A_940 = arith.constant 1 : i32
        %dma_start3A_941 = arith.constant 0 : i32
        %dma_start3A_942 = arith.constant 0 : i32
        %dma_start3A_943 = tpu.memref_slice %arg8[%dma_start3A_940, %dma_start3A_941, %dma_start3A_942] : memref<2x128x64xf32, #tpu.memory_space<vmem>> -> memref<1x128x64xf32, #tpu.memory_space<vmem>>
        %dma_start3A_944 = tpu.memref_squeeze %dma_start3A_943 : memref<1x128x64xf32, #tpu.memory_space<vmem>> -> memref<128x64xf32, #tpu.memory_space<vmem>>
        %dma_start3A_945 = tpu.memref_slice %arg7[%mul3A_939] : memref<10112xi32, #tpu.memory_space<vmem>> -> memref<128xi32, #tpu.memory_space<vmem>>
        %dma_start3A_946 = arith.constant 0 : i32
        %dma_start3A_947 = arith.constant 0 : i32
        %dma_start3A_948 = tpu.memref_slice %arg3[%dma_start3A_946, %dma_start3A_947] : memref<320000x64xf32, #tpu.memory_space<hbm>> -> memref<320000x64xf32, #tpu.memory_space<hbm>>
        tpu.enqueue_indirect_dma source(%dma_start3A_948 : memref<320000x64xf32, #tpu.memory_space<hbm>>) target(%dma_start3A_944 : memref<128x64xf32, #tpu.memory_space<vmem>>) offsets(%dma_start3A_945 : memref<128xi32, #tpu.memory_space<vmem>>) semaphore(%arg12 : memref<!tpu.dma_semaphore, #tpu.memory_space<semaphore_mem>>)
        %mul3A_949 = arith.constant 128 : i32
        %mul3A_950 = arith.muli %add3A_937, %mul3A_949 : i32
        %dma_start3A_951 = arith.constant 1 : i32
        %dma_start3A_952 = arith.constant 0 : i32
        %dma_start3A_953 = arith.constant 0 : i32
        %dma_start3A_954 = tpu.memref_slice %arg9[%dma_start3A_951, %dma_start3A_952, %dma_start3A_953] : memref<2x128x128xf32, #tpu.memory_space<vmem>> -> memref<1x128x128xf32, #tpu.memory_space<vmem>>
        %dma_start3A_955 = tpu.memref_squeeze %dma_start3A_954 : memref<1x128x128xf32, #tpu.memory_space<vmem>> -> memref<128x128xf32, #tpu.memory_space<vmem>>
        %dma_start3A_956 = tpu.memref_slice %arg7[%mul3A_950] : memref<10112xi32, #tpu.memory_space<vmem>> -> memref<128xi32, #tpu.memory_space<vmem>>
        %dma_start3A_957 = arith.constant 0 : i32
        %dma_start3A_958 = arith.constant 0 : i32
        %dma_start3A_959 = tpu.memref_slice %arg4[%dma_start3A_957, %dma_start3A_958] : memref<320000x128xf32, #tpu.memory_space<hbm>> -> memref<320000x128xf32, #tpu.memory_space<hbm>>
        tpu.enqueue_indirect_dma source(%dma_start3A_959 : memref<320000x128xf32, #tpu.memory_space<hbm>>) target(%dma_start3A_955 : memref<128x128xf32, #tpu.memory_space<vmem>>) offsets(%dma_start3A_956 : memref<128xi32, #tpu.memory_space<vmem>>) semaphore(%arg12 : memref<!tpu.dma_semaphore, #tpu.memory_space<semaphore_mem>>)
      } else {
      }
    }
    %scan3A_58 = arith.constant 39 : i32
    %gt3A = arith.constant 78 : i32
    %gt3A_59 = arith.cmpi sgt, %add3A_8, %gt3A : i32
    %convert_element_type3A_60 = arith.extui %gt3A_59 : i1 to i32
    %cond3A_61 = arith.constant 0 : i32
    %cond3A_62 = arith.cmpi ne, %convert_element_type3A_60, %cond3A_61 : i32
    scf.if %cond3A_62 {
      %dma_wait3A_122 = arith.constant 0 : i32
      %dma_wait3A_123 = arith.constant 0 : i32
      %dma_wait3A_124 = arith.constant 0 : i32
      %dma_wait3A_125 = tpu.memref_slice %arg10[%dma_wait3A_122, %dma_wait3A_123, %dma_wait3A_124] : memref<2x4x64xf32, #tpu.memory_space<vmem>> -> memref<1x4x64xf32, #tpu.memory_space<vmem>>
      %dma_wait3A_126 = tpu.memref_squeeze %dma_wait3A_125 : memref<1x4x64xf32, #tpu.memory_space<vmem>> -> memref<4x64xf32, #tpu.memory_space<vmem>>
      %dma_wait3A_127 = arith.constant 0 : i32
      %dma_wait3A_128 = arith.constant 0 : i32
      %dma_wait3A_129 = tpu.memref_slice %arg5[%dma_wait3A_127, %dma_wait3A_128] : memref<10000x64xf32, #tpu.memory_space<hbm>> -> memref<4x64xf32, #tpu.memory_space<hbm>>
      %dma_wait3A_130 = arith.constant 0 : i32
      %dma_wait3A_131 = arith.constant 0 : i32
      %dma_wait3A_132 = tpu.memref_slice %arg5[%dma_wait3A_130, %dma_wait3A_131] : memref<10000x64xf32, #tpu.memory_space<hbm>> -> memref<4x64xf32, #tpu.memory_space<hbm>>
      %dma_wait3A_133 = arith.constant 0 : i32
      %dma_wait3A_134 = arith.constant 0 : i32
      %dma_wait3A_135 = tpu.memref_slice %arg10[%dma_wait3A_122, %dma_wait3A_133, %dma_wait3A_134] : memref<2x4x64xf32, #tpu.memory_space<vmem>> -> memref<1x4x64xf32, #tpu.memory_space<vmem>>
      %dma_wait3A_136 = tpu.memref_squeeze %dma_wait3A_135 : memref<1x4x64xf32, #tpu.memory_space<vmem>> -> memref<4x64xf32, #tpu.memory_space<vmem>>
      tpu.wait_dma2 semaphore(%arg13 : memref<!tpu.dma_semaphore, #tpu.memory_space<semaphore_mem>>) src(%dma_wait3A_136 : memref<4x64xf32, #tpu.memory_space<vmem>>) dst(%dma_wait3A_132 : memref<4x64xf32, #tpu.memory_space<hbm>>)
      %dma_wait3A_137 = arith.constant 0 : i32
      %dma_wait3A_138 = arith.constant 0 : i32
      %dma_wait3A_139 = arith.constant 0 : i32
      %dma_wait3A_140 = tpu.memref_slice %arg11[%dma_wait3A_137, %dma_wait3A_138, %dma_wait3A_139] : memref<2x4x64xf32, #tpu.memory_space<vmem>> -> memref<1x4x64xf32, #tpu.memory_space<vmem>>
      %dma_wait3A_141 = tpu.memref_squeeze %dma_wait3A_140 : memref<1x4x64xf32, #tpu.memory_space<vmem>> -> memref<4x64xf32, #tpu.memory_space<vmem>>
      %dma_wait3A_142 = arith.constant 0 : i32
      %dma_wait3A_143 = arith.constant 0 : i32
      %dma_wait3A_144 = tpu.memref_slice %arg6[%dma_wait3A_142, %dma_wait3A_143] : memref<10000x64xf32, #tpu.memory_space<hbm>> -> memref<4x64xf32, #tpu.memory_space<hbm>>
      %dma_wait3A_145 = arith.constant 0 : i32
      %dma_wait3A_146 = arith.constant 0 : i32
      %dma_wait3A_147 = tpu.memref_slice %arg6[%dma_wait3A_145, %dma_wait3A_146] : memref<10000x64xf32, #tpu.memory_space<hbm>> -> memref<4x64xf32, #tpu.memory_space<hbm>>
      %dma_wait3A_148 = arith.constant 0 : i32
      %dma_wait3A_149 = arith.constant 0 : i32
      %dma_wait3A_150 = tpu.memref_slice %arg11[%dma_wait3A_137, %dma_wait3A_148, %dma_wait3A_149] : memref<2x4x64xf32, #tpu.memory_space<vmem>> -> memref<1x4x64xf32, #tpu.memory_space<vmem>>
      %dma_wait3A_151 = tpu.memref_squeeze %dma_wait3A_150 : memref<1x4x64xf32, #tpu.memory_space<vmem>> -> memref<4x64xf32, #tpu.memory_space<vmem>>
      tpu.wait_dma2 semaphore(%arg13 : memref<!tpu.dma_semaphore, #tpu.memory_space<semaphore_mem>>) src(%dma_wait3A_151 : memref<4x64xf32, #tpu.memory_space<vmem>>) dst(%dma_wait3A_147 : memref<4x64xf32, #tpu.memory_space<hbm>>)
      %dma_wait3A_152 = arith.constant 0 : i32
      %dma_wait3A_153 = arith.constant 0 : i32
      %dma_wait3A_154 = arith.constant 0 : i32
      %dma_wait3A_155 = tpu.memref_slice %arg8[%dma_wait3A_152, %dma_wait3A_153, %dma_wait3A_154] : memref<2x128x64xf32, #tpu.memory_space<vmem>> -> memref<1x128x64xf32, #tpu.memory_space<vmem>>
      %dma_wait3A_156 = tpu.memref_squeeze %dma_wait3A_155 : memref<1x128x64xf32, #tpu.memory_space<vmem>> -> memref<128x64xf32, #tpu.memory_space<vmem>>
      %dma_wait3A_157 = arith.constant 0 : i32
      %dma_wait3A_158 = tpu.memref_slice %arg7[%dma_wait3A_157] : memref<10112xi32, #tpu.memory_space<vmem>> -> memref<128xi32, #tpu.memory_space<vmem>>
      %dma_wait3A_159 = arith.constant 0 : i32
      %dma_wait3A_160 = arith.constant 0 : i32
      %dma_wait3A_161 = tpu.memref_slice %arg3[%dma_wait3A_159, %dma_wait3A_160] : memref<320000x64xf32, #tpu.memory_space<hbm>> -> memref<320000x64xf32, #tpu.memory_space<hbm>>
      tpu.wait_indirect_dma semaphore(%arg12 : memref<!tpu.dma_semaphore, #tpu.memory_space<semaphore_mem>>) src(%dma_wait3A_161 : memref<320000x64xf32, #tpu.memory_space<hbm>>) dst(%dma_wait3A_156 : memref<128x64xf32, #tpu.memory_space<vmem>>)
      %dma_wait3A_162 = arith.constant 0 : i32
      %dma_wait3A_163 = arith.constant 0 : i32
      %dma_wait3A_164 = arith.constant 0 : i32
      %dma_wait3A_165 = tpu.memref_slice %arg9[%dma_wait3A_162, %dma_wait3A_163, %dma_wait3A_164] : memref<2x128x128xf32, #tpu.memory_space<vmem>> -> memref<1x128x128xf32, #tpu.memory_space<vmem>>
      %dma_wait3A_166 = tpu.memref_squeeze %dma_wait3A_165 : memref<1x128x128xf32, #tpu.memory_space<vmem>> -> memref<128x128xf32, #tpu.memory_space<vmem>>
      %dma_wait3A_167 = arith.constant 0 : i32
      %dma_wait3A_168 = tpu.memref_slice %arg7[%dma_wait3A_167] : memref<10112xi32, #tpu.memory_space<vmem>> -> memref<128xi32, #tpu.memory_space<vmem>>
      %dma_wait3A_169 = arith.constant 0 : i32
      %dma_wait3A_170 = arith.constant 0 : i32
      %dma_wait3A_171 = tpu.memref_slice %arg4[%dma_wait3A_169, %dma_wait3A_170] : memref<320000x128xf32, #tpu.memory_space<hbm>> -> memref<320000x128xf32, #tpu.memory_space<hbm>>
      tpu.wait_indirect_dma semaphore(%arg12 : memref<!tpu.dma_semaphore, #tpu.memory_space<semaphore_mem>>) src(%dma_wait3A_171 : memref<320000x128xf32, #tpu.memory_space<hbm>>) dst(%dma_wait3A_166 : memref<128x128xf32, #tpu.memory_space<vmem>>)
      %broadcast_in_dim3A = arith.constant 0.000000e+00 : f32
      %broadcast_in_dim3A_172 = vector.broadcast %broadcast_in_dim3A : f32 to vector<16xf32>
      %broadcast_in_dim3A_173 = arith.constant 0.000000e+00 : f32
      %broadcast_in_dim3A_174 = vector.broadcast %broadcast_in_dim3A_173 : f32 to vector<16xf32>
      %broadcast_in_dim3A_175 = arith.constant 0.000000e+00 : f32
      %broadcast_in_dim3A_176 = vector.broadcast %broadcast_in_dim3A_175 : f32 to vector<16xf32>
      %broadcast_in_dim3A_177 = arith.constant 0.000000e+00 : f32
      %broadcast_in_dim3A_178 = vector.broadcast %broadcast_in_dim3A_177 : f32 to vector<16xf32>
      %broadcast_in_dim3A_179 = arith.constant 0.000000e+00 : f32
      %broadcast_in_dim3A_180 = vector.broadcast %broadcast_in_dim3A_179 : f32 to vector<16xf32>
      %broadcast_in_dim3A_181 = arith.constant 0.000000e+00 : f32
      %broadcast_in_dim3A_182 = vector.broadcast %broadcast_in_dim3A_181 : f32 to vector<16xf32>
      %broadcast_in_dim3A_183 = arith.constant 0.000000e+00 : f32
      %broadcast_in_dim3A_184 = vector.broadcast %broadcast_in_dim3A_183 : f32 to vector<16xf32>
      %broadcast_in_dim3A_185 = arith.constant 0.000000e+00 : f32
      %broadcast_in_dim3A_186 = vector.broadcast %broadcast_in_dim3A_185 : f32 to vector<16xf32>
      %scan3A_187 = arith.constant 0 : i32
      %scan3A_188 = arith.constant 32 : i32
      %scan3A_189 = arith.addi %scan3A_187, %scan3A_188 : i32
      %scan3A_190 = arith.constant 1 : i32
      %scan3A_191:8 = scf.for %scan3A_544 = %scan3A_187 to %scan3A_189 step %scan3A_190 iter_args(%scan3A_545 = %broadcast_in_dim3A_172, %scan3A_546 = %broadcast_in_dim3A_174, %scan3A_547 = %broadcast_in_dim3A_176, %scan3A_548 = %broadcast_in_dim3A_178, %scan3A_549 = %broadcast_in_dim3A_180, %scan3A_550 = %broadcast_in_dim3A_182, %scan3A_551 = %broadcast_in_dim3A_184, %scan3A_552 = %broadcast_in_dim3A_186) -> (vector<16xf32>, vector<16xf32>, vector<16xf32>, vector<16xf32>, vector<16xf32>, vector<16xf32>, vector<16xf32>, vector<16xf32>)  : i32 {
        %add3A_553 = arith.constant 0 : i32
        %add3A_554 = arith.addi %add3A_553, %scan3A_544 : i32
        %get3A = arith.constant 0 : i32
        %get3A_555 = arith.index_cast %get3A : i32 to index
        %get3A_556 = arith.index_cast %add3A_554 : i32 to index
        %get3A_557 = arith.constant 0 : index
        %get3A_558 = tpu.vector_load %arg8[%get3A_555, %get3A_556, %get3A_557] {strides = array<i32>} : memref<2x128x64xf32, #tpu.memory_space<vmem>>, vector<1x1x16xf32>,
        %get3A_559 = vector.shape_cast %get3A_558 : vector<1x1x16xf32> to vector<16xf32>
        %get3A_560 = arith.constant 0 : i32
        %get3A_561 = arith.index_cast %get3A_560 : i32 to index
        %get3A_562 = arith.index_cast %add3A_554 : i32 to index
        %get3A_563 = arith.constant 0 : index
        %get3A_564 = tpu.vector_load %arg9[%get3A_561, %get3A_562, %get3A_563] {strides = array<i32>} : memref<2x128x128xf32, #tpu.memory_space<vmem>>, vector<1x1x16xf32>,
        %get3A_565 = vector.shape_cast %get3A_564 : vector<1x1x16xf32> to vector<16xf32>
        %add3A_566 = arith.addf %get3A_559, %get3A_565 : vector<16xf32>
        %max3A = arith.constant 0.000000e+00 : f32
        %max3A_567 = vector.broadcast %max3A : f32 to vector<16xf32>
        %max3A_568 = arith.maximumf %add3A_566, %max3A_567 : vector<16xf32>
        %add3A_569 = arith.addf %scan3A_545, %max3A_568 : vector<16xf32>
        %get3A_570 = arith.constant 0 : i32
        %get3A_571 = arith.index_cast %get3A_570 : i32 to index
        %get3A_572 = arith.index_cast %add3A_554 : i32 to index
        %get3A_573 = arith.constant 16 : index
        %get3A_574 = tpu.vector_load %arg8[%get3A_571, %get3A_572, %get3A_573] {strides = array<i32>} : memref<2x128x64xf32, #tpu.memory_space<vmem>>, vector<1x1x16xf32>,
        %get3A_575 = vector.shape_cast %get3A_574 : vector<1x1x16xf32> to vector<16xf32>
        %get3A_576 = arith.constant 0 : i32
        %get3A_577 = arith.index_cast %get3A_576 : i32 to index
        %get3A_578 = arith.index_cast %add3A_554 : i32 to index
        %get3A_579 = arith.constant 16 : index
        %get3A_580 = tpu.vector_load %arg9[%get3A_577, %get3A_578, %get3A_579] {strides = array<i32>} : memref<2x128x128xf32, #tpu.memory_space<vmem>>, vector<1x1x16xf32>,
        %get3A_581 = vector.shape_cast %get3A_580 : vector<1x1x16xf32> to vector<16xf32>
        %add3A_582 = arith.addf %get3A_575, %get3A_581 : vector<16xf32>
        %max3A_583 = arith.constant 0.000000e+00 : f32
        %max3A_584 = vector.broadcast %max3A_583 : f32 to vector<16xf32>
        %max3A_585 = arith.maximumf %add3A_582, %max3A_584 : vector<16xf32>
        %add3A_586 = arith.addf %scan3A_546, %max3A_585 : vector<16xf32>
        %get3A_587 = arith.constant 0 : i32
        %get3A_588 = arith.index_cast %get3A_587 : i32 to index
        %get3A_589 = arith.index_cast %add3A_554 : i32 to index
        %get3A_590 = arith.constant 32 : index
        %get3A_591 = tpu.vector_load %arg8[%get3A_588, %get3A_589, %get3A_590] {strides = array<i32>} : memref<2x128x64xf32, #tpu.memory_space<vmem>>, vector<1x1x16xf32>,
        %get3A_592 = vector.shape_cast %get3A_591 : vector<1x1x16xf32> to vector<16xf32>
        %get3A_593 = arith.constant 0 : i32
        %get3A_594 = arith.index_cast %get3A_593 : i32 to index
        %get3A_595 = arith.index_cast %add3A_554 : i32 to index
        %get3A_596 = arith.constant 32 : index
        %get3A_597 = tpu.vector_load %arg9[%get3A_594, %get3A_595, %get3A_596] {strides = array<i32>} : memref<2x128x128xf32, #tpu.memory_space<vmem>>, vector<1x1x16xf32>,
        %get3A_598 = vector.shape_cast %get3A_597 : vector<1x1x16xf32> to vector<16xf32>
        %add3A_599 = arith.addf %get3A_592, %get3A_598 : vector<16xf32>
        %max3A_600 = arith.constant 0.000000e+00 : f32
        %max3A_601 = vector.broadcast %max3A_600 : f32 to vector<16xf32>
        %max3A_602 = arith.maximumf %add3A_599, %max3A_601 : vector<16xf32>
        %add3A_603 = arith.addf %scan3A_547, %max3A_602 : vector<16xf32>
        %get3A_604 = arith.constant 0 : i32
        %get3A_605 = arith.index_cast %get3A_604 : i32 to index
        %get3A_606 = arith.index_cast %add3A_554 : i32 to index
        %get3A_607 = arith.constant 48 : index
        %get3A_608 = tpu.vector_load %arg8[%get3A_605, %get3A_606, %get3A_607] {strides = array<i32>} : memref<2x128x64xf32, #tpu.memory_space<vmem>>, vector<1x1x16xf32>,
        %get3A_609 = vector.shape_cast %get3A_608 : vector<1x1x16xf32> to vector<16xf32>
        %get3A_610 = arith.constant 0 : i32
        %get3A_611 = arith.index_cast %get3A_610 : i32 to index
        %get3A_612 = arith.index_cast %add3A_554 : i32 to index
        %get3A_613 = arith.constant 48 : index
        %get3A_614 = tpu.vector_load %arg9[%get3A_611, %get3A_612, %get3A_613] {strides = array<i32>} : memref<2x128x128xf32, #tpu.memory_space<vmem>>, vector<1x1x16xf32>,
        %get3A_615 = vector.shape_cast %get3A_614 : vector<1x1x16xf32> to vector<16xf32>
        %add3A_616 = arith.addf %get3A_609, %get3A_615 : vector<16xf32>
        %max3A_617 = arith.constant 0.000000e+00 : f32
        %max3A_618 = vector.broadcast %max3A_617 : f32 to vector<16xf32>
        %max3A_619 = arith.maximumf %add3A_616, %max3A_618 : vector<16xf32>
        %add3A_620 = arith.addf %scan3A_548, %max3A_619 : vector<16xf32>
        %get3A_621 = arith.constant 0 : i32
        %get3A_622 = arith.index_cast %get3A_621 : i32 to index
        %get3A_623 = arith.index_cast %add3A_554 : i32 to index
        %get3A_624 = arith.constant 64 : index
        %get3A_625 = tpu.vector_load %arg9[%get3A_622, %get3A_623, %get3A_624] {strides = array<i32>} : memref<2x128x128xf32, #tpu.memory_space<vmem>>, vector<1x1x16xf32>,
        %get3A_626 = vector.shape_cast %get3A_625 : vector<1x1x16xf32> to vector<16xf32>
        %add3A_627 = arith.addf %scan3A_549, %get3A_626 : vector<16xf32>
        %get3A_628 = arith.constant 0 : i32
        %get3A_629 = arith.index_cast %get3A_628 : i32 to index
        %get3A_630 = arith.index_cast %add3A_554 : i32 to index
        %get3A_631 = arith.constant 80 : index
        %get3A_632 = tpu.vector_load %arg9[%get3A_629, %get3A_630, %get3A_631] {strides = array<i32>} : memref<2x128x128xf32, #tpu.memory_space<vmem>>, vector<1x1x16xf32>,
        %get3A_633 = vector.shape_cast %get3A_632 : vector<1x1x16xf32> to vector<16xf32>
        %add3A_634 = arith.addf %scan3A_550, %get3A_633 : vector<16xf32>
        %get3A_635 = arith.constant 0 : i32
        %get3A_636 = arith.index_cast %get3A_635 : i32 to index
        %get3A_637 = arith.index_cast %add3A_554 : i32 to index
        %get3A_638 = arith.constant 96 : index
        %get3A_639 = tpu.vector_load %arg9[%get3A_636, %get3A_637, %get3A_638] {strides = array<i32>} : memref<2x128x128xf32, #tpu.memory_space<vmem>>, vector<1x1x16xf32>,
        %get3A_640 = vector.shape_cast %get3A_639 : vector<1x1x16xf32> to vector<16xf32>
        %add3A_641 = arith.addf %scan3A_551, %get3A_640 : vector<16xf32>
        %get3A_642 = arith.constant 0 : i32
        %get3A_643 = arith.index_cast %get3A_642 : i32 to index
        %get3A_644 = arith.index_cast %add3A_554 : i32 to index
        %get3A_645 = arith.constant 112 : index
        %get3A_646 = tpu.vector_load %arg9[%get3A_643, %get3A_644, %get3A_645] {strides = array<i32>} : memref<2x128x128xf32, #tpu.memory_space<vmem>>, vector<1x1x16xf32>,
        %get3A_647 = vector.shape_cast %get3A_646 : vector<1x1x16xf32> to vector<16xf32>
        %add3A_648 = arith.addf %scan3A_552, %get3A_647 : vector<16xf32>
        scf.yield %add3A_569, %add3A_586, %add3A_603, %add3A_620, %add3A_627, %add3A_634, %add3A_641, %add3A_648 : vector<16xf32>, vector<16xf32>, vector<16xf32>, vector<16xf32>, vector<16xf32>, vector<16xf32>, vector<16xf32>, vector<16xf32>
      }
      %scan3A_192 = arith.constant 32 : i32
      %swap3A = arith.constant 0 : i32
      %swap3A_193 = arith.constant 0 : i32
      %swap3A_194 = arith.index_cast %swap3A : i32 to index
      %swap3A_195 = arith.index_cast %swap3A_193 : i32 to index
      %swap3A_196 = arith.constant 0 : index
      %swap3A_197 = tpu.vector_load %arg11[%swap3A_194, %swap3A_195, %swap3A_196] {strides = array<i32>} : memref<2x4x64xf32, #tpu.memory_space<vmem>>, vector<1x1x16xf32>,
      %swap3A_198 = vector.shape_cast %swap3A_197 : vector<1x1x16xf32> to vector<16xf32>
      %swap3A_199 = vector.shape_cast %scan3A_191#0 : vector<16xf32> to vector<1x1x16xf32>
      tpu.vector_store %arg11[%swap3A_194, %swap3A_195, %swap3A_196], %swap3A_199 {strides = array<i32>} : memref<2x4x64xf32, #tpu.memory_space<vmem>>, vector<1x1x16xf32>,
      %swap3A_200 = arith.constant 0 : i32
      %swap3A_201 = arith.constant 0 : i32
      %swap3A_202 = arith.index_cast %swap3A_200 : i32 to index
      %swap3A_203 = arith.index_cast %swap3A_201 : i32 to index
      %swap3A_204 = arith.constant 0 : index
      %swap3A_205 = tpu.vector_load %arg10[%swap3A_202, %swap3A_203, %swap3A_204] {strides = array<i32>} : memref<2x4x64xf32, #tpu.memory_space<vmem>>, vector<1x1x16xf32>,
      %swap3A_206 = vector.shape_cast %swap3A_205 : vector<1x1x16xf32> to vector<16xf32>
      %swap3A_207 = vector.shape_cast %scan3A_191#4 : vector<16xf32> to vector<1x1x16xf32>
      tpu.vector_store %arg10[%swap3A_202, %swap3A_203, %swap3A_204], %swap3A_207 {strides = array<i32>} : memref<2x4x64xf32, #tpu.memory_space<vmem>>, vector<1x1x16xf32>,
      %swap3A_208 = arith.constant 0 : i32
      %swap3A_209 = arith.constant 0 : i32
      %swap3A_210 = arith.index_cast %swap3A_208 : i32 to index
      %swap3A_211 = arith.index_cast %swap3A_209 : i32 to index
      %swap3A_212 = arith.constant 16 : index
      %swap3A_213 = tpu.vector_load %arg11[%swap3A_210, %swap3A_211, %swap3A_212] {strides = array<i32>} : memref<2x4x64xf32, #tpu.memory_space<vmem>>, vector<1x1x16xf32>,
      %swap3A_214 = vector.shape_cast %swap3A_213 : vector<1x1x16xf32> to vector<16xf32>
      %swap3A_215 = vector.shape_cast %scan3A_191#1 : vector<16xf32> to vector<1x1x16xf32>
      tpu.vector_store %arg11[%swap3A_210, %swap3A_211, %swap3A_212], %swap3A_215 {strides = array<i32>} : memref<2x4x64xf32, #tpu.memory_space<vmem>>, vector<1x1x16xf32>,
      %swap3A_216 = arith.constant 0 : i32
      %swap3A_217 = arith.constant 0 : i32
      %swap3A_218 = arith.index_cast %swap3A_216 : i32 to index
      %swap3A_219 = arith.index_cast %swap3A_217 : i32 to index
      %swap3A_220 = arith.constant 16 : index
      %swap3A_221 = tpu.vector_load %arg10[%swap3A_218, %swap3A_219, %swap3A_220] {strides = array<i32>} : memref<2x4x64xf32, #tpu.memory_space<vmem>>, vector<1x1x16xf32>,
      %swap3A_222 = vector.shape_cast %swap3A_221 : vector<1x1x16xf32> to vector<16xf32>
      %swap3A_223 = vector.shape_cast %scan3A_191#5 : vector<16xf32> to vector<1x1x16xf32>
      tpu.vector_store %arg10[%swap3A_218, %swap3A_219, %swap3A_220], %swap3A_223 {strides = array<i32>} : memref<2x4x64xf32, #tpu.memory_space<vmem>>, vector<1x1x16xf32>,
      %swap3A_224 = arith.constant 0 : i32
      %swap3A_225 = arith.constant 0 : i32
      %swap3A_226 = arith.index_cast %swap3A_224 : i32 to index
      %swap3A_227 = arith.index_cast %swap3A_225 : i32 to index
      %swap3A_228 = arith.constant 32 : index
      %swap3A_229 = tpu.vector_load %arg11[%swap3A_226, %swap3A_227, %swap3A_228] {strides = array<i32>} : memref<2x4x64xf32, #tpu.memory_space<vmem>>, vector<1x1x16xf32>,
      %swap3A_230 = vector.shape_cast %swap3A_229 : vector<1x1x16xf32> to vector<16xf32>
      %swap3A_231 = vector.shape_cast %scan3A_191#2 : vector<16xf32> to vector<1x1x16xf32>
      tpu.vector_store %arg11[%swap3A_226, %swap3A_227, %swap3A_228], %swap3A_231 {strides = array<i32>} : memref<2x4x64xf32, #tpu.memory_space<vmem>>, vector<1x1x16xf32>,
      %swap3A_232 = arith.constant 0 : i32
      %swap3A_233 = arith.constant 0 : i32
      %swap3A_234 = arith.index_cast %swap3A_232 : i32 to index
      %swap3A_235 = arith.index_cast %swap3A_233 : i32 to index
      %swap3A_236 = arith.constant 32 : index
      %swap3A_237 = tpu.vector_load %arg10[%swap3A_234, %swap3A_235, %swap3A_236] {strides = array<i32>} : memref<2x4x64xf32, #tpu.memory_space<vmem>>, vector<1x1x16xf32>,
      %swap3A_238 = vector.shape_cast %swap3A_237 : vector<1x1x16xf32> to vector<16xf32>
      %swap3A_239 = vector.shape_cast %scan3A_191#6 : vector<16xf32> to vector<1x1x16xf32>
      tpu.vector_store %arg10[%swap3A_234, %swap3A_235, %swap3A_236], %swap3A_239 {strides = array<i32>} : memref<2x4x64xf32, #tpu.memory_space<vmem>>, vector<1x1x16xf32>,
      %swap3A_240 = arith.constant 0 : i32
      %swap3A_241 = arith.constant 0 : i32
      %swap3A_242 = arith.index_cast %swap3A_240 : i32 to index
      %swap3A_243 = arith.index_cast %swap3A_241 : i32 to index
      %swap3A_244 = arith.constant 48 : index
      %swap3A_245 = tpu.vector_load %arg11[%swap3A_242, %swap3A_243, %swap3A_244] {strides = array<i32>} : memref<2x4x64xf32, #tpu.memory_space<vmem>>, vector<1x1x16xf32>,
      %swap3A_246 = vector.shape_cast %swap3A_245 : vector<1x1x16xf32> to vector<16xf32>
      %swap3A_247 = vector.shape_cast %scan3A_191#3 : vector<16xf32> to vector<1x1x16xf32>
      tpu.vector_store %arg11[%swap3A_242, %swap3A_243, %swap3A_244], %swap3A_247 {strides = array<i32>} : memref<2x4x64xf32, #tpu.memory_space<vmem>>, vector<1x1x16xf32>,
      %swap3A_248 = arith.constant 0 : i32
      %swap3A_249 = arith.constant 0 : i32
      %swap3A_250 = arith.index_cast %swap3A_248 : i32 to index
      %swap3A_251 = arith.index_cast %swap3A_249 : i32 to index
      %swap3A_252 = arith.constant 48 : index
      %swap3A_253 = tpu.vector_load %arg10[%swap3A_250, %swap3A_251, %swap3A_252] {strides = array<i32>} : memref<2x4x64xf32, #tpu.memory_space<vmem>>, vector<1x1x16xf32>,
      %swap3A_254 = vector.shape_cast %swap3A_253 : vector<1x1x16xf32> to vector<16xf32>
      %swap3A_255 = vector.shape_cast %scan3A_191#7 : vector<16xf32> to vector<1x1x16xf32>
      tpu.vector_store %arg10[%swap3A_250, %swap3A_251, %swap3A_252], %swap3A_255 {strides = array<i32>} : memref<2x4x64xf32, #tpu.memory_space<vmem>>, vector<1x1x16xf32>,
      %broadcast_in_dim3A_256 = arith.constant 0.000000e+00 : f32
      %broadcast_in_dim3A_257 = vector.broadcast %broadcast_in_dim3A_256 : f32 to vector<16xf32>
      %broadcast_in_dim3A_258 = arith.constant 0.000000e+00 : f32
      %broadcast_in_dim3A_259 = vector.broadcast %broadcast_in_dim3A_258 : f32 to vector<16xf32>
      %broadcast_in_dim3A_260 = arith.constant 0.000000e+00 : f32
      %broadcast_in_dim3A_261 = vector.broadcast %broadcast_in_dim3A_260 : f32 to vector<16xf32>
      %broadcast_in_dim3A_262 = arith.constant 0.000000e+00 : f32
      %broadcast_in_dim3A_263 = vector.broadcast %broadcast_in_dim3A_262 : f32 to vector<16xf32>
      %broadcast_in_dim3A_264 = arith.constant 0.000000e+00 : f32
      %broadcast_in_dim3A_265 = vector.broadcast %broadcast_in_dim3A_264 : f32 to vector<16xf32>
      %broadcast_in_dim3A_266 = arith.constant 0.000000e+00 : f32
      %broadcast_in_dim3A_267 = vector.broadcast %broadcast_in_dim3A_266 : f32 to vector<16xf32>
      %broadcast_in_dim3A_268 = arith.constant 0.000000e+00 : f32
      %broadcast_in_dim3A_269 = vector.broadcast %broadcast_in_dim3A_268 : f32 to vector<16xf32>
      %broadcast_in_dim3A_270 = arith.constant 0.000000e+00 : f32
      %broadcast_in_dim3A_271 = vector.broadcast %broadcast_in_dim3A_270 : f32 to vector<16xf32>
      %scan3A_272 = arith.constant 0 : i32
      %scan3A_273 = arith.constant 32 : i32
      %scan3A_274 = arith.addi %scan3A_272, %scan3A_273 : i32
      %scan3A_275 = arith.constant 1 : i32
      %scan3A_276:8 = scf.for %scan3A_544 = %scan3A_272 to %scan3A_274 step %scan3A_275 iter_args(%scan3A_545 = %broadcast_in_dim3A_257, %scan3A_546 = %broadcast_in_dim3A_259, %scan3A_547 = %broadcast_in_dim3A_261, %scan3A_548 = %broadcast_in_dim3A_263, %scan3A_549 = %broadcast_in_dim3A_265, %scan3A_550 = %broadcast_in_dim3A_267, %scan3A_551 = %broadcast_in_dim3A_269, %scan3A_552 = %broadcast_in_dim3A_271) -> (vector<16xf32>, vector<16xf32>, vector<16xf32>, vector<16xf32>, vector<16xf32>, vector<16xf32>, vector<16xf32>, vector<16xf32>)  : i32 {
        %add3A_553 = arith.constant 32 : i32
        %add3A_554 = arith.addi %add3A_553, %scan3A_544 : i32
        %get3A = arith.constant 0 : i32
        %get3A_555 = arith.index_cast %get3A : i32 to index
        %get3A_556 = arith.index_cast %add3A_554 : i32 to index
        %get3A_557 = arith.constant 0 : index
        %get3A_558 = tpu.vector_load %arg8[%get3A_555, %get3A_556, %get3A_557] {strides = array<i32>} : memref<2x128x64xf32, #tpu.memory_space<vmem>>, vector<1x1x16xf32>,
        %get3A_559 = vector.shape_cast %get3A_558 : vector<1x1x16xf32> to vector<16xf32>
        %get3A_560 = arith.constant 0 : i32
        %get3A_561 = arith.index_cast %get3A_560 : i32 to index
        %get3A_562 = arith.index_cast %add3A_554 : i32 to index
        %get3A_563 = arith.constant 0 : index
        %get3A_564 = tpu.vector_load %arg9[%get3A_561, %get3A_562, %get3A_563] {strides = array<i32>} : memref<2x128x128xf32, #tpu.memory_space<vmem>>, vector<1x1x16xf32>,
        %get3A_565 = vector.shape_cast %get3A_564 : vector<1x1x16xf32> to vector<16xf32>
        %add3A_566 = arith.addf %get3A_559, %get3A_565 : vector<16xf32>
        %max3A = arith.constant 0.000000e+00 : f32
        %max3A_567 = vector.broadcast %max3A : f32 to vector<16xf32>
        %max3A_568 = arith.maximumf %add3A_566, %max3A_567 : vector<16xf32>
        %add3A_569 = arith.addf %scan3A_545, %max3A_568 : vector<16xf32>
        %get3A_570 = arith.constant 0 : i32
        %get3A_571 = arith.index_cast %get3A_570 : i32 to index
        %get3A_572 = arith.index_cast %add3A_554 : i32 to index
        %get3A_573 = arith.constant 16 : index
        %get3A_574 = tpu.vector_load %arg8[%get3A_571, %get3A_572, %get3A_573] {strides = array<i32>} : memref<2x128x64xf32, #tpu.memory_space<vmem>>, vector<1x1x16xf32>,
        %get3A_575 = vector.shape_cast %get3A_574 : vector<1x1x16xf32> to vector<16xf32>
        %get3A_576 = arith.constant 0 : i32
        %get3A_577 = arith.index_cast %get3A_576 : i32 to index
        %get3A_578 = arith.index_cast %add3A_554 : i32 to index
        %get3A_579 = arith.constant 16 : index
        %get3A_580 = tpu.vector_load %arg9[%get3A_577, %get3A_578, %get3A_579] {strides = array<i32>} : memref<2x128x128xf32, #tpu.memory_space<vmem>>, vector<1x1x16xf32>,
        %get3A_581 = vector.shape_cast %get3A_580 : vector<1x1x16xf32> to vector<16xf32>
        %add3A_582 = arith.addf %get3A_575, %get3A_581 : vector<16xf32>
        %max3A_583 = arith.constant 0.000000e+00 : f32
        %max3A_584 = vector.broadcast %max3A_583 : f32 to vector<16xf32>
        %max3A_585 = arith.maximumf %add3A_582, %max3A_584 : vector<16xf32>
        %add3A_586 = arith.addf %scan3A_546, %max3A_585 : vector<16xf32>
        %get3A_587 = arith.constant 0 : i32
        %get3A_588 = arith.index_cast %get3A_587 : i32 to index
        %get3A_589 = arith.index_cast %add3A_554 : i32 to index
        %get3A_590 = arith.constant 32 : index
        %get3A_591 = tpu.vector_load %arg8[%get3A_588, %get3A_589, %get3A_590] {strides = array<i32>} : memref<2x128x64xf32, #tpu.memory_space<vmem>>, vector<1x1x16xf32>,
        %get3A_592 = vector.shape_cast %get3A_591 : vector<1x1x16xf32> to vector<16xf32>
        %get3A_593 = arith.constant 0 : i32
        %get3A_594 = arith.index_cast %get3A_593 : i32 to index
        %get3A_595 = arith.index_cast %add3A_554 : i32 to index
        %get3A_596 = arith.constant 32 : index
        %get3A_597 = tpu.vector_load %arg9[%get3A_594, %get3A_595, %get3A_596] {strides = array<i32>} : memref<2x128x128xf32, #tpu.memory_space<vmem>>, vector<1x1x16xf32>,
        %get3A_598 = vector.shape_cast %get3A_597 : vector<1x1x16xf32> to vector<16xf32>
        %add3A_599 = arith.addf %get3A_592, %get3A_598 : vector<16xf32>
        %max3A_600 = arith.constant 0.000000e+00 : f32
        %max3A_601 = vector.broadcast %max3A_600 : f32 to vector<16xf32>
        %max3A_602 = arith.maximumf %add3A_599, %max3A_601 : vector<16xf32>
        %add3A_603 = arith.addf %scan3A_547, %max3A_602 : vector<16xf32>
        %get3A_604 = arith.constant 0 : i32
        %get3A_605 = arith.index_cast %get3A_604 : i32 to index
        %get3A_606 = arith.index_cast %add3A_554 : i32 to index
        %get3A_607 = arith.constant 48 : index
        %get3A_608 = tpu.vector_load %arg8[%get3A_605, %get3A_606, %get3A_607] {strides = array<i32>} : memref<2x128x64xf32, #tpu.memory_space<vmem>>, vector<1x1x16xf32>,
        %get3A_609 = vector.shape_cast %get3A_608 : vector<1x1x16xf32> to vector<16xf32>
        %get3A_610 = arith.constant 0 : i32
        %get3A_611 = arith.index_cast %get3A_610 : i32 to index
        %get3A_612 = arith.index_cast %add3A_554 : i32 to index
        %get3A_613 = arith.constant 48 : index
        %get3A_614 = tpu.vector_load %arg9[%get3A_611, %get3A_612, %get3A_613] {strides = array<i32>} : memref<2x128x128xf32, #tpu.memory_space<vmem>>, vector<1x1x16xf32>,
        %get3A_615 = vector.shape_cast %get3A_614 : vector<1x1x16xf32> to vector<16xf32>
        %add3A_616 = arith.addf %get3A_609, %get3A_615 : vector<16xf32>
        %max3A_617 = arith.constant 0.000000e+00 : f32
        %max3A_618 = vector.broadcast %max3A_617 : f32 to vector<16xf32>
        %max3A_619 = arith.maximumf %add3A_616, %max3A_618 : vector<16xf32>
        %add3A_620 = arith.addf %scan3A_548, %max3A_619 : vector<16xf32>
        %get3A_621 = arith.constant 0 : i32
        %get3A_622 = arith.index_cast %get3A_621 : i32 to index
        %get3A_623 = arith.index_cast %add3A_554 : i32 to index
        %get3A_624 = arith.constant 64 : index
        %get3A_625 = tpu.vector_load %arg9[%get3A_622, %get3A_623, %get3A_624] {strides = array<i32>} : memref<2x128x128xf32, #tpu.memory_space<vmem>>, vector<1x1x16xf32>,
        %get3A_626 = vector.shape_cast %get3A_625 : vector<1x1x16xf32> to vector<16xf32>
        %add3A_627 = arith.addf %scan3A_549, %get3A_626 : vector<16xf32>
        %get3A_628 = arith.constant 0 : i32
        %get3A_629 = arith.index_cast %get3A_628 : i32 to index
        %get3A_630 = arith.index_cast %add3A_554 : i32 to index
        %get3A_631 = arith.constant 80 : index
        %get3A_632 = tpu.vector_load %arg9[%get3A_629, %get3A_630, %get3A_631] {strides = array<i32>} : memref<2x128x128xf32, #tpu.memory_space<vmem>>, vector<1x1x16xf32>,
        %get3A_633 = vector.shape_cast %get3A_632 : vector<1x1x16xf32> to vector<16xf32>
        %add3A_634 = arith.addf %scan3A_550, %get3A_633 : vector<16xf32>
        %get3A_635 = arith.constant 0 : i32
        %get3A_636 = arith.index_cast %get3A_635 : i32 to index
        %get3A_637 = arith.index_cast %add3A_554 : i32 to index
        %get3A_638 = arith.constant 96 : index
        %get3A_639 = tpu.vector_load %arg9[%get3A_636, %get3A_637, %get3A_638] {strides = array<i32>} : memref<2x128x128xf32, #tpu.memory_space<vmem>>, vector<1x1x16xf32>,
        %get3A_640 = vector.shape_cast %get3A_639 : vector<1x1x16xf32> to vector<16xf32>
        %add3A_641 = arith.addf %scan3A_551, %get3A_640 : vector<16xf32>
        %get3A_642 = arith.constant 0 : i32
        %get3A_643 = arith.index_cast %get3A_642 : i32 to index
        %get3A_644 = arith.index_cast %add3A_554 : i32 to index
        %get3A_645 = arith.constant 112 : index
        %get3A_646 = tpu.vector_load %arg9[%get3A_643, %get3A_644, %get3A_645] {strides = array<i32>} : memref<2x128x128xf32, #tpu.memory_space<vmem>>, vector<1x1x16xf32>,
        %get3A_647 = vector.shape_cast %get3A_646 : vector<1x1x16xf32> to vector<16xf32>
        %add3A_648 = arith.addf %scan3A_552, %get3A_647 : vector<16xf32>
        scf.yield %add3A_569, %add3A_586, %add3A_603, %add3A_620, %add3A_627, %add3A_634, %add3A_641, %add3A_648 : vector<16xf32>, vector<16xf32>, vector<16xf32>, vector<16xf32>, vector<16xf32>, vector<16xf32>, vector<16xf32>, vector<16xf32>
      }
      %scan3A_277 = arith.constant 32 : i32
      %swap3A_278 = arith.constant 0 : i32
      %swap3A_279 = arith.constant 1 : i32
      %swap3A_280 = arith.index_cast %swap3A_278 : i32 to index
      %swap3A_281 = arith.index_cast %swap3A_279 : i32 to index
      %swap3A_282 = arith.constant 0 : index
      %swap3A_283 = tpu.vector_load %arg11[%swap3A_280, %swap3A_281, %swap3A_282] {strides = array<i32>} : memref<2x4x64xf32, #tpu.memory_space<vmem>>, vector<1x1x16xf32>,
      %swap3A_284 = vector.shape_cast %swap3A_283 : vector<1x1x16xf32> to vector<16xf32>
      %swap3A_285 = vector.shape_cast %scan3A_276#0 : vector<16xf32> to vector<1x1x16xf32>
      tpu.vector_store %arg11[%swap3A_280, %swap3A_281, %swap3A_282], %swap3A_285 {strides = array<i32>} : memref<2x4x64xf32, #tpu.memory_space<vmem>>, vector<1x1x16xf32>,
      %swap3A_286 = arith.constant 0 : i32
      %swap3A_287 = arith.constant 1 : i32
      %swap3A_288 = arith.index_cast %swap3A_286 : i32 to index
      %swap3A_289 = arith.index_cast %swap3A_287 : i32 to index
      %swap3A_290 = arith.constant 0 : index
      %swap3A_291 = tpu.vector_load %arg10[%swap3A_288, %swap3A_289, %swap3A_290] {strides = array<i32>} : memref<2x4x64xf32, #tpu.memory_space<vmem>>, vector<1x1x16xf32>,
      %swap3A_292 = vector.shape_cast %swap3A_291 : vector<1x1x16xf32> to vector<16xf32>
      %swap3A_293 = vector.shape_cast %scan3A_276#4 : vector<16xf32> to vector<1x1x16xf32>
      tpu.vector_store %arg10[%swap3A_288, %swap3A_289, %swap3A_290], %swap3A_293 {strides = array<i32>} : memref<2x4x64xf32, #tpu.memory_space<vmem>>, vector<1x1x16xf32>,
      %swap3A_294 = arith.constant 0 : i32
      %swap3A_295 = arith.constant 1 : i32
      %swap3A_296 = arith.index_cast %swap3A_294 : i32 to index
      %swap3A_297 = arith.index_cast %swap3A_295 : i32 to index
      %swap3A_298 = arith.constant 16 : index
      %swap3A_299 = tpu.vector_load %arg11[%swap3A_296, %swap3A_297, %swap3A_298] {strides = array<i32>} : memref<2x4x64xf32, #tpu.memory_space<vmem>>, vector<1x1x16xf32>,
      %swap3A_300 = vector.shape_cast %swap3A_299 : vector<1x1x16xf32> to vector<16xf32>
      %swap3A_301 = vector.shape_cast %scan3A_276#1 : vector<16xf32> to vector<1x1x16xf32>
      tpu.vector_store %arg11[%swap3A_296, %swap3A_297, %swap3A_298], %swap3A_301 {strides = array<i32>} : memref<2x4x64xf32, #tpu.memory_space<vmem>>, vector<1x1x16xf32>,
      %swap3A_302 = arith.constant 0 : i32
      %swap3A_303 = arith.constant 1 : i32
      %swap3A_304 = arith.index_cast %swap3A_302 : i32 to index
      %swap3A_305 = arith.index_cast %swap3A_303 : i32 to index
      %swap3A_306 = arith.constant 16 : index
      %swap3A_307 = tpu.vector_load %arg10[%swap3A_304, %swap3A_305, %swap3A_306] {strides = array<i32>} : memref<2x4x64xf32, #tpu.memory_space<vmem>>, vector<1x1x16xf32>,
      %swap3A_308 = vector.shape_cast %swap3A_307 : vector<1x1x16xf32> to vector<16xf32>
      %swap3A_309 = vector.shape_cast %scan3A_276#5 : vector<16xf32> to vector<1x1x16xf32>
      tpu.vector_store %arg10[%swap3A_304, %swap3A_305, %swap3A_306], %swap3A_309 {strides = array<i32>} : memref<2x4x64xf32, #tpu.memory_space<vmem>>, vector<1x1x16xf32>,
      %swap3A_310 = arith.constant 0 : i32
      %swap3A_311 = arith.constant 1 : i32
      %swap3A_312 = arith.index_cast %swap3A_310 : i32 to index
      %swap3A_313 = arith.index_cast %swap3A_311 : i32 to index
      %swap3A_314 = arith.constant 32 : index
      %swap3A_315 = tpu.vector_load %arg11[%swap3A_312, %swap3A_313, %swap3A_314] {strides = array<i32>} : memref<2x4x64xf32, #tpu.memory_space<vmem>>, vector<1x1x16xf32>,
      %swap3A_316 = vector.shape_cast %swap3A_315 : vector<1x1x16xf32> to vector<16xf32>
      %swap3A_317 = vector.shape_cast %scan3A_276#2 : vector<16xf32> to vector<1x1x16xf32>
      tpu.vector_store %arg11[%swap3A_312, %swap3A_313, %swap3A_314], %swap3A_317 {strides = array<i32>} : memref<2x4x64xf32, #tpu.memory_space<vmem>>, vector<1x1x16xf32>,
      %swap3A_318 = arith.constant 0 : i32
      %swap3A_319 = arith.constant 1 : i32
      %swap3A_320 = arith.index_cast %swap3A_318 : i32 to index
      %swap3A_321 = arith.index_cast %swap3A_319 : i32 to index
      %swap3A_322 = arith.constant 32 : index
      %swap3A_323 = tpu.vector_load %arg10[%swap3A_320, %swap3A_321, %swap3A_322] {strides = array<i32>} : memref<2x4x64xf32, #tpu.memory_space<vmem>>, vector<1x1x16xf32>,
      %swap3A_324 = vector.shape_cast %swap3A_323 : vector<1x1x16xf32> to vector<16xf32>
      %swap3A_325 = vector.shape_cast %scan3A_276#6 : vector<16xf32> to vector<1x1x16xf32>
      tpu.vector_store %arg10[%swap3A_320, %swap3A_321, %swap3A_322], %swap3A_325 {strides = array<i32>} : memref<2x4x64xf32, #tpu.memory_space<vmem>>, vector<1x1x16xf32>,
      %swap3A_326 = arith.constant 0 : i32
      %swap3A_327 = arith.constant 1 : i32
      %swap3A_328 = arith.index_cast %swap3A_326 : i32 to index
      %swap3A_329 = arith.index_cast %swap3A_327 : i32 to index
      %swap3A_330 = arith.constant 48 : index
      %swap3A_331 = tpu.vector_load %arg11[%swap3A_328, %swap3A_329, %swap3A_330] {strides = array<i32>} : memref<2x4x64xf32, #tpu.memory_space<vmem>>, vector<1x1x16xf32>,
      %swap3A_332 = vector.shape_cast %swap3A_331 : vector<1x1x16xf32> to vector<16xf32>
      %swap3A_333 = vector.shape_cast %scan3A_276#3 : vector<16xf32> to vector<1x1x16xf32>
      tpu.vector_store %arg11[%swap3A_328, %swap3A_329, %swap3A_330], %swap3A_333 {strides = array<i32>} : memref<2x4x64xf32, #tpu.memory_space<vmem>>, vector<1x1x16xf32>,
      %swap3A_334 = arith.constant 0 : i32
      %swap3A_335 = arith.constant 1 : i32
      %swap3A_336 = arith.index_cast %swap3A_334 : i32 to index
      %swap3A_337 = arith.index_cast %swap3A_335 : i32 to index
      %swap3A_338 = arith.constant 48 : index
      %swap3A_339 = tpu.vector_load %arg10[%swap3A_336, %swap3A_337, %swap3A_338] {strides = array<i32>} : memref<2x4x64xf32, #tpu.memory_space<vmem>>, vector<1x1x16xf32>,
      %swap3A_340 = vector.shape_cast %swap3A_339 : vector<1x1x16xf32> to vector<16xf32>
      %swap3A_341 = vector.shape_cast %scan3A_276#7 : vector<16xf32> to vector<1x1x16xf32>
      tpu.vector_store %arg10[%swap3A_336, %swap3A_337, %swap3A_338], %swap3A_341 {strides = array<i32>} : memref<2x4x64xf32, #tpu.memory_space<vmem>>, vector<1x1x16xf32>,
      %broadcast_in_dim3A_342 = arith.constant 0.000000e+00 : f32
      %broadcast_in_dim3A_343 = vector.broadcast %broadcast_in_dim3A_342 : f32 to vector<16xf32>
      %broadcast_in_dim3A_344 = arith.constant 0.000000e+00 : f32
      %broadcast_in_dim3A_345 = vector.broadcast %broadcast_in_dim3A_344 : f32 to vector<16xf32>
      %broadcast_in_dim3A_346 = arith.constant 0.000000e+00 : f32
      %broadcast_in_dim3A_347 = vector.broadcast %broadcast_in_dim3A_346 : f32 to vector<16xf32>
      %broadcast_in_dim3A_348 = arith.constant 0.000000e+00 : f32
      %broadcast_in_dim3A_349 = vector.broadcast %broadcast_in_dim3A_348 : f32 to vector<16xf32>
      %broadcast_in_dim3A_350 = arith.constant 0.000000e+00 : f32
      %broadcast_in_dim3A_351 = vector.broadcast %broadcast_in_dim3A_350 : f32 to vector<16xf32>
      %broadcast_in_dim3A_352 = arith.constant 0.000000e+00 : f32
      %broadcast_in_dim3A_353 = vector.broadcast %broadcast_in_dim3A_352 : f32 to vector<16xf32>
      %broadcast_in_dim3A_354 = arith.constant 0.000000e+00 : f32
      %broadcast_in_dim3A_355 = vector.broadcast %broadcast_in_dim3A_354 : f32 to vector<16xf32>
      %broadcast_in_dim3A_356 = arith.constant 0.000000e+00 : f32
      %broadcast_in_dim3A_357 = vector.broadcast %broadcast_in_dim3A_356 : f32 to vector<16xf32>
      %scan3A_358 = arith.constant 0 : i32
      %scan3A_359 = arith.constant 32 : i32
      %scan3A_360 = arith.addi %scan3A_358, %scan3A_359 : i32
      %scan3A_361 = arith.constant 1 : i32
      %scan3A_362:8 = scf.for %scan3A_544 = %scan3A_358 to %scan3A_360 step %scan3A_361 iter_args(%scan3A_545 = %broadcast_in_dim3A_343, %scan3A_546 = %broadcast_in_dim3A_345, %scan3A_547 = %broadcast_in_dim3A_347, %scan3A_548 = %broadcast_in_dim3A_349, %scan3A_549 = %broadcast_in_dim3A_351, %scan3A_550 = %broadcast_in_dim3A_353, %scan3A_551 = %broadcast_in_dim3A_355, %scan3A_552 = %broadcast_in_dim3A_357) -> (vector<16xf32>, vector<16xf32>, vector<16xf32>, vector<16xf32>, vector<16xf32>, vector<16xf32>, vector<16xf32>, vector<16xf32>)  : i32 {
        %add3A_553 = arith.constant 64 : i32
        %add3A_554 = arith.addi %add3A_553, %scan3A_544 : i32
        %get3A = arith.constant 0 : i32
        %get3A_555 = arith.index_cast %get3A : i32 to index
        %get3A_556 = arith.index_cast %add3A_554 : i32 to index
        %get3A_557 = arith.constant 0 : index
        %get3A_558 = tpu.vector_load %arg8[%get3A_555, %get3A_556, %get3A_557] {strides = array<i32>} : memref<2x128x64xf32, #tpu.memory_space<vmem>>, vector<1x1x16xf32>,
        %get3A_559 = vector.shape_cast %get3A_558 : vector<1x1x16xf32> to vector<16xf32>
        %get3A_560 = arith.constant 0 : i32
        %get3A_561 = arith.index_cast %get3A_560 : i32 to index
        %get3A_562 = arith.index_cast %add3A_554 : i32 to index
        %get3A_563 = arith.constant 0 : index
        %get3A_564 = tpu.vector_load %arg9[%get3A_561, %get3A_562, %get3A_563] {strides = array<i32>} : memref<2x128x128xf32, #tpu.memory_space<vmem>>, vector<1x1x16xf32>,
        %get3A_565 = vector.shape_cast %get3A_564 : vector<1x1x16xf32> to vector<16xf32>
        %add3A_566 = arith.addf %get3A_559, %get3A_565 : vector<16xf32>
        %max3A = arith.constant 0.000000e+00 : f32
        %max3A_567 = vector.broadcast %max3A : f32 to vector<16xf32>
        %max3A_568 = arith.maximumf %add3A_566, %max3A_567 : vector<16xf32>
        %add3A_569 = arith.addf %scan3A_545, %max3A_568 : vector<16xf32>
        %get3A_570 = arith.constant 0 : i32
        %get3A_571 = arith.index_cast %get3A_570 : i32 to index
        %get3A_572 = arith.index_cast %add3A_554 : i32 to index
        %get3A_573 = arith.constant 16 : index
        %get3A_574 = tpu.vector_load %arg8[%get3A_571, %get3A_572, %get3A_573] {strides = array<i32>} : memref<2x128x64xf32, #tpu.memory_space<vmem>>, vector<1x1x16xf32>,
        %get3A_575 = vector.shape_cast %get3A_574 : vector<1x1x16xf32> to vector<16xf32>
        %get3A_576 = arith.constant 0 : i32
        %get3A_577 = arith.index_cast %get3A_576 : i32 to index
        %get3A_578 = arith.index_cast %add3A_554 : i32 to index
        %get3A_579 = arith.constant 16 : index
        %get3A_580 = tpu.vector_load %arg9[%get3A_577, %get3A_578, %get3A_579] {strides = array<i32>} : memref<2x128x128xf32, #tpu.memory_space<vmem>>, vector<1x1x16xf32>,
        %get3A_581 = vector.shape_cast %get3A_580 : vector<1x1x16xf32> to vector<16xf32>
        %add3A_582 = arith.addf %get3A_575, %get3A_581 : vector<16xf32>
        %max3A_583 = arith.constant 0.000000e+00 : f32
        %max3A_584 = vector.broadcast %max3A_583 : f32 to vector<16xf32>
        %max3A_585 = arith.maximumf %add3A_582, %max3A_584 : vector<16xf32>
        %add3A_586 = arith.addf %scan3A_546, %max3A_585 : vector<16xf32>
        %get3A_587 = arith.constant 0 : i32
        %get3A_588 = arith.index_cast %get3A_587 : i32 to index
        %get3A_589 = arith.index_cast %add3A_554 : i32 to index
        %get3A_590 = arith.constant 32 : index
        %get3A_591 = tpu.vector_load %arg8[%get3A_588, %get3A_589, %get3A_590] {strides = array<i32>} : memref<2x128x64xf32, #tpu.memory_space<vmem>>, vector<1x1x16xf32>,
        %get3A_592 = vector.shape_cast %get3A_591 : vector<1x1x16xf32> to vector<16xf32>
        %get3A_593 = arith.constant 0 : i32
        %get3A_594 = arith.index_cast %get3A_593 : i32 to index
        %get3A_595 = arith.index_cast %add3A_554 : i32 to index
        %get3A_596 = arith.constant 32 : index
        %get3A_597 = tpu.vector_load %arg9[%get3A_594, %get3A_595, %get3A_596] {strides = array<i32>} : memref<2x128x128xf32, #tpu.memory_space<vmem>>, vector<1x1x16xf32>,
        %get3A_598 = vector.shape_cast %get3A_597 : vector<1x1x16xf32> to vector<16xf32>
        %add3A_599 = arith.addf %get3A_592, %get3A_598 : vector<16xf32>
        %max3A_600 = arith.constant 0.000000e+00 : f32
        %max3A_601 = vector.broadcast %max3A_600 : f32 to vector<16xf32>
        %max3A_602 = arith.maximumf %add3A_599, %max3A_601 : vector<16xf32>
        %add3A_603 = arith.addf %scan3A_547, %max3A_602 : vector<16xf32>
        %get3A_604 = arith.constant 0 : i32
        %get3A_605 = arith.index_cast %get3A_604 : i32 to index
        %get3A_606 = arith.index_cast %add3A_554 : i32 to index
        %get3A_607 = arith.constant 48 : index
        %get3A_608 = tpu.vector_load %arg8[%get3A_605, %get3A_606, %get3A_607] {strides = array<i32>} : memref<2x128x64xf32, #tpu.memory_space<vmem>>, vector<1x1x16xf32>,
        %get3A_609 = vector.shape_cast %get3A_608 : vector<1x1x16xf32> to vector<16xf32>
        %get3A_610 = arith.constant 0 : i32
        %get3A_611 = arith.index_cast %get3A_610 : i32 to index
        %get3A_612 = arith.index_cast %add3A_554 : i32 to index
        %get3A_613 = arith.constant 48 : index
        %get3A_614 = tpu.vector_load %arg9[%get3A_611, %get3A_612, %get3A_613] {strides = array<i32>} : memref<2x128x128xf32, #tpu.memory_space<vmem>>, vector<1x1x16xf32>,
        %get3A_615 = vector.shape_cast %get3A_614 : vector<1x1x16xf32> to vector<16xf32>
        %add3A_616 = arith.addf %get3A_609, %get3A_615 : vector<16xf32>
        %max3A_617 = arith.constant 0.000000e+00 : f32
        %max3A_618 = vector.broadcast %max3A_617 : f32 to vector<16xf32>
        %max3A_619 = arith.maximumf %add3A_616, %max3A_618 : vector<16xf32>
        %add3A_620 = arith.addf %scan3A_548, %max3A_619 : vector<16xf32>
        %get3A_621 = arith.constant 0 : i32
        %get3A_622 = arith.index_cast %get3A_621 : i32 to index
        %get3A_623 = arith.index_cast %add3A_554 : i32 to index
        %get3A_624 = arith.constant 64 : index
        %get3A_625 = tpu.vector_load %arg9[%get3A_622, %get3A_623, %get3A_624] {strides = array<i32>} : memref<2x128x128xf32, #tpu.memory_space<vmem>>, vector<1x1x16xf32>,
        %get3A_626 = vector.shape_cast %get3A_625 : vector<1x1x16xf32> to vector<16xf32>
        %add3A_627 = arith.addf %scan3A_549, %get3A_626 : vector<16xf32>
        %get3A_628 = arith.constant 0 : i32
        %get3A_629 = arith.index_cast %get3A_628 : i32 to index
        %get3A_630 = arith.index_cast %add3A_554 : i32 to index
        %get3A_631 = arith.constant 80 : index
        %get3A_632 = tpu.vector_load %arg9[%get3A_629, %get3A_630, %get3A_631] {strides = array<i32>} : memref<2x128x128xf32, #tpu.memory_space<vmem>>, vector<1x1x16xf32>,
        %get3A_633 = vector.shape_cast %get3A_632 : vector<1x1x16xf32> to vector<16xf32>
        %add3A_634 = arith.addf %scan3A_550, %get3A_633 : vector<16xf32>
        %get3A_635 = arith.constant 0 : i32
        %get3A_636 = arith.index_cast %get3A_635 : i32 to index
        %get3A_637 = arith.index_cast %add3A_554 : i32 to index
        %get3A_638 = arith.constant 96 : index
        %get3A_639 = tpu.vector_load %arg9[%get3A_636, %get3A_637, %get3A_638] {strides = array<i32>} : memref<2x128x128xf32, #tpu.memory_space<vmem>>, vector<1x1x16xf32>,
        %get3A_640 = vector.shape_cast %get3A_639 : vector<1x1x16xf32> to vector<16xf32>
        %add3A_641 = arith.addf %scan3A_551, %get3A_640 : vector<16xf32>
        %get3A_642 = arith.constant 0 : i32
        %get3A_643 = arith.index_cast %get3A_642 : i32 to index
        %get3A_644 = arith.index_cast %add3A_554 : i32 to index
        %get3A_645 = arith.constant 112 : index
        %get3A_646 = tpu.vector_load %arg9[%get3A_643, %get3A_644, %get3A_645] {strides = array<i32>} : memref<2x128x128xf32, #tpu.memory_space<vmem>>, vector<1x1x16xf32>,
        %get3A_647 = vector.shape_cast %get3A_646 : vector<1x1x16xf32> to vector<16xf32>
        %add3A_648 = arith.addf %scan3A_552, %get3A_647 : vector<16xf32>
        scf.yield %add3A_569, %add3A_586, %add3A_603, %add3A_620, %add3A_627, %add3A_634, %add3A_641, %add3A_648 : vector<16xf32>, vector<16xf32>, vector<16xf32>, vector<16xf32>, vector<16xf32>, vector<16xf32>, vector<16xf32>, vector<16xf32>
      }
      %scan3A_363 = arith.constant 32 : i32
      %swap3A_364 = arith.constant 0 : i32
      %swap3A_365 = arith.constant 2 : i32
      %swap3A_366 = arith.index_cast %swap3A_364 : i32 to index
      %swap3A_367 = arith.index_cast %swap3A_365 : i32 to index
      %swap3A_368 = arith.constant 0 : index
      %swap3A_369 = tpu.vector_load %arg11[%swap3A_366, %swap3A_367, %swap3A_368] {strides = array<i32>} : memref<2x4x64xf32, #tpu.memory_space<vmem>>, vector<1x1x16xf32>,
      %swap3A_370 = vector.shape_cast %swap3A_369 : vector<1x1x16xf32> to vector<16xf32>
      %swap3A_371 = vector.shape_cast %scan3A_362#0 : vector<16xf32> to vector<1x1x16xf32>
      tpu.vector_store %arg11[%swap3A_366, %swap3A_367, %swap3A_368], %swap3A_371 {strides = array<i32>} : memref<2x4x64xf32, #tpu.memory_space<vmem>>, vector<1x1x16xf32>,
      %swap3A_372 = arith.constant 0 : i32
      %swap3A_373 = arith.constant 2 : i32
      %swap3A_374 = arith.index_cast %swap3A_372 : i32 to index
      %swap3A_375 = arith.index_cast %swap3A_373 : i32 to index
      %swap3A_376 = arith.constant 0 : index
      %swap3A_377 = tpu.vector_load %arg10[%swap3A_374, %swap3A_375, %swap3A_376] {strides = array<i32>} : memref<2x4x64xf32, #tpu.memory_space<vmem>>, vector<1x1x16xf32>,
      %swap3A_378 = vector.shape_cast %swap3A_377 : vector<1x1x16xf32> to vector<16xf32>
      %swap3A_379 = vector.shape_cast %scan3A_362#4 : vector<16xf32> to vector<1x1x16xf32>
      tpu.vector_store %arg10[%swap3A_374, %swap3A_375, %swap3A_376], %swap3A_379 {strides = array<i32>} : memref<2x4x64xf32, #tpu.memory_space<vmem>>, vector<1x1x16xf32>,
      %swap3A_380 = arith.constant 0 : i32
      %swap3A_381 = arith.constant 2 : i32
      %swap3A_382 = arith.index_cast %swap3A_380 : i32 to index
      %swap3A_383 = arith.index_cast %swap3A_381 : i32 to index
      %swap3A_384 = arith.constant 16 : index
      %swap3A_385 = tpu.vector_load %arg11[%swap3A_382, %swap3A_383, %swap3A_384] {strides = array<i32>} : memref<2x4x64xf32, #tpu.memory_space<vmem>>, vector<1x1x16xf32>,
      %swap3A_386 = vector.shape_cast %swap3A_385 : vector<1x1x16xf32> to vector<16xf32>
      %swap3A_387 = vector.shape_cast %scan3A_362#1 : vector<16xf32> to vector<1x1x16xf32>
      tpu.vector_store %arg11[%swap3A_382, %swap3A_383, %swap3A_384], %swap3A_387 {strides = array<i32>} : memref<2x4x64xf32, #tpu.memory_space<vmem>>, vector<1x1x16xf32>,
      %swap3A_388 = arith.constant 0 : i32
      %swap3A_389 = arith.constant 2 : i32
      %swap3A_390 = arith.index_cast %swap3A_388 : i32 to index
      %swap3A_391 = arith.index_cast %swap3A_389 : i32 to index
      %swap3A_392 = arith.constant 16 : index
      %swap3A_393 = tpu.vector_load %arg10[%swap3A_390, %swap3A_391, %swap3A_392] {strides = array<i32>} : memref<2x4x64xf32, #tpu.memory_space<vmem>>, vector<1x1x16xf32>,
      %swap3A_394 = vector.shape_cast %swap3A_393 : vector<1x1x16xf32> to vector<16xf32>
      %swap3A_395 = vector.shape_cast %scan3A_362#5 : vector<16xf32> to vector<1x1x16xf32>
      tpu.vector_store %arg10[%swap3A_390, %swap3A_391, %swap3A_392], %swap3A_395 {strides = array<i32>} : memref<2x4x64xf32, #tpu.memory_space<vmem>>, vector<1x1x16xf32>,
      %swap3A_396 = arith.constant 0 : i32
      %swap3A_397 = arith.constant 2 : i32
      %swap3A_398 = arith.index_cast %swap3A_396 : i32 to index
      %swap3A_399 = arith.index_cast %swap3A_397 : i32 to index
      %swap3A_400 = arith.constant 32 : index
      %swap3A_401 = tpu.vector_load %arg11[%swap3A_398, %swap3A_399, %swap3A_400] {strides = array<i32>} : memref<2x4x64xf32, #tpu.memory_space<vmem>>, vector<1x1x16xf32>,
      %swap3A_402 = vector.shape_cast %swap3A_401 : vector<1x1x16xf32> to vector<16xf32>
      %swap3A_403 = vector.shape_cast %scan3A_362#2 : vector<16xf32> to vector<1x1x16xf32>
      tpu.vector_store %arg11[%swap3A_398, %swap3A_399, %swap3A_400], %swap3A_403 {strides = array<i32>} : memref<2x4x64xf32, #tpu.memory_space<vmem>>, vector<1x1x16xf32>,
      %swap3A_404 = arith.constant 0 : i32
      %swap3A_405 = arith.constant 2 : i32
      %swap3A_406 = arith.index_cast %swap3A_404 : i32 to index
      %swap3A_407 = arith.index_cast %swap3A_405 : i32 to index
      %swap3A_408 = arith.constant 32 : index
      %swap3A_409 = tpu.vector_load %arg10[%swap3A_406, %swap3A_407, %swap3A_408] {strides = array<i32>} : memref<2x4x64xf32, #tpu.memory_space<vmem>>, vector<1x1x16xf32>,
      %swap3A_410 = vector.shape_cast %swap3A_409 : vector<1x1x16xf32> to vector<16xf32>
      %swap3A_411 = vector.shape_cast %scan3A_362#6 : vector<16xf32> to vector<1x1x16xf32>
      tpu.vector_store %arg10[%swap3A_406, %swap3A_407, %swap3A_408], %swap3A_411 {strides = array<i32>} : memref<2x4x64xf32, #tpu.memory_space<vmem>>, vector<1x1x16xf32>,
      %swap3A_412 = arith.constant 0 : i32
      %swap3A_413 = arith.constant 2 : i32
      %swap3A_414 = arith.index_cast %swap3A_412 : i32 to index
      %swap3A_415 = arith.index_cast %swap3A_413 : i32 to index
      %swap3A_416 = arith.constant 48 : index
      %swap3A_417 = tpu.vector_load %arg11[%swap3A_414, %swap3A_415, %swap3A_416] {strides = array<i32>} : memref<2x4x64xf32, #tpu.memory_space<vmem>>, vector<1x1x16xf32>,
      %swap3A_418 = vector.shape_cast %swap3A_417 : vector<1x1x16xf32> to vector<16xf32>
      %swap3A_419 = vector.shape_cast %scan3A_362#3 : vector<16xf32> to vector<1x1x16xf32>
      tpu.vector_store %arg11[%swap3A_414, %swap3A_415, %swap3A_416], %swap3A_419 {strides = array<i32>} : memref<2x4x64xf32, #tpu.memory_space<vmem>>, vector<1x1x16xf32>,
      %swap3A_420 = arith.constant 0 : i32
      %swap3A_421 = arith.constant 2 : i32
      %swap3A_422 = arith.index_cast %swap3A_420 : i32 to index
      %swap3A_423 = arith.index_cast %swap3A_421 : i32 to index
      %swap3A_424 = arith.constant 48 : index
      %swap3A_425 = tpu.vector_load %arg10[%swap3A_422, %swap3A_423, %swap3A_424] {strides = array<i32>} : memref<2x4x64xf32, #tpu.memory_space<vmem>>, vector<1x1x16xf32>,
      %swap3A_426 = vector.shape_cast %swap3A_425 : vector<1x1x16xf32> to vector<16xf32>
      %swap3A_427 = vector.shape_cast %scan3A_362#7 : vector<16xf32> to vector<1x1x16xf32>
      tpu.vector_store %arg10[%swap3A_422, %swap3A_423, %swap3A_424], %swap3A_427 {strides = array<i32>} : memref<2x4x64xf32, #tpu.memory_space<vmem>>, vector<1x1x16xf32>,
      %broadcast_in_dim3A_428 = arith.constant 0.000000e+00 : f32
      %broadcast_in_dim3A_429 = vector.broadcast %broadcast_in_dim3A_428 : f32 to vector<16xf32>
      %broadcast_in_dim3A_430 = arith.constant 0.000000e+00 : f32
      %broadcast_in_dim3A_431 = vector.broadcast %broadcast_in_dim3A_430 : f32 to vector<16xf32>
      %broadcast_in_dim3A_432 = arith.constant 0.000000e+00 : f32
      %broadcast_in_dim3A_433 = vector.broadcast %broadcast_in_dim3A_432 : f32 to vector<16xf32>
      %broadcast_in_dim3A_434 = arith.constant 0.000000e+00 : f32
      %broadcast_in_dim3A_435 = vector.broadcast %broadcast_in_dim3A_434 : f32 to vector<16xf32>
      %broadcast_in_dim3A_436 = arith.constant 0.000000e+00 : f32
      %broadcast_in_dim3A_437 = vector.broadcast %broadcast_in_dim3A_436 : f32 to vector<16xf32>
      %broadcast_in_dim3A_438 = arith.constant 0.000000e+00 : f32
      %broadcast_in_dim3A_439 = vector.broadcast %broadcast_in_dim3A_438 : f32 to vector<16xf32>
      %broadcast_in_dim3A_440 = arith.constant 0.000000e+00 : f32
      %broadcast_in_dim3A_441 = vector.broadcast %broadcast_in_dim3A_440 : f32 to vector<16xf32>
      %broadcast_in_dim3A_442 = arith.constant 0.000000e+00 : f32
      %broadcast_in_dim3A_443 = vector.broadcast %broadcast_in_dim3A_442 : f32 to vector<16xf32>
      %scan3A_444 = arith.constant 0 : i32
      %scan3A_445 = arith.constant 32 : i32
      %scan3A_446 = arith.addi %scan3A_444, %scan3A_445 : i32
      %scan3A_447 = arith.constant 1 : i32
      %scan3A_448:8 = scf.for %scan3A_544 = %scan3A_444 to %scan3A_446 step %scan3A_447 iter_args(%scan3A_545 = %broadcast_in_dim3A_429, %scan3A_546 = %broadcast_in_dim3A_431, %scan3A_547 = %broadcast_in_dim3A_433, %scan3A_548 = %broadcast_in_dim3A_435, %scan3A_549 = %broadcast_in_dim3A_437, %scan3A_550 = %broadcast_in_dim3A_439, %scan3A_551 = %broadcast_in_dim3A_441, %scan3A_552 = %broadcast_in_dim3A_443) -> (vector<16xf32>, vector<16xf32>, vector<16xf32>, vector<16xf32>, vector<16xf32>, vector<16xf32>, vector<16xf32>, vector<16xf32>)  : i32 {
        %add3A_553 = arith.constant 96 : i32
        %add3A_554 = arith.addi %add3A_553, %scan3A_544 : i32
        %get3A = arith.constant 0 : i32
        %get3A_555 = arith.index_cast %get3A : i32 to index
        %get3A_556 = arith.index_cast %add3A_554 : i32 to index
        %get3A_557 = arith.constant 0 : index
        %get3A_558 = tpu.vector_load %arg8[%get3A_555, %get3A_556, %get3A_557] {strides = array<i32>} : memref<2x128x64xf32, #tpu.memory_space<vmem>>, vector<1x1x16xf32>,
        %get3A_559 = vector.shape_cast %get3A_558 : vector<1x1x16xf32> to vector<16xf32>
        %get3A_560 = arith.constant 0 : i32
        %get3A_561 = arith.index_cast %get3A_560 : i32 to index
        %get3A_562 = arith.index_cast %add3A_554 : i32 to index
        %get3A_563 = arith.constant 0 : index
        %get3A_564 = tpu.vector_load %arg9[%get3A_561, %get3A_562, %get3A_563] {strides = array<i32>} : memref<2x128x128xf32, #tpu.memory_space<vmem>>, vector<1x1x16xf32>,
        %get3A_565 = vector.shape_cast %get3A_564 : vector<1x1x16xf32> to vector<16xf32>
        %add3A_566 = arith.addf %get3A_559, %get3A_565 : vector<16xf32>
        %max3A = arith.constant 0.000000e+00 : f32
        %max3A_567 = vector.broadcast %max3A : f32 to vector<16xf32>
        %max3A_568 = arith.maximumf %add3A_566, %max3A_567 : vector<16xf32>
        %add3A_569 = arith.addf %scan3A_545, %max3A_568 : vector<16xf32>
        %get3A_570 = arith.constant 0 : i32
        %get3A_571 = arith.index_cast %get3A_570 : i32 to index
        %get3A_572 = arith.index_cast %add3A_554 : i32 to index
        %get3A_573 = arith.constant 16 : index
        %get3A_574 = tpu.vector_load %arg8[%get3A_571, %get3A_572, %get3A_573] {strides = array<i32>} : memref<2x128x64xf32, #tpu.memory_space<vmem>>, vector<1x1x16xf32>,
        %get3A_575 = vector.shape_cast %get3A_574 : vector<1x1x16xf32> to vector<16xf32>
        %get3A_576 = arith.constant 0 : i32
        %get3A_577 = arith.index_cast %get3A_576 : i32 to index
        %get3A_578 = arith.index_cast %add3A_554 : i32 to index
        %get3A_579 = arith.constant 16 : index
        %get3A_580 = tpu.vector_load %arg9[%get3A_577, %get3A_578, %get3A_579] {strides = array<i32>} : memref<2x128x128xf32, #tpu.memory_space<vmem>>, vector<1x1x16xf32>,
        %get3A_581 = vector.shape_cast %get3A_580 : vector<1x1x16xf32> to vector<16xf32>
        %add3A_582 = arith.addf %get3A_575, %get3A_581 : vector<16xf32>
        %max3A_583 = arith.constant 0.000000e+00 : f32
        %max3A_584 = vector.broadcast %max3A_583 : f32 to vector<16xf32>
        %max3A_585 = arith.maximumf %add3A_582, %max3A_584 : vector<16xf32>
        %add3A_586 = arith.addf %scan3A_546, %max3A_585 : vector<16xf32>
        %get3A_587 = arith.constant 0 : i32
        %get3A_588 = arith.index_cast %get3A_587 : i32 to index
        %get3A_589 = arith.index_cast %add3A_554 : i32 to index
        %get3A_590 = arith.constant 32 : index
        %get3A_591 = tpu.vector_load %arg8[%get3A_588, %get3A_589, %get3A_590] {strides = array<i32>} : memref<2x128x64xf32, #tpu.memory_space<vmem>>, vector<1x1x16xf32>,
        %get3A_592 = vector.shape_cast %get3A_591 : vector<1x1x16xf32> to vector<16xf32>
        %get3A_593 = arith.constant 0 : i32
        %get3A_594 = arith.index_cast %get3A_593 : i32 to index
        %get3A_595 = arith.index_cast %add3A_554 : i32 to index
        %get3A_596 = arith.constant 32 : index
        %get3A_597 = tpu.vector_load %arg9[%get3A_594, %get3A_595, %get3A_596] {strides = array<i32>} : memref<2x128x128xf32, #tpu.memory_space<vmem>>, vector<1x1x16xf32>,
        %get3A_598 = vector.shape_cast %get3A_597 : vector<1x1x16xf32> to vector<16xf32>
        %add3A_599 = arith.addf %get3A_592, %get3A_598 : vector<16xf32>
        %max3A_600 = arith.constant 0.000000e+00 : f32
        %max3A_601 = vector.broadcast %max3A_600 : f32 to vector<16xf32>
        %max3A_602 = arith.maximumf %add3A_599, %max3A_601 : vector<16xf32>
        %add3A_603 = arith.addf %scan3A_547, %max3A_602 : vector<16xf32>
        %get3A_604 = arith.constant 0 : i32
        %get3A_605 = arith.index_cast %get3A_604 : i32 to index
        %get3A_606 = arith.index_cast %add3A_554 : i32 to index
        %get3A_607 = arith.constant 48 : index
        %get3A_608 = tpu.vector_load %arg8[%get3A_605, %get3A_606, %get3A_607] {strides = array<i32>} : memref<2x128x64xf32, #tpu.memory_space<vmem>>, vector<1x1x16xf32>,
        %get3A_609 = vector.shape_cast %get3A_608 : vector<1x1x16xf32> to vector<16xf32>
        %get3A_610 = arith.constant 0 : i32
        %get3A_611 = arith.index_cast %get3A_610 : i32 to index
        %get3A_612 = arith.index_cast %add3A_554 : i32 to index
        %get3A_613 = arith.constant 48 : index
        %get3A_614 = tpu.vector_load %arg9[%get3A_611, %get3A_612, %get3A_613] {strides = array<i32>} : memref<2x128x128xf32, #tpu.memory_space<vmem>>, vector<1x1x16xf32>,
        %get3A_615 = vector.shape_cast %get3A_614 : vector<1x1x16xf32> to vector<16xf32>
        %add3A_616 = arith.addf %get3A_609, %get3A_615 : vector<16xf32>
        %max3A_617 = arith.constant 0.000000e+00 : f32
        %max3A_618 = vector.broadcast %max3A_617 : f32 to vector<16xf32>
        %max3A_619 = arith.maximumf %add3A_616, %max3A_618 : vector<16xf32>
        %add3A_620 = arith.addf %scan3A_548, %max3A_619 : vector<16xf32>
        %get3A_621 = arith.constant 0 : i32
        %get3A_622 = arith.index_cast %get3A_621 : i32 to index
        %get3A_623 = arith.index_cast %add3A_554 : i32 to index
        %get3A_624 = arith.constant 64 : index
        %get3A_625 = tpu.vector_load %arg9[%get3A_622, %get3A_623, %get3A_624] {strides = array<i32>} : memref<2x128x128xf32, #tpu.memory_space<vmem>>, vector<1x1x16xf32>,
        %get3A_626 = vector.shape_cast %get3A_625 : vector<1x1x16xf32> to vector<16xf32>
        %add3A_627 = arith.addf %scan3A_549, %get3A_626 : vector<16xf32>
        %get3A_628 = arith.constant 0 : i32
        %get3A_629 = arith.index_cast %get3A_628 : i32 to index
        %get3A_630 = arith.index_cast %add3A_554 : i32 to index
        %get3A_631 = arith.constant 80 : index
        %get3A_632 = tpu.vector_load %arg9[%get3A_629, %get3A_630, %get3A_631] {strides = array<i32>} : memref<2x128x128xf32, #tpu.memory_space<vmem>>, vector<1x1x16xf32>,
        %get3A_633 = vector.shape_cast %get3A_632 : vector<1x1x16xf32> to vector<16xf32>
        %add3A_634 = arith.addf %scan3A_550, %get3A_633 : vector<16xf32>
        %get3A_635 = arith.constant 0 : i32
        %get3A_636 = arith.index_cast %get3A_635 : i32 to index
        %get3A_637 = arith.index_cast %add3A_554 : i32 to index
        %get3A_638 = arith.constant 96 : index
        %get3A_639 = tpu.vector_load %arg9[%get3A_636, %get3A_637, %get3A_638] {strides = array<i32>} : memref<2x128x128xf32, #tpu.memory_space<vmem>>, vector<1x1x16xf32>,
        %get3A_640 = vector.shape_cast %get3A_639 : vector<1x1x16xf32> to vector<16xf32>
        %add3A_641 = arith.addf %scan3A_551, %get3A_640 : vector<16xf32>
        %get3A_642 = arith.constant 0 : i32
        %get3A_643 = arith.index_cast %get3A_642 : i32 to index
        %get3A_644 = arith.index_cast %add3A_554 : i32 to index
        %get3A_645 = arith.constant 112 : index
        %get3A_646 = tpu.vector_load %arg9[%get3A_643, %get3A_644, %get3A_645] {strides = array<i32>} : memref<2x128x128xf32, #tpu.memory_space<vmem>>, vector<1x1x16xf32>,
        %get3A_647 = vector.shape_cast %get3A_646 : vector<1x1x16xf32> to vector<16xf32>
        %add3A_648 = arith.addf %scan3A_552, %get3A_647 : vector<16xf32>
        scf.yield %add3A_569, %add3A_586, %add3A_603, %add3A_620, %add3A_627, %add3A_634, %add3A_641, %add3A_648 : vector<16xf32>, vector<16xf32>, vector<16xf32>, vector<16xf32>, vector<16xf32>, vector<16xf32>, vector<16xf32>, vector<16xf32>
      }
      %scan3A_449 = arith.constant 32 : i32
      %swap3A_450 = arith.constant 0 : i32
      %swap3A_451 = arith.constant 3 : i32
      %swap3A_452 = arith.index_cast %swap3A_450 : i32 to index
      %swap3A_453 = arith.index_cast %swap3A_451 : i32 to index
      %swap3A_454 = arith.constant 0 : index
      %swap3A_455 = tpu.vector_load %arg11[%swap3A_452, %swap3A_453, %swap3A_454] {strides = array<i32>} : memref<2x4x64xf32, #tpu.memory_space<vmem>>, vector<1x1x16xf32>,
      %swap3A_456 = vector.shape_cast %swap3A_455 : vector<1x1x16xf32> to vector<16xf32>
      %swap3A_457 = vector.shape_cast %scan3A_448#0 : vector<16xf32> to vector<1x1x16xf32>
      tpu.vector_store %arg11[%swap3A_452, %swap3A_453, %swap3A_454], %swap3A_457 {strides = array<i32>} : memref<2x4x64xf32, #tpu.memory_space<vmem>>, vector<1x1x16xf32>,
      %swap3A_458 = arith.constant 0 : i32
      %swap3A_459 = arith.constant 3 : i32
      %swap3A_460 = arith.index_cast %swap3A_458 : i32 to index
      %swap3A_461 = arith.index_cast %swap3A_459 : i32 to index
      %swap3A_462 = arith.constant 0 : index
      %swap3A_463 = tpu.vector_load %arg10[%swap3A_460, %swap3A_461, %swap3A_462] {strides = array<i32>} : memref<2x4x64xf32, #tpu.memory_space<vmem>>, vector<1x1x16xf32>,
      %swap3A_464 = vector.shape_cast %swap3A_463 : vector<1x1x16xf32> to vector<16xf32>
      %swap3A_465 = vector.shape_cast %scan3A_448#4 : vector<16xf32> to vector<1x1x16xf32>
      tpu.vector_store %arg10[%swap3A_460, %swap3A_461, %swap3A_462], %swap3A_465 {strides = array<i32>} : memref<2x4x64xf32, #tpu.memory_space<vmem>>, vector<1x1x16xf32>,
      %swap3A_466 = arith.constant 0 : i32
      %swap3A_467 = arith.constant 3 : i32
      %swap3A_468 = arith.index_cast %swap3A_466 : i32 to index
      %swap3A_469 = arith.index_cast %swap3A_467 : i32 to index
      %swap3A_470 = arith.constant 16 : index
      %swap3A_471 = tpu.vector_load %arg11[%swap3A_468, %swap3A_469, %swap3A_470] {strides = array<i32>} : memref<2x4x64xf32, #tpu.memory_space<vmem>>, vector<1x1x16xf32>,
      %swap3A_472 = vector.shape_cast %swap3A_471 : vector<1x1x16xf32> to vector<16xf32>
      %swap3A_473 = vector.shape_cast %scan3A_448#1 : vector<16xf32> to vector<1x1x16xf32>
      tpu.vector_store %arg11[%swap3A_468, %swap3A_469, %swap3A_470], %swap3A_473 {strides = array<i32>} : memref<2x4x64xf32, #tpu.memory_space<vmem>>, vector<1x1x16xf32>,
      %swap3A_474 = arith.constant 0 : i32
      %swap3A_475 = arith.constant 3 : i32
      %swap3A_476 = arith.index_cast %swap3A_474 : i32 to index
      %swap3A_477 = arith.index_cast %swap3A_475 : i32 to index
      %swap3A_478 = arith.constant 16 : index
      %swap3A_479 = tpu.vector_load %arg10[%swap3A_476, %swap3A_477, %swap3A_478] {strides = array<i32>} : memref<2x4x64xf32, #tpu.memory_space<vmem>>, vector<1x1x16xf32>,
      %swap3A_480 = vector.shape_cast %swap3A_479 : vector<1x1x16xf32> to vector<16xf32>
      %swap3A_481 = vector.shape_cast %scan3A_448#5 : vector<16xf32> to vector<1x1x16xf32>
      tpu.vector_store %arg10[%swap3A_476, %swap3A_477, %swap3A_478], %swap3A_481 {strides = array<i32>} : memref<2x4x64xf32, #tpu.memory_space<vmem>>, vector<1x1x16xf32>,
      %swap3A_482 = arith.constant 0 : i32
      %swap3A_483 = arith.constant 3 : i32
      %swap3A_484 = arith.index_cast %swap3A_482 : i32 to index
      %swap3A_485 = arith.index_cast %swap3A_483 : i32 to index
      %swap3A_486 = arith.constant 32 : index
      %swap3A_487 = tpu.vector_load %arg11[%swap3A_484, %swap3A_485, %swap3A_486] {strides = array<i32>} : memref<2x4x64xf32, #tpu.memory_space<vmem>>, vector<1x1x16xf32>,
      %swap3A_488 = vector.shape_cast %swap3A_487 : vector<1x1x16xf32> to vector<16xf32>
      %swap3A_489 = vector.shape_cast %scan3A_448#2 : vector<16xf32> to vector<1x1x16xf32>
      tpu.vector_store %arg11[%swap3A_484, %swap3A_485, %swap3A_486], %swap3A_489 {strides = array<i32>} : memref<2x4x64xf32, #tpu.memory_space<vmem>>, vector<1x1x16xf32>,
      %swap3A_490 = arith.constant 0 : i32
      %swap3A_491 = arith.constant 3 : i32
      %swap3A_492 = arith.index_cast %swap3A_490 : i32 to index
      %swap3A_493 = arith.index_cast %swap3A_491 : i32 to index
      %swap3A_494 = arith.constant 32 : index
      %swap3A_495 = tpu.vector_load %arg10[%swap3A_492, %swap3A_493, %swap3A_494] {strides = array<i32>} : memref<2x4x64xf32, #tpu.memory_space<vmem>>, vector<1x1x16xf32>,
      %swap3A_496 = vector.shape_cast %swap3A_495 : vector<1x1x16xf32> to vector<16xf32>
      %swap3A_497 = vector.shape_cast %scan3A_448#6 : vector<16xf32> to vector<1x1x16xf32>
      tpu.vector_store %arg10[%swap3A_492, %swap3A_493, %swap3A_494], %swap3A_497 {strides = array<i32>} : memref<2x4x64xf32, #tpu.memory_space<vmem>>, vector<1x1x16xf32>,
      %swap3A_498 = arith.constant 0 : i32
      %swap3A_499 = arith.constant 3 : i32
      %swap3A_500 = arith.index_cast %swap3A_498 : i32 to index
      %swap3A_501 = arith.index_cast %swap3A_499 : i32 to index
      %swap3A_502 = arith.constant 48 : index
      %swap3A_503 = tpu.vector_load %arg11[%swap3A_500, %swap3A_501, %swap3A_502] {strides = array<i32>} : memref<2x4x64xf32, #tpu.memory_space<vmem>>, vector<1x1x16xf32>,
      %swap3A_504 = vector.shape_cast %swap3A_503 : vector<1x1x16xf32> to vector<16xf32>
      %swap3A_505 = vector.shape_cast %scan3A_448#3 : vector<16xf32> to vector<1x1x16xf32>
      tpu.vector_store %arg11[%swap3A_500, %swap3A_501, %swap3A_502], %swap3A_505 {strides = array<i32>} : memref<2x4x64xf32, #tpu.memory_space<vmem>>, vector<1x1x16xf32>,
      %swap3A_506 = arith.constant 0 : i32
      %swap3A_507 = arith.constant 3 : i32
      %swap3A_508 = arith.index_cast %swap3A_506 : i32 to index
      %swap3A_509 = arith.index_cast %swap3A_507 : i32 to index
      %swap3A_510 = arith.constant 48 : index
      %swap3A_511 = tpu.vector_load %arg10[%swap3A_508, %swap3A_509, %swap3A_510] {strides = array<i32>} : memref<2x4x64xf32, #tpu.memory_space<vmem>>, vector<1x1x16xf32>,
      %swap3A_512 = vector.shape_cast %swap3A_511 : vector<1x1x16xf32> to vector<16xf32>
      %swap3A_513 = vector.shape_cast %scan3A_448#7 : vector<16xf32> to vector<1x1x16xf32>
      tpu.vector_store %arg10[%swap3A_508, %swap3A_509, %swap3A_510], %swap3A_513 {strides = array<i32>} : memref<2x4x64xf32, #tpu.memory_space<vmem>>, vector<1x1x16xf32>,
      %add3A_514 = arith.constant 78 : i32
      %add3A_515 = arith.addi %add3A_4, %add3A_514 : i32
      %mul3A_516 = arith.constant 4 : i32
      %mul3A_517 = arith.muli %add3A_515, %mul3A_516 : i32
      %dma_start3A_518 = arith.constant 0 : i32
      %dma_start3A_519 = arith.constant 0 : i32
      %dma_start3A_520 = arith.constant 0 : i32
      %dma_start3A_521 = tpu.memref_slice %arg10[%dma_start3A_518, %dma_start3A_519, %dma_start3A_520] : memref<2x4x64xf32, #tpu.memory_space<vmem>> -> memref<1x4x64xf32, #tpu.memory_space<vmem>>
      %dma_start3A_522 = tpu.memref_squeeze %dma_start3A_521 : memref<1x4x64xf32, #tpu.memory_space<vmem>> -> memref<4x64xf32, #tpu.memory_space<vmem>>
      %dma_start3A_523 = arith.constant 0 : i32
      %dma_start3A_524 = tpu.memref_slice %arg5[%mul3A_517, %dma_start3A_523] : memref<10000x64xf32, #tpu.memory_space<hbm>> -> memref<4x64xf32, #tpu.memory_space<hbm>>
      %dma_start3A_525 = arith.constant 0 : i32
      %dma_start3A_526 = tpu.memref_slice %arg5[%mul3A_517, %dma_start3A_525] : memref<10000x64xf32, #tpu.memory_space<hbm>> -> memref<4x64xf32, #tpu.memory_space<hbm>>
      %dma_start3A_527 = arith.constant 0 : i32
      %dma_start3A_528 = arith.constant 0 : i32
      %dma_start3A_529 = tpu.memref_slice %arg10[%dma_start3A_518, %dma_start3A_527, %dma_start3A_528] : memref<2x4x64xf32, #tpu.memory_space<vmem>> -> memref<1x4x64xf32, #tpu.memory_space<vmem>>
      %dma_start3A_530 = tpu.memref_squeeze %dma_start3A_529 : memref<1x4x64xf32, #tpu.memory_space<vmem>> -> memref<4x64xf32, #tpu.memory_space<vmem>>
      tpu.enqueue_dma source(%dma_start3A_530 : memref<4x64xf32, #tpu.memory_space<vmem>>) target(%dma_start3A_526 : memref<4x64xf32, #tpu.memory_space<hbm>>) target_semaphore(%arg13 : memref<!tpu.dma_semaphore, #tpu.memory_space<semaphore_mem>>)
      %dma_start3A_531 = arith.constant 0 : i32
      %dma_start3A_532 = arith.constant 0 : i32
      %dma_start3A_533 = arith.constant 0 : i32
      %dma_start3A_534 = tpu.memref_slice %arg11[%dma_start3A_531, %dma_start3A_532, %dma_start3A_533] : memref<2x4x64xf32, #tpu.memory_space<vmem>> -> memref<1x4x64xf32, #tpu.memory_space<vmem>>
      %dma_start3A_535 = tpu.memref_squeeze %dma_start3A_534 : memref<1x4x64xf32, #tpu.memory_space<vmem>> -> memref<4x64xf32, #tpu.memory_space<vmem>>
      %dma_start3A_536 = arith.constant 0 : i32
      %dma_start3A_537 = tpu.memref_slice %arg6[%mul3A_517, %dma_start3A_536] : memref<10000x64xf32, #tpu.memory_space<hbm>> -> memref<4x64xf32, #tpu.memory_space<hbm>>
      %dma_start3A_538 = arith.constant 0 : i32
      %dma_start3A_539 = tpu.memref_slice %arg6[%mul3A_517, %dma_start3A_538] : memref<10000x64xf32, #tpu.memory_space<hbm>> -> memref<4x64xf32, #tpu.memory_space<hbm>>
      %dma_start3A_540 = arith.constant 0 : i32
      %dma_start3A_541 = arith.constant 0 : i32
      %dma_start3A_542 = tpu.memref_slice %arg11[%dma_start3A_531, %dma_start3A_540, %dma_start3A_541] : memref<2x4x64xf32, #tpu.memory_space<vmem>> -> memref<1x4x64xf32, #tpu.memory_space<vmem>>
      %dma_start3A_543 = tpu.memref_squeeze %dma_start3A_542 : memref<1x4x64xf32, #tpu.memory_space<vmem>> -> memref<4x64xf32, #tpu.memory_space<vmem>>
      tpu.enqueue_dma source(%dma_start3A_543 : memref<4x64xf32, #tpu.memory_space<vmem>>) target(%dma_start3A_539 : memref<4x64xf32, #tpu.memory_space<hbm>>) target_semaphore(%arg13 : memref<!tpu.dma_semaphore, #tpu.memory_space<semaphore_mem>>)
    } else {
    }
    %dma_wait3A = arith.constant 1 : i32
    %dma_wait3A_63 = arith.constant 0 : i32
    %dma_wait3A_64 = arith.constant 0 : i32
    %dma_wait3A_65 = tpu.memref_slice %arg10[%dma_wait3A, %dma_wait3A_63, %dma_wait3A_64] : memref<2x4x64xf32, #tpu.memory_space<vmem>> -> memref<1x4x64xf32, #tpu.memory_space<vmem>>
    %dma_wait3A_66 = tpu.memref_squeeze %dma_wait3A_65 : memref<1x4x64xf32, #tpu.memory_space<vmem>> -> memref<4x64xf32, #tpu.memory_space<vmem>>
    %dma_wait3A_67 = arith.constant 0 : i32
    %dma_wait3A_68 = arith.constant 0 : i32
    %dma_wait3A_69 = tpu.memref_slice %arg5[%dma_wait3A_67, %dma_wait3A_68] : memref<10000x64xf32, #tpu.memory_space<hbm>> -> memref<4x64xf32, #tpu.memory_space<hbm>>
    %dma_wait3A_70 = arith.constant 0 : i32
    %dma_wait3A_71 = arith.constant 0 : i32
    %dma_wait3A_72 = tpu.memref_slice %arg5[%dma_wait3A_70, %dma_wait3A_71] : memref<10000x64xf32, #tpu.memory_space<hbm>> -> memref<4x64xf32, #tpu.memory_space<hbm>>
    %dma_wait3A_73 = arith.constant 0 : i32
    %dma_wait3A_74 = arith.constant 0 : i32
    %dma_wait3A_75 = tpu.memref_slice %arg10[%dma_wait3A, %dma_wait3A_73, %dma_wait3A_74] : memref<2x4x64xf32, #tpu.memory_space<vmem>> -> memref<1x4x64xf32, #tpu.memory_space<vmem>>
    %dma_wait3A_76 = tpu.memref_squeeze %dma_wait3A_75 : memref<1x4x64xf32, #tpu.memory_space<vmem>> -> memref<4x64xf32, #tpu.memory_space<vmem>>
    tpu.wait_dma2 semaphore(%arg13 : memref<!tpu.dma_semaphore, #tpu.memory_space<semaphore_mem>>) src(%dma_wait3A_76 : memref<4x64xf32, #tpu.memory_space<vmem>>) dst(%dma_wait3A_72 : memref<4x64xf32, #tpu.memory_space<hbm>>)
    %dma_wait3A_77 = arith.constant 1 : i32
    %dma_wait3A_78 = arith.constant 0 : i32
    %dma_wait3A_79 = arith.constant 0 : i32
    %dma_wait3A_80 = tpu.memref_slice %arg11[%dma_wait3A_77, %dma_wait3A_78, %dma_wait3A_79] : memref<2x4x64xf32, #tpu.memory_space<vmem>> -> memref<1x4x64xf32, #tpu.memory_space<vmem>>
    %dma_wait3A_81 = tpu.memref_squeeze %dma_wait3A_80 : memref<1x4x64xf32, #tpu.memory_space<vmem>> -> memref<4x64xf32, #tpu.memory_space<vmem>>
    %dma_wait3A_82 = arith.constant 0 : i32
    %dma_wait3A_83 = arith.constant 0 : i32
    %dma_wait3A_84 = tpu.memref_slice %arg6[%dma_wait3A_82, %dma_wait3A_83] : memref<10000x64xf32, #tpu.memory_space<hbm>> -> memref<4x64xf32, #tpu.memory_space<hbm>>
    %dma_wait3A_85 = arith.constant 0 : i32
    %dma_wait3A_86 = arith.constant 0 : i32
    %dma_wait3A_87 = tpu.memref_slice %arg6[%dma_wait3A_85, %dma_wait3A_86] : memref<10000x64xf32, #tpu.memory_space<hbm>> -> memref<4x64xf32, #tpu.memory_space<hbm>>
    %dma_wait3A_88 = arith.constant 0 : i32
    %dma_wait3A_89 = arith.constant 0 : i32
    %dma_wait3A_90 = tpu.memref_slice %arg11[%dma_wait3A_77, %dma_wait3A_88, %dma_wait3A_89] : memref<2x4x64xf32, #tpu.memory_space<vmem>> -> memref<1x4x64xf32, #tpu.memory_space<vmem>>
    %dma_wait3A_91 = tpu.memref_squeeze %dma_wait3A_90 : memref<1x4x64xf32, #tpu.memory_space<vmem>> -> memref<4x64xf32, #tpu.memory_space<vmem>>
    tpu.wait_dma2 semaphore(%arg13 : memref<!tpu.dma_semaphore, #tpu.memory_space<semaphore_mem>>) src(%dma_wait3A_91 : memref<4x64xf32, #tpu.memory_space<vmem>>) dst(%dma_wait3A_87 : memref<4x64xf32, #tpu.memory_space<hbm>>)
    %dma_wait3A_92 = arith.constant 0 : i32
    %dma_wait3A_93 = arith.constant 0 : i32
    %dma_wait3A_94 = arith.constant 0 : i32
    %dma_wait3A_95 = tpu.memref_slice %arg10[%dma_wait3A_92, %dma_wait3A_93, %dma_wait3A_94] : memref<2x4x64xf32, #tpu.memory_space<vmem>> -> memref<1x4x64xf32, #tpu.memory_space<vmem>>
    %dma_wait3A_96 = tpu.memref_squeeze %dma_wait3A_95 : memref<1x4x64xf32, #tpu.memory_space<vmem>> -> memref<4x64xf32, #tpu.memory_space<vmem>>
    %dma_wait3A_97 = arith.constant 0 : i32
    %dma_wait3A_98 = arith.constant 0 : i32
    %dma_wait3A_99 = tpu.memref_slice %arg5[%dma_wait3A_97, %dma_wait3A_98] : memref<10000x64xf32, #tpu.memory_space<hbm>> -> memref<4x64xf32, #tpu.memory_space<hbm>>
    %dma_wait3A_100 = arith.constant 0 : i32
    %dma_wait3A_101 = arith.constant 0 : i32
    %dma_wait3A_102 = tpu.memref_slice %arg5[%dma_wait3A_100, %dma_wait3A_101] : memref<10000x64xf32, #tpu.memory_space<hbm>> -> memref<4x64xf32, #tpu.memory_space<hbm>>
    %dma_wait3A_103 = arith.constant 0 : i32
    %dma_wait3A_104 = arith.constant 0 : i32
    %dma_wait3A_105 = tpu.memref_slice %arg10[%dma_wait3A_92, %dma_wait3A_103, %dma_wait3A_104] : memref<2x4x64xf32, #tpu.memory_space<vmem>> -> memref<1x4x64xf32, #tpu.memory_space<vmem>>
    %dma_wait3A_106 = tpu.memref_squeeze %dma_wait3A_105 : memref<1x4x64xf32, #tpu.memory_space<vmem>> -> memref<4x64xf32, #tpu.memory_space<vmem>>
    tpu.wait_dma2 semaphore(%arg13 : memref<!tpu.dma_semaphore, #tpu.memory_space<semaphore_mem>>) src(%dma_wait3A_106 : memref<4x64xf32, #tpu.memory_space<vmem>>) dst(%dma_wait3A_102 : memref<4x64xf32, #tpu.memory_space<hbm>>)
    %dma_wait3A_107 = arith.constant 0 : i32
    %dma_wait3A_108 = arith.constant 0 : i32
    %dma_wait3A_109 = arith.constant 0 : i32
    %dma_wait3A_110 = tpu.memref_slice %arg11[%dma_wait3A_107, %dma_wait3A_108, %dma_wait3A_109] : memref<2x4x64xf32, #tpu.memory_space<vmem>> -> memref<1x4x64xf32, #tpu.memory_space<vmem>>
    %dma_wait3A_111 = tpu.memref_squeeze %dma_wait3A_110 : memref<1x4x64xf32, #tpu.memory_space<vmem>> -> memref<4x64xf32, #tpu.memory_space<vmem>>
    %dma_wait3A_112 = arith.constant 0 : i32
    %dma_wait3A_113 = arith.constant 0 : i32
    %dma_wait3A_114 = tpu.memref_slice %arg6[%dma_wait3A_112, %dma_wait3A_113] : memref<10000x64xf32, #tpu.memory_space<hbm>> -> memref<4x64xf32, #tpu.memory_space<hbm>>
    %dma_wait3A_115 = arith.constant 0 : i32
    %dma_wait3A_116 = arith.constant 0 : i32
    %dma_wait3A_117 = tpu.memref_slice %arg6[%dma_wait3A_115, %dma_wait3A_116] : memref<10000x64xf32, #tpu.memory_space<hbm>> -> memref<4x64xf32, #tpu.memory_space<hbm>>
    %dma_wait3A_118 = arith.constant 0 : i32
    %dma_wait3A_119 = arith.constant 0 : i32
    %dma_wait3A_120 = tpu.memref_slice %arg11[%dma_wait3A_107, %dma_wait3A_118, %dma_wait3A_119] : memref<2x4x64xf32, #tpu.memory_space<vmem>> -> memref<1x4x64xf32, #tpu.memory_space<vmem>>
    %dma_wait3A_121 = tpu.memref_squeeze %dma_wait3A_120 : memref<1x4x64xf32, #tpu.memory_space<vmem>> -> memref<4x64xf32, #tpu.memory_space<vmem>>
    tpu.wait_dma2 semaphore(%arg13 : memref<!tpu.dma_semaphore, #tpu.memory_space<semaphore_mem>>) src(%dma_wait3A_121 : memref<4x64xf32, #tpu.memory_space<vmem>>) dst(%dma_wait3A_117 : memref<4x64xf32, #tpu.memory_space<hbm>>)
    return
  }
}

#map = affine_map<(d0, d1) -> (0, 0)>
module attributes {stable_mosaic.version = 14 : i64} {
  func.func @_sc_edge_stage(%arg0: i32, %arg1: i32, %arg2: memref<10000x64xf32, #tpu.memory_space<hbm>>, %arg3: memref<2x320000xi32, #tpu.memory_space<hbm>>, %arg4: memref<320000x64xf32, #tpu.memory_space<hbm>>, %arg5: memref<10112xi32, #tpu.memory_space<vmem>>, %arg6: memref<10112xi32, #tpu.memory_space<vmem>>, %arg7: memref<2x128x64xf32, #tpu.memory_space<vmem>>, %arg8: memref<2x128x64xf32, #tpu.memory_space<vmem>>, %arg9: memref<2x128x64xf32, #tpu.memory_space<vmem>>, %arg10: memref<!tpu.dma_semaphore, #tpu.memory_space<semaphore_mem>>, %arg11: memref<!tpu.dma_semaphore, #tpu.memory_space<semaphore_mem>>) attributes {dimension_semantics = [#tpu.dimension_semantics<core_parallel>, #tpu.dimension_semantics<subcore_parallel>], iteration_bounds = array<i64: 2, 16>, scalar_prefetch = 0 : i64, scratch_operands = 7 : i64, tpu.core_type = #tpu.core_type<sc_vector_subcore>, window_params = [{transform_indices = #map}, {transform_indices = #map}, {transform_indices = #map}]} {
    %mul3A = arith.constant 2 : i32
    %mul3A_0 = arith.muli %arg1, %mul3A : i32
    %add3A = arith.addi %mul3A_0, %arg0 : i32
    %mul3A_1 = arith.constant 78 : i32
    %mul3A_2 = arith.muli %add3A, %mul3A_1 : i32
    %min3A = arith.constant 4 : i32
    %min3A_3 = arith.minsi %add3A, %min3A : i32
    %add3A_4 = arith.addi %mul3A_2, %min3A_3 : i32
    %lt3A = arith.constant 4 : i32
    %lt3A_5 = arith.cmpi slt, %add3A, %lt3A : i32
    %jit3A = arith.constant 1 : i32
    %jit3A_6 = arith.constant 0 : i32
    %select_n3A = arith.select %lt3A_5, %jit3A, %jit3A_6 : i32
    %add3A_7 = arith.constant 78 : i32
    %add3A_8 = arith.addi %add3A_7, %select_n3A : i32
    %mul3A_9 = arith.constant 128 : i32
    %mul3A_10 = arith.muli %add3A_4, %mul3A_9 : i32
    %run_scoped3A = arith.constant 0 : i32
    "tpu.region"() ({
      %run_scoped3A_91 = tpu.sem_alloc : memref<!tpu.dma_semaphore, #tpu.memory_space<semaphore_mem>>
      %dma_start3A_92 = arith.constant 0 : i32
      %dma_start3A_93 = tpu.memref_slice %arg5[%dma_start3A_92] : memref<10112xi32, #tpu.memory_space<vmem>> -> memref<9984xi32, #tpu.memory_space<vmem>>
      %dma_start3A_94 = tpu.memref_slice %arg3[%run_scoped3A, %mul3A_10] : memref<2x320000xi32, #tpu.memory_space<hbm>> -> memref<1x9984xi32, #tpu.memory_space<hbm>>
      %dma_start3A_95 = tpu.memref_squeeze %dma_start3A_94 : memref<1x9984xi32, #tpu.memory_space<hbm>> -> memref<9984xi32, #tpu.memory_space<hbm>>
      %dma_start3A_96 = arith.constant 0 : i32
      %dma_start3A_97 = tpu.memref_slice %arg5[%dma_start3A_96] : memref<10112xi32, #tpu.memory_space<vmem>> -> memref<9984xi32, #tpu.memory_space<vmem>>
      %dma_start3A_98 = tpu.memref_slice %arg3[%run_scoped3A, %mul3A_10] : memref<2x320000xi32, #tpu.memory_space<hbm>> -> memref<1x9984xi32, #tpu.memory_space<hbm>>
      %dma_start3A_99 = tpu.memref_squeeze %dma_start3A_98 : memref<1x9984xi32, #tpu.memory_space<hbm>> -> memref<9984xi32, #tpu.memory_space<hbm>>
      tpu.enqueue_dma source(%dma_start3A_99 : memref<9984xi32, #tpu.memory_space<hbm>>) target(%dma_start3A_97 : memref<9984xi32, #tpu.memory_space<vmem>>) target_semaphore(%run_scoped3A_91 : memref<!tpu.dma_semaphore, #tpu.memory_space<semaphore_mem>>)
      %dma_wait3A_100 = arith.constant 0 : i32
      %dma_wait3A_101 = tpu.memref_slice %arg5[%dma_wait3A_100] : memref<10112xi32, #tpu.memory_space<vmem>> -> memref<9984xi32, #tpu.memory_space<vmem>>
      %dma_wait3A_102 = tpu.memref_slice %arg3[%run_scoped3A, %mul3A_10] : memref<2x320000xi32, #tpu.memory_space<hbm>> -> memref<1x9984xi32, #tpu.memory_space<hbm>>
      %dma_wait3A_103 = tpu.memref_squeeze %dma_wait3A_102 : memref<1x9984xi32, #tpu.memory_space<hbm>> -> memref<9984xi32, #tpu.memory_space<hbm>>
      %dma_wait3A_104 = arith.constant 0 : i32
      %dma_wait3A_105 = tpu.memref_slice %arg5[%dma_wait3A_104] : memref<10112xi32, #tpu.memory_space<vmem>> -> memref<9984xi32, #tpu.memory_space<vmem>>
      %dma_wait3A_106 = tpu.memref_slice %arg3[%run_scoped3A, %mul3A_10] : memref<2x320000xi32, #tpu.memory_space<hbm>> -> memref<1x9984xi32, #tpu.memory_space<hbm>>
      %dma_wait3A_107 = tpu.memref_squeeze %dma_wait3A_106 : memref<1x9984xi32, #tpu.memory_space<hbm>> -> memref<9984xi32, #tpu.memory_space<hbm>>
      tpu.wait_dma2 semaphore(%run_scoped3A_91 : memref<!tpu.dma_semaphore, #tpu.memory_space<semaphore_mem>>) src(%dma_wait3A_107 : memref<9984xi32, #tpu.memory_space<hbm>>) dst(%dma_wait3A_105 : memref<9984xi32, #tpu.memory_space<vmem>>)
      tpu.yield
    }) : () -> ()
    %run_scoped3A_11 = arith.constant 1 : i32
    "tpu.region"() ({
      %run_scoped3A_91 = tpu.sem_alloc : memref<!tpu.dma_semaphore, #tpu.memory_space<semaphore_mem>>
      %dma_start3A_92 = arith.constant 0 : i32
      %dma_start3A_93 = tpu.memref_slice %arg6[%dma_start3A_92] : memref<10112xi32, #tpu.memory_space<vmem>> -> memref<9984xi32, #tpu.memory_space<vmem>>
      %dma_start3A_94 = tpu.memref_slice %arg3[%run_scoped3A_11, %mul3A_10] : memref<2x320000xi32, #tpu.memory_space<hbm>> -> memref<1x9984xi32, #tpu.memory_space<hbm>>
      %dma_start3A_95 = tpu.memref_squeeze %dma_start3A_94 : memref<1x9984xi32, #tpu.memory_space<hbm>> -> memref<9984xi32, #tpu.memory_space<hbm>>
      %dma_start3A_96 = arith.constant 0 : i32
      %dma_start3A_97 = tpu.memref_slice %arg6[%dma_start3A_96] : memref<10112xi32, #tpu.memory_space<vmem>> -> memref<9984xi32, #tpu.memory_space<vmem>>
      %dma_start3A_98 = tpu.memref_slice %arg3[%run_scoped3A_11, %mul3A_10] : memref<2x320000xi32, #tpu.memory_space<hbm>> -> memref<1x9984xi32, #tpu.memory_space<hbm>>
      %dma_start3A_99 = tpu.memref_squeeze %dma_start3A_98 : memref<1x9984xi32, #tpu.memory_space<hbm>> -> memref<9984xi32, #tpu.memory_space<hbm>>
      tpu.enqueue_dma source(%dma_start3A_99 : memref<9984xi32, #tpu.memory_space<hbm>>) target(%dma_start3A_97 : memref<9984xi32, #tpu.memory_space<vmem>>) target_semaphore(%run_scoped3A_91 : memref<!tpu.dma_semaphore, #tpu.memory_space<semaphore_mem>>)
      %dma_wait3A_100 = arith.constant 0 : i32
      %dma_wait3A_101 = tpu.memref_slice %arg6[%dma_wait3A_100] : memref<10112xi32, #tpu.memory_space<vmem>> -> memref<9984xi32, #tpu.memory_space<vmem>>
      %dma_wait3A_102 = tpu.memref_slice %arg3[%run_scoped3A_11, %mul3A_10] : memref<2x320000xi32, #tpu.memory_space<hbm>> -> memref<1x9984xi32, #tpu.memory_space<hbm>>
      %dma_wait3A_103 = tpu.memref_squeeze %dma_wait3A_102 : memref<1x9984xi32, #tpu.memory_space<hbm>> -> memref<9984xi32, #tpu.memory_space<hbm>>
      %dma_wait3A_104 = arith.constant 0 : i32
      %dma_wait3A_105 = tpu.memref_slice %arg6[%dma_wait3A_104] : memref<10112xi32, #tpu.memory_space<vmem>> -> memref<9984xi32, #tpu.memory_space<vmem>>
      %dma_wait3A_106 = tpu.memref_slice %arg3[%run_scoped3A_11, %mul3A_10] : memref<2x320000xi32, #tpu.memory_space<hbm>> -> memref<1x9984xi32, #tpu.memory_space<hbm>>
      %dma_wait3A_107 = tpu.memref_squeeze %dma_wait3A_106 : memref<1x9984xi32, #tpu.memory_space<hbm>> -> memref<9984xi32, #tpu.memory_space<hbm>>
      tpu.wait_dma2 semaphore(%run_scoped3A_91 : memref<!tpu.dma_semaphore, #tpu.memory_space<semaphore_mem>>) src(%dma_wait3A_107 : memref<9984xi32, #tpu.memory_space<hbm>>) dst(%dma_wait3A_105 : memref<9984xi32, #tpu.memory_space<vmem>>)
      tpu.yield
    }) : () -> ()
    %lt3A_12 = arith.constant 4 : i32
    %lt3A_13 = arith.cmpi slt, %add3A, %lt3A_12 : i32
    %convert_element_type3A = arith.extui %lt3A_13 : i1 to i32
    %cond3A = arith.constant 0 : i32
    %cond3A_14 = arith.cmpi ne, %convert_element_type3A, %cond3A : i32
    scf.if %cond3A_14 {
      %add3A_91 = arith.constant 9984 : i32
      %add3A_92 = arith.addi %mul3A_10, %add3A_91 : i32
      %run_scoped3A_93 = arith.constant 0 : i32
      "tpu.region"() ({
        %run_scoped3A_97 = tpu.sem_alloc : memref<!tpu.dma_semaphore, #tpu.memory_space<semaphore_mem>>
        %dma_start3A_98 = arith.constant 9984 : i32
        %dma_start3A_99 = tpu.memref_slice %arg5[%dma_start3A_98] : memref<10112xi32, #tpu.memory_space<vmem>> -> memref<128xi32, #tpu.memory_space<vmem>>
        %dma_start3A_100 = tpu.memref_slice %arg3[%run_scoped3A_93, %add3A_92] : memref<2x320000xi32, #tpu.memory_space<hbm>> -> memref<1x128xi32, #tpu.memory_space<hbm>>
        %dma_start3A_101 = tpu.memref_squeeze %dma_start3A_100 : memref<1x128xi32, #tpu.memory_space<hbm>> -> memref<128xi32, #tpu.memory_space<hbm>>
        %dma_start3A_102 = arith.constant 9984 : i32
        %dma_start3A_103 = tpu.memref_slice %arg5[%dma_start3A_102] : memref<10112xi32, #tpu.memory_space<vmem>> -> memref<128xi32, #tpu.memory_space<vmem>>
        %dma_start3A_104 = tpu.memref_slice %arg3[%run_scoped3A_93, %add3A_92] : memref<2x320000xi32, #tpu.memory_space<hbm>> -> memref<1x128xi32, #tpu.memory_space<hbm>>
        %dma_start3A_105 = tpu.memref_squeeze %dma_start3A_104 : memref<1x128xi32, #tpu.memory_space<hbm>> -> memref<128xi32, #tpu.memory_space<hbm>>
        tpu.enqueue_dma source(%dma_start3A_105 : memref<128xi32, #tpu.memory_space<hbm>>) target(%dma_start3A_103 : memref<128xi32, #tpu.memory_space<vmem>>) target_semaphore(%run_scoped3A_97 : memref<!tpu.dma_semaphore, #tpu.memory_space<semaphore_mem>>)
        %dma_wait3A_106 = arith.constant 9984 : i32
        %dma_wait3A_107 = tpu.memref_slice %arg5[%dma_wait3A_106] : memref<10112xi32, #tpu.memory_space<vmem>> -> memref<128xi32, #tpu.memory_space<vmem>>
        %dma_wait3A_108 = tpu.memref_slice %arg3[%run_scoped3A_93, %add3A_92] : memref<2x320000xi32, #tpu.memory_space<hbm>> -> memref<1x128xi32, #tpu.memory_space<hbm>>
        %dma_wait3A_109 = tpu.memref_squeeze %dma_wait3A_108 : memref<1x128xi32, #tpu.memory_space<hbm>> -> memref<128xi32, #tpu.memory_space<hbm>>
        %dma_wait3A_110 = arith.constant 9984 : i32
        %dma_wait3A_111 = tpu.memref_slice %arg5[%dma_wait3A_110] : memref<10112xi32, #tpu.memory_space<vmem>> -> memref<128xi32, #tpu.memory_space<vmem>>
        %dma_wait3A_112 = tpu.memref_slice %arg3[%run_scoped3A_93, %add3A_92] : memref<2x320000xi32, #tpu.memory_space<hbm>> -> memref<1x128xi32, #tpu.memory_space<hbm>>
        %dma_wait3A_113 = tpu.memref_squeeze %dma_wait3A_112 : memref<1x128xi32, #tpu.memory_space<hbm>> -> memref<128xi32, #tpu.memory_space<hbm>>
        tpu.wait_dma2 semaphore(%run_scoped3A_97 : memref<!tpu.dma_semaphore, #tpu.memory_space<semaphore_mem>>) src(%dma_wait3A_113 : memref<128xi32, #tpu.memory_space<hbm>>) dst(%dma_wait3A_111 : memref<128xi32, #tpu.memory_space<vmem>>)
        tpu.yield
      }) : () -> ()
      %add3A_94 = arith.constant 9984 : i32
      %add3A_95 = arith.addi %mul3A_10, %add3A_94 : i32
      %run_scoped3A_96 = arith.constant 1 : i32
      "tpu.region"() ({
        %run_scoped3A_97 = tpu.sem_alloc : memref<!tpu.dma_semaphore, #tpu.memory_space<semaphore_mem>>
        %dma_start3A_98 = arith.constant 9984 : i32
        %dma_start3A_99 = tpu.memref_slice %arg6[%dma_start3A_98] : memref<10112xi32, #tpu.memory_space<vmem>> -> memref<128xi32, #tpu.memory_space<vmem>>
        %dma_start3A_100 = tpu.memref_slice %arg3[%run_scoped3A_96, %add3A_95] : memref<2x320000xi32, #tpu.memory_space<hbm>> -> memref<1x128xi32, #tpu.memory_space<hbm>>
        %dma_start3A_101 = tpu.memref_squeeze %dma_start3A_100 : memref<1x128xi32, #tpu.memory_space<hbm>> -> memref<128xi32, #tpu.memory_space<hbm>>
        %dma_start3A_102 = arith.constant 9984 : i32
        %dma_start3A_103 = tpu.memref_slice %arg6[%dma_start3A_102] : memref<10112xi32, #tpu.memory_space<vmem>> -> memref<128xi32, #tpu.memory_space<vmem>>
        %dma_start3A_104 = tpu.memref_slice %arg3[%run_scoped3A_96, %add3A_95] : memref<2x320000xi32, #tpu.memory_space<hbm>> -> memref<1x128xi32, #tpu.memory_space<hbm>>
        %dma_start3A_105 = tpu.memref_squeeze %dma_start3A_104 : memref<1x128xi32, #tpu.memory_space<hbm>> -> memref<128xi32, #tpu.memory_space<hbm>>
        tpu.enqueue_dma source(%dma_start3A_105 : memref<128xi32, #tpu.memory_space<hbm>>) target(%dma_start3A_103 : memref<128xi32, #tpu.memory_space<vmem>>) target_semaphore(%run_scoped3A_97 : memref<!tpu.dma_semaphore, #tpu.memory_space<semaphore_mem>>)
        %dma_wait3A_106 = arith.constant 9984 : i32
        %dma_wait3A_107 = tpu.memref_slice %arg6[%dma_wait3A_106] : memref<10112xi32, #tpu.memory_space<vmem>> -> memref<128xi32, #tpu.memory_space<vmem>>
        %dma_wait3A_108 = tpu.memref_slice %arg3[%run_scoped3A_96, %add3A_95] : memref<2x320000xi32, #tpu.memory_space<hbm>> -> memref<1x128xi32, #tpu.memory_space<hbm>>
        %dma_wait3A_109 = tpu.memref_squeeze %dma_wait3A_108 : memref<1x128xi32, #tpu.memory_space<hbm>> -> memref<128xi32, #tpu.memory_space<hbm>>
        %dma_wait3A_110 = arith.constant 9984 : i32
        %dma_wait3A_111 = tpu.memref_slice %arg6[%dma_wait3A_110] : memref<10112xi32, #tpu.memory_space<vmem>> -> memref<128xi32, #tpu.memory_space<vmem>>
        %dma_wait3A_112 = tpu.memref_slice %arg3[%run_scoped3A_96, %add3A_95] : memref<2x320000xi32, #tpu.memory_space<hbm>> -> memref<1x128xi32, #tpu.memory_space<hbm>>
        %dma_wait3A_113 = tpu.memref_squeeze %dma_wait3A_112 : memref<1x128xi32, #tpu.memory_space<hbm>> -> memref<128xi32, #tpu.memory_space<hbm>>
        tpu.wait_dma2 semaphore(%run_scoped3A_97 : memref<!tpu.dma_semaphore, #tpu.memory_space<semaphore_mem>>) src(%dma_wait3A_113 : memref<128xi32, #tpu.memory_space<hbm>>) dst(%dma_wait3A_111 : memref<128xi32, #tpu.memory_space<vmem>>)
        tpu.yield
      }) : () -> ()
    } else {
    }
    %dma_start3A = arith.constant 0 : i32
    %dma_start3A_15 = arith.constant 0 : i32
    %dma_start3A_16 = arith.constant 0 : i32
    %dma_start3A_17 = tpu.memref_slice %arg7[%dma_start3A, %dma_start3A_15, %dma_start3A_16] : memref<2x128x64xf32, #tpu.memory_space<vmem>> -> memref<1x128x64xf32, #tpu.memory_space<vmem>>
    %dma_start3A_18 = tpu.memref_squeeze %dma_start3A_17 : memref<1x128x64xf32, #tpu.memory_space<vmem>> -> memref<128x64xf32, #tpu.memory_space<vmem>>
    %dma_start3A_19 = arith.constant 0 : i32
    %dma_start3A_20 = tpu.memref_slice %arg5[%dma_start3A_19] : memref<10112xi32, #tpu.memory_space<vmem>> -> memref<128xi32, #tpu.memory_space<vmem>>
    %dma_start3A_21 = arith.constant 0 : i32
    %dma_start3A_22 = arith.constant 0 : i32
    %dma_start3A_23 = tpu.memref_slice %arg2[%dma_start3A_21, %dma_start3A_22] : memref<10000x64xf32, #tpu.memory_space<hbm>> -> memref<10000x64xf32, #tpu.memory_space<hbm>>
    tpu.enqueue_indirect_dma source(%dma_start3A_23 : memref<10000x64xf32, #tpu.memory_space<hbm>>) target(%dma_start3A_18 : memref<128x64xf32, #tpu.memory_space<vmem>>) offsets(%dma_start3A_20 : memref<128xi32, #tpu.memory_space<vmem>>) semaphore(%arg10 : memref<!tpu.dma_semaphore, #tpu.memory_space<semaphore_mem>>)
    %dma_start3A_24 = arith.constant 0 : i32
    %dma_start3A_25 = arith.constant 0 : i32
    %dma_start3A_26 = arith.constant 0 : i32
    %dma_start3A_27 = tpu.memref_slice %arg8[%dma_start3A_24, %dma_start3A_25, %dma_start3A_26] : memref<2x128x64xf32, #tpu.memory_space<vmem>> -> memref<1x128x64xf32, #tpu.memory_space<vmem>>
    %dma_start3A_28 = tpu.memref_squeeze %dma_start3A_27 : memref<1x128x64xf32, #tpu.memory_space<vmem>> -> memref<128x64xf32, #tpu.memory_space<vmem>>
    %dma_start3A_29 = arith.constant 0 : i32
    %dma_start3A_30 = tpu.memref_slice %arg6[%dma_start3A_29] : memref<10112xi32, #tpu.memory_space<vmem>> -> memref<128xi32, #tpu.memory_space<vmem>>
    %dma_start3A_31 = arith.constant 0 : i32
    %dma_start3A_32 = arith.constant 0 : i32
    %dma_start3A_33 = tpu.memref_slice %arg2[%dma_start3A_31, %dma_start3A_32] : memref<10000x64xf32, #tpu.memory_space<hbm>> -> memref<10000x64xf32, #tpu.memory_space<hbm>>
    tpu.enqueue_indirect_dma source(%dma_start3A_33 : memref<10000x64xf32, #tpu.memory_space<hbm>>) target(%dma_start3A_28 : memref<128x64xf32, #tpu.memory_space<vmem>>) offsets(%dma_start3A_30 : memref<128xi32, #tpu.memory_space<vmem>>) semaphore(%arg10 : memref<!tpu.dma_semaphore, #tpu.memory_space<semaphore_mem>>)
    %dma_start3A_34 = arith.constant 1 : i32
    %dma_start3A_35 = arith.constant 0 : i32
    %dma_start3A_36 = arith.constant 0 : i32
    %dma_start3A_37 = tpu.memref_slice %arg7[%dma_start3A_34, %dma_start3A_35, %dma_start3A_36] : memref<2x128x64xf32, #tpu.memory_space<vmem>> -> memref<1x128x64xf32, #tpu.memory_space<vmem>>
    %dma_start3A_38 = tpu.memref_squeeze %dma_start3A_37 : memref<1x128x64xf32, #tpu.memory_space<vmem>> -> memref<128x64xf32, #tpu.memory_space<vmem>>
    %dma_start3A_39 = arith.constant 128 : i32
    %dma_start3A_40 = tpu.memref_slice %arg5[%dma_start3A_39] : memref<10112xi32, #tpu.memory_space<vmem>> -> memref<128xi32, #tpu.memory_space<vmem>>
    %dma_start3A_41 = arith.constant 0 : i32
    %dma_start3A_42 = arith.constant 0 : i32
    %dma_start3A_43 = tpu.memref_slice %arg2[%dma_start3A_41, %dma_start3A_42] : memref<10000x64xf32, #tpu.memory_space<hbm>> -> memref<10000x64xf32, #tpu.memory_space<hbm>>
    tpu.enqueue_indirect_dma source(%dma_start3A_43 : memref<10000x64xf32, #tpu.memory_space<hbm>>) target(%dma_start3A_38 : memref<128x64xf32, #tpu.memory_space<vmem>>) offsets(%dma_start3A_40 : memref<128xi32, #tpu.memory_space<vmem>>) semaphore(%arg10 : memref<!tpu.dma_semaphore, #tpu.memory_space<semaphore_mem>>)
    %dma_start3A_44 = arith.constant 1 : i32
    %dma_start3A_45 = arith.constant 0 : i32
    %dma_start3A_46 = arith.constant 0 : i32
    %dma_start3A_47 = tpu.memref_slice %arg8[%dma_start3A_44, %dma_start3A_45, %dma_start3A_46] : memref<2x128x64xf32, #tpu.memory_space<vmem>> -> memref<1x128x64xf32, #tpu.memory_space<vmem>>
    %dma_start3A_48 = tpu.memref_squeeze %dma_start3A_47 : memref<1x128x64xf32, #tpu.memory_space<vmem>> -> memref<128x64xf32, #tpu.memory_space<vmem>>
    %dma_start3A_49 = arith.constant 128 : i32
    %dma_start3A_50 = tpu.memref_slice %arg6[%dma_start3A_49] : memref<10112xi32, #tpu.memory_space<vmem>> -> memref<128xi32, #tpu.memory_space<vmem>>
    %dma_start3A_51 = arith.constant 0 : i32
    %dma_start3A_52 = arith.constant 0 : i32
    %dma_start3A_53 = tpu.memref_slice %arg2[%dma_start3A_51, %dma_start3A_52] : memref<10000x64xf32, #tpu.memory_space<hbm>> -> memref<10000x64xf32, #tpu.memory_space<hbm>>
    tpu.enqueue_indirect_dma source(%dma_start3A_53 : memref<10000x64xf32, #tpu.memory_space<hbm>>) target(%dma_start3A_48 : memref<128x64xf32, #tpu.memory_space<vmem>>) offsets(%dma_start3A_50 : memref<128xi32, #tpu.memory_space<vmem>>) semaphore(%arg10 : memref<!tpu.dma_semaphore, #tpu.memory_space<semaphore_mem>>)
    %scan3A = arith.constant 0 : i32
    %scan3A_54 = arith.constant 39 : i32
    %scan3A_55 = arith.addi %scan3A, %scan3A_54 : i32
    %scan3A_56 = arith.constant 1 : i32
    scf.for %scan3A_91 = %scan3A to %scan3A_55 step %scan3A_56  : i32 {
      %mul3A_92 = arith.constant 2 : i32
      %mul3A_93 = arith.muli %mul3A_92, %scan3A_91 : i32
      %add3A_94 = arith.constant 0 : i32
      %add3A_95 = arith.addi %mul3A_93, %add3A_94 : i32
      %ge3A = arith.constant 2 : i32
      %ge3A_96 = arith.cmpi sge, %add3A_95, %ge3A : i32
      %convert_element_type3A_97 = arith.extui %ge3A_96 : i1 to i32
      %cond3A_98 = arith.constant 0 : i32
      %cond3A_99 = arith.cmpi ne, %convert_element_type3A_97, %cond3A_98 : i32
      scf.if %cond3A_99 {
        %dma_wait3A_203 = arith.constant 0 : i32
        %dma_wait3A_204 = arith.constant 0 : i32
        %dma_wait3A_205 = arith.constant 0 : i32
        %dma_wait3A_206 = tpu.memref_slice %arg9[%dma_wait3A_203, %dma_wait3A_204, %dma_wait3A_205] : memref<2x128x64xf32, #tpu.memory_space<vmem>> -> memref<1x128x64xf32, #tpu.memory_space<vmem>>
        %dma_wait3A_207 = tpu.memref_squeeze %dma_wait3A_206 : memref<1x128x64xf32, #tpu.memory_space<vmem>> -> memref<128x64xf32, #tpu.memory_space<vmem>>
        %dma_wait3A_208 = arith.constant 0 : i32
        %dma_wait3A_209 = arith.constant 0 : i32
        %dma_wait3A_210 = tpu.memref_slice %arg4[%dma_wait3A_208, %dma_wait3A_209] : memref<320000x64xf32, #tpu.memory_space<hbm>> -> memref<128x64xf32, #tpu.memory_space<hbm>>
        %dma_wait3A_211 = arith.constant 0 : i32
        %dma_wait3A_212 = arith.constant 0 : i32
        %dma_wait3A_213 = tpu.memref_slice %arg4[%dma_wait3A_211, %dma_wait3A_212] : memref<320000x64xf32, #tpu.memory_space<hbm>> -> memref<128x64xf32, #tpu.memory_space<hbm>>
        %dma_wait3A_214 = arith.constant 0 : i32
        %dma_wait3A_215 = arith.constant 0 : i32
        %dma_wait3A_216 = tpu.memref_slice %arg9[%dma_wait3A_203, %dma_wait3A_214, %dma_wait3A_215] : memref<2x128x64xf32, #tpu.memory_space<vmem>> -> memref<1x128x64xf32, #tpu.memory_space<vmem>>
        %dma_wait3A_217 = tpu.memref_squeeze %dma_wait3A_216 : memref<1x128x64xf32, #tpu.memory_space<vmem>> -> memref<128x64xf32, #tpu.memory_space<vmem>>
        tpu.wait_dma2 semaphore(%arg11 : memref<!tpu.dma_semaphore, #tpu.memory_space<semaphore_mem>>) src(%dma_wait3A_217 : memref<128x64xf32, #tpu.memory_space<vmem>>) dst(%dma_wait3A_213 : memref<128x64xf32, #tpu.memory_space<hbm>>)
      } else {
      }
      %dma_wait3A_100 = arith.constant 0 : i32
      %dma_wait3A_101 = arith.constant 0 : i32
      %dma_wait3A_102 = arith.constant 0 : i32
      %dma_wait3A_103 = tpu.memref_slice %arg7[%dma_wait3A_100, %dma_wait3A_101, %dma_wait3A_102] : memref<2x128x64xf32, #tpu.memory_space<vmem>> -> memref<1x128x64xf32, #tpu.memory_space<vmem>>
      %dma_wait3A_104 = tpu.memref_squeeze %dma_wait3A_103 : memref<1x128x64xf32, #tpu.memory_space<vmem>> -> memref<128x64xf32, #tpu.memory_space<vmem>>
      %dma_wait3A_105 = arith.constant 0 : i32
      %dma_wait3A_106 = tpu.memref_slice %arg5[%dma_wait3A_105] : memref<10112xi32, #tpu.memory_space<vmem>> -> memref<128xi32, #tpu.memory_space<vmem>>
      %dma_wait3A_107 = arith.constant 0 : i32
      %dma_wait3A_108 = arith.constant 0 : i32
      %dma_wait3A_109 = tpu.memref_slice %arg2[%dma_wait3A_107, %dma_wait3A_108] : memref<10000x64xf32, #tpu.memory_space<hbm>> -> memref<10000x64xf32, #tpu.memory_space<hbm>>
      tpu.wait_indirect_dma semaphore(%arg10 : memref<!tpu.dma_semaphore, #tpu.memory_space<semaphore_mem>>) src(%dma_wait3A_109 : memref<10000x64xf32, #tpu.memory_space<hbm>>) dst(%dma_wait3A_104 : memref<128x64xf32, #tpu.memory_space<vmem>>)
      %dma_wait3A_110 = arith.constant 0 : i32
      %dma_wait3A_111 = arith.constant 0 : i32
      %dma_wait3A_112 = arith.constant 0 : i32
      %dma_wait3A_113 = tpu.memref_slice %arg8[%dma_wait3A_110, %dma_wait3A_111, %dma_wait3A_112] : memref<2x128x64xf32, #tpu.memory_space<vmem>> -> memref<1x128x64xf32, #tpu.memory_space<vmem>>
      %dma_wait3A_114 = tpu.memref_squeeze %dma_wait3A_113 : memref<1x128x64xf32, #tpu.memory_space<vmem>> -> memref<128x64xf32, #tpu.memory_space<vmem>>
      %dma_wait3A_115 = arith.constant 0 : i32
      %dma_wait3A_116 = tpu.memref_slice %arg6[%dma_wait3A_115] : memref<10112xi32, #tpu.memory_space<vmem>> -> memref<128xi32, #tpu.memory_space<vmem>>
      %dma_wait3A_117 = arith.constant 0 : i32
      %dma_wait3A_118 = arith.constant 0 : i32
      %dma_wait3A_119 = tpu.memref_slice %arg2[%dma_wait3A_117, %dma_wait3A_118] : memref<10000x64xf32, #tpu.memory_space<hbm>> -> memref<10000x64xf32, #tpu.memory_space<hbm>>
      tpu.wait_indirect_dma semaphore(%arg10 : memref<!tpu.dma_semaphore, #tpu.memory_space<semaphore_mem>>) src(%dma_wait3A_119 : memref<10000x64xf32, #tpu.memory_space<hbm>>) dst(%dma_wait3A_114 : memref<128x64xf32, #tpu.memory_space<vmem>>)
      %scan3A_120 = arith.constant 0 : i32
      %scan3A_121 = arith.constant 64 : i32
      %scan3A_122 = arith.addi %scan3A_120, %scan3A_121 : i32
      %scan3A_123 = arith.constant 1 : i32
      scf.for %scan3A_203 = %scan3A_120 to %scan3A_122 step %scan3A_123  : i32 {
        %mul3A_204 = arith.constant 2 : i32
        %mul3A_205 = arith.muli %scan3A_203, %mul3A_204 : i32
        %add3A_206 = arith.constant 0 : i32
        %add3A_207 = arith.addi %mul3A_205, %add3A_206 : i32
        %get3A = arith.constant 0 : i32
        %get3A_208 = arith.index_cast %get3A : i32 to index
        %get3A_209 = arith.index_cast %add3A_207 : i32 to index
        %get3A_210 = arith.constant 0 : index
        %get3A_211 = tpu.vector_load %arg7[%get3A_208, %get3A_209, %get3A_210] {strides = array<i32>} : memref<2x128x64xf32, #tpu.memory_space<vmem>>, vector<1x1x16xf32>,
        %get3A_212 = vector.shape_cast %get3A_211 : vector<1x1x16xf32> to vector<16xf32>
        %get3A_213 = arith.constant 0 : i32
        %get3A_214 = arith.index_cast %get3A_213 : i32 to index
        %get3A_215 = arith.index_cast %add3A_207 : i32 to index
        %get3A_216 = arith.constant 0 : index
        %get3A_217 = tpu.vector_load %arg8[%get3A_214, %get3A_215, %get3A_216] {strides = array<i32>} : memref<2x128x64xf32, #tpu.memory_space<vmem>>, vector<1x1x16xf32>,
        %get3A_218 = vector.shape_cast %get3A_217 : vector<1x1x16xf32> to vector<16xf32>
        %add3A_219 = arith.addf %get3A_212, %get3A_218 : vector<16xf32>
        %swap3A = arith.constant 0 : i32
        %swap3A_220 = arith.index_cast %swap3A : i32 to index
        %swap3A_221 = arith.index_cast %add3A_207 : i32 to index
        %swap3A_222 = arith.constant 0 : index
        %swap3A_223 = tpu.vector_load %arg9[%swap3A_220, %swap3A_221, %swap3A_222] {strides = array<i32>} : memref<2x128x64xf32, #tpu.memory_space<vmem>>, vector<1x1x16xf32>,
        %swap3A_224 = vector.shape_cast %swap3A_223 : vector<1x1x16xf32> to vector<16xf32>
        %swap3A_225 = vector.shape_cast %add3A_219 : vector<16xf32> to vector<1x1x16xf32>
        tpu.vector_store %arg9[%swap3A_220, %swap3A_221, %swap3A_222], %swap3A_225 {strides = array<i32>} : memref<2x128x64xf32, #tpu.memory_space<vmem>>, vector<1x1x16xf32>,
        %get3A_226 = arith.constant 0 : i32
        %get3A_227 = arith.index_cast %get3A_226 : i32 to index
        %get3A_228 = arith.index_cast %add3A_207 : i32 to index
        %get3A_229 = arith.constant 16 : index
        %get3A_230 = tpu.vector_load %arg7[%get3A_227, %get3A_228, %get3A_229] {strides = array<i32>} : memref<2x128x64xf32, #tpu.memory_space<vmem>>, vector<1x1x16xf32>,
        %get3A_231 = vector.shape_cast %get3A_230 : vector<1x1x16xf32> to vector<16xf32>
        %get3A_232 = arith.constant 0 : i32
        %get3A_233 = arith.index_cast %get3A_232 : i32 to index
        %get3A_234 = arith.index_cast %add3A_207 : i32 to index
        %get3A_235 = arith.constant 16 : index
        %get3A_236 = tpu.vector_load %arg8[%get3A_233, %get3A_234, %get3A_235] {strides = array<i32>} : memref<2x128x64xf32, #tpu.memory_space<vmem>>, vector<1x1x16xf32>,
        %get3A_237 = vector.shape_cast %get3A_236 : vector<1x1x16xf32> to vector<16xf32>
        %add3A_238 = arith.addf %get3A_231, %get3A_237 : vector<16xf32>
        %swap3A_239 = arith.constant 0 : i32
        %swap3A_240 = arith.index_cast %swap3A_239 : i32 to index
        %swap3A_241 = arith.index_cast %add3A_207 : i32 to index
        %swap3A_242 = arith.constant 16 : index
        %swap3A_243 = tpu.vector_load %arg9[%swap3A_240, %swap3A_241, %swap3A_242] {strides = array<i32>} : memref<2x128x64xf32, #tpu.memory_space<vmem>>, vector<1x1x16xf32>,
        %swap3A_244 = vector.shape_cast %swap3A_243 : vector<1x1x16xf32> to vector<16xf32>
        %swap3A_245 = vector.shape_cast %add3A_238 : vector<16xf32> to vector<1x1x16xf32>
        tpu.vector_store %arg9[%swap3A_240, %swap3A_241, %swap3A_242], %swap3A_245 {strides = array<i32>} : memref<2x128x64xf32, #tpu.memory_space<vmem>>, vector<1x1x16xf32>,
        %get3A_246 = arith.constant 0 : i32
        %get3A_247 = arith.index_cast %get3A_246 : i32 to index
        %get3A_248 = arith.index_cast %add3A_207 : i32 to index
        %get3A_249 = arith.constant 32 : index
        %get3A_250 = tpu.vector_load %arg7[%get3A_247, %get3A_248, %get3A_249] {strides = array<i32>} : memref<2x128x64xf32, #tpu.memory_space<vmem>>, vector<1x1x16xf32>,
        %get3A_251 = vector.shape_cast %get3A_250 : vector<1x1x16xf32> to vector<16xf32>
        %get3A_252 = arith.constant 0 : i32
        %get3A_253 = arith.index_cast %get3A_252 : i32 to index
        %get3A_254 = arith.index_cast %add3A_207 : i32 to index
        %get3A_255 = arith.constant 32 : index
        %get3A_256 = tpu.vector_load %arg8[%get3A_253, %get3A_254, %get3A_255] {strides = array<i32>} : memref<2x128x64xf32, #tpu.memory_space<vmem>>, vector<1x1x16xf32>,
        %get3A_257 = vector.shape_cast %get3A_256 : vector<1x1x16xf32> to vector<16xf32>
        %add3A_258 = arith.addf %get3A_251, %get3A_257 : vector<16xf32>
        %swap3A_259 = arith.constant 0 : i32
        %swap3A_260 = arith.index_cast %swap3A_259 : i32 to index
        %swap3A_261 = arith.index_cast %add3A_207 : i32 to index
        %swap3A_262 = arith.constant 32 : index
        %swap3A_263 = tpu.vector_load %arg9[%swap3A_260, %swap3A_261, %swap3A_262] {strides = array<i32>} : memref<2x128x64xf32, #tpu.memory_space<vmem>>, vector<1x1x16xf32>,
        %swap3A_264 = vector.shape_cast %swap3A_263 : vector<1x1x16xf32> to vector<16xf32>
        %swap3A_265 = vector.shape_cast %add3A_258 : vector<16xf32> to vector<1x1x16xf32>
        tpu.vector_store %arg9[%swap3A_260, %swap3A_261, %swap3A_262], %swap3A_265 {strides = array<i32>} : memref<2x128x64xf32, #tpu.memory_space<vmem>>, vector<1x1x16xf32>,
        %get3A_266 = arith.constant 0 : i32
        %get3A_267 = arith.index_cast %get3A_266 : i32 to index
        %get3A_268 = arith.index_cast %add3A_207 : i32 to index
        %get3A_269 = arith.constant 48 : index
        %get3A_270 = tpu.vector_load %arg7[%get3A_267, %get3A_268, %get3A_269] {strides = array<i32>} : memref<2x128x64xf32, #tpu.memory_space<vmem>>, vector<1x1x16xf32>,
        %get3A_271 = vector.shape_cast %get3A_270 : vector<1x1x16xf32> to vector<16xf32>
        %get3A_272 = arith.constant 0 : i32
        %get3A_273 = arith.index_cast %get3A_272 : i32 to index
        %get3A_274 = arith.index_cast %add3A_207 : i32 to index
        %get3A_275 = arith.constant 48 : index
        %get3A_276 = tpu.vector_load %arg8[%get3A_273, %get3A_274, %get3A_275] {strides = array<i32>} : memref<2x128x64xf32, #tpu.memory_space<vmem>>, vector<1x1x16xf32>,
        %get3A_277 = vector.shape_cast %get3A_276 : vector<1x1x16xf32> to vector<16xf32>
        %add3A_278 = arith.addf %get3A_271, %get3A_277 : vector<16xf32>
        %swap3A_279 = arith.constant 0 : i32
        %swap3A_280 = arith.index_cast %swap3A_279 : i32 to index
        %swap3A_281 = arith.index_cast %add3A_207 : i32 to index
        %swap3A_282 = arith.constant 48 : index
        %swap3A_283 = tpu.vector_load %arg9[%swap3A_280, %swap3A_281, %swap3A_282] {strides = array<i32>} : memref<2x128x64xf32, #tpu.memory_space<vmem>>, vector<1x1x16xf32>,
        %swap3A_284 = vector.shape_cast %swap3A_283 : vector<1x1x16xf32> to vector<16xf32>
        %swap3A_285 = vector.shape_cast %add3A_278 : vector<16xf32> to vector<1x1x16xf32>
        tpu.vector_store %arg9[%swap3A_280, %swap3A_281, %swap3A_282], %swap3A_285 {strides = array<i32>} : memref<2x128x64xf32, #tpu.memory_space<vmem>>, vector<1x1x16xf32>,
        %mul3A_286 = arith.constant 2 : i32
        %mul3A_287 = arith.muli %scan3A_203, %mul3A_286 : i32
        %add3A_288 = arith.constant 1 : i32
        %add3A_289 = arith.addi %mul3A_287, %add3A_288 : i32
        %get3A_290 = arith.constant 0 : i32
        %get3A_291 = arith.index_cast %get3A_290 : i32 to index
        %get3A_292 = arith.index_cast %add3A_289 : i32 to index
        %get3A_293 = arith.constant 0 : index
        %get3A_294 = tpu.vector_load %arg7[%get3A_291, %get3A_292, %get3A_293] {strides = array<i32>} : memref<2x128x64xf32, #tpu.memory_space<vmem>>, vector<1x1x16xf32>,
        %get3A_295 = vector.shape_cast %get3A_294 : vector<1x1x16xf32> to vector<16xf32>
        %get3A_296 = arith.constant 0 : i32
        %get3A_297 = arith.index_cast %get3A_296 : i32 to index
        %get3A_298 = arith.index_cast %add3A_289 : i32 to index
        %get3A_299 = arith.constant 0 : index
        %get3A_300 = tpu.vector_load %arg8[%get3A_297, %get3A_298, %get3A_299] {strides = array<i32>} : memref<2x128x64xf32, #tpu.memory_space<vmem>>, vector<1x1x16xf32>,
        %get3A_301 = vector.shape_cast %get3A_300 : vector<1x1x16xf32> to vector<16xf32>
        %add3A_302 = arith.addf %get3A_295, %get3A_301 : vector<16xf32>
        %swap3A_303 = arith.constant 0 : i32
        %swap3A_304 = arith.index_cast %swap3A_303 : i32 to index
        %swap3A_305 = arith.index_cast %add3A_289 : i32 to index
        %swap3A_306 = arith.constant 0 : index
        %swap3A_307 = tpu.vector_load %arg9[%swap3A_304, %swap3A_305, %swap3A_306] {strides = array<i32>} : memref<2x128x64xf32, #tpu.memory_space<vmem>>, vector<1x1x16xf32>,
        %swap3A_308 = vector.shape_cast %swap3A_307 : vector<1x1x16xf32> to vector<16xf32>
        %swap3A_309 = vector.shape_cast %add3A_302 : vector<16xf32> to vector<1x1x16xf32>
        tpu.vector_store %arg9[%swap3A_304, %swap3A_305, %swap3A_306], %swap3A_309 {strides = array<i32>} : memref<2x128x64xf32, #tpu.memory_space<vmem>>, vector<1x1x16xf32>,
        %get3A_310 = arith.constant 0 : i32
        %get3A_311 = arith.index_cast %get3A_310 : i32 to index
        %get3A_312 = arith.index_cast %add3A_289 : i32 to index
        %get3A_313 = arith.constant 16 : index
        %get3A_314 = tpu.vector_load %arg7[%get3A_311, %get3A_312, %get3A_313] {strides = array<i32>} : memref<2x128x64xf32, #tpu.memory_space<vmem>>, vector<1x1x16xf32>,
        %get3A_315 = vector.shape_cast %get3A_314 : vector<1x1x16xf32> to vector<16xf32>
        %get3A_316 = arith.constant 0 : i32
        %get3A_317 = arith.index_cast %get3A_316 : i32 to index
        %get3A_318 = arith.index_cast %add3A_289 : i32 to index
        %get3A_319 = arith.constant 16 : index
        %get3A_320 = tpu.vector_load %arg8[%get3A_317, %get3A_318, %get3A_319] {strides = array<i32>} : memref<2x128x64xf32, #tpu.memory_space<vmem>>, vector<1x1x16xf32>,
        %get3A_321 = vector.shape_cast %get3A_320 : vector<1x1x16xf32> to vector<16xf32>
        %add3A_322 = arith.addf %get3A_315, %get3A_321 : vector<16xf32>
        %swap3A_323 = arith.constant 0 : i32
        %swap3A_324 = arith.index_cast %swap3A_323 : i32 to index
        %swap3A_325 = arith.index_cast %add3A_289 : i32 to index
        %swap3A_326 = arith.constant 16 : index
        %swap3A_327 = tpu.vector_load %arg9[%swap3A_324, %swap3A_325, %swap3A_326] {strides = array<i32>} : memref<2x128x64xf32, #tpu.memory_space<vmem>>, vector<1x1x16xf32>,
        %swap3A_328 = vector.shape_cast %swap3A_327 : vector<1x1x16xf32> to vector<16xf32>
        %swap3A_329 = vector.shape_cast %add3A_322 : vector<16xf32> to vector<1x1x16xf32>
        tpu.vector_store %arg9[%swap3A_324, %swap3A_325, %swap3A_326], %swap3A_329 {strides = array<i32>} : memref<2x128x64xf32, #tpu.memory_space<vmem>>, vector<1x1x16xf32>,
        %get3A_330 = arith.constant 0 : i32
        %get3A_331 = arith.index_cast %get3A_330 : i32 to index
        %get3A_332 = arith.index_cast %add3A_289 : i32 to index
        %get3A_333 = arith.constant 32 : index
        %get3A_334 = tpu.vector_load %arg7[%get3A_331, %get3A_332, %get3A_333] {strides = array<i32>} : memref<2x128x64xf32, #tpu.memory_space<vmem>>, vector<1x1x16xf32>,
        %get3A_335 = vector.shape_cast %get3A_334 : vector<1x1x16xf32> to vector<16xf32>
        %get3A_336 = arith.constant 0 : i32
        %get3A_337 = arith.index_cast %get3A_336 : i32 to index
        %get3A_338 = arith.index_cast %add3A_289 : i32 to index
        %get3A_339 = arith.constant 32 : index
        %get3A_340 = tpu.vector_load %arg8[%get3A_337, %get3A_338, %get3A_339] {strides = array<i32>} : memref<2x128x64xf32, #tpu.memory_space<vmem>>, vector<1x1x16xf32>,
        %get3A_341 = vector.shape_cast %get3A_340 : vector<1x1x16xf32> to vector<16xf32>
        %add3A_342 = arith.addf %get3A_335, %get3A_341 : vector<16xf32>
        %swap3A_343 = arith.constant 0 : i32
        %swap3A_344 = arith.index_cast %swap3A_343 : i32 to index
        %swap3A_345 = arith.index_cast %add3A_289 : i32 to index
        %swap3A_346 = arith.constant 32 : index
        %swap3A_347 = tpu.vector_load %arg9[%swap3A_344, %swap3A_345, %swap3A_346] {strides = array<i32>} : memref<2x128x64xf32, #tpu.memory_space<vmem>>, vector<1x1x16xf32>,
        %swap3A_348 = vector.shape_cast %swap3A_347 : vector<1x1x16xf32> to vector<16xf32>
        %swap3A_349 = vector.shape_cast %add3A_342 : vector<16xf32> to vector<1x1x16xf32>
        tpu.vector_store %arg9[%swap3A_344, %swap3A_345, %swap3A_346], %swap3A_349 {strides = array<i32>} : memref<2x128x64xf32, #tpu.memory_space<vmem>>, vector<1x1x16xf32>,
        %get3A_350 = arith.constant 0 : i32
        %get3A_351 = arith.index_cast %get3A_350 : i32 to index
        %get3A_352 = arith.index_cast %add3A_289 : i32 to index
        %get3A_353 = arith.constant 48 : index
        %get3A_354 = tpu.vector_load %arg7[%get3A_351, %get3A_352, %get3A_353] {strides = array<i32>} : memref<2x128x64xf32, #tpu.memory_space<vmem>>, vector<1x1x16xf32>,
        %get3A_355 = vector.shape_cast %get3A_354 : vector<1x1x16xf32> to vector<16xf32>
        %get3A_356 = arith.constant 0 : i32
        %get3A_357 = arith.index_cast %get3A_356 : i32 to index
        %get3A_358 = arith.index_cast %add3A_289 : i32 to index
        %get3A_359 = arith.constant 48 : index
        %get3A_360 = tpu.vector_load %arg8[%get3A_357, %get3A_358, %get3A_359] {strides = array<i32>} : memref<2x128x64xf32, #tpu.memory_space<vmem>>, vector<1x1x16xf32>,
        %get3A_361 = vector.shape_cast %get3A_360 : vector<1x1x16xf32> to vector<16xf32>
        %add3A_362 = arith.addf %get3A_355, %get3A_361 : vector<16xf32>
        %swap3A_363 = arith.constant 0 : i32
        %swap3A_364 = arith.index_cast %swap3A_363 : i32 to index
        %swap3A_365 = arith.index_cast %add3A_289 : i32 to index
        %swap3A_366 = arith.constant 48 : index
        %swap3A_367 = tpu.vector_load %arg9[%swap3A_364, %swap3A_365, %swap3A_366] {strides = array<i32>} : memref<2x128x64xf32, #tpu.memory_space<vmem>>, vector<1x1x16xf32>,
        %swap3A_368 = vector.shape_cast %swap3A_367 : vector<1x1x16xf32> to vector<16xf32>
        %swap3A_369 = vector.shape_cast %add3A_362 : vector<16xf32> to vector<1x1x16xf32>
        tpu.vector_store %arg9[%swap3A_364, %swap3A_365, %swap3A_366], %swap3A_369 {strides = array<i32>} : memref<2x128x64xf32, #tpu.memory_space<vmem>>, vector<1x1x16xf32>,
      }
      %scan3A_124 = arith.constant 64 : i32
      %add3A_125 = arith.addi %add3A_4, %add3A_95 : i32
      %mul3A_126 = arith.constant 128 : i32
      %mul3A_127 = arith.muli %add3A_125, %mul3A_126 : i32
      %dma_start3A_128 = arith.constant 0 : i32
      %dma_start3A_129 = arith.constant 0 : i32
      %dma_start3A_130 = arith.constant 0 : i32
      %dma_start3A_131 = tpu.memref_slice %arg9[%dma_start3A_128, %dma_start3A_129, %dma_start3A_130] : memref<2x128x64xf32, #tpu.memory_space<vmem>> -> memref<1x128x64xf32, #tpu.memory_space<vmem>>
      %dma_start3A_132 = tpu.memref_squeeze %dma_start3A_131 : memref<1x128x64xf32, #tpu.memory_space<vmem>> -> memref<128x64xf32, #tpu.memory_space<vmem>>
      %dma_start3A_133 = arith.constant 0 : i32
      %dma_start3A_134 = tpu.memref_slice %arg4[%mul3A_127, %dma_start3A_133] : memref<320000x64xf32, #tpu.memory_space<hbm>> -> memref<128x64xf32, #tpu.memory_space<hbm>>
      %dma_start3A_135 = arith.constant 0 : i32
      %dma_start3A_136 = tpu.memref_slice %arg4[%mul3A_127, %dma_start3A_135] : memref<320000x64xf32, #tpu.memory_space<hbm>> -> memref<128x64xf32, #tpu.memory_space<hbm>>
      %dma_start3A_137 = arith.constant 0 : i32
      %dma_start3A_138 = arith.constant 0 : i32
      %dma_start3A_139 = tpu.memref_slice %arg9[%dma_start3A_128, %dma_start3A_137, %dma_start3A_138] : memref<2x128x64xf32, #tpu.memory_space<vmem>> -> memref<1x128x64xf32, #tpu.memory_space<vmem>>
      %dma_start3A_140 = tpu.memref_squeeze %dma_start3A_139 : memref<1x128x64xf32, #tpu.memory_space<vmem>> -> memref<128x64xf32, #tpu.memory_space<vmem>>
      tpu.enqueue_dma source(%dma_start3A_140 : memref<128x64xf32, #tpu.memory_space<vmem>>) target(%dma_start3A_136 : memref<128x64xf32, #tpu.memory_space<hbm>>) target_semaphore(%arg11 : memref<!tpu.dma_semaphore, #tpu.memory_space<semaphore_mem>>)
      %add3A_141 = arith.constant 2 : i32
      %add3A_142 = arith.addi %add3A_95, %add3A_141 : i32
      %lt3A_143 = arith.cmpi slt, %add3A_142, %add3A_8 : i32
      %convert_element_type3A_144 = arith.extui %lt3A_143 : i1 to i32
      %cond3A_145 = arith.constant 0 : i32
      %cond3A_146 = arith.cmpi ne, %convert_element_type3A_144, %cond3A_145 : i32
      scf.if %cond3A_146 {
        %add3A_203 = arith.constant 2 : i32
        %add3A_204 = arith.addi %add3A_95, %add3A_203 : i32
        %mul3A_205 = arith.constant 128 : i32
        %mul3A_206 = arith.muli %add3A_204, %mul3A_205 : i32
        %dma_start3A_207 = arith.constant 0 : i32
        %dma_start3A_208 = arith.constant 0 : i32
        %dma_start3A_209 = arith.constant 0 : i32
        %dma_start3A_210 = tpu.memref_slice %arg7[%dma_start3A_207, %dma_start3A_208, %dma_start3A_209] : memref<2x128x64xf32, #tpu.memory_space<vmem>> -> memref<1x128x64xf32, #tpu.memory_space<vmem>>
        %dma_start3A_211 = tpu.memref_squeeze %dma_start3A_210 : memref<1x128x64xf32, #tpu.memory_space<vmem>> -> memref<128x64xf32, #tpu.memory_space<vmem>>
        %dma_start3A_212 = tpu.memref_slice %arg5[%mul3A_206] : memref<10112xi32, #tpu.memory_space<vmem>> -> memref<128xi32, #tpu.memory_space<vmem>>
        %dma_start3A_213 = arith.constant 0 : i32
        %dma_start3A_214 = arith.constant 0 : i32
        %dma_start3A_215 = tpu.memref_slice %arg2[%dma_start3A_213, %dma_start3A_214] : memref<10000x64xf32, #tpu.memory_space<hbm>> -> memref<10000x64xf32, #tpu.memory_space<hbm>>
        tpu.enqueue_indirect_dma source(%dma_start3A_215 : memref<10000x64xf32, #tpu.memory_space<hbm>>) target(%dma_start3A_211 : memref<128x64xf32, #tpu.memory_space<vmem>>) offsets(%dma_start3A_212 : memref<128xi32, #tpu.memory_space<vmem>>) semaphore(%arg10 : memref<!tpu.dma_semaphore, #tpu.memory_space<semaphore_mem>>)
        %mul3A_216 = arith.constant 128 : i32
        %mul3A_217 = arith.muli %add3A_204, %mul3A_216 : i32
        %dma_start3A_218 = arith.constant 0 : i32
        %dma_start3A_219 = arith.constant 0 : i32
        %dma_start3A_220 = arith.constant 0 : i32
        %dma_start3A_221 = tpu.memref_slice %arg8[%dma_start3A_218, %dma_start3A_219, %dma_start3A_220] : memref<2x128x64xf32, #tpu.memory_space<vmem>> -> memref<1x128x64xf32, #tpu.memory_space<vmem>>
        %dma_start3A_222 = tpu.memref_squeeze %dma_start3A_221 : memref<1x128x64xf32, #tpu.memory_space<vmem>> -> memref<128x64xf32, #tpu.memory_space<vmem>>
        %dma_start3A_223 = tpu.memref_slice %arg6[%mul3A_217] : memref<10112xi32, #tpu.memory_space<vmem>> -> memref<128xi32, #tpu.memory_space<vmem>>
        %dma_start3A_224 = arith.constant 0 : i32
        %dma_start3A_225 = arith.constant 0 : i32
        %dma_start3A_226 = tpu.memref_slice %arg2[%dma_start3A_224, %dma_start3A_225] : memref<10000x64xf32, #tpu.memory_space<hbm>> -> memref<10000x64xf32, #tpu.memory_space<hbm>>
        tpu.enqueue_indirect_dma source(%dma_start3A_226 : memref<10000x64xf32, #tpu.memory_space<hbm>>) target(%dma_start3A_222 : memref<128x64xf32, #tpu.memory_space<vmem>>) offsets(%dma_start3A_223 : memref<128xi32, #tpu.memory_space<vmem>>) semaphore(%arg10 : memref<!tpu.dma_semaphore, #tpu.memory_space<semaphore_mem>>)
      } else {
      }
      %mul3A_147 = arith.constant 2 : i32
      %mul3A_148 = arith.muli %mul3A_147, %scan3A_91 : i32
      %add3A_149 = arith.constant 1 : i32
      %add3A_150 = arith.addi %mul3A_148, %add3A_149 : i32
      %ge3A_151 = arith.constant 2 : i32
      %ge3A_152 = arith.cmpi sge, %add3A_150, %ge3A_151 : i32
      %convert_element_type3A_153 = arith.extui %ge3A_152 : i1 to i32
      %cond3A_154 = arith.constant 0 : i32
      %cond3A_155 = arith.cmpi ne, %convert_element_type3A_153, %cond3A_154 : i32
      scf.if %cond3A_155 {
        %dma_wait3A_203 = arith.constant 1 : i32
        %dma_wait3A_204 = arith.constant 0 : i32
        %dma_wait3A_205 = arith.constant 0 : i32
        %dma_wait3A_206 = tpu.memref_slice %arg9[%dma_wait3A_203, %dma_wait3A_204, %dma_wait3A_205] : memref<2x128x64xf32, #tpu.memory_space<vmem>> -> memref<1x128x64xf32, #tpu.memory_space<vmem>>
        %dma_wait3A_207 = tpu.memref_squeeze %dma_wait3A_206 : memref<1x128x64xf32, #tpu.memory_space<vmem>> -> memref<128x64xf32, #tpu.memory_space<vmem>>
        %dma_wait3A_208 = arith.constant 0 : i32
        %dma_wait3A_209 = arith.constant 0 : i32
        %dma_wait3A_210 = tpu.memref_slice %arg4[%dma_wait3A_208, %dma_wait3A_209] : memref<320000x64xf32, #tpu.memory_space<hbm>> -> memref<128x64xf32, #tpu.memory_space<hbm>>
        %dma_wait3A_211 = arith.constant 0 : i32
        %dma_wait3A_212 = arith.constant 0 : i32
        %dma_wait3A_213 = tpu.memref_slice %arg4[%dma_wait3A_211, %dma_wait3A_212] : memref<320000x64xf32, #tpu.memory_space<hbm>> -> memref<128x64xf32, #tpu.memory_space<hbm>>
        %dma_wait3A_214 = arith.constant 0 : i32
        %dma_wait3A_215 = arith.constant 0 : i32
        %dma_wait3A_216 = tpu.memref_slice %arg9[%dma_wait3A_203, %dma_wait3A_214, %dma_wait3A_215] : memref<2x128x64xf32, #tpu.memory_space<vmem>> -> memref<1x128x64xf32, #tpu.memory_space<vmem>>
        %dma_wait3A_217 = tpu.memref_squeeze %dma_wait3A_216 : memref<1x128x64xf32, #tpu.memory_space<vmem>> -> memref<128x64xf32, #tpu.memory_space<vmem>>
        tpu.wait_dma2 semaphore(%arg11 : memref<!tpu.dma_semaphore, #tpu.memory_space<semaphore_mem>>) src(%dma_wait3A_217 : memref<128x64xf32, #tpu.memory_space<vmem>>) dst(%dma_wait3A_213 : memref<128x64xf32, #tpu.memory_space<hbm>>)
      } else {
      }
      %dma_wait3A_156 = arith.constant 1 : i32
      %dma_wait3A_157 = arith.constant 0 : i32
      %dma_wait3A_158 = arith.constant 0 : i32
      %dma_wait3A_159 = tpu.memref_slice %arg7[%dma_wait3A_156, %dma_wait3A_157, %dma_wait3A_158] : memref<2x128x64xf32, #tpu.memory_space<vmem>> -> memref<1x128x64xf32, #tpu.memory_space<vmem>>
      %dma_wait3A_160 = tpu.memref_squeeze %dma_wait3A_159 : memref<1x128x64xf32, #tpu.memory_space<vmem>> -> memref<128x64xf32, #tpu.memory_space<vmem>>
      %dma_wait3A_161 = arith.constant 0 : i32
      %dma_wait3A_162 = tpu.memref_slice %arg5[%dma_wait3A_161] : memref<10112xi32, #tpu.memory_space<vmem>> -> memref<128xi32, #tpu.memory_space<vmem>>
      %dma_wait3A_163 = arith.constant 0 : i32
      %dma_wait3A_164 = arith.constant 0 : i32
      %dma_wait3A_165 = tpu.memref_slice %arg2[%dma_wait3A_163, %dma_wait3A_164] : memref<10000x64xf32, #tpu.memory_space<hbm>> -> memref<10000x64xf32, #tpu.memory_space<hbm>>
      tpu.wait_indirect_dma semaphore(%arg10 : memref<!tpu.dma_semaphore, #tpu.memory_space<semaphore_mem>>) src(%dma_wait3A_165 : memref<10000x64xf32, #tpu.memory_space<hbm>>) dst(%dma_wait3A_160 : memref<128x64xf32, #tpu.memory_space<vmem>>)
      %dma_wait3A_166 = arith.constant 1 : i32
      %dma_wait3A_167 = arith.constant 0 : i32
      %dma_wait3A_168 = arith.constant 0 : i32
      %dma_wait3A_169 = tpu.memref_slice %arg8[%dma_wait3A_166, %dma_wait3A_167, %dma_wait3A_168] : memref<2x128x64xf32, #tpu.memory_space<vmem>> -> memref<1x128x64xf32, #tpu.memory_space<vmem>>
      %dma_wait3A_170 = tpu.memref_squeeze %dma_wait3A_169 : memref<1x128x64xf32, #tpu.memory_space<vmem>> -> memref<128x64xf32, #tpu.memory_space<vmem>>
      %dma_wait3A_171 = arith.constant 0 : i32
      %dma_wait3A_172 = tpu.memref_slice %arg6[%dma_wait3A_171] : memref<10112xi32, #tpu.memory_space<vmem>> -> memref<128xi32, #tpu.memory_space<vmem>>
      %dma_wait3A_173 = arith.constant 0 : i32
      %dma_wait3A_174 = arith.constant 0 : i32
      %dma_wait3A_175 = tpu.memref_slice %arg2[%dma_wait3A_173, %dma_wait3A_174] : memref<10000x64xf32, #tpu.memory_space<hbm>> -> memref<10000x64xf32, #tpu.memory_space<hbm>>
      tpu.wait_indirect_dma semaphore(%arg10 : memref<!tpu.dma_semaphore, #tpu.memory_space<semaphore_mem>>) src(%dma_wait3A_175 : memref<10000x64xf32, #tpu.memory_space<hbm>>) dst(%dma_wait3A_170 : memref<128x64xf32, #tpu.memory_space<vmem>>)
      %scan3A_176 = arith.constant 0 : i32
      %scan3A_177 = arith.constant 64 : i32
      %scan3A_178 = arith.addi %scan3A_176, %scan3A_177 : i32
      %scan3A_179 = arith.constant 1 : i32
      scf.for %scan3A_203 = %scan3A_176 to %scan3A_178 step %scan3A_179  : i32 {
        %mul3A_204 = arith.constant 2 : i32
        %mul3A_205 = arith.muli %scan3A_203, %mul3A_204 : i32
        %add3A_206 = arith.constant 0 : i32
        %add3A_207 = arith.addi %mul3A_205, %add3A_206 : i32
        %get3A = arith.constant 1 : i32
        %get3A_208 = arith.index_cast %get3A : i32 to index
        %get3A_209 = arith.index_cast %add3A_207 : i32 to index
        %get3A_210 = arith.constant 0 : index
        %get3A_211 = tpu.vector_load %arg7[%get3A_208, %get3A_209, %get3A_210] {strides = array<i32>} : memref<2x128x64xf32, #tpu.memory_space<vmem>>, vector<1x1x16xf32>,
        %get3A_212 = vector.shape_cast %get3A_211 : vector<1x1x16xf32> to vector<16xf32>
        %get3A_213 = arith.constant 1 : i32
        %get3A_214 = arith.index_cast %get3A_213 : i32 to index
        %get3A_215 = arith.index_cast %add3A_207 : i32 to index
        %get3A_216 = arith.constant 0 : index
        %get3A_217 = tpu.vector_load %arg8[%get3A_214, %get3A_215, %get3A_216] {strides = array<i32>} : memref<2x128x64xf32, #tpu.memory_space<vmem>>, vector<1x1x16xf32>,
        %get3A_218 = vector.shape_cast %get3A_217 : vector<1x1x16xf32> to vector<16xf32>
        %add3A_219 = arith.addf %get3A_212, %get3A_218 : vector<16xf32>
        %swap3A = arith.constant 1 : i32
        %swap3A_220 = arith.index_cast %swap3A : i32 to index
        %swap3A_221 = arith.index_cast %add3A_207 : i32 to index
        %swap3A_222 = arith.constant 0 : index
        %swap3A_223 = tpu.vector_load %arg9[%swap3A_220, %swap3A_221, %swap3A_222] {strides = array<i32>} : memref<2x128x64xf32, #tpu.memory_space<vmem>>, vector<1x1x16xf32>,
        %swap3A_224 = vector.shape_cast %swap3A_223 : vector<1x1x16xf32> to vector<16xf32>
        %swap3A_225 = vector.shape_cast %add3A_219 : vector<16xf32> to vector<1x1x16xf32>
        tpu.vector_store %arg9[%swap3A_220, %swap3A_221, %swap3A_222], %swap3A_225 {strides = array<i32>} : memref<2x128x64xf32, #tpu.memory_space<vmem>>, vector<1x1x16xf32>,
        %get3A_226 = arith.constant 1 : i32
        %get3A_227 = arith.index_cast %get3A_226 : i32 to index
        %get3A_228 = arith.index_cast %add3A_207 : i32 to index
        %get3A_229 = arith.constant 16 : index
        %get3A_230 = tpu.vector_load %arg7[%get3A_227, %get3A_228, %get3A_229] {strides = array<i32>} : memref<2x128x64xf32, #tpu.memory_space<vmem>>, vector<1x1x16xf32>,
        %get3A_231 = vector.shape_cast %get3A_230 : vector<1x1x16xf32> to vector<16xf32>
        %get3A_232 = arith.constant 1 : i32
        %get3A_233 = arith.index_cast %get3A_232 : i32 to index
        %get3A_234 = arith.index_cast %add3A_207 : i32 to index
        %get3A_235 = arith.constant 16 : index
        %get3A_236 = tpu.vector_load %arg8[%get3A_233, %get3A_234, %get3A_235] {strides = array<i32>} : memref<2x128x64xf32, #tpu.memory_space<vmem>>, vector<1x1x16xf32>,
        %get3A_237 = vector.shape_cast %get3A_236 : vector<1x1x16xf32> to vector<16xf32>
        %add3A_238 = arith.addf %get3A_231, %get3A_237 : vector<16xf32>
        %swap3A_239 = arith.constant 1 : i32
        %swap3A_240 = arith.index_cast %swap3A_239 : i32 to index
        %swap3A_241 = arith.index_cast %add3A_207 : i32 to index
        %swap3A_242 = arith.constant 16 : index
        %swap3A_243 = tpu.vector_load %arg9[%swap3A_240, %swap3A_241, %swap3A_242] {strides = array<i32>} : memref<2x128x64xf32, #tpu.memory_space<vmem>>, vector<1x1x16xf32>,
        %swap3A_244 = vector.shape_cast %swap3A_243 : vector<1x1x16xf32> to vector<16xf32>
        %swap3A_245 = vector.shape_cast %add3A_238 : vector<16xf32> to vector<1x1x16xf32>
        tpu.vector_store %arg9[%swap3A_240, %swap3A_241, %swap3A_242], %swap3A_245 {strides = array<i32>} : memref<2x128x64xf32, #tpu.memory_space<vmem>>, vector<1x1x16xf32>,
        %get3A_246 = arith.constant 1 : i32
        %get3A_247 = arith.index_cast %get3A_246 : i32 to index
        %get3A_248 = arith.index_cast %add3A_207 : i32 to index
        %get3A_249 = arith.constant 32 : index
        %get3A_250 = tpu.vector_load %arg7[%get3A_247, %get3A_248, %get3A_249] {strides = array<i32>} : memref<2x128x64xf32, #tpu.memory_space<vmem>>, vector<1x1x16xf32>,
        %get3A_251 = vector.shape_cast %get3A_250 : vector<1x1x16xf32> to vector<16xf32>
        %get3A_252 = arith.constant 1 : i32
        %get3A_253 = arith.index_cast %get3A_252 : i32 to index
        %get3A_254 = arith.index_cast %add3A_207 : i32 to index
        %get3A_255 = arith.constant 32 : index
        %get3A_256 = tpu.vector_load %arg8[%get3A_253, %get3A_254, %get3A_255] {strides = array<i32>} : memref<2x128x64xf32, #tpu.memory_space<vmem>>, vector<1x1x16xf32>,
        %get3A_257 = vector.shape_cast %get3A_256 : vector<1x1x16xf32> to vector<16xf32>
        %add3A_258 = arith.addf %get3A_251, %get3A_257 : vector<16xf32>
        %swap3A_259 = arith.constant 1 : i32
        %swap3A_260 = arith.index_cast %swap3A_259 : i32 to index
        %swap3A_261 = arith.index_cast %add3A_207 : i32 to index
        %swap3A_262 = arith.constant 32 : index
        %swap3A_263 = tpu.vector_load %arg9[%swap3A_260, %swap3A_261, %swap3A_262] {strides = array<i32>} : memref<2x128x64xf32, #tpu.memory_space<vmem>>, vector<1x1x16xf32>,
        %swap3A_264 = vector.shape_cast %swap3A_263 : vector<1x1x16xf32> to vector<16xf32>
        %swap3A_265 = vector.shape_cast %add3A_258 : vector<16xf32> to vector<1x1x16xf32>
        tpu.vector_store %arg9[%swap3A_260, %swap3A_261, %swap3A_262], %swap3A_265 {strides = array<i32>} : memref<2x128x64xf32, #tpu.memory_space<vmem>>, vector<1x1x16xf32>,
        %get3A_266 = arith.constant 1 : i32
        %get3A_267 = arith.index_cast %get3A_266 : i32 to index
        %get3A_268 = arith.index_cast %add3A_207 : i32 to index
        %get3A_269 = arith.constant 48 : index
        %get3A_270 = tpu.vector_load %arg7[%get3A_267, %get3A_268, %get3A_269] {strides = array<i32>} : memref<2x128x64xf32, #tpu.memory_space<vmem>>, vector<1x1x16xf32>,
        %get3A_271 = vector.shape_cast %get3A_270 : vector<1x1x16xf32> to vector<16xf32>
        %get3A_272 = arith.constant 1 : i32
        %get3A_273 = arith.index_cast %get3A_272 : i32 to index
        %get3A_274 = arith.index_cast %add3A_207 : i32 to index
        %get3A_275 = arith.constant 48 : index
        %get3A_276 = tpu.vector_load %arg8[%get3A_273, %get3A_274, %get3A_275] {strides = array<i32>} : memref<2x128x64xf32, #tpu.memory_space<vmem>>, vector<1x1x16xf32>,
        %get3A_277 = vector.shape_cast %get3A_276 : vector<1x1x16xf32> to vector<16xf32>
        %add3A_278 = arith.addf %get3A_271, %get3A_277 : vector<16xf32>
        %swap3A_279 = arith.constant 1 : i32
        %swap3A_280 = arith.index_cast %swap3A_279 : i32 to index
        %swap3A_281 = arith.index_cast %add3A_207 : i32 to index
        %swap3A_282 = arith.constant 48 : index
        %swap3A_283 = tpu.vector_load %arg9[%swap3A_280, %swap3A_281, %swap3A_282] {strides = array<i32>} : memref<2x128x64xf32, #tpu.memory_space<vmem>>, vector<1x1x16xf32>,
        %swap3A_284 = vector.shape_cast %swap3A_283 : vector<1x1x16xf32> to vector<16xf32>
        %swap3A_285 = vector.shape_cast %add3A_278 : vector<16xf32> to vector<1x1x16xf32>
        tpu.vector_store %arg9[%swap3A_280, %swap3A_281, %swap3A_282], %swap3A_285 {strides = array<i32>} : memref<2x128x64xf32, #tpu.memory_space<vmem>>, vector<1x1x16xf32>,
        %mul3A_286 = arith.constant 2 : i32
        %mul3A_287 = arith.muli %scan3A_203, %mul3A_286 : i32
        %add3A_288 = arith.constant 1 : i32
        %add3A_289 = arith.addi %mul3A_287, %add3A_288 : i32
        %get3A_290 = arith.constant 1 : i32
        %get3A_291 = arith.index_cast %get3A_290 : i32 to index
        %get3A_292 = arith.index_cast %add3A_289 : i32 to index
        %get3A_293 = arith.constant 0 : index
        %get3A_294 = tpu.vector_load %arg7[%get3A_291, %get3A_292, %get3A_293] {strides = array<i32>} : memref<2x128x64xf32, #tpu.memory_space<vmem>>, vector<1x1x16xf32>,
        %get3A_295 = vector.shape_cast %get3A_294 : vector<1x1x16xf32> to vector<16xf32>
        %get3A_296 = arith.constant 1 : i32
        %get3A_297 = arith.index_cast %get3A_296 : i32 to index
        %get3A_298 = arith.index_cast %add3A_289 : i32 to index
        %get3A_299 = arith.constant 0 : index
        %get3A_300 = tpu.vector_load %arg8[%get3A_297, %get3A_298, %get3A_299] {strides = array<i32>} : memref<2x128x64xf32, #tpu.memory_space<vmem>>, vector<1x1x16xf32>,
        %get3A_301 = vector.shape_cast %get3A_300 : vector<1x1x16xf32> to vector<16xf32>
        %add3A_302 = arith.addf %get3A_295, %get3A_301 : vector<16xf32>
        %swap3A_303 = arith.constant 1 : i32
        %swap3A_304 = arith.index_cast %swap3A_303 : i32 to index
        %swap3A_305 = arith.index_cast %add3A_289 : i32 to index
        %swap3A_306 = arith.constant 0 : index
        %swap3A_307 = tpu.vector_load %arg9[%swap3A_304, %swap3A_305, %swap3A_306] {strides = array<i32>} : memref<2x128x64xf32, #tpu.memory_space<vmem>>, vector<1x1x16xf32>,
        %swap3A_308 = vector.shape_cast %swap3A_307 : vector<1x1x16xf32> to vector<16xf32>
        %swap3A_309 = vector.shape_cast %add3A_302 : vector<16xf32> to vector<1x1x16xf32>
        tpu.vector_store %arg9[%swap3A_304, %swap3A_305, %swap3A_306], %swap3A_309 {strides = array<i32>} : memref<2x128x64xf32, #tpu.memory_space<vmem>>, vector<1x1x16xf32>,
        %get3A_310 = arith.constant 1 : i32
        %get3A_311 = arith.index_cast %get3A_310 : i32 to index
        %get3A_312 = arith.index_cast %add3A_289 : i32 to index
        %get3A_313 = arith.constant 16 : index
        %get3A_314 = tpu.vector_load %arg7[%get3A_311, %get3A_312, %get3A_313] {strides = array<i32>} : memref<2x128x64xf32, #tpu.memory_space<vmem>>, vector<1x1x16xf32>,
        %get3A_315 = vector.shape_cast %get3A_314 : vector<1x1x16xf32> to vector<16xf32>
        %get3A_316 = arith.constant 1 : i32
        %get3A_317 = arith.index_cast %get3A_316 : i32 to index
        %get3A_318 = arith.index_cast %add3A_289 : i32 to index
        %get3A_319 = arith.constant 16 : index
        %get3A_320 = tpu.vector_load %arg8[%get3A_317, %get3A_318, %get3A_319] {strides = array<i32>} : memref<2x128x64xf32, #tpu.memory_space<vmem>>, vector<1x1x16xf32>,
        %get3A_321 = vector.shape_cast %get3A_320 : vector<1x1x16xf32> to vector<16xf32>
        %add3A_322 = arith.addf %get3A_315, %get3A_321 : vector<16xf32>
        %swap3A_323 = arith.constant 1 : i32
        %swap3A_324 = arith.index_cast %swap3A_323 : i32 to index
        %swap3A_325 = arith.index_cast %add3A_289 : i32 to index
        %swap3A_326 = arith.constant 16 : index
        %swap3A_327 = tpu.vector_load %arg9[%swap3A_324, %swap3A_325, %swap3A_326] {strides = array<i32>} : memref<2x128x64xf32, #tpu.memory_space<vmem>>, vector<1x1x16xf32>,
        %swap3A_328 = vector.shape_cast %swap3A_327 : vector<1x1x16xf32> to vector<16xf32>
        %swap3A_329 = vector.shape_cast %add3A_322 : vector<16xf32> to vector<1x1x16xf32>
        tpu.vector_store %arg9[%swap3A_324, %swap3A_325, %swap3A_326], %swap3A_329 {strides = array<i32>} : memref<2x128x64xf32, #tpu.memory_space<vmem>>, vector<1x1x16xf32>,
        %get3A_330 = arith.constant 1 : i32
        %get3A_331 = arith.index_cast %get3A_330 : i32 to index
        %get3A_332 = arith.index_cast %add3A_289 : i32 to index
        %get3A_333 = arith.constant 32 : index
        %get3A_334 = tpu.vector_load %arg7[%get3A_331, %get3A_332, %get3A_333] {strides = array<i32>} : memref<2x128x64xf32, #tpu.memory_space<vmem>>, vector<1x1x16xf32>,
        %get3A_335 = vector.shape_cast %get3A_334 : vector<1x1x16xf32> to vector<16xf32>
        %get3A_336 = arith.constant 1 : i32
        %get3A_337 = arith.index_cast %get3A_336 : i32 to index
        %get3A_338 = arith.index_cast %add3A_289 : i32 to index
        %get3A_339 = arith.constant 32 : index
        %get3A_340 = tpu.vector_load %arg8[%get3A_337, %get3A_338, %get3A_339] {strides = array<i32>} : memref<2x128x64xf32, #tpu.memory_space<vmem>>, vector<1x1x16xf32>,
        %get3A_341 = vector.shape_cast %get3A_340 : vector<1x1x16xf32> to vector<16xf32>
        %add3A_342 = arith.addf %get3A_335, %get3A_341 : vector<16xf32>
        %swap3A_343 = arith.constant 1 : i32
        %swap3A_344 = arith.index_cast %swap3A_343 : i32 to index
        %swap3A_345 = arith.index_cast %add3A_289 : i32 to index
        %swap3A_346 = arith.constant 32 : index
        %swap3A_347 = tpu.vector_load %arg9[%swap3A_344, %swap3A_345, %swap3A_346] {strides = array<i32>} : memref<2x128x64xf32, #tpu.memory_space<vmem>>, vector<1x1x16xf32>,
        %swap3A_348 = vector.shape_cast %swap3A_347 : vector<1x1x16xf32> to vector<16xf32>
        %swap3A_349 = vector.shape_cast %add3A_342 : vector<16xf32> to vector<1x1x16xf32>
        tpu.vector_store %arg9[%swap3A_344, %swap3A_345, %swap3A_346], %swap3A_349 {strides = array<i32>} : memref<2x128x64xf32, #tpu.memory_space<vmem>>, vector<1x1x16xf32>,
        %get3A_350 = arith.constant 1 : i32
        %get3A_351 = arith.index_cast %get3A_350 : i32 to index
        %get3A_352 = arith.index_cast %add3A_289 : i32 to index
        %get3A_353 = arith.constant 48 : index
        %get3A_354 = tpu.vector_load %arg7[%get3A_351, %get3A_352, %get3A_353] {strides = array<i32>} : memref<2x128x64xf32, #tpu.memory_space<vmem>>, vector<1x1x16xf32>,
        %get3A_355 = vector.shape_cast %get3A_354 : vector<1x1x16xf32> to vector<16xf32>
        %get3A_356 = arith.constant 1 : i32
        %get3A_357 = arith.index_cast %get3A_356 : i32 to index
        %get3A_358 = arith.index_cast %add3A_289 : i32 to index
        %get3A_359 = arith.constant 48 : index
        %get3A_360 = tpu.vector_load %arg8[%get3A_357, %get3A_358, %get3A_359] {strides = array<i32>} : memref<2x128x64xf32, #tpu.memory_space<vmem>>, vector<1x1x16xf32>,
        %get3A_361 = vector.shape_cast %get3A_360 : vector<1x1x16xf32> to vector<16xf32>
        %add3A_362 = arith.addf %get3A_355, %get3A_361 : vector<16xf32>
        %swap3A_363 = arith.constant 1 : i32
        %swap3A_364 = arith.index_cast %swap3A_363 : i32 to index
        %swap3A_365 = arith.index_cast %add3A_289 : i32 to index
        %swap3A_366 = arith.constant 48 : index
        %swap3A_367 = tpu.vector_load %arg9[%swap3A_364, %swap3A_365, %swap3A_366] {strides = array<i32>} : memref<2x128x64xf32, #tpu.memory_space<vmem>>, vector<1x1x16xf32>,
        %swap3A_368 = vector.shape_cast %swap3A_367 : vector<1x1x16xf32> to vector<16xf32>
        %swap3A_369 = vector.shape_cast %add3A_362 : vector<16xf32> to vector<1x1x16xf32>
        tpu.vector_store %arg9[%swap3A_364, %swap3A_365, %swap3A_366], %swap3A_369 {strides = array<i32>} : memref<2x128x64xf32, #tpu.memory_space<vmem>>, vector<1x1x16xf32>,
      }
      %scan3A_180 = arith.constant 64 : i32
      %add3A_181 = arith.addi %add3A_4, %add3A_150 : i32
      %mul3A_182 = arith.constant 128 : i32
      %mul3A_183 = arith.muli %add3A_181, %mul3A_182 : i32
      %dma_start3A_184 = arith.constant 1 : i32
      %dma_start3A_185 = arith.constant 0 : i32
      %dma_start3A_186 = arith.constant 0 : i32
      %dma_start3A_187 = tpu.memref_slice %arg9[%dma_start3A_184, %dma_start3A_185, %dma_start3A_186] : memref<2x128x64xf32, #tpu.memory_space<vmem>> -> memref<1x128x64xf32, #tpu.memory_space<vmem>>
      %dma_start3A_188 = tpu.memref_squeeze %dma_start3A_187 : memref<1x128x64xf32, #tpu.memory_space<vmem>> -> memref<128x64xf32, #tpu.memory_space<vmem>>
      %dma_start3A_189 = arith.constant 0 : i32
      %dma_start3A_190 = tpu.memref_slice %arg4[%mul3A_183, %dma_start3A_189] : memref<320000x64xf32, #tpu.memory_space<hbm>> -> memref<128x64xf32, #tpu.memory_space<hbm>>
      %dma_start3A_191 = arith.constant 0 : i32
      %dma_start3A_192 = tpu.memref_slice %arg4[%mul3A_183, %dma_start3A_191] : memref<320000x64xf32, #tpu.memory_space<hbm>> -> memref<128x64xf32, #tpu.memory_space<hbm>>
      %dma_start3A_193 = arith.constant 0 : i32
      %dma_start3A_194 = arith.constant 0 : i32
      %dma_start3A_195 = tpu.memref_slice %arg9[%dma_start3A_184, %dma_start3A_193, %dma_start3A_194] : memref<2x128x64xf32, #tpu.memory_space<vmem>> -> memref<1x128x64xf32, #tpu.memory_space<vmem>>
      %dma_start3A_196 = tpu.memref_squeeze %dma_start3A_195 : memref<1x128x64xf32, #tpu.memory_space<vmem>> -> memref<128x64xf32, #tpu.memory_space<vmem>>
      tpu.enqueue_dma source(%dma_start3A_196 : memref<128x64xf32, #tpu.memory_space<vmem>>) target(%dma_start3A_192 : memref<128x64xf32, #tpu.memory_space<hbm>>) target_semaphore(%arg11 : memref<!tpu.dma_semaphore, #tpu.memory_space<semaphore_mem>>)
      %add3A_197 = arith.constant 2 : i32
      %add3A_198 = arith.addi %add3A_150, %add3A_197 : i32
      %lt3A_199 = arith.cmpi slt, %add3A_198, %add3A_8 : i32
      %convert_element_type3A_200 = arith.extui %lt3A_199 : i1 to i32
      %cond3A_201 = arith.constant 0 : i32
      %cond3A_202 = arith.cmpi ne, %convert_element_type3A_200, %cond3A_201 : i32
      scf.if %cond3A_202 {
        %add3A_203 = arith.constant 2 : i32
        %add3A_204 = arith.addi %add3A_150, %add3A_203 : i32
        %mul3A_205 = arith.constant 128 : i32
        %mul3A_206 = arith.muli %add3A_204, %mul3A_205 : i32
        %dma_start3A_207 = arith.constant 1 : i32
        %dma_start3A_208 = arith.constant 0 : i32
        %dma_start3A_209 = arith.constant 0 : i32
        %dma_start3A_210 = tpu.memref_slice %arg7[%dma_start3A_207, %dma_start3A_208, %dma_start3A_209] : memref<2x128x64xf32, #tpu.memory_space<vmem>> -> memref<1x128x64xf32, #tpu.memory_space<vmem>>
        %dma_start3A_211 = tpu.memref_squeeze %dma_start3A_210 : memref<1x128x64xf32, #tpu.memory_space<vmem>> -> memref<128x64xf32, #tpu.memory_space<vmem>>
        %dma_start3A_212 = tpu.memref_slice %arg5[%mul3A_206] : memref<10112xi32, #tpu.memory_space<vmem>> -> memref<128xi32, #tpu.memory_space<vmem>>
        %dma_start3A_213 = arith.constant 0 : i32
        %dma_start3A_214 = arith.constant 0 : i32
        %dma_start3A_215 = tpu.memref_slice %arg2[%dma_start3A_213, %dma_start3A_214] : memref<10000x64xf32, #tpu.memory_space<hbm>> -> memref<10000x64xf32, #tpu.memory_space<hbm>>
        tpu.enqueue_indirect_dma source(%dma_start3A_215 : memref<10000x64xf32, #tpu.memory_space<hbm>>) target(%dma_start3A_211 : memref<128x64xf32, #tpu.memory_space<vmem>>) offsets(%dma_start3A_212 : memref<128xi32, #tpu.memory_space<vmem>>) semaphore(%arg10 : memref<!tpu.dma_semaphore, #tpu.memory_space<semaphore_mem>>)
        %mul3A_216 = arith.constant 128 : i32
        %mul3A_217 = arith.muli %add3A_204, %mul3A_216 : i32
        %dma_start3A_218 = arith.constant 1 : i32
        %dma_start3A_219 = arith.constant 0 : i32
        %dma_start3A_220 = arith.constant 0 : i32
        %dma_start3A_221 = tpu.memref_slice %arg8[%dma_start3A_218, %dma_start3A_219, %dma_start3A_220] : memref<2x128x64xf32, #tpu.memory_space<vmem>> -> memref<1x128x64xf32, #tpu.memory_space<vmem>>
        %dma_start3A_222 = tpu.memref_squeeze %dma_start3A_221 : memref<1x128x64xf32, #tpu.memory_space<vmem>> -> memref<128x64xf32, #tpu.memory_space<vmem>>
        %dma_start3A_223 = tpu.memref_slice %arg6[%mul3A_217] : memref<10112xi32, #tpu.memory_space<vmem>> -> memref<128xi32, #tpu.memory_space<vmem>>
        %dma_start3A_224 = arith.constant 0 : i32
        %dma_start3A_225 = arith.constant 0 : i32
        %dma_start3A_226 = tpu.memref_slice %arg2[%dma_start3A_224, %dma_start3A_225] : memref<10000x64xf32, #tpu.memory_space<hbm>> -> memref<10000x64xf32, #tpu.memory_space<hbm>>
        tpu.enqueue_indirect_dma source(%dma_start3A_226 : memref<10000x64xf32, #tpu.memory_space<hbm>>) target(%dma_start3A_222 : memref<128x64xf32, #tpu.memory_space<vmem>>) offsets(%dma_start3A_223 : memref<128xi32, #tpu.memory_space<vmem>>) semaphore(%arg10 : memref<!tpu.dma_semaphore, #tpu.memory_space<semaphore_mem>>)
      } else {
      }
    }
    %scan3A_57 = arith.constant 39 : i32
    %gt3A = arith.constant 78 : i32
    %gt3A_58 = arith.cmpi sgt, %add3A_8, %gt3A : i32
    %convert_element_type3A_59 = arith.extui %gt3A_58 : i1 to i32
    %cond3A_60 = arith.constant 0 : i32
    %cond3A_61 = arith.cmpi ne, %convert_element_type3A_59, %cond3A_60 : i32
    scf.if %cond3A_61 {
      %dma_wait3A_91 = arith.constant 0 : i32
      %dma_wait3A_92 = arith.constant 0 : i32
      %dma_wait3A_93 = arith.constant 0 : i32
      %dma_wait3A_94 = tpu.memref_slice %arg9[%dma_wait3A_91, %dma_wait3A_92, %dma_wait3A_93] : memref<2x128x64xf32, #tpu.memory_space<vmem>> -> memref<1x128x64xf32, #tpu.memory_space<vmem>>
      %dma_wait3A_95 = tpu.memref_squeeze %dma_wait3A_94 : memref<1x128x64xf32, #tpu.memory_space<vmem>> -> memref<128x64xf32, #tpu.memory_space<vmem>>
      %dma_wait3A_96 = arith.constant 0 : i32
      %dma_wait3A_97 = arith.constant 0 : i32
      %dma_wait3A_98 = tpu.memref_slice %arg4[%dma_wait3A_96, %dma_wait3A_97] : memref<320000x64xf32, #tpu.memory_space<hbm>> -> memref<128x64xf32, #tpu.memory_space<hbm>>
      %dma_wait3A_99 = arith.constant 0 : i32
      %dma_wait3A_100 = arith.constant 0 : i32
      %dma_wait3A_101 = tpu.memref_slice %arg4[%dma_wait3A_99, %dma_wait3A_100] : memref<320000x64xf32, #tpu.memory_space<hbm>> -> memref<128x64xf32, #tpu.memory_space<hbm>>
      %dma_wait3A_102 = arith.constant 0 : i32
      %dma_wait3A_103 = arith.constant 0 : i32
      %dma_wait3A_104 = tpu.memref_slice %arg9[%dma_wait3A_91, %dma_wait3A_102, %dma_wait3A_103] : memref<2x128x64xf32, #tpu.memory_space<vmem>> -> memref<1x128x64xf32, #tpu.memory_space<vmem>>
      %dma_wait3A_105 = tpu.memref_squeeze %dma_wait3A_104 : memref<1x128x64xf32, #tpu.memory_space<vmem>> -> memref<128x64xf32, #tpu.memory_space<vmem>>
      tpu.wait_dma2 semaphore(%arg11 : memref<!tpu.dma_semaphore, #tpu.memory_space<semaphore_mem>>) src(%dma_wait3A_105 : memref<128x64xf32, #tpu.memory_space<vmem>>) dst(%dma_wait3A_101 : memref<128x64xf32, #tpu.memory_space<hbm>>)
      %dma_wait3A_106 = arith.constant 0 : i32
      %dma_wait3A_107 = arith.constant 0 : i32
      %dma_wait3A_108 = arith.constant 0 : i32
      %dma_wait3A_109 = tpu.memref_slice %arg7[%dma_wait3A_106, %dma_wait3A_107, %dma_wait3A_108] : memref<2x128x64xf32, #tpu.memory_space<vmem>> -> memref<1x128x64xf32, #tpu.memory_space<vmem>>
      %dma_wait3A_110 = tpu.memref_squeeze %dma_wait3A_109 : memref<1x128x64xf32, #tpu.memory_space<vmem>> -> memref<128x64xf32, #tpu.memory_space<vmem>>
      %dma_wait3A_111 = arith.constant 0 : i32
      %dma_wait3A_112 = tpu.memref_slice %arg5[%dma_wait3A_111] : memref<10112xi32, #tpu.memory_space<vmem>> -> memref<128xi32, #tpu.memory_space<vmem>>
      %dma_wait3A_113 = arith.constant 0 : i32
      %dma_wait3A_114 = arith.constant 0 : i32
      %dma_wait3A_115 = tpu.memref_slice %arg2[%dma_wait3A_113, %dma_wait3A_114] : memref<10000x64xf32, #tpu.memory_space<hbm>> -> memref<10000x64xf32, #tpu.memory_space<hbm>>
      tpu.wait_indirect_dma semaphore(%arg10 : memref<!tpu.dma_semaphore, #tpu.memory_space<semaphore_mem>>) src(%dma_wait3A_115 : memref<10000x64xf32, #tpu.memory_space<hbm>>) dst(%dma_wait3A_110 : memref<128x64xf32, #tpu.memory_space<vmem>>)
      %dma_wait3A_116 = arith.constant 0 : i32
      %dma_wait3A_117 = arith.constant 0 : i32
      %dma_wait3A_118 = arith.constant 0 : i32
      %dma_wait3A_119 = tpu.memref_slice %arg8[%dma_wait3A_116, %dma_wait3A_117, %dma_wait3A_118] : memref<2x128x64xf32, #tpu.memory_space<vmem>> -> memref<1x128x64xf32, #tpu.memory_space<vmem>>
      %dma_wait3A_120 = tpu.memref_squeeze %dma_wait3A_119 : memref<1x128x64xf32, #tpu.memory_space<vmem>> -> memref<128x64xf32, #tpu.memory_space<vmem>>
      %dma_wait3A_121 = arith.constant 0 : i32
      %dma_wait3A_122 = tpu.memref_slice %arg6[%dma_wait3A_121] : memref<10112xi32, #tpu.memory_space<vmem>> -> memref<128xi32, #tpu.memory_space<vmem>>
      %dma_wait3A_123 = arith.constant 0 : i32
      %dma_wait3A_124 = arith.constant 0 : i32
      %dma_wait3A_125 = tpu.memref_slice %arg2[%dma_wait3A_123, %dma_wait3A_124] : memref<10000x64xf32, #tpu.memory_space<hbm>> -> memref<10000x64xf32, #tpu.memory_space<hbm>>
      tpu.wait_indirect_dma semaphore(%arg10 : memref<!tpu.dma_semaphore, #tpu.memory_space<semaphore_mem>>) src(%dma_wait3A_125 : memref<10000x64xf32, #tpu.memory_space<hbm>>) dst(%dma_wait3A_120 : memref<128x64xf32, #tpu.memory_space<vmem>>)
      %scan3A_126 = arith.constant 0 : i32
      %scan3A_127 = arith.constant 64 : i32
      %scan3A_128 = arith.addi %scan3A_126, %scan3A_127 : i32
      %scan3A_129 = arith.constant 1 : i32
      scf.for %scan3A_148 = %scan3A_126 to %scan3A_128 step %scan3A_129  : i32 {
        %mul3A_149 = arith.constant 2 : i32
        %mul3A_150 = arith.muli %scan3A_148, %mul3A_149 : i32
        %add3A_151 = arith.constant 0 : i32
        %add3A_152 = arith.addi %mul3A_150, %add3A_151 : i32
        %get3A = arith.constant 0 : i32
        %get3A_153 = arith.index_cast %get3A : i32 to index
        %get3A_154 = arith.index_cast %add3A_152 : i32 to index
        %get3A_155 = arith.constant 0 : index
        %get3A_156 = tpu.vector_load %arg7[%get3A_153, %get3A_154, %get3A_155] {strides = array<i32>} : memref<2x128x64xf32, #tpu.memory_space<vmem>>, vector<1x1x16xf32>,
        %get3A_157 = vector.shape_cast %get3A_156 : vector<1x1x16xf32> to vector<16xf32>
        %get3A_158 = arith.constant 0 : i32
        %get3A_159 = arith.index_cast %get3A_158 : i32 to index
        %get3A_160 = arith.index_cast %add3A_152 : i32 to index
        %get3A_161 = arith.constant 0 : index
        %get3A_162 = tpu.vector_load %arg8[%get3A_159, %get3A_160, %get3A_161] {strides = array<i32>} : memref<2x128x64xf32, #tpu.memory_space<vmem>>, vector<1x1x16xf32>,
        %get3A_163 = vector.shape_cast %get3A_162 : vector<1x1x16xf32> to vector<16xf32>
        %add3A_164 = arith.addf %get3A_157, %get3A_163 : vector<16xf32>
        %swap3A = arith.constant 0 : i32
        %swap3A_165 = arith.index_cast %swap3A : i32 to index
        %swap3A_166 = arith.index_cast %add3A_152 : i32 to index
        %swap3A_167 = arith.constant 0 : index
        %swap3A_168 = tpu.vector_load %arg9[%swap3A_165, %swap3A_166, %swap3A_167] {strides = array<i32>} : memref<2x128x64xf32, #tpu.memory_space<vmem>>, vector<1x1x16xf32>,
        %swap3A_169 = vector.shape_cast %swap3A_168 : vector<1x1x16xf32> to vector<16xf32>
        %swap3A_170 = vector.shape_cast %add3A_164 : vector<16xf32> to vector<1x1x16xf32>
        tpu.vector_store %arg9[%swap3A_165, %swap3A_166, %swap3A_167], %swap3A_170 {strides = array<i32>} : memref<2x128x64xf32, #tpu.memory_space<vmem>>, vector<1x1x16xf32>,
        %get3A_171 = arith.constant 0 : i32
        %get3A_172 = arith.index_cast %get3A_171 : i32 to index
        %get3A_173 = arith.index_cast %add3A_152 : i32 to index
        %get3A_174 = arith.constant 16 : index
        %get3A_175 = tpu.vector_load %arg7[%get3A_172, %get3A_173, %get3A_174] {strides = array<i32>} : memref<2x128x64xf32, #tpu.memory_space<vmem>>, vector<1x1x16xf32>,
        %get3A_176 = vector.shape_cast %get3A_175 : vector<1x1x16xf32> to vector<16xf32>
        %get3A_177 = arith.constant 0 : i32
        %get3A_178 = arith.index_cast %get3A_177 : i32 to index
        %get3A_179 = arith.index_cast %add3A_152 : i32 to index
        %get3A_180 = arith.constant 16 : index
        %get3A_181 = tpu.vector_load %arg8[%get3A_178, %get3A_179, %get3A_180] {strides = array<i32>} : memref<2x128x64xf32, #tpu.memory_space<vmem>>, vector<1x1x16xf32>,
        %get3A_182 = vector.shape_cast %get3A_181 : vector<1x1x16xf32> to vector<16xf32>
        %add3A_183 = arith.addf %get3A_176, %get3A_182 : vector<16xf32>
        %swap3A_184 = arith.constant 0 : i32
        %swap3A_185 = arith.index_cast %swap3A_184 : i32 to index
        %swap3A_186 = arith.index_cast %add3A_152 : i32 to index
        %swap3A_187 = arith.constant 16 : index
        %swap3A_188 = tpu.vector_load %arg9[%swap3A_185, %swap3A_186, %swap3A_187] {strides = array<i32>} : memref<2x128x64xf32, #tpu.memory_space<vmem>>, vector<1x1x16xf32>,
        %swap3A_189 = vector.shape_cast %swap3A_188 : vector<1x1x16xf32> to vector<16xf32>
        %swap3A_190 = vector.shape_cast %add3A_183 : vector<16xf32> to vector<1x1x16xf32>
        tpu.vector_store %arg9[%swap3A_185, %swap3A_186, %swap3A_187], %swap3A_190 {strides = array<i32>} : memref<2x128x64xf32, #tpu.memory_space<vmem>>, vector<1x1x16xf32>,
        %get3A_191 = arith.constant 0 : i32
        %get3A_192 = arith.index_cast %get3A_191 : i32 to index
        %get3A_193 = arith.index_cast %add3A_152 : i32 to index
        %get3A_194 = arith.constant 32 : index
        %get3A_195 = tpu.vector_load %arg7[%get3A_192, %get3A_193, %get3A_194] {strides = array<i32>} : memref<2x128x64xf32, #tpu.memory_space<vmem>>, vector<1x1x16xf32>,
        %get3A_196 = vector.shape_cast %get3A_195 : vector<1x1x16xf32> to vector<16xf32>
        %get3A_197 = arith.constant 0 : i32
        %get3A_198 = arith.index_cast %get3A_197 : i32 to index
        %get3A_199 = arith.index_cast %add3A_152 : i32 to index
        %get3A_200 = arith.constant 32 : index
        %get3A_201 = tpu.vector_load %arg8[%get3A_198, %get3A_199, %get3A_200] {strides = array<i32>} : memref<2x128x64xf32, #tpu.memory_space<vmem>>, vector<1x1x16xf32>,
        %get3A_202 = vector.shape_cast %get3A_201 : vector<1x1x16xf32> to vector<16xf32>
        %add3A_203 = arith.addf %get3A_196, %get3A_202 : vector<16xf32>
        %swap3A_204 = arith.constant 0 : i32
        %swap3A_205 = arith.index_cast %swap3A_204 : i32 to index
        %swap3A_206 = arith.index_cast %add3A_152 : i32 to index
        %swap3A_207 = arith.constant 32 : index
        %swap3A_208 = tpu.vector_load %arg9[%swap3A_205, %swap3A_206, %swap3A_207] {strides = array<i32>} : memref<2x128x64xf32, #tpu.memory_space<vmem>>, vector<1x1x16xf32>,
        %swap3A_209 = vector.shape_cast %swap3A_208 : vector<1x1x16xf32> to vector<16xf32>
        %swap3A_210 = vector.shape_cast %add3A_203 : vector<16xf32> to vector<1x1x16xf32>
        tpu.vector_store %arg9[%swap3A_205, %swap3A_206, %swap3A_207], %swap3A_210 {strides = array<i32>} : memref<2x128x64xf32, #tpu.memory_space<vmem>>, vector<1x1x16xf32>,
        %get3A_211 = arith.constant 0 : i32
        %get3A_212 = arith.index_cast %get3A_211 : i32 to index
        %get3A_213 = arith.index_cast %add3A_152 : i32 to index
        %get3A_214 = arith.constant 48 : index
        %get3A_215 = tpu.vector_load %arg7[%get3A_212, %get3A_213, %get3A_214] {strides = array<i32>} : memref<2x128x64xf32, #tpu.memory_space<vmem>>, vector<1x1x16xf32>,
        %get3A_216 = vector.shape_cast %get3A_215 : vector<1x1x16xf32> to vector<16xf32>
        %get3A_217 = arith.constant 0 : i32
        %get3A_218 = arith.index_cast %get3A_217 : i32 to index
        %get3A_219 = arith.index_cast %add3A_152 : i32 to index
        %get3A_220 = arith.constant 48 : index
        %get3A_221 = tpu.vector_load %arg8[%get3A_218, %get3A_219, %get3A_220] {strides = array<i32>} : memref<2x128x64xf32, #tpu.memory_space<vmem>>, vector<1x1x16xf32>,
        %get3A_222 = vector.shape_cast %get3A_221 : vector<1x1x16xf32> to vector<16xf32>
        %add3A_223 = arith.addf %get3A_216, %get3A_222 : vector<16xf32>
        %swap3A_224 = arith.constant 0 : i32
        %swap3A_225 = arith.index_cast %swap3A_224 : i32 to index
        %swap3A_226 = arith.index_cast %add3A_152 : i32 to index
        %swap3A_227 = arith.constant 48 : index
        %swap3A_228 = tpu.vector_load %arg9[%swap3A_225, %swap3A_226, %swap3A_227] {strides = array<i32>} : memref<2x128x64xf32, #tpu.memory_space<vmem>>, vector<1x1x16xf32>,
        %swap3A_229 = vector.shape_cast %swap3A_228 : vector<1x1x16xf32> to vector<16xf32>
        %swap3A_230 = vector.shape_cast %add3A_223 : vector<16xf32> to vector<1x1x16xf32>
        tpu.vector_store %arg9[%swap3A_225, %swap3A_226, %swap3A_227], %swap3A_230 {strides = array<i32>} : memref<2x128x64xf32, #tpu.memory_space<vmem>>, vector<1x1x16xf32>,
        %mul3A_231 = arith.constant 2 : i32
        %mul3A_232 = arith.muli %scan3A_148, %mul3A_231 : i32
        %add3A_233 = arith.constant 1 : i32
        %add3A_234 = arith.addi %mul3A_232, %add3A_233 : i32
        %get3A_235 = arith.constant 0 : i32
        %get3A_236 = arith.index_cast %get3A_235 : i32 to index
        %get3A_237 = arith.index_cast %add3A_234 : i32 to index
        %get3A_238 = arith.constant 0 : index
        %get3A_239 = tpu.vector_load %arg7[%get3A_236, %get3A_237, %get3A_238] {strides = array<i32>} : memref<2x128x64xf32, #tpu.memory_space<vmem>>, vector<1x1x16xf32>,
        %get3A_240 = vector.shape_cast %get3A_239 : vector<1x1x16xf32> to vector<16xf32>
        %get3A_241 = arith.constant 0 : i32
        %get3A_242 = arith.index_cast %get3A_241 : i32 to index
        %get3A_243 = arith.index_cast %add3A_234 : i32 to index
        %get3A_244 = arith.constant 0 : index
        %get3A_245 = tpu.vector_load %arg8[%get3A_242, %get3A_243, %get3A_244] {strides = array<i32>} : memref<2x128x64xf32, #tpu.memory_space<vmem>>, vector<1x1x16xf32>,
        %get3A_246 = vector.shape_cast %get3A_245 : vector<1x1x16xf32> to vector<16xf32>
        %add3A_247 = arith.addf %get3A_240, %get3A_246 : vector<16xf32>
        %swap3A_248 = arith.constant 0 : i32
        %swap3A_249 = arith.index_cast %swap3A_248 : i32 to index
        %swap3A_250 = arith.index_cast %add3A_234 : i32 to index
        %swap3A_251 = arith.constant 0 : index
        %swap3A_252 = tpu.vector_load %arg9[%swap3A_249, %swap3A_250, %swap3A_251] {strides = array<i32>} : memref<2x128x64xf32, #tpu.memory_space<vmem>>, vector<1x1x16xf32>,
        %swap3A_253 = vector.shape_cast %swap3A_252 : vector<1x1x16xf32> to vector<16xf32>
        %swap3A_254 = vector.shape_cast %add3A_247 : vector<16xf32> to vector<1x1x16xf32>
        tpu.vector_store %arg9[%swap3A_249, %swap3A_250, %swap3A_251], %swap3A_254 {strides = array<i32>} : memref<2x128x64xf32, #tpu.memory_space<vmem>>, vector<1x1x16xf32>,
        %get3A_255 = arith.constant 0 : i32
        %get3A_256 = arith.index_cast %get3A_255 : i32 to index
        %get3A_257 = arith.index_cast %add3A_234 : i32 to index
        %get3A_258 = arith.constant 16 : index
        %get3A_259 = tpu.vector_load %arg7[%get3A_256, %get3A_257, %get3A_258] {strides = array<i32>} : memref<2x128x64xf32, #tpu.memory_space<vmem>>, vector<1x1x16xf32>,
        %get3A_260 = vector.shape_cast %get3A_259 : vector<1x1x16xf32> to vector<16xf32>
        %get3A_261 = arith.constant 0 : i32
        %get3A_262 = arith.index_cast %get3A_261 : i32 to index
        %get3A_263 = arith.index_cast %add3A_234 : i32 to index
        %get3A_264 = arith.constant 16 : index
        %get3A_265 = tpu.vector_load %arg8[%get3A_262, %get3A_263, %get3A_264] {strides = array<i32>} : memref<2x128x64xf32, #tpu.memory_space<vmem>>, vector<1x1x16xf32>,
        %get3A_266 = vector.shape_cast %get3A_265 : vector<1x1x16xf32> to vector<16xf32>
        %add3A_267 = arith.addf %get3A_260, %get3A_266 : vector<16xf32>
        %swap3A_268 = arith.constant 0 : i32
        %swap3A_269 = arith.index_cast %swap3A_268 : i32 to index
        %swap3A_270 = arith.index_cast %add3A_234 : i32 to index
        %swap3A_271 = arith.constant 16 : index
        %swap3A_272 = tpu.vector_load %arg9[%swap3A_269, %swap3A_270, %swap3A_271] {strides = array<i32>} : memref<2x128x64xf32, #tpu.memory_space<vmem>>, vector<1x1x16xf32>,
        %swap3A_273 = vector.shape_cast %swap3A_272 : vector<1x1x16xf32> to vector<16xf32>
        %swap3A_274 = vector.shape_cast %add3A_267 : vector<16xf32> to vector<1x1x16xf32>
        tpu.vector_store %arg9[%swap3A_269, %swap3A_270, %swap3A_271], %swap3A_274 {strides = array<i32>} : memref<2x128x64xf32, #tpu.memory_space<vmem>>, vector<1x1x16xf32>,
        %get3A_275 = arith.constant 0 : i32
        %get3A_276 = arith.index_cast %get3A_275 : i32 to index
        %get3A_277 = arith.index_cast %add3A_234 : i32 to index
        %get3A_278 = arith.constant 32 : index
        %get3A_279 = tpu.vector_load %arg7[%get3A_276, %get3A_277, %get3A_278] {strides = array<i32>} : memref<2x128x64xf32, #tpu.memory_space<vmem>>, vector<1x1x16xf32>,
        %get3A_280 = vector.shape_cast %get3A_279 : vector<1x1x16xf32> to vector<16xf32>
        %get3A_281 = arith.constant 0 : i32
        %get3A_282 = arith.index_cast %get3A_281 : i32 to index
        %get3A_283 = arith.index_cast %add3A_234 : i32 to index
        %get3A_284 = arith.constant 32 : index
        %get3A_285 = tpu.vector_load %arg8[%get3A_282, %get3A_283, %get3A_284] {strides = array<i32>} : memref<2x128x64xf32, #tpu.memory_space<vmem>>, vector<1x1x16xf32>,
        %get3A_286 = vector.shape_cast %get3A_285 : vector<1x1x16xf32> to vector<16xf32>
        %add3A_287 = arith.addf %get3A_280, %get3A_286 : vector<16xf32>
        %swap3A_288 = arith.constant 0 : i32
        %swap3A_289 = arith.index_cast %swap3A_288 : i32 to index
        %swap3A_290 = arith.index_cast %add3A_234 : i32 to index
        %swap3A_291 = arith.constant 32 : index
        %swap3A_292 = tpu.vector_load %arg9[%swap3A_289, %swap3A_290, %swap3A_291] {strides = array<i32>} : memref<2x128x64xf32, #tpu.memory_space<vmem>>, vector<1x1x16xf32>,
        %swap3A_293 = vector.shape_cast %swap3A_292 : vector<1x1x16xf32> to vector<16xf32>
        %swap3A_294 = vector.shape_cast %add3A_287 : vector<16xf32> to vector<1x1x16xf32>
        tpu.vector_store %arg9[%swap3A_289, %swap3A_290, %swap3A_291], %swap3A_294 {strides = array<i32>} : memref<2x128x64xf32, #tpu.memory_space<vmem>>, vector<1x1x16xf32>,
        %get3A_295 = arith.constant 0 : i32
        %get3A_296 = arith.index_cast %get3A_295 : i32 to index
        %get3A_297 = arith.index_cast %add3A_234 : i32 to index
        %get3A_298 = arith.constant 48 : index
        %get3A_299 = tpu.vector_load %arg7[%get3A_296, %get3A_297, %get3A_298] {strides = array<i32>} : memref<2x128x64xf32, #tpu.memory_space<vmem>>, vector<1x1x16xf32>,
        %get3A_300 = vector.shape_cast %get3A_299 : vector<1x1x16xf32> to vector<16xf32>
        %get3A_301 = arith.constant 0 : i32
        %get3A_302 = arith.index_cast %get3A_301 : i32 to index
        %get3A_303 = arith.index_cast %add3A_234 : i32 to index
        %get3A_304 = arith.constant 48 : index
        %get3A_305 = tpu.vector_load %arg8[%get3A_302, %get3A_303, %get3A_304] {strides = array<i32>} : memref<2x128x64xf32, #tpu.memory_space<vmem>>, vector<1x1x16xf32>,
        %get3A_306 = vector.shape_cast %get3A_305 : vector<1x1x16xf32> to vector<16xf32>
        %add3A_307 = arith.addf %get3A_300, %get3A_306 : vector<16xf32>
        %swap3A_308 = arith.constant 0 : i32
        %swap3A_309 = arith.index_cast %swap3A_308 : i32 to index
        %swap3A_310 = arith.index_cast %add3A_234 : i32 to index
        %swap3A_311 = arith.constant 48 : index
        %swap3A_312 = tpu.vector_load %arg9[%swap3A_309, %swap3A_310, %swap3A_311] {strides = array<i32>} : memref<2x128x64xf32, #tpu.memory_space<vmem>>, vector<1x1x16xf32>,
        %swap3A_313 = vector.shape_cast %swap3A_312 : vector<1x1x16xf32> to vector<16xf32>
        %swap3A_314 = vector.shape_cast %add3A_307 : vector<16xf32> to vector<1x1x16xf32>
        tpu.vector_store %arg9[%swap3A_309, %swap3A_310, %swap3A_311], %swap3A_314 {strides = array<i32>} : memref<2x128x64xf32, #tpu.memory_space<vmem>>, vector<1x1x16xf32>,
      }
      %scan3A_130 = arith.constant 64 : i32
      %add3A_131 = arith.constant 78 : i32
      %add3A_132 = arith.addi %add3A_4, %add3A_131 : i32
      %mul3A_133 = arith.constant 128 : i32
      %mul3A_134 = arith.muli %add3A_132, %mul3A_133 : i32
      %dma_start3A_135 = arith.constant 0 : i32
      %dma_start3A_136 = arith.constant 0 : i32
      %dma_start3A_137 = arith.constant 0 : i32
      %dma_start3A_138 = tpu.memref_slice %arg9[%dma_start3A_135, %dma_start3A_136, %dma_start3A_137] : memref<2x128x64xf32, #tpu.memory_space<vmem>> -> memref<1x128x64xf32, #tpu.memory_space<vmem>>
      %dma_start3A_139 = tpu.memref_squeeze %dma_start3A_138 : memref<1x128x64xf32, #tpu.memory_space<vmem>> -> memref<128x64xf32, #tpu.memory_space<vmem>>
      %dma_start3A_140 = arith.constant 0 : i32
      %dma_start3A_141 = tpu.memref_slice %arg4[%mul3A_134, %dma_start3A_140] : memref<320000x64xf32, #tpu.memory_space<hbm>> -> memref<128x64xf32, #tpu.memory_space<hbm>>
      %dma_start3A_142 = arith.constant 0 : i32
      %dma_start3A_143 = tpu.memref_slice %arg4[%mul3A_134, %dma_start3A_142] : memref<320000x64xf32, #tpu.memory_space<hbm>> -> memref<128x64xf32, #tpu.memory_space<hbm>>
      %dma_start3A_144 = arith.constant 0 : i32
      %dma_start3A_145 = arith.constant 0 : i32
      %dma_start3A_146 = tpu.memref_slice %arg9[%dma_start3A_135, %dma_start3A_144, %dma_start3A_145] : memref<2x128x64xf32, #tpu.memory_space<vmem>> -> memref<1x128x64xf32, #tpu.memory_space<vmem>>
      %dma_start3A_147 = tpu.memref_squeeze %dma_start3A_146 : memref<1x128x64xf32, #tpu.memory_space<vmem>> -> memref<128x64xf32, #tpu.memory_space<vmem>>
      tpu.enqueue_dma source(%dma_start3A_147 : memref<128x64xf32, #tpu.memory_space<vmem>>) target(%dma_start3A_143 : memref<128x64xf32, #tpu.memory_space<hbm>>) target_semaphore(%arg11 : memref<!tpu.dma_semaphore, #tpu.memory_space<semaphore_mem>>)
    } else {
    }
    %dma_wait3A = arith.constant 1 : i32
    %dma_wait3A_62 = arith.constant 0 : i32
    %dma_wait3A_63 = arith.constant 0 : i32
    %dma_wait3A_64 = tpu.memref_slice %arg9[%dma_wait3A, %dma_wait3A_62, %dma_wait3A_63] : memref<2x128x64xf32, #tpu.memory_space<vmem>> -> memref<1x128x64xf32, #tpu.memory_space<vmem>>
    %dma_wait3A_65 = tpu.memref_squeeze %dma_wait3A_64 : memref<1x128x64xf32, #tpu.memory_space<vmem>> -> memref<128x64xf32, #tpu.memory_space<vmem>>
    %dma_wait3A_66 = arith.constant 0 : i32
    %dma_wait3A_67 = arith.constant 0 : i32
    %dma_wait3A_68 = tpu.memref_slice %arg4[%dma_wait3A_66, %dma_wait3A_67] : memref<320000x64xf32, #tpu.memory_space<hbm>> -> memref<128x64xf32, #tpu.memory_space<hbm>>
    %dma_wait3A_69 = arith.constant 0 : i32
    %dma_wait3A_70 = arith.constant 0 : i32
    %dma_wait3A_71 = tpu.memref_slice %arg4[%dma_wait3A_69, %dma_wait3A_70] : memref<320000x64xf32, #tpu.memory_space<hbm>> -> memref<128x64xf32, #tpu.memory_space<hbm>>
    %dma_wait3A_72 = arith.constant 0 : i32
    %dma_wait3A_73 = arith.constant 0 : i32
    %dma_wait3A_74 = tpu.memref_slice %arg9[%dma_wait3A, %dma_wait3A_72, %dma_wait3A_73] : memref<2x128x64xf32, #tpu.memory_space<vmem>> -> memref<1x128x64xf32, #tpu.memory_space<vmem>>
    %dma_wait3A_75 = tpu.memref_squeeze %dma_wait3A_74 : memref<1x128x64xf32, #tpu.memory_space<vmem>> -> memref<128x64xf32, #tpu.memory_space<vmem>>
    tpu.wait_dma2 semaphore(%arg11 : memref<!tpu.dma_semaphore, #tpu.memory_space<semaphore_mem>>) src(%dma_wait3A_75 : memref<128x64xf32, #tpu.memory_space<vmem>>) dst(%dma_wait3A_71 : memref<128x64xf32, #tpu.memory_space<hbm>>)
    %dma_wait3A_76 = arith.constant 0 : i32
    %dma_wait3A_77 = arith.constant 0 : i32
    %dma_wait3A_78 = arith.constant 0 : i32
    %dma_wait3A_79 = tpu.memref_slice %arg9[%dma_wait3A_76, %dma_wait3A_77, %dma_wait3A_78] : memref<2x128x64xf32, #tpu.memory_space<vmem>> -> memref<1x128x64xf32, #tpu.memory_space<vmem>>
    %dma_wait3A_80 = tpu.memref_squeeze %dma_wait3A_79 : memref<1x128x64xf32, #tpu.memory_space<vmem>> -> memref<128x64xf32, #tpu.memory_space<vmem>>
    %dma_wait3A_81 = arith.constant 0 : i32
    %dma_wait3A_82 = arith.constant 0 : i32
    %dma_wait3A_83 = tpu.memref_slice %arg4[%dma_wait3A_81, %dma_wait3A_82] : memref<320000x64xf32, #tpu.memory_space<hbm>> -> memref<128x64xf32, #tpu.memory_space<hbm>>
    %dma_wait3A_84 = arith.constant 0 : i32
    %dma_wait3A_85 = arith.constant 0 : i32
    %dma_wait3A_86 = tpu.memref_slice %arg4[%dma_wait3A_84, %dma_wait3A_85] : memref<320000x64xf32, #tpu.memory_space<hbm>> -> memref<128x64xf32, #tpu.memory_space<hbm>>
    %dma_wait3A_87 = arith.constant 0 : i32
    %dma_wait3A_88 = arith.constant 0 : i32
    %dma_wait3A_89 = tpu.memref_slice %arg9[%dma_wait3A_76, %dma_wait3A_87, %dma_wait3A_88] : memref<2x128x64xf32, #tpu.memory_space<vmem>> -> memref<1x128x64xf32, #tpu.memory_space<vmem>>
    %dma_wait3A_90 = tpu.memref_squeeze %dma_wait3A_89 : memref<1x128x64xf32, #tpu.memory_space<vmem>> -> memref<128x64xf32, #tpu.memory_space<vmem>>
    tpu.wait_dma2 semaphore(%arg11 : memref<!tpu.dma_semaphore, #tpu.memory_space<semaphore_mem>>) src(%dma_wait3A_90 : memref<128x64xf32, #tpu.memory_space<vmem>>) dst(%dma_wait3A_86 : memref<128x64xf32, #tpu.memory_space<hbm>>)
    return
  }
}

module attributes {stable_mosaic.version = 14 : i64} {
  func.func @_prep_body(%arg0: memref<10000x128xf32, #tpu.memory_space<vmem>>, %arg1: memref<128x64xf32, #tpu.memory_space<vmem>>, %arg2: memref<64x64xf32, #tpu.memory_space<vmem>>, %arg3: memref<16x64xf32, #tpu.memory_space<vmem>>, %arg4: memref<64x64xf32, #tpu.memory_space<vmem>>, %arg5: memref<64x64xf32, #tpu.memory_space<vmem>>, %arg6: memref<10000x64xf32, #tpu.memory_space<vmem>>, %arg7: memref<16x128xf32, #tpu.memory_space<vmem>>) attributes {dimension_semantics = [], scalar_prefetch = 0 : i64, scratch_operands = 0 : i64, tpu.core_type = #tpu.core_type<tc>} {
    %get3A = arith.constant 0 : index
    %get3A_0 = arith.constant 0 : index
    %get3A_1 = vector.load %arg0[%get3A, %get3A_0] : memref<10000x128xf32, #tpu.memory_space<vmem>>, vector<10000x128xf32>
    %get3A_2 = arith.constant 0 : index
    %get3A_3 = arith.constant 0 : index
    %get3A_4 = vector.load %arg1[%get3A_2, %get3A_3] : memref<128x64xf32, #tpu.memory_space<vmem>>, vector<128x64xf32>
    %dot_general3A = arith.constant dense<0.000000e+00> : vector<10000x64xf32>
    %dot_general3A_5 = tpu.matmul %get3A_1, %get3A_4, %dot_general3A {dimension_numbers = #tpu.dot_dimension_numbers<[1], [0], [0], [1], [0, 0, 1, 1], [], []>, transpose_lhs_hint = false} : vector<10000x128xf32>, vector<128x64xf32>, vector<10000x64xf32> -> vector<10000x64xf32>
    %get3A_6 = arith.constant 0 : index
    %get3A_7 = arith.constant 0 : index
    %get3A_8 = vector.load %arg2[%get3A_6, %get3A_7] : memref<64x64xf32, #tpu.memory_space<vmem>>, vector<64x64xf32>
    %dot_general3A_9 = arith.constant dense<0.000000e+00> : vector<10000x64xf32>
    %dot_general3A_10 = tpu.matmul %dot_general3A_5, %get3A_8, %dot_general3A_9 {dimension_numbers = #tpu.dot_dimension_numbers<[1], [0], [0], [1], [0, 0, 1, 1], [], []>, transpose_lhs_hint = false} : vector<10000x64xf32>, vector<64x64xf32>, vector<10000x64xf32> -> vector<10000x64xf32>
    %mul3A = arith.constant 5.000000e-01 : f32
    %mul3A_11 = vector.broadcast %mul3A : f32 to vector<10000x64xf32>
    %mul3A_12 = arith.mulf %mul3A_11, %dot_general3A_10 : vector<10000x64xf32>
    %swap3A = arith.constant 0 : index
    %swap3A_13 = arith.constant 0 : index
    %swap3A_14 = vector.load %arg6[%swap3A, %swap3A_13] : memref<10000x64xf32, #tpu.memory_space<vmem>>, vector<10000x64xf32>
    tpu.vector_store %arg6[%swap3A, %swap3A_13], %mul3A_12 {strides = array<i32>} : memref<10000x64xf32, #tpu.memory_space<vmem>>, vector<10000x64xf32>,
    %get3A_15 = arith.constant 0 : index
    %get3A_16 = arith.constant 0 : index
    %get3A_17 = vector.load %arg3[%get3A_15, %get3A_16] : memref<16x64xf32, #tpu.memory_space<vmem>>, vector<16x64xf32>
    %get3A_18 = arith.constant 0 : index
    %get3A_19 = arith.constant 0 : index
    %get3A_20 = vector.load %arg4[%get3A_18, %get3A_19] : memref<64x64xf32, #tpu.memory_space<vmem>>, vector<64x64xf32>
    %dot_general3A_21 = arith.constant dense<0.000000e+00> : vector<16x64xf32>
    %dot_general3A_22 = tpu.matmul %get3A_17, %get3A_20, %dot_general3A_21 {dimension_numbers = #tpu.dot_dimension_numbers<[1], [0], [0], [1], [0, 0, 1, 1], [], []>, transpose_lhs_hint = false} : vector<16x64xf32>, vector<64x64xf32>, vector<16x64xf32> -> vector<16x64xf32>
    %get3A_23 = arith.constant 0 : index
    %get3A_24 = arith.constant 0 : index
    %get3A_25 = vector.load %arg3[%get3A_23, %get3A_24] : memref<16x64xf32, #tpu.memory_space<vmem>>, vector<16x64xf32>
    %get3A_26 = arith.constant 0 : index
    %get3A_27 = arith.constant 0 : index
    %get3A_28 = vector.load %arg5[%get3A_26, %get3A_27] : memref<64x64xf32, #tpu.memory_space<vmem>>, vector<64x64xf32>
    %dot_general3A_29 = arith.constant dense<0.000000e+00> : vector<16x64xf32>
    %dot_general3A_30 = tpu.matmul %get3A_25, %get3A_28, %dot_general3A_29 {dimension_numbers = #tpu.dot_dimension_numbers<[1], [0], [0], [1], [0, 0, 1, 1], [], []>, transpose_lhs_hint = false} : vector<16x64xf32>, vector<64x64xf32>, vector<16x64xf32> -> vector<16x64xf32>
    %concatenate3A = tpu.concatenate %dot_general3A_22, %dot_general3A_30 in 1 : vector<16x64xf32>, vector<16x64xf32> -> vector<16x128xf32>
    %swap3A_31 = arith.constant 0 : index
    %swap3A_32 = arith.constant 0 : index
    %swap3A_33 = vector.load %arg7[%swap3A_31, %swap3A_32] : memref<16x128xf32, #tpu.memory_space<vmem>>, vector<16x128xf32>
    tpu.vector_store %arg7[%swap3A_31, %swap3A_32], %concatenate3A {strides = array<i32>} : memref<16x128xf32, #tpu.memory_space<vmem>>, vector<16x128xf32>,
    return
  }
}

module attributes {stable_mosaic.version = 14 : i64} {
  func.func @_tq_body(%arg0: i32, %arg1: memref<16x6400xf32, #tpu.memory_space<vmem>>, %arg2: memref<16x128xf32, #tpu.memory_space<vmem>>, %arg3: memref<6400x128xf32, #tpu.memory_space<vmem>>) attributes {dimension_semantics = [#tpu.dimension_semantics<parallel>], iteration_bounds = array<i64: 50>, scalar_prefetch = 0 : i64, scratch_operands = 0 : i64, tpu.core_type = #tpu.core_type<tc>, window_params = [{transform_indices = @transform_0, window_bounds = array<i64: 16, 6400>}, {pipeline_mode = #tpu.pipeline_mode<synchronous>, transform_indices = @transform_1, window_bounds = array<i64: 16, 128>}, {transform_indices = @transform_2, window_bounds = array<i64: 6400, 128>}]} {
    %get3A = arith.constant 0 : index
    %get3A_0 = arith.constant 0 : index
    %get3A_1 = vector.load %arg1[%get3A, %get3A_0] : memref<16x6400xf32, #tpu.memory_space<vmem>>, vector<16x6400xf32>
    %get3A_2 = arith.constant 0 : index
    %get3A_3 = arith.constant 0 : index
    %get3A_4 = vector.load %arg2[%get3A_2, %get3A_3] : memref<16x128xf32, #tpu.memory_space<vmem>>, vector<16x128xf32>
    %dot_general3A = arith.constant dense<0.000000e+00> : vector<6400x128xf32>
    %dot_general3A_5 = tpu.matmul %get3A_1, %get3A_4, %dot_general3A {dimension_numbers = #tpu.dot_dimension_numbers<[0], [0], [1], [1], [0, 1, 1, 1], [], []>, transpose_lhs_hint = false} : vector<16x6400xf32>, vector<16x128xf32>, vector<6400x128xf32> -> vector<6400x128xf32>
    %swap3A = arith.constant 0 : index
    %swap3A_6 = arith.constant 0 : index
    %swap3A_7 = vector.load %arg3[%swap3A, %swap3A_6] : memref<6400x128xf32, #tpu.memory_space<vmem>>, vector<6400x128xf32>
    tpu.vector_store %arg3[%swap3A, %swap3A_6], %dot_general3A_5 {strides = array<i32>} : memref<6400x128xf32, #tpu.memory_space<vmem>>, vector<6400x128xf32>,
    return
  }
  func.func @transform_0(%arg0: i32) -> (i32, i32) {
    %c0_i32 = arith.constant 0 : i32
    %c0_i32_0 = arith.constant 0 : i32
    return %c0_i32, %arg0 : i32, i32
  }
  func.func @transform_1(%arg0: i32) -> (i32, i32) {
    %c0_i32 = arith.constant 0 : i32
    %c0_i32_0 = arith.constant 0 : i32
    %c0_i32_1 = arith.constant 0 : i32
    return %c0_i32, %c0_i32_0 : i32, i32
  }
  func.func @transform_2(%arg0: i32) -> (i32, i32) {
    %c0_i32 = arith.constant 0 : i32
    %c0_i32_0 = arith.constant 0 : i32
    return %arg0, %c0_i32 : i32, i32
  }
}

module attributes {stable_mosaic.version = 14 : i64} {
  func.func @_final_body(%arg0: memref<10000x64xf32, #tpu.memory_space<vmem>>, %arg1: memref<10000x64xf32, #tpu.memory_space<vmem>>, %arg2: memref<10000x64xf32, #tpu.memory_space<vmem>>, %arg3: memref<64x64xf32, #tpu.memory_space<vmem>>, %arg4: memref<64x64xf32, #tpu.memory_space<vmem>>, %arg5: memref<64x64xf32, #tpu.memory_space<vmem>>, %arg6: memref<10000x128xf32, #tpu.memory_space<vmem>>) attributes {dimension_semantics = [], scalar_prefetch = 0 : i64, scratch_operands = 0 : i64, tpu.core_type = #tpu.core_type<tc>} {
    %get3A = arith.constant 0 : index
    %get3A_0 = arith.constant 0 : index
    %get3A_1 = vector.load %arg0[%get3A, %get3A_0] : memref<10000x64xf32, #tpu.memory_space<vmem>>, vector<10000x64xf32>
    %get3A_2 = arith.constant 0 : index
    %get3A_3 = arith.constant 0 : index
    %get3A_4 = vector.load %arg3[%get3A_2, %get3A_3] : memref<64x64xf32, #tpu.memory_space<vmem>>, vector<64x64xf32>
    %dot_general3A = arith.constant dense<0.000000e+00> : vector<10000x64xf32>
    %dot_general3A_5 = tpu.matmul %get3A_1, %get3A_4, %dot_general3A {dimension_numbers = #tpu.dot_dimension_numbers<[1], [0], [0], [1], [0, 0, 1, 1], [], []>, transpose_lhs_hint = false} : vector<10000x64xf32>, vector<64x64xf32>, vector<10000x64xf32> -> vector<10000x64xf32>
    %get3A_6 = arith.constant 0 : index
    %get3A_7 = arith.constant 0 : index
    %get3A_8 = vector.load %arg1[%get3A_6, %get3A_7] : memref<10000x64xf32, #tpu.memory_space<vmem>>, vector<10000x64xf32>
    %mul3A = arith.constant 3.125000e-02 : f32
    %mul3A_9 = vector.broadcast %mul3A : f32 to vector<10000x64xf32>
    %mul3A_10 = arith.mulf %get3A_8, %mul3A_9 : vector<10000x64xf32>
    %add3A = arith.addf %dot_general3A_5, %mul3A_10 : vector<10000x64xf32>
    %max3A = arith.constant 0.000000e+00 : f32
    %max3A_11 = vector.broadcast %max3A : f32 to vector<10000x64xf32>
    %max3A_12 = arith.maximumf %add3A, %max3A_11 : vector<10000x64xf32>
    %get3A_13 = arith.constant 0 : index
    %get3A_14 = arith.constant 0 : index
    %get3A_15 = vector.load %arg2[%get3A_13, %get3A_14] : memref<10000x64xf32, #tpu.memory_space<vmem>>, vector<10000x64xf32>
    %mul3A_16 = arith.constant 3.125000e-02 : f32
    %mul3A_17 = vector.broadcast %mul3A_16 : f32 to vector<10000x64xf32>
    %mul3A_18 = arith.mulf %get3A_15, %mul3A_17 : vector<10000x64xf32>
    %get3A_19 = arith.constant 0 : index
    %get3A_20 = arith.constant 0 : index
    %get3A_21 = vector.load %arg5[%get3A_19, %get3A_20] : memref<64x64xf32, #tpu.memory_space<vmem>>, vector<64x64xf32>
    %dot_general3A_22 = arith.constant dense<0.000000e+00> : vector<10000x64xf32>
    %dot_general3A_23 = tpu.matmul %mul3A_18, %get3A_21, %dot_general3A_22 {dimension_numbers = #tpu.dot_dimension_numbers<[1], [0], [0], [1], [0, 0, 1, 1], [], []>, transpose_lhs_hint = false} : vector<10000x64xf32>, vector<64x64xf32>, vector<10000x64xf32> -> vector<10000x64xf32>
    %get3A_24 = arith.constant 0 : index
    %get3A_25 = arith.constant 0 : index
    %get3A_26 = vector.load %arg4[%get3A_24, %get3A_25] : memref<64x64xf32, #tpu.memory_space<vmem>>, vector<64x64xf32>
    %dot_general3A_27 = arith.constant dense<0.000000e+00> : vector<10000x64xf32>
    %dot_general3A_28 = tpu.matmul %max3A_12, %get3A_26, %dot_general3A_27 {dimension_numbers = #tpu.dot_dimension_numbers<[1], [0], [0], [1], [0, 0, 1, 1], [], []>, transpose_lhs_hint = false} : vector<10000x64xf32>, vector<64x64xf32>, vector<10000x64xf32> -> vector<10000x64xf32>
    %add3A_29 = arith.addf %dot_general3A_28, %dot_general3A_23 : vector<10000x64xf32>
    %max3A_30 = arith.constant 0.000000e+00 : f32
    %max3A_31 = vector.broadcast %max3A_30 : f32 to vector<10000x64xf32>
    %max3A_32 = arith.maximumf %add3A_29, %max3A_31 : vector<10000x64xf32>
    %concatenate3A = tpu.concatenate %max3A_12, %max3A_32 in 1 : vector<10000x64xf32>, vector<10000x64xf32> -> vector<10000x128xf32>
    %swap3A = arith.constant 0 : index
    %swap3A_33 = arith.constant 0 : index
    %swap3A_34 = vector.load %arg6[%swap3A, %swap3A_33] : memref<10000x128xf32, #tpu.memory_space<vmem>>, vector<10000x128xf32>
    tpu.vector_store %arg6[%swap3A, %swap3A_33], %concatenate3A {strides = array<i32>} : memref<10000x128xf32, #tpu.memory_space<vmem>>, vector<10000x128xf32>,
    return
  }
}

</mosaic_0001>

<sc_bundles>
// kernel: kernel.10.cloned.1.call-start
scs
__scs_entry_jumppad:
0x0: {  	(pc) =	sbr.rel $0x88, $3  }
0x1: {  	(tag) =	ssettag $0x0;
	lr =	simm.s32 $0x1  }
0x2: {  	[smem:$0x3F94] =	sst lr;
	_ =	strace $0xD0000000  }
0x3: {  	_ = 	snop  }
0x4: {  	_ = 	snop  }
0x5: {  	_ = 	snop  }
0x6: {  	_ = 	snop  }
0x7: {  	_ = 	snop  }
__scs_overlays_trampoline_lowered:
0x8: {  	[smem:$0x3FA3] =	sst s0  }
0x9: {  	[smem:$0x3FA4] =	sst s1  }
0xa: {  	[smem:$0x3FA5] =	sst s2  }
0xb: {  	[smem:$0x3FA6] =	sst s3  }
0xc: {  	[smem:$0x3FA7] =	sst s4  }
0xd: {  	[smem:$0x3FA8] =	sst s5  }
0xe: {  	[smem:$0x3FA9] =	sst s6  }
0xf: {  	[smem:$0x3FAA] =	sst s7  }
0x10: {  	[smem:$0x3FAB] =	sst s8  }
0x11: {  	[smem:$0x3FAC] =	sst s9;
	s0 =	simm.s32 @!p0 $0x0  }
0x12: {  	s1 =	sld [smem:$0x3F92];
	s0 =	simm.s32 @p0 $0x1  }
0x13: {  	[smem:$0x3FAD] =	sst s0;
	s0 =	simm.s32 @!p1 $0x0  }
0x14: {  	s2 =	sld [smem:$0x3F91];
	s0 =	simm.s32 @p1 $0x1  }
0x15: {  	[smem:$0x3FAE] =	sst s0;
	s0 =	simm.s32 @!p2 $0x0  }
0x16: {  	s3 =	sld [smem:$0x3FDB];
	s0 =	simm.s32 @p2 $0x1  }
0x17: {  	s4 =	simm.s32 $0x1BF5;
	[smem:$0x3FB0] =	sst s0  }
0x18: {  	s0 =	sld [smem:$0x3F93];
	_ =	swait.ge [sflag:s4], $0x0  }
0x19: {  	s7 =	sld [smem:$0x3F94]  }
0x1a: {  	s8 =	sadd.s32 $0xFFFFE003, lr  }
0x1b: {  	s9 =	sadd.s32 $0xFFFFFEF7, lr;
	s5 =	simm.s32 $0xFFFFFFFF;
	p2 =	slt.u32 s8, $0xFFFFF086  }
0x1c: {  	p1 =	slt.u32 s9, $0xF7A;
	s5 =	simm.s32 @!p2 $0x0  }
0x1d: {  	s5 =	simm.s32 @p1 $0x1;
	p0 =	seq.s32 s7, s2  }
0x1e: {  	s7 =	smul.u32 @!p0 $0xF7A, s2;
	p2 =	seq.s32 @!p0 s5, $0x0  }
0x1f: {  	s9 =	smul.u32 $0xF7A, s1;
	s8 =	simm.s32 @!p0 $0x1BF5;
	p2 =	por !p2, p0  }
0x20: {  	[sflag:s8] =	ssyncset.s32 @!p0 $0xFFFFF086;
	s6 =	sadd.s32 @!p0 s3, s7;
	s7 =	simm.s32 @!p0 $0x108  }
0x21: {  	s3 =	sadd.s32 s3, s9;
	s6 =	sadd.s32 @!p0 $0x88, s6;
	s7 =	simm.s32 @p2 $0x1082  }
0x22: {  	[simem:s7], [sflag:s8] =	dma.local @!p0 [hbm:s6], $0xF7A  }
0x23: {  	s9 =	sor.u32 $0xD0000000, s2;
	s6 =	simm.s32 $0x108;
	_ =	swait.ge @!p0 [sflag:s8], $0x0  }
0x24: {  	s3 =	sadd.s32 $0x88, s3;
	s6 =	simm.s32 @!p1 $0x1082;
	[sflag:s4] =	ssyncset.s32 $0xFFFFF086  }
0x25: {  	[simem:s6], [sflag:s4] =	dma.local [hbm:s3], $0xF7A  }
0x26: {  	[smem:$0x3F94] =	sst s1;
	(tag) =	ssettag s2;
	_ =	strace s9  }
0x27: {  	s1 =	sld [smem:$0x3FA4]  }
0x28: {  	s2 =	sld [smem:$0x3FA5]  }
0x29: {  	s4 =	sld [smem:$0x3FA7]  }
0x2a: {  	p0 =	seq.s32 s5, $0x0;
	s5 =	sld [smem:$0x3FA8]  }
0x2b: {  	s6 =	sld [smem:$0x3FA9]  }
0x2c: {  	s7 =	sld [smem:$0x3FAA]  }
0x2d: {  	s3 =	simm.s32 $0x108;
	s8 =	sld [smem:$0x3FAB]  }
0x2e: {  	s3 =	simm.s32 @!p0 $0x1082;
	s9 =	sld [smem:$0x3FAC]  }
0x2f: {  	lr =	sadd.s32 s0, s3;
	s0 =	sld [smem:$0x3FA3]  }
0x30: {  	s3 =	sld [smem:$0x3FA6]  }
0x31: {  	[smem:$0x3FAF] =	sst s10  }
0x32: {  	s10 =	sld [smem:$0x3FAD];
	_ =	sdelay $0x3  }
0x33: {  	p0 =	seq.s32 s10, $0x1;
	s10 =	sld [smem:$0x3FAF];
	_ =	sdelay $0x3  }
0x34: {  	[smem:$0x3FAF] =	sst s10  }
0x35: {  	s10 =	sld [smem:$0x3FAE];
	_ =	sdelay $0x3  }
0x36: {  	p1 =	seq.s32 s10, $0x1;
	s10 =	sld [smem:$0x3FAF];
	_ =	sdelay $0x3  }
0x37: {  	[smem:$0x3FAF] =	sst s10  }
0x38: {  	s10 =	sld [smem:$0x3FB0]  }
0x39: {  	_ = 	snop;
	(pc) =	sbr.ind lr, $3  }
0x3a: {  	_ = 	snop  }
0x3b: {  	_ = 	snop  }
0x3c: {  	p2 =	seq.s32 s10, $0x1;
	s10 =	sld [smem:$0x3FAF]  }
0x3d: {  	_ =	shalt  }
0x3e: {  	_ =	shalt  }
0x3f: {  	_ =	shalt  }
0x40: {  	_ =	shalt  }
0x41: {  	_ =	shalt  }
0x42: {  	_ =	shalt  }
0x43: {  	_ =	shalt  }
0x44: {  	_ =	shalt  }
0x45: {  	_ =	shalt  }
0x46: {  	_ =	shalt  }
0x47: {  	_ =	shalt  }
0x48: {  	_ =	shalt  }
0x49: {  	_ =	shalt  }
0x4a: {  	_ =	shalt  }
0x4b: {  	_ =	shalt  }
0x4c: {  	_ =	shalt  }
0x4d: {  	_ =	shalt  }
0x4e: {  	_ =	shalt  }
0x4f: {  	_ =	shalt  }
0x50: {  	_ =	shalt  }
0x51: {  	_ =	shalt  }
0x52: {  	_ =	shalt  }
0x53: {  	_ =	shalt  }
0x54: {  	_ =	shalt  }
0x55: {  	_ =	shalt  }
0x56: {  	_ =	shalt  }
0x57: {  	_ =	shalt  }
0x58: {  	_ =	shalt  }
0x59: {  	_ =	shalt  }
0x5a: {  	_ =	shalt  }
0x5b: {  	_ =	shalt  }
0x5c: {  	_ =	shalt  }
0x5d: {  	_ =	shalt  }
0x5e: {  	_ =	shalt  }
0x5f: {  	_ =	shalt  }
0x60: {  	_ =	shalt  }
0x61: {  	_ =	shalt  }
0x62: {  	_ =	shalt  }
0x63: {  	_ =	shalt  }
0x64: {  	_ =	shalt  }
0x65: {  	_ =	shalt  }
0x66: {  	_ =	shalt  }
0x67: {  	_ =	shalt  }
0x68: {  	_ =	shalt  }
0x69: {  	_ =	shalt  }
0x6a: {  	_ =	shalt  }
0x6b: {  	_ =	shalt  }
0x6c: {  	_ =	shalt  }
0x6d: {  	_ =	shalt  }
0x6e: {  	_ =	shalt  }
0x6f: {  	_ =	shalt  }
0x70: {  	_ =	shalt  }
0x71: {  	_ =	shalt  }
0x72: {  	_ =	shalt  }
0x73: {  	_ =	shalt  }
0x74: {  	_ =	shalt  }
0x75: {  	_ =	shalt  }
0x76: {  	_ =	shalt  }
0x77: {  	_ =	shalt  }
0x78: {  	_ =	shalt  }
0x79: {  	_ =	shalt  }
0x7a: {  	_ =	shalt  }
0x7b: {  	_ =	shalt  }
0x7c: {  	_ =	shalt  }
0x7d: {  	_ =	shalt  }
0x7e: {  	_ =	shalt  }
0x7f: {  	_ =	shalt  }
0x80: {  	_ =	shalt  }
0x81: {  	_ =	shalt  }
0x82: {  	_ =	shalt  }
0x83: {  	_ =	shalt  }
0x84: {  	_ =	shalt  }
0x85: {  	_ =	shalt  }
0x86: {  	_ =	shalt  }
0x87: {  	_ =	shalt  }
.Lfunc_end0:
.L_simem_size_0:
called_computation.1_lowered:
.L_overlay_start_0:
0x88: {  	s2 =	sld [smem:$0x3FD9]  }
0x89: {  	s3 =	sld [smem:$0x3FFE];
	_ =	sdelay $0x1  }
0x8a: {  	s1 =	srdreg.scid  }
0x8b: {  	s0 =	sand.u32 $0x1, s1  }
0x8c: {  	s17 =	sshll.u32 s0, $0xA;
	s2 =	sadd.s32 s3, s2  }
0x8d: {  	s2 =	sadd.s32 s2, s17  }
0x8e: {  	[smem:$0x3FBB] =	sst s2  }
0x8f: {  	_ = 	snop  }
0x90: {  	s2 =	sld [smem:$0x3FD0];
	(tm) =	ssettm $0x1  }
0x91: {  	s18 =	sld [smem:$0x3FFB];
	_ =	sdelay $0x3  }
0x92: {  	_ =	strace s18  }
0x93: {  	s3 =	sld [smem:$0x3FFC];
	_ =	sdelay $0x3  }
0x94: {  	_ =	strace s3  }
0x95: {  	s3 =	sld [smem:$0x3FFD];
	_ =	sdelay $0x3  }
0x96: {  	_ =	strace s3  }
0x97: {  	_ =	strace $0x8FFFFFFF  }
0x98: {  	s19 =	sld [smem:$0x3FDB];
	_ =	sdelay $0x1  }
0x99: {  	s4 =	simm.s32 $_scs_section_size  }
0x9a: {  	s5 =	simm.s32 $_size__tile_overlayer_lowered;
	s6 =	simm.s32 $_tile_overlayer_lowered  }
0x9b: {  	s22 =	simm.s32 $0x1BFF;
	s21 =	sshll.u32 s6, $0x1;
	s3 =	sadd.s32 s4, s19  }
0x9c: {  	s7 =	simm.s32 $0x0;
	s20 =	sshll.u32 s5, $0x1;
	s5 =	sadd.s32 s21, s3  }
0x9d: {  	[timem:s7], [sflag:s22] =	dma.local [hbm:s5], s20  }
0x9e: {  	_ =	swait.ge [sflag:s22], s20  }
0x9f: {  	s4 =	ssub.s32 $0x0, s20;
	[sflag:s22] =	ssyncset.done $0x0  }
0xa0: {  	[sflag:s22] =	ssyncadd.s32 s4;
	_ =	sdelay $0x1  }
0xa1: {  	s23 =	simm.s32 $0x1B8B  }
0xa2: {  	_ =	swait.ge [sflag:s23], $0x1  }
0xa3: {  	[sflag:s23] =	ssyncset.done $0x0  }
0xa4: {  	s25 =	simm.s32 $0x1B8E;
	s24 =	sld [smem:$0x3FFE];
	[sflag:s23] =	ssyncadd.s32 $0xFFFFFFFF  }
0xa5: {  	s26 =	simm.s32 $execute0_lowered;
	[smem:$0x3FD2] =	sst s25  }
0xa6: {  	s5 =	sshll.u32 s26, $0x1;
	_ =	strace $0x80000049;
	[dreg:$0x1] =	wrdreg $0xFFFFFFFF  }
0xa7: {  	s28 =	simm.s32 $_size_execute0_lowered;
	s3 =	sadd.s32 s3, s5;
	[dreg:$0x0] =	wrdreg $0x0  }
0xa8: {  	s5 =	sshll.u32 s28, $0x1;
	[dreg:$0x2] =	wrdreg s3  }
0xa9: {  	[dreg:$0x3] =	wrdreg s5  }
0xaa: {  	[dreg:$0x4] =	wrdreg $0xC0  }
0xab: {  	_ =	task [dreg:s7], $0x5FFFF  }
0xac: {  	[dreg:$0x1] =	wrdreg $0xFFFFFFFF  }
0xad: {  	[dreg:$0x0] =	wrdreg $0x60  }
0xae: {  	[dreg:$0x2] =	wrdreg s24  }
0xaf: {  	[dreg:$0x3] =	wrdreg s2  }
0xb0: {  	[dreg:$0x4] =	wrdreg $0x9  }
0xb1: {  	_ =	task.clear_ibuf [dreg:s7], $0x5FFFF;
	_ =	strace $0x90000049  }
0xb2: {  	s29 =	simm.s32 $0x9;
	_ =	strace $0x8000004B  }
0xb3: {  	_ =	swait.ge [sflag:s29], $0x1  }
0xb4: {  	[sflag:s29] =	ssyncadd.s32 $0xFFFFFFFF  }
0xb5: {  	_ =	strace $0x9000004B  }
0xb6: {  	_ =	sfence  }
0xb7: {  	s30 =	sld [smem:$0x0];
	_ =	sdelay $0x2  }
0xb8: {  	s31 =	sshll.u32 s1, $0xD;
	s1 =	sshrl.u32 s1, $0x2  }
0xb9: {  	s3 =	sand.u32 $0x4000, s31;
	s1 =	sadd.s32 s1, s30  }
0xba: {  	s0 =	sor.u32 s3, s0;
	s1 =	sshll.u32 s1, $0x11  }
0xbb: {  	s0 =	sor.u32 s1, s0  }
0xbc: {  	s0 =	sadd.s32 $0x8F2B, s0  }
0xbd: {  	[sflag:s0] =	ssyncadd.remote.s32 $0x1  }
0xbe: {  	_ =	sfence.sel $0xFFFF  }
0xbf: {  	[dreg:$0x0] =	wrdreg $0xFFFFFFFF;
	(pc) =	sbr.abs _section_cstart, $3  }
0xc0: {  	[dreg:$0x1] =	wrdreg $0xFFFFFFFF  }
0xc1: {  	_ =	task.clear_ibuf [dreg:s7], $0x2FFFF;
	_ =	strace $0x9FFFFFFF  }
0xc2: {  	(tm) =	ssettm $0x7FFFFFFF  }
0xc3: {  	_ =	shalt  }
tec
execute0_lowered:
.L_overlay_start_1:
0x0: {  	(tag) =	ssettag $0x1  }
0x1: {  	s0 =	srdreg.scid;
	s7 =	rddreg [dreg:$0x0]  }
0x2: {  	s15 =	stileid.u32;
	s2 =	rddreg [dreg:$0x1];
	s3 =	simm.s32 $0x0  }
0x3: {  	s16 =	simm.s32 $0x80;
	s17 =	simm.s32 $0x2780;
	s18 =	simm.s32 $0x6780  }
0x4: {  	s19 =	simm.s32 $0x4780;
	s20 =	simm.s32 $0xA780;
	s21 =	simm.s32 $0x1  }
0x5: {  	s22 =	simm.s32 $0xE780;
	s23 =	simm.s32 $0xE980;
	s24 =	simm.s32 $0xE880  }
0x6: {  	s25 =	simm.s32 $0xEA80;
	s26 =	simm.s32 $0x2;
	s28 =	simm.s32 $0x0  }
0x7: {  	s0 =	sand.u32 $0x1, s0;
	s1 =	sshll.u32 s15, $0x1;
	[smem:$0x7FF] =	sst s3  }
0x8: {  	s5 =	sadd.s32 $0x17400, s7;
	s6 =	sadd.s32 $0x292200, s7;
	s1 =	sor.u32 s0, s1  }
0x9: {  	p0 =	slt.u32 s15, $0x2;
	s0 =	ssub.s32 $0x2, s0;
	s4 =	smul.u32 $0x4E, s1  }
0xa: {  	_ =	strace $0x8000004A;
	s1 =	smin.u32 s1, $0x4;
	s8 =	sshrl.u32 s0, $0x1  }
0xb: {  	s0 =	ssub.s32 s0, s8;
	s8 =	simm.s32 $0x4F;
	s4 =	sadd.s32 s1, s4  }
.Ltmp0:
0xc: {  	s8 =	simm.s32 @!p0 $0x4E;
	s14 =	smax.u32 s0, $0x1;
	(pc) =	sbr.rel .LBB2_1-.Ltmp0, $4  }
0xd: {  	p0 =	sgt.u32 s15, $0x1;
	s15 =	simm.s32 $0x3;
	s1 =	sshll.u32 s4, $0x4  }
0xe: {  	s11 =	sshll.u32 s4, $0x5;
	s1 =	sadd.s32 s1, s7;
	s7 =	sadd.s32 $0x3A00, s7  }
0xf: {  	s31 =	sadd.s32 $0x9C0, s11;
	s11 =	sadd.s32 $0x1, s4;
	s9 =	sadd.s32 $0x288400, s1  }
0x10: {  	s10 =	sadd.s32 $0x2888E0, s1;
	s12 =	sadd.s32 s2, s31;
	s13 =	sadd.s32 s7, s31  }
.LBB2_29:
0x11: {  	_ =	swait.ge [sflag:s26], $0x100  }
0x12: {  	[sflag:s26] =	ssyncset.done $0x0  }
0x13: {  	[sflag:s26] =	ssyncadd.s32 $0xFFFFFF00  }
0x14: {  	_ =	swait.ge [sflag:s26], $0x100  }
0x15: {  	[sflag:s26] =	ssyncset.done $0x0  }
0x16: {  	s28 =	sadd.s32 $0x1, s28;
	[sflag:s26] =	ssyncadd.s32 $0xFFFFFF00  }
0x17: {  	p1 =	sne.s32 s28, s14;
	_ =	swait.ge [sflag:s26], $0x100  }
.Ltmp1:
0x18: {  	[sflag:s26] =	ssyncset.done $0x0;
	(pc) =	sbr.rel @!p1 .LBB2_30-.Ltmp1, $4  }
0x19: {  	[sflag:s26] =	ssyncadd.s32 $0xFFFFFF00  }
0x1a: {  	_ =	swait.ge [sflag:s26], $0x100  }
0x1b: {  	[sflag:s26] =	ssyncset.done $0x0  }
0x1c: {  	[sflag:s26] =	ssyncadd.s32 $0xFFFFFF00  }
.LBB2_1:
0x1d: {  	[tilespmem:s3], [sflag:$0x3] =	stream.linear.gather [hbm4b:s9+s3], $0x2700, $0x38;
	[tilespmem:$0xEB80] =	vst v63  }
0x1e: {  	_ =	swait.ge [sflag:s15], $0x2700  }
0x1f: {  	[sflag:s15] =	ssyncset.done $0x0  }
0x20: {  	s0 =	simm.s32 @!p0 $0x0;
	s1 =	simm.s32 @!p0 $0x2700;
	[sflag:s15] =	ssyncadd.s32 $0xFFFFD900  }
0x21: {  	[tilespmem:s1], [sflag:$0x3] =	stream.linear.gather @!p0 [hbm4b:s10+s0], $0x80, $0x38;
	[tilespmem:$0xEB80] =	vst v63  }
0x22: {  	s0 =	simm.s32 @!p0 $0x3  }
0x23: {  	_ =	swait.ge @!p0 [sflag:s0], $0x80  }
0x24: {  	[sflag:s0] =	ssyncset.done @!p0 $0x0  }
0x25: {  	[sflag:s0] =	ssyncadd.s32 @!p0 $0xFFFFFF80  }
0x26: {  	[tilespmem:s17], [sflag:$0x1] =	stream.indirect.gather [hbm4b:s5+s16], $0x40, s3, s16, $0xb8;
	[tilespmem:$0xEB80] =	vst v63  }
0x27: {  	_ = 	snop  }
0x28: {  	[tilespmem:s18], [sflag:$0x1] =	stream.indirect.gather [hbm4b:s6+s16], $0x80, s3, s16, $0xb8;
	[tilespmem:$0xEB80] =	vst v63  }
0x29: {  	_ = 	snop  }
0x2a: {  	[tilespmem:s19], [sflag:$0x1] =	stream.indirect.gather [hbm4b:s5+s16], $0x40, s16, s16, $0xb8;
	[tilespmem:$0xEB80] =	vst v63  }
0x2b: {  	s29 =	simm.s32 $0x0  }
0x2c: {  	[tilespmem:s20], [sflag:$0x1] =	stream.indirect.gather [hbm4b:s6+s16], $0x80, s16, s16, $0xb8;
	[tilespmem:$0xEB80] =	vst v63  }
.LBB2_2:
0x2d: {  	p1 =	seq.s32 s29, $0x0  }
0x2e: {  	s0 =	simm.s32 @!p1 $0x2  }
0x2f: {  	_ =	swait.ge @!p1 [sflag:s0], $0x100  }
0x30: {  	[sflag:s0] =	ssyncset.done @!p1 $0x0  }
0x31: {  	[sflag:s0] =	ssyncadd.s32 @!p1 $0xFFFFFF00  }
0x32: {  	_ =	swait.ge @!p1 [sflag:s0], $0x100  }
0x33: {  	[sflag:s0] =	ssyncset.done @!p1 $0x0  }
0x34: {  	[sflag:s0] =	ssyncadd.s32 @!p1 $0xFFFFFF00  }
0x35: {  	_ =	swait.ge [sflag:s21], $0x2000  }
0x36: {  	[sflag:s21] =	ssyncset.done $0x0  }
0x37: {  	[sflag:s21] =	ssyncadd.s32 $0xFFFFE000  }
0x38: {  	_ =	swait.ge [sflag:s21], $0x4000  }
0x39: {  	[sflag:s21] =	ssyncset.done $0x0  }
0x3a: {  	s0 =	simm.s32 $0x67C0;
	[sflag:s21] =	ssyncadd.s32 $0xFFFFC000  }
0x3b: {  	s1 =	simm.s32 $0x0;
	v0 =	vld [tilespmem:s0+$0xFFFFFFF0]  }
0x3c: {  	v1 =	vld [tilespmem:s1+$0x27B0]  }
0x3d: {  	v3 =	vld [tilespmem:s1+$0x2780]  }
0x3e: {  	v4 =	vld [tilespmem:s1+$0x2790]  }
0x3f: {  	v6 =	vld [tilespmem:s1+$0x27A0]  }
0x40: {  	v5 =	vld [tilespmem:s0+$0xFFFFFFC0]  }
0x41: {  	v7 =	vld [tilespmem:s0+$0xFFFFFFD0]  }
0x42: {  	v8 =	vld [tilespmem:s0+$0xFFFFFFE0];
	_ =	sdelay $0x2  }
0x43: {  	v2 =	vimm.f32 $0.0e+00;
	v12 =	vld [tilespmem:s0+$0x0];
	v0 =	vadd.f32 v0, v1  }
0x44: {  	v9 =	vimm.f32 $0.0e+00;
	v11 =	vld [tilespmem:s0+$0x10];
	v1 =	vadd.f32 v5, v3;
	v13 =	vadd.f32 v7, v4  }
0x45: {  	v5 =	vld [tilespmem:s0+$0x20];
	v14 =	vadd.f32 v8, v6;
	v6 =	vimm.f32 $0.0e+00;
	v7 =	vimm.f32 $0.0e+00  }
0x46: {  	s31 =	simm.s32 $0x6840;
	v4 =	vld [tilespmem:s0+$0x30];
	v8 =	vimm.f32 $0.0e+00;
	v3 =	vimm.f32 $0.0e+00;
	v0 =	vmax.f32 v0, $0.0e+00  }
0x47: {  	s30 =	sshll.u32 s29, $0x1;
	v10 =	vld [tilespmem:s31+$0xFFFFFFF0];
	s1 =	simm.s32 $0x200;
	s0 =	simm.s32 $0x40;
	v15 =	vmax.f32 v1, $0.0e+00;
	v1 =	vimm.f32 $0.0e+00;
	v0 =	vadd.f32 v0, v2  }
.LBB2_3:
0x48: {  	p2 =	sne.s32 s1, $0x1F00;
	v16 =	vld [tilespmem:s0+$0x27B0];
	v2 =	vadd.f32 v15, v2;
	v13 =	vmax.f32 v13, $0.0e+00;
	v9 =	vadd.f32 v12, v9  }
0x49: {  	v15 =	vld [tilespmem:s0+$0x2780];
	v6 =	vadd.f32 v13, v6;
	v12 =	vmax.f32 v14, $0.0e+00;
	v7 =	vadd.f32 v11, v7  }
0x4a: {  	v13 =	vld [tilespmem:s0+$0x2790];
	v8 =	vadd.f32 v12, v8;
	v3 =	vadd.f32 v5, v3  }
0x4b: {  	v14 =	vld [tilespmem:s0+$0x27A0];
	v1 =	vadd.f32 v4, v1  }
0x4c: {  	v4 =	vld [tilespmem:s31+$0xFFFFFFC0]  }
0x4d: {  	v17 =	vld [tilespmem:s31+$0xFFFFFFD0];
	v5 =	vadd.f32 v10, v16  }
0x4e: {  	v16 =	vld [tilespmem:s31+$0xFFFFFFE0]  }
.Ltmp2:
0x4f: {  	v5 =	vmax.f32 v5, $0.0e+00;
	v12 =	vld [tilespmem:s31+$0x0];
	(pc) =	sbr.rel @p2 .LBB2_3-.Ltmp2, $4  }
0x50: {  	v0 =	vadd.f32 v5, v0;
	v11 =	vld [tilespmem:s31+$0x10]  }
0x51: {  	v15 =	vadd.f32 v4, v15;
	v5 =	vld [tilespmem:s31+$0x20]  }
0x52: {  	v13 =	vadd.f32 v17, v13;
	v4 =	vld [tilespmem:s31+$0x30];
	s31 =	sadd.s32 $0x80, s31  }
0x53: {  	s0 =	sshra.s32 s1, $0x2;
	s1 =	sadd.s32 $0x100, s1;
	v10 =	vld [tilespmem:s31+$0xFFFFFFF0];
	v15 =	vmax.f32 v15, $0.0e+00;
	v14 =	vadd.f32 v16, v14  }
0x54: {  	v16 =	vld [tilespmem:s0+$0x2780]  }
0x55: {  	v17 =	vld [tilespmem:s0+$0x2790]  }
0x56: {  	v18 =	vld [tilespmem:s31+$0xFFFFFFC0]  }
0x57: {  	v19 =	vld [tilespmem:s0+$0x27A0]  }
0x58: {  	v20 =	vld [tilespmem:s31+$0xFFFFFFD0]  }
0x59: {  	v21 =	vld [tilespmem:s31+$0xFFFFFFE0]  }
0x5a: {  	v2 =	vadd.f32 v15, v2;
	v15 =	vld [tilespmem:s31+$0x0]  }
0x5b: {  	v7 =	vadd.f32 v11, v7;
	v11 =	vld [tilespmem:s31+$0x10]  }
0x5c: {  	v9 =	vadd.f32 v12, v9;
	v13 =	vmax.f32 v13, $0.0e+00  }
0x5d: {  	v6 =	vadd.f32 v13, v6;
	v14 =	vmax.f32 v14, $0.0e+00;
	v12 =	vadd.f32 v18, v16  }
0x5e: {  	v8 =	vadd.f32 v14, v8;
	v16 =	vld [tilespmem:s0+$0x27B0];
	v13 =	vadd.f32 v20, v17  }
0x5f: {  	v14 =	vadd.f32 v21, v19;
	v9 =	vadd.f32 v15, v9;
	v15 =	vld [tilespmem:s31+$0x30];
	v12 =	vmax.f32 v12, $0.0e+00  }
0x60: {  	v7 =	vadd.f32 v11, v7;
	v2 =	vadd.f32 v12, v2;
	v12 =	vld [tilespmem:s31+$0x20]  }
0x61: {  	v3 =	vadd.f32 v5, v3;
	v13 =	vmax.f32 v13, $0.0e+00;
	[tilespmem:$0xE780] =	vst v9  }
0x62: {  	v1 =	vadd.f32 v4, v1;
	v5 =	vadd.f32 v13, v6;
	v6 =	vmax.f32 v14, $0.0e+00;
	[tilespmem:$0xE790] =	vst v7  }
0x63: {  	v6 =	vadd.f32 v6, v8;
	[tilespmem:$0xE980] =	vst v2;
	v2 =	vadd.f32 v10, v16  }
0x64: {  	[tilespmem:$0xE990] =	vst v5;
	v1 =	vadd.f32 v15, v1  }
0x65: {  	[tilespmem:$0xE9A0] =	vst v6;
	v2 =	vmax.f32 v2, $0.0e+00;
	v3 =	vadd.f32 v12, v3  }
0x66: {  	[tilespmem:$0xE7B0] =	vst v1;
	v0 =	vadd.f32 v2, v0  }
0x67: {  	[tilespmem:$0xE7A0] =	vst v3  }
0x68: {  	s0 =	simm.s32 $0x77F0;
	[tilespmem:$0xE9B0] =	vst v0  }
0x69: {  	s1 =	simm.s32 $0x0;
	v0 =	vld [tilespmem:s0+$0xFFFFFFC0]  }
0x6a: {  	v1 =	vld [tilespmem:s1+$0x2FB0]  }
0x6b: {  	v3 =	vld [tilespmem:s1+$0x2F80]  }
0x6c: {  	v4 =	vld [tilespmem:s1+$0x2F90]  }
0x6d: {  	v5 =	vld [tilespmem:s1+$0x2FA0]  }
0x6e: {  	v6 =	vld [tilespmem:s0+$0xFFFFFF90]  }
0x6f: {  	v7 =	vld [tilespmem:s0+$0xFFFFFFA0]  }
0x70: {  	v8 =	vld [tilespmem:s0+$0xFFFFFFB0];
	_ =	sdelay $0x2  }
0x71: {  	v9 =	vimm.f32 $0.0e+00;
	v12 =	vld [tilespmem:s0+$0xFFFFFFD0];
	v0 =	vadd.f32 v0, v1  }
0x72: {  	v2 =	vimm.f32 $0.0e+00;
	v11 =	vld [tilespmem:s0+$0xFFFFFFE0];
	v1 =	vadd.f32 v6, v3;
	v13 =	vadd.f32 v7, v4  }
0x73: {  	v6 =	vld [tilespmem:s0+$0xFFFFFFF0];
	v14 =	vadd.f32 v8, v5;
	v7 =	vimm.f32 $0.0e+00;
	v8 =	vimm.f32 $0.0e+00  }
0x74: {  	s31 =	simm.s32 $0x7870;
	v4 =	vld [tilespmem:s0+$0x0];
	v5 =	vimm.f32 $0.0e+00;
	v3 =	vimm.f32 $0.0e+00;
	v0 =	vmax.f32 v0, $0.0e+00  }
0x75: {  	v10 =	vld [tilespmem:s31+$0xFFFFFFC0];
	s1 =	simm.s32 $0x200;
	s0 =	simm.s32 $0x40;
	v15 =	vmax.f32 v1, $0.0e+00;
	v1 =	vimm.f32 $0.0e+00;
	v0 =	vadd.f32 v0, v2  }
.LBB2_5:
0x76: {  	p2 =	sne.s32 s1, $0x1F00;
	v16 =	vld [tilespmem:s0+$0x2FB0];
	v2 =	vadd.f32 v15, v2;
	v13 =	vmax.f32 v13, $0.0e+00;
	v9 =	vadd.f32 v12, v9  }
0x77: {  	v15 =	vld [tilespmem:s0+$0x2F80];
	v7 =	vadd.f32 v13, v7;
	v12 =	vmax.f32 v14, $0.0e+00;
	v8 =	vadd.f32 v11, v8  }
0x78: {  	v13 =	vld [tilespmem:s0+$0x2F90];
	v5 =	vadd.f32 v12, v5;
	v3 =	vadd.f32 v6, v3  }
0x79: {  	v14 =	vld [tilespmem:s0+$0x2FA0];
	v1 =	vadd.f32 v4, v1  }
0x7a: {  	v4 =	vld [tilespmem:s31+$0xFFFFFF90]  }
0x7b: {  	v17 =	vld [tilespmem:s31+$0xFFFFFFA0];
	v6 =	vadd.f32 v10, v16  }
0x7c: {  	v16 =	vld [tilespmem:s31+$0xFFFFFFB0]  }
.Ltmp3:
0x7d: {  	v6 =	vmax.f32 v6, $0.0e+00;
	v12 =	vld [tilespmem:s31+$0xFFFFFFD0];
	(pc) =	sbr.rel @p2 .LBB2_5-.Ltmp3, $4  }
0x7e: {  	v0 =	vadd.f32 v6, v0;
	v11 =	vld [tilespmem:s31+$0xFFFFFFE0]  }
0x7f: {  	v15 =	vadd.f32 v4, v15;
	v6 =	vld [tilespmem:s31+$0xFFFFFFF0]  }
0x80: {  	v13 =	vadd.f32 v17, v13;
	v4 =	vld [tilespmem:s31+$0x0];
	s31 =	sadd.s32 $0x80, s31  }
0x81: {  	s0 =	sshra.s32 s1, $0x2;
	s1 =	sadd.s32 $0x100, s1;
	v10 =	vld [tilespmem:s31+$0xFFFFFFC0];
	v15 =	vmax.f32 v15, $0.0e+00;
	v14 =	vadd.f32 v16, v14  }
0x82: {  	v16 =	vld [tilespmem:s0+$0x2F80]  }
0x83: {  	v17 =	vld [tilespmem:s0+$0x2F90]  }
0x84: {  	v18 =	vld [tilespmem:s31+$0xFFFFFF90]  }
0x85: {  	v19 =	vld [tilespmem:s0+$0x2FA0]  }
0x86: {  	v20 =	vld [tilespmem:s31+$0xFFFFFFA0]  }
0x87: {  	v21 =	vld [tilespmem:s31+$0xFFFFFFB0]  }
0x88: {  	v2 =	vadd.f32 v15, v2;
	v15 =	vld [tilespmem:s31+$0xFFFFFFD0]  }
0x89: {  	v8 =	vadd.f32 v11, v8;
	v11 =	vld [tilespmem:s31+$0xFFFFFFE0]  }
0x8a: {  	v9 =	vadd.f32 v12, v9;
	v13 =	vmax.f32 v13, $0.0e+00  }
0x8b: {  	v7 =	vadd.f32 v13, v7;
	v14 =	vmax.f32 v14, $0.0e+00;
	v12 =	vadd.f32 v18, v16  }
0x8c: {  	v5 =	vadd.f32 v14, v5;
	v16 =	vld [tilespmem:s0+$0x2FB0];
	v13 =	vadd.f32 v20, v17  }
0x8d: {  	v14 =	vadd.f32 v21, v19;
	v9 =	vadd.f32 v15, v9;
	v15 =	vld [tilespmem:s31+$0x0];
	v12 =	vmax.f32 v12, $0.0e+00  }
0x8e: {  	v8 =	vadd.f32 v11, v8;
	v2 =	vadd.f32 v12, v2;
	v12 =	vld [tilespmem:s31+$0xFFFFFFF0]  }
0x8f: {  	v3 =	vadd.f32 v6, v3;
	v13 =	vmax.f32 v13, $0.0e+00;
	[tilespmem:$0xE7C0] =	vst v9  }
0x90: {  	v1 =	vadd.f32 v4, v1;
	v6 =	vadd.f32 v13, v7;
	v7 =	vmax.f32 v14, $0.0e+00;
	[tilespmem:$0xE7D0] =	vst v8  }
0x91: {  	v5 =	vadd.f32 v7, v5;
	[tilespmem:$0xE9C0] =	vst v2;
	v2 =	vadd.f32 v10, v16  }
0x92: {  	[tilespmem:$0xE9D0] =	vst v6;
	v1 =	vadd.f32 v15, v1  }
0x93: {  	[tilespmem:$0xE9E0] =	vst v5;
	v2 =	vmax.f32 v2, $0.0e+00;
	v3 =	vadd.f32 v12, v3  }
0x94: {  	[tilespmem:$0xE7F0] =	vst v1;
	v0 =	vadd.f32 v2, v0  }
0x95: {  	[tilespmem:$0xE7E0] =	vst v3  }
0x96: {  	s0 =	simm.s32 $0x87F0;
	[tilespmem:$0xE9F0] =	vst v0  }
0x97: {  	s1 =	simm.s32 $0x0;
	v0 =	vld [tilespmem:s0+$0xFFFFFFC0]  }
0x98: {  	v1 =	vld [tilespmem:s1+$0x37B0]  }
0x99: {  	v3 =	vld [tilespmem:s1+$0x3780]  }
0x9a: {  	v4 =	vld [tilespmem:s1+$0x3790]  }
0x9b: {  	v5 =	vld [tilespmem:s1+$0x37A0]  }
0x9c: {  	v6 =	vld [tilespmem:s0+$0xFFFFFF90]  }
0x9d: {  	v7 =	vld [tilespmem:s0+$0xFFFFFFA0]  }
0x9e: {  	v8 =	vld [tilespmem:s0+$0xFFFFFFB0];
	_ =	sdelay $0x2  }
0x9f: {  	v9 =	vimm.f32 $0.0e+00;
	v12 =	vld [tilespmem:s0+$0xFFFFFFD0];
	v0 =	vadd.f32 v0, v1  }
0xa0: {  	v2 =	vimm.f32 $0.0e+00;
	v11 =	vld [tilespmem:s0+$0xFFFFFFE0];
	v1 =	vadd.f32 v6, v3;
	v13 =	vadd.f32 v7, v4  }
0xa1: {  	v6 =	vld [tilespmem:s0+$0xFFFFFFF0];
	v14 =	vadd.f32 v8, v5;
	v7 =	vimm.f32 $0.0e+00;
	v8 =	vimm.f32 $0.0e+00  }
0xa2: {  	s31 =	simm.s32 $0x8870;
	v4 =	vld [tilespmem:s0+$0x0];
	v5 =	vimm.f32 $0.0e+00;
	v3 =	vimm.f32 $0.0e+00;
	v0 =	vmax.f32 v0, $0.0e+00  }
0xa3: {  	v10 =	vld [tilespmem:s31+$0xFFFFFFC0];
	s1 =	simm.s32 $0x200;
	s0 =	simm.s32 $0x40;
	v15 =	vmax.f32 v1, $0.0e+00;
	v1 =	vimm.f32 $0.0e+00;
	v0 =	vadd.f32 v0, v2  }
.LBB2_7:
0xa4: {  	p2 =	sne.s32 s1, $0x1F00;
	v16 =	vld [tilespmem:s0+$0x37B0];
	v2 =	vadd.f32 v15, v2;
	v13 =	vmax.f32 v13, $0.0e+00;
	v9 =	vadd.f32 v12, v9  }
0xa5: {  	v15 =	vld [tilespmem:s0+$0x3780];
	v7 =	vadd.f32 v13, v7;
	v12 =	vmax.f32 v14, $0.0e+00;
	v8 =	vadd.f32 v11, v8  }
0xa6: {  	v13 =	vld [tilespmem:s0+$0x3790];
	v5 =	vadd.f32 v12, v5;
	v3 =	vadd.f32 v6, v3  }
0xa7: {  	v14 =	vld [tilespmem:s0+$0x37A0];
	v1 =	vadd.f32 v4, v1  }
0xa8: {  	v4 =	vld [tilespmem:s31+$0xFFFFFF90]  }
0xa9: {  	v17 =	vld [tilespmem:s31+$0xFFFFFFA0];
	v6 =	vadd.f32 v10, v16  }
0xaa: {  	v16 =	vld [tilespmem:s31+$0xFFFFFFB0]  }
.Ltmp4:
0xab: {  	v6 =	vmax.f32 v6, $0.0e+00;
	v12 =	vld [tilespmem:s31+$0xFFFFFFD0];
	(pc) =	sbr.rel @p2 .LBB2_7-.Ltmp4, $4  }
0xac: {  	v0 =	vadd.f32 v6, v0;
	v11 =	vld [tilespmem:s31+$0xFFFFFFE0]  }
0xad: {  	v15 =	vadd.f32 v4, v15;
	v6 =	vld [tilespmem:s31+$0xFFFFFFF0]  }
0xae: {  	v13 =	vadd.f32 v17, v13;
	v4 =	vld [tilespmem:s31+$0x0];
	s31 =	sadd.s32 $0x80, s31  }
0xaf: {  	s0 =	sshra.s32 s1, $0x2;
	s1 =	sadd.s32 $0x100, s1;
	v10 =	vld [tilespmem:s31+$0xFFFFFFC0];
	v15 =	vmax.f32 v15, $0.0e+00;
	v14 =	vadd.f32 v16, v14  }
0xb0: {  	v16 =	vld [tilespmem:s0+$0x3780]  }
0xb1: {  	v17 =	vld [tilespmem:s0+$0x3790]  }
0xb2: {  	v18 =	vld [tilespmem:s31+$0xFFFFFF90]  }
0xb3: {  	v19 =	vld [tilespmem:s0+$0x37A0]  }
0xb4: {  	v20 =	vld [tilespmem:s31+$0xFFFFFFA0]  }
0xb5: {  	v21 =	vld [tilespmem:s31+$0xFFFFFFB0]  }
0xb6: {  	v2 =	vadd.f32 v15, v2;
	v15 =	vld [tilespmem:s31+$0xFFFFFFD0]  }
0xb7: {  	v8 =	vadd.f32 v11, v8;
	v11 =	vld [tilespmem:s31+$0xFFFFFFE0]  }
0xb8: {  	v9 =	vadd.f32 v12, v9;
	v13 =	vmax.f32 v13, $0.0e+00  }
0xb9: {  	v7 =	vadd.f32 v13, v7;
	v14 =	vmax.f32 v14, $0.0e+00;
	v12 =	vadd.f32 v18, v16  }
0xba: {  	v5 =	vadd.f32 v14, v5;
	v16 =	vld [tilespmem:s0+$0x37B0];
	v13 =	vadd.f32 v20, v17  }
0xbb: {  	v14 =	vadd.f32 v21, v19;
	v9 =	vadd.f32 v15, v9;
	v15 =	vld [tilespmem:s31+$0x0];
	v12 =	vmax.f32 v12, $0.0e+00  }
0xbc: {  	v8 =	vadd.f32 v11, v8;
	v2 =	vadd.f32 v12, v2;
	v12 =	vld [tilespmem:s31+$0xFFFFFFF0]  }
0xbd: {  	v3 =	vadd.f32 v6, v3;
	v13 =	vmax.f32 v13, $0.0e+00;
	[tilespmem:$0xE800] =	vst v9  }
0xbe: {  	v1 =	vadd.f32 v4, v1;
	v6 =	vadd.f32 v13, v7;
	v7 =	vmax.f32 v14, $0.0e+00;
	[tilespmem:$0xE810] =	vst v8  }
0xbf: {  	v5 =	vadd.f32 v7, v5;
	[tilespmem:$0xEA00] =	vst v2;
	v2 =	vadd.f32 v10, v16  }
0xc0: {  	[tilespmem:$0xEA10] =	vst v6;
	v1 =	vadd.f32 v15, v1  }
0xc1: {  	[tilespmem:$0xEA20] =	vst v5;
	v2 =	vmax.f32 v2, $0.0e+00;
	v3 =	vadd.f32 v12, v3  }
0xc2: {  	[tilespmem:$0xE830] =	vst v1;
	v0 =	vadd.f32 v2, v0  }
0xc3: {  	[tilespmem:$0xE820] =	vst v3  }
0xc4: {  	s0 =	simm.s32 $0x97F0;
	[tilespmem:$0xEA30] =	vst v0  }
0xc5: {  	s1 =	simm.s32 $0x0;
	v0 =	vld [tilespmem:s0+$0xFFFFFFC0]  }
0xc6: {  	v1 =	vld [tilespmem:s1+$0x3FB0]  }
0xc7: {  	v3 =	vld [tilespmem:s1+$0x3F80]  }
0xc8: {  	v4 =	vld [tilespmem:s1+$0x3F90]  }
0xc9: {  	v5 =	vld [tilespmem:s1+$0x3FA0]  }
0xca: {  	v6 =	vld [tilespmem:s0+$0xFFFFFF90]  }
0xcb: {  	v7 =	vld [tilespmem:s0+$0xFFFFFFA0]  }
0xcc: {  	v8 =	vld [tilespmem:s0+$0xFFFFFFB0];
	_ =	sdelay $0x2  }
0xcd: {  	v9 =	vimm.f32 $0.0e+00;
	v12 =	vld [tilespmem:s0+$0xFFFFFFD0];
	v0 =	vadd.f32 v0, v1  }
0xce: {  	v2 =	vimm.f32 $0.0e+00;
	v11 =	vld [tilespmem:s0+$0xFFFFFFE0];
	v1 =	vadd.f32 v6, v3;
	v13 =	vadd.f32 v7, v4  }
0xcf: {  	v6 =	vld [tilespmem:s0+$0xFFFFFFF0];
	v14 =	vadd.f32 v8, v5;
	v7 =	vimm.f32 $0.0e+00;
	v8 =	vimm.f32 $0.0e+00  }
0xd0: {  	s31 =	simm.s32 $0x9870;
	v4 =	vld [tilespmem:s0+$0x0];
	v5 =	vimm.f32 $0.0e+00;
	v3 =	vimm.f32 $0.0e+00;
	v0 =	vmax.f32 v0, $0.0e+00  }
0xd1: {  	v10 =	vld [tilespmem:s31+$0xFFFFFFC0];
	s1 =	simm.s32 $0x200;
	s0 =	simm.s32 $0x40;
	v15 =	vmax.f32 v1, $0.0e+00;
	v1 =	vimm.f32 $0.0e+00;
	v0 =	vadd.f32 v0, v2  }
.LBB2_9:
0xd2: {  	p2 =	sne.s32 s1, $0x1F00;
	v16 =	vld [tilespmem:s0+$0x3FB0];
	v2 =	vadd.f32 v15, v2;
	v13 =	vmax.f32 v13, $0.0e+00;
	v9 =	vadd.f32 v12, v9  }
0xd3: {  	v15 =	vld [tilespmem:s0+$0x3F80];
	v7 =	vadd.f32 v13, v7;
	v12 =	vmax.f32 v14, $0.0e+00;
	v8 =	vadd.f32 v11, v8  }
0xd4: {  	v13 =	vld [tilespmem:s0+$0x3F90];
	v5 =	vadd.f32 v12, v5;
	v3 =	vadd.f32 v6, v3  }
0xd5: {  	v14 =	vld [tilespmem:s0+$0x3FA0];
	v1 =	vadd.f32 v4, v1  }
0xd6: {  	v4 =	vld [tilespmem:s31+$0xFFFFFF90]  }
0xd7: {  	v17 =	vld [tilespmem:s31+$0xFFFFFFA0];
	v6 =	vadd.f32 v10, v16  }
0xd8: {  	v16 =	vld [tilespmem:s31+$0xFFFFFFB0]  }
.Ltmp5:
0xd9: {  	v6 =	vmax.f32 v6, $0.0e+00;
	v12 =	vld [tilespmem:s31+$0xFFFFFFD0];
	(pc) =	sbr.rel @p2 .LBB2_9-.Ltmp5, $4  }
0xda: {  	v0 =	vadd.f32 v6, v0;
	v11 =	vld [tilespmem:s31+$0xFFFFFFE0]  }
0xdb: {  	v15 =	vadd.f32 v4, v15;
	v6 =	vld [tilespmem:s31+$0xFFFFFFF0]  }
0xdc: {  	v13 =	vadd.f32 v17, v13;
	v4 =	vld [tilespmem:s31+$0x0];
	s31 =	sadd.s32 $0x80, s31  }
0xdd: {  	s0 =	sshra.s32 s1, $0x2;
	s1 =	sadd.s32 $0x100, s1;
	v10 =	vld [tilespmem:s31+$0xFFFFFFC0];
	v15 =	vmax.f32 v15, $0.0e+00;
	v14 =	vadd.f32 v16, v14  }
0xde: {  	v16 =	vld [tilespmem:s0+$0x3F80]  }
0xdf: {  	v17 =	vld [tilespmem:s0+$0x3F90]  }
0xe0: {  	v18 =	vld [tilespmem:s31+$0xFFFFFF90]  }
0xe1: {  	v19 =	vld [tilespmem:s0+$0x3FA0]  }
0xe2: {  	v20 =	vld [tilespmem:s31+$0xFFFFFFA0]  }
0xe3: {  	v21 =	vld [tilespmem:s31+$0xFFFFFFB0]  }
0xe4: {  	v2 =	vadd.f32 v15, v2;
	v15 =	vld [tilespmem:s31+$0xFFFFFFD0]  }
0xe5: {  	v8 =	vadd.f32 v11, v8;
	v11 =	vld [tilespmem:s31+$0xFFFFFFE0]  }
0xe6: {  	v9 =	vadd.f32 v12, v9;
	v13 =	vmax.f32 v13, $0.0e+00  }
0xe7: {  	v7 =	vadd.f32 v13, v7;
	v14 =	vmax.f32 v14, $0.0e+00;
	v12 =	vadd.f32 v18, v16  }
0xe8: {  	v5 =	vadd.f32 v14, v5;
	v16 =	vld [tilespmem:s0+$0x3FB0];
	v13 =	vadd.f32 v20, v17  }
0xe9: {  	v14 =	vadd.f32 v21, v19;
	v9 =	vadd.f32 v15, v9;
	v15 =	vld [tilespmem:s31+$0x0];
	v12 =	vmax.f32 v12, $0.0e+00  }
0xea: {  	v8 =	vadd.f32 v11, v8;
	v2 =	vadd.f32 v12, v2;
	v12 =	vld [tilespmem:s31+$0xFFFFFFF0]  }
0xeb: {  	v3 =	vadd.f32 v6, v3;
	v13 =	vmax.f32 v13, $0.0e+00;
	[tilespmem:$0xE840] =	vst v9  }
0xec: {  	v1 =	vadd.f32 v4, v1;
	v6 =	vadd.f32 v13, v7;
	v7 =	vmax.f32 v14, $0.0e+00;
	[tilespmem:$0xE850] =	vst v8  }
0xed: {  	v5 =	vadd.f32 v7, v5;
	[tilespmem:$0xEA40] =	vst v2;
	v2 =	vadd.f32 v10, v16  }
0xee: {  	[tilespmem:$0xEA50] =	vst v6;
	v1 =	vadd.f32 v15, v1  }
0xef: {  	s1 =	sadd.s32 s4, s30;
	[tilespmem:$0xEA60] =	vst v5;
	v2 =	vmax.f32 v2, $0.0e+00;
	v3 =	vadd.f32 v12, v3  }
0xf0: {  	s0 =	sshll.u32 s1, $0x5;
	[tilespmem:$0xE870] =	vst v1;
	v0 =	vadd.f32 v2, v0  }
0xf1: {  	s0 =	sand.u32 $0x1FFFFFE0, s0;
	[tilespmem:$0xE860] =	vst v3  }
0xf2: {  	s1 =	sadd.s32 s2, s0;
	[tilespmem:$0xEA70] =	vst v0  }
0xf3: {  	[hbm4b:s1+s3] =	stream.linear.scatter [tilespmem:s22], [sflag:$0x2], $0x100, $0x38;
	[tilespmem:$0xEB80] =	vst v63  }
0xf4: {  	s0 =	sadd.s32 s7, s0  }
0xf5: {  	[hbm4b:s0+s3] =	stream.linear.scatter [tilespmem:s23], [sflag:$0x2], $0x100, $0x38;
	[tilespmem:$0xEB80] =	vst v63  }
0xf6: {  	s0 =	sadd.s32 $0x2, s30  }
0xf7: {  	p2 =	sge.u32 s0, s8  }
0xf8: {  	s0 =	sshll.u32 @!p2 s0, $0x7  }
0xf9: {  	s1 =	simm.s32 @!p2 $0x80;
	s31 =	simm.s32 @!p2 $0x2780;
	s0 =	sand.u32 @!p2 $0x3FFFFF80, s0  }
0xfa: {  	[tilespmem:s31], [sflag:$0x1] =	stream.indirect.gather @!p2 [hbm4b:s5+s1], $0x40, s0, s1, $0xb8;
	[tilespmem:$0xEB80] =	vst v63  }
0xfb: {  	s31 =	simm.s32 @!p2 $0x6780  }
0xfc: {  	[tilespmem:s31], [sflag:$0x1] =	stream.indirect.gather @!p2 [hbm4b:s6+s1], $0x80, s0, s1, $0xb8;
	[tilespmem:$0xEB80] =	vst v63  }
0xfd: {  	s0 =	simm.s32 @!p1 $0x2  }
0xfe: {  	_ =	swait.ge @!p1 [sflag:s0], $0x100  }
0xff: {  	[sflag:s0] =	ssyncset.done @!p1 $0x0  }
0x100: {  	[sflag:s0] =	ssyncadd.s32 @!p1 $0xFFFFFF00  }
0x101: {  	_ =	swait.ge @!p1 [sflag:s0], $0x100  }
0x102: {  	[sflag:s0] =	ssyncset.done @!p1 $0x0  }
0x103: {  	[sflag:s0] =	ssyncadd.s32 @!p1 $0xFFFFFF00  }
0x104: {  	_ =	swait.ge [sflag:s21], $0x2000  }
0x105: {  	[sflag:s21] =	ssyncset.done $0x0  }
0x106: {  	[sflag:s21] =	ssyncadd.s32 $0xFFFFE000  }
0x107: {  	_ =	swait.ge [sflag:s21], $0x4000  }
0x108: {  	[sflag:s21] =	ssyncset.done $0x0  }
0x109: {  	s0 =	simm.s32 $0x47B0;
	[sflag:s21] =	ssyncadd.s32 $0xFFFFC000  }
0x10a: {  	s1 =	simm.s32 $0x0;
	v0 =	vld [tilespmem:s0+$0x0]  }
0x10b: {  	v1 =	vld [tilespmem:s1+$0xA7B0]  }
0x10c: {  	v3 =	vld [tilespmem:s1+$0xA780]  }
0x10d: {  	v4 =	vld [tilespmem:s1+$0xA790]  }
0x10e: {  	v5 =	vld [tilespmem:s1+$0xA7A0]  }
0x10f: {  	v6 =	vld [tilespmem:s0+$0xFFFFFFE0]  }
0x110: {  	v8 =	vld [tilespmem:s0+$0xFFFFFFF0]  }
0x111: {  	v9 =	vld [tilespmem:s0+$0xFFFFFFD0];
	_ =	sdelay $0x3  }
0x112: {  	v12 =	vld [tilespmem:s1+$0xA7C0];
	v0 =	vadd.f32 v1, v0;
	v1 =	vadd.f32 v4, v6  }
0x113: {  	v2 =	vimm.f32 $0.0e+00;
	v11 =	vld [tilespmem:s1+$0xA7D0];
	v13 =	vadd.f32 v5, v8;
	v14 =	vadd.f32 v3, v9  }
0x114: {  	v7 =	vld [tilespmem:s1+$0xA7E0];
	v8 =	vimm.f32 $0.0e+00;
	v6 =	vimm.f32 $0.0e+00;
	v5 =	vimm.f32 $0.0e+00  }
0x115: {  	v4 =	vld [tilespmem:s1+$0xA7F0];
	s1 =	simm.s32 $0x47F0;
	v9 =	vimm.f32 $0.0e+00;
	v3 =	vimm.f32 $0.0e+00;
	v0 =	vmax.f32 v0, $0.0e+00  }
0x116: {  	s31 =	simm.s32 $0x80;
	s0 =	simm.s32 $0x400;
	v10 =	vld [tilespmem:s1+$0x0];
	v15 =	vmax.f32 v1, $0.0e+00;
	v1 =	vimm.f32 $0.0e+00;
	v0 =	vadd.f32 v0, v2  }
.LBB2_11:
0x117: {  	p1 =	sne.s32 s0, $0x3E00;
	v16 =	vld [tilespmem:s31+$0xA7B0];
	v2 =	vadd.f32 v15, v2;
	v13 =	vmax.f32 v13, $0.0e+00;
	v8 =	vadd.f32 v12, v8  }
0x118: {  	v15 =	vld [tilespmem:s31+$0xA780];
	v12 =	vmax.f32 v14, $0.0e+00;
	v6 =	vadd.f32 v13, v6;
	v5 =	vadd.f32 v11, v5  }
0x119: {  	v13 =	vld [tilespmem:s31+$0xA790];
	v9 =	vadd.f32 v12, v9;
	v3 =	vadd.f32 v7, v3  }
0x11a: {  	v14 =	vld [tilespmem:s31+$0xA7A0];
	v1 =	vadd.f32 v4, v1  }
0x11b: {  	v4 =	vld [tilespmem:s1+$0xFFFFFFE0]  }
0x11c: {  	v17 =	vld [tilespmem:s1+$0xFFFFFFF0];
	v7 =	vadd.f32 v16, v10  }
0x11d: {  	v16 =	vld [tilespmem:s1+$0xFFFFFFD0]  }
.Ltmp6:
0x11e: {  	v7 =	vmax.f32 v7, $0.0e+00;
	v12 =	vld [tilespmem:s31+$0xA7C0];
	(pc) =	sbr.rel @p1 .LBB2_11-.Ltmp6, $4  }
0x11f: {  	v0 =	vadd.f32 v7, v0;
	v11 =	vld [tilespmem:s31+$0xA7D0]  }
0x120: {  	v18 =	vadd.f32 v13, v4;
	v7 =	vld [tilespmem:s31+$0xA7E0]  }
0x121: {  	s1 =	sadd.s32 $0x40, s1;
	v13 =	vadd.f32 v14, v17;
	v4 =	vld [tilespmem:s31+$0xA7F0]  }
0x122: {  	s31 =	sshra.s32 s0, $0x2;
	s0 =	sadd.s32 $0x200, s0;
	v10 =	vld [tilespmem:s1+$0x0];
	v14 =	vadd.f32 v15, v16;
	v15 =	vmax.f32 v18, $0.0e+00  }
0x123: {  	v16 =	vld [tilespmem:s31+$0xA780]  }
0x124: {  	v17 =	vld [tilespmem:s31+$0xA790]  }
0x125: {  	v18 =	vld [tilespmem:s1+$0xFFFFFFD0]  }
0x126: {  	v19 =	vld [tilespmem:s31+$0xA7A0]  }
0x127: {  	v20 =	vld [tilespmem:s1+$0xFFFFFFE0]  }
0x128: {  	v22 =	vld [tilespmem:s31+$0xA7C0]  }
0x129: {  	v8 =	vadd.f32 v12, v8;
	v12 =	vmax.f32 v13, $0.0e+00;
	v13 =	vld [tilespmem:s31+$0xA7D0]  }
0x12a: {  	v21 =	vld [tilespmem:s1+$0xFFFFFFF0];
	v2 =	vadd.f32 v15, v2  }
0x12b: {  	v14 =	vmax.f32 v14, $0.0e+00;
	v6 =	vadd.f32 v12, v6;
	v5 =	vadd.f32 v11, v5;
	v11 =	vld [tilespmem:s31+$0xA7E0]  }
0x12c: {  	v9 =	vadd.f32 v14, v9;
	v15 =	vadd.f32 v16, v18;
	v16 =	vld [tilespmem:s31+$0xA7B0]  }
0x12d: {  	v3 =	vadd.f32 v7, v3;
	v8 =	vadd.f32 v22, v8  }
0x12e: {  	v12 =	vadd.f32 v17, v20;
	v5 =	vadd.f32 v13, v5;
	v14 =	vmax.f32 v15, $0.0e+00;
	v15 =	vld [tilespmem:s31+$0xA7F0]  }
0x12f: {  	[tilespmem:$0xE880] =	vst v8;
	v9 =	vadd.f32 v14, v9;
	v14 =	vadd.f32 v19, v21  }
0x130: {  	v1 =	vadd.f32 v4, v1;
	v3 =	vadd.f32 v11, v3;
	v12 =	vmax.f32 v12, $0.0e+00;
	[tilespmem:$0xE890] =	vst v5  }
0x131: {  	v2 =	vadd.f32 v12, v2;
	[tilespmem:$0xEA80] =	vst v9;
	v7 =	vadd.f32 v16, v10;
	v9 =	vmax.f32 v14, $0.0e+00  }
0x132: {  	[tilespmem:$0xE8A0] =	vst v3;
	v6 =	vadd.f32 v9, v6  }
0x133: {  	[tilespmem:$0xEA90] =	vst v2;
	v2 =	vmax.f32 v7, $0.0e+00;
	v1 =	vadd.f32 v15, v1  }
0x134: {  	v0 =	vadd.f32 v2, v0;
	[tilespmem:$0xEAA0] =	vst v6  }
0x135: {  	[tilespmem:$0xE8B0] =	vst v1  }
0x136: {  	s0 =	simm.s32 $0x4FB0;
	[tilespmem:$0xEAB0] =	vst v0  }
0x137: {  	s1 =	simm.s32 $0x0;
	v0 =	vld [tilespmem:s0+$0x0]  }
0x138: {  	v1 =	vld [tilespmem:s1+$0xB7B0]  }
0x139: {  	v3 =	vld [tilespmem:s1+$0xB780]  }
0x13a: {  	v4 =	vld [tilespmem:s1+$0xB790]  }
0x13b: {  	v5 =	vld [tilespmem:s1+$0xB7A0]  }
0x13c: {  	v6 =	vld [tilespmem:s0+$0xFFFFFFE0]  }
0x13d: {  	v8 =	vld [tilespmem:s0+$0xFFFFFFF0]  }
0x13e: {  	v9 =	vld [tilespmem:s0+$0xFFFFFFD0];
	_ =	sdelay $0x3  }
0x13f: {  	v12 =	vld [tilespmem:s1+$0xB7C0];
	v0 =	vadd.f32 v1, v0;
	v1 =	vadd.f32 v4, v6  }
0x140: {  	v2 =	vimm.f32 $0.0e+00;
	v11 =	vld [tilespmem:s1+$0xB7D0];
	v13 =	vadd.f32 v5, v8;
	v14 =	vadd.f32 v3, v9  }
0x141: {  	v7 =	vld [tilespmem:s1+$0xB7E0];
	v8 =	vimm.f32 $0.0e+00;
	v6 =	vimm.f32 $0.0e+00;
	v5 =	vimm.f32 $0.0e+00  }
0x142: {  	v4 =	vld [tilespmem:s1+$0xB7F0];
	s1 =	simm.s32 $0x4FF0;
	v9 =	vimm.f32 $0.0e+00;
	v3 =	vimm.f32 $0.0e+00;
	v0 =	vmax.f32 v0, $0.0e+00  }
0x143: {  	s31 =	simm.s32 $0x80;
	s0 =	simm.s32 $0x400;
	v10 =	vld [tilespmem:s1+$0x0];
	v15 =	vmax.f32 v1, $0.0e+00;
	v1 =	vimm.f32 $0.0e+00;
	v0 =	vadd.f32 v0, v2  }
.LBB2_13:
0x144: {  	p1 =	sne.s32 s0, $0x3E00;
	v16 =	vld [tilespmem:s31+$0xB7B0];
	v2 =	vadd.f32 v15, v2;
	v13 =	vmax.f32 v13, $0.0e+00;
	v8 =	vadd.f32 v12, v8  }
0x145: {  	v15 =	vld [tilespmem:s31+$0xB780];
	v12 =	vmax.f32 v14, $0.0e+00;
	v6 =	vadd.f32 v13, v6;
	v5 =	vadd.f32 v11, v5  }
0x146: {  	v13 =	vld [tilespmem:s31+$0xB790];
	v9 =	vadd.f32 v12, v9;
	v3 =	vadd.f32 v7, v3  }
0x147: {  	v14 =	vld [tilespmem:s31+$0xB7A0];
	v1 =	vadd.f32 v4, v1  }
0x148: {  	v4 =	vld [tilespmem:s1+$0xFFFFFFE0]  }
0x149: {  	v17 =	vld [tilespmem:s1+$0xFFFFFFF0];
	v7 =	vadd.f32 v16, v10  }
0x14a: {  	v16 =	vld [tilespmem:s1+$0xFFFFFFD0]  }
.Ltmp7:
0x14b: {  	v7 =	vmax.f32 v7, $0.0e+00;
	v12 =	vld [tilespmem:s31+$0xB7C0];
	(pc) =	sbr.rel @p1 .LBB2_13-.Ltmp7, $4  }
0x14c: {  	v0 =	vadd.f32 v7, v0;
	v11 =	vld [tilespmem:s31+$0xB7D0]  }
0x14d: {  	v18 =	vadd.f32 v13, v4;
	v7 =	vld [tilespmem:s31+$0xB7E0]  }
0x14e: {  	s1 =	sadd.s32 $0x40, s1;
	v13 =	vadd.f32 v14, v17;
	v4 =	vld [tilespmem:s31+$0xB7F0]  }
0x14f: {  	s31 =	sshra.s32 s0, $0x2;
	s0 =	sadd.s32 $0x200, s0;
	v10 =	vld [tilespmem:s1+$0x0];
	v14 =	vadd.f32 v15, v16;
	v15 =	vmax.f32 v18, $0.0e+00  }
0x150: {  	v16 =	vld [tilespmem:s31+$0xB780]  }
0x151: {  	v17 =	vld [tilespmem:s31+$0xB790]  }
0x152: {  	v18 =	vld [tilespmem:s1+$0xFFFFFFD0]  }
0x153: {  	v19 =	vld [tilespmem:s31+$0xB7A0]  }
0x154: {  	v20 =	vld [tilespmem:s1+$0xFFFFFFE0]  }
0x155: {  	v22 =	vld [tilespmem:s31+$0xB7C0]  }
0x156: {  	v8 =	vadd.f32 v12, v8;
	v12 =	vmax.f32 v13, $0.0e+00;
	v13 =	vld [tilespmem:s31+$0xB7D0]  }
0x157: {  	v21 =	vld [tilespmem:s1+$0xFFFFFFF0];
	v2 =	vadd.f32 v15, v2  }
0x158: {  	v14 =	vmax.f32 v14, $0.0e+00;
	v6 =	vadd.f32 v12, v6;
	v5 =	vadd.f32 v11, v5;
	v11 =	vld [tilespmem:s31+$0xB7E0]  }
0x159: {  	v9 =	vadd.f32 v14, v9;
	v15 =	vadd.f32 v16, v18;
	v16 =	vld [tilespmem:s31+$0xB7B0]  }
0x15a: {  	v3 =	vadd.f32 v7, v3;
	v8 =	vadd.f32 v22, v8  }
0x15b: {  	v12 =	vadd.f32 v17, v20;
	v5 =	vadd.f32 v13, v5;
	v14 =	vmax.f32 v15, $0.0e+00;
	v15 =	vld [tilespmem:s31+$0xB7F0]  }
0x15c: {  	[tilespmem:$0xE8C0] =	vst v8;
	v9 =	vadd.f32 v14, v9;
	v14 =	vadd.f32 v19, v21  }
0x15d: {  	v1 =	vadd.f32 v4, v1;
	v3 =	vadd.f32 v11, v3;
	v12 =	vmax.f32 v12, $0.0e+00;
	[tilespmem:$0xE8D0] =	vst v5  }
0x15e: {  	v2 =	vadd.f32 v12, v2;
	[tilespmem:$0xEAC0] =	vst v9;
	v7 =	vadd.f32 v16, v10;
	v9 =	vmax.f32 v14, $0.0e+00  }
0x15f: {  	[tilespmem:$0xE8E0] =	vst v3;
	v6 =	vadd.f32 v9, v6  }
0x160: {  	[tilespmem:$0xEAD0] =	vst v2;
	v2 =	vmax.f32 v7, $0.0e+00;
	v1 =	vadd.f32 v15, v1  }
0x161: {  	v0 =	vadd.f32 v2, v0;
	[tilespmem:$0xEAE0] =	vst v6  }
0x162: {  	[tilespmem:$0xE8F0] =	vst v1  }
0x163: {  	s0 =	simm.s32 $0x57B0;
	[tilespmem:$0xEAF0] =	vst v0  }
0x164: {  	s1 =	simm.s32 $0x0;
	v0 =	vld [tilespmem:s0+$0x0]  }
0x165: {  	v1 =	vld [tilespmem:s1+$0xC7B0]  }
0x166: {  	v3 =	vld [tilespmem:s1+$0xC780]  }
0x167: {  	v4 =	vld [tilespmem:s1+$0xC790]  }
0x168: {  	v5 =	vld [tilespmem:s1+$0xC7A0]  }
0x169: {  	v6 =	vld [tilespmem:s0+$0xFFFFFFE0]  }
0x16a: {  	v8 =	vld [tilespmem:s0+$0xFFFFFFF0]  }
0x16b: {  	v9 =	vld [tilespmem:s0+$0xFFFFFFD0];
	_ =	sdelay $0x3  }
0x16c: {  	v12 =	vld [tilespmem:s1+$0xC7C0];
	v0 =	vadd.f32 v1, v0;
	v1 =	vadd.f32 v4, v6  }
0x16d: {  	v2 =	vimm.f32 $0.0e+00;
	v11 =	vld [tilespmem:s1+$0xC7D0];
	v13 =	vadd.f32 v5, v8;
	v14 =	vadd.f32 v3, v9  }
0x16e: {  	v7 =	vld [tilespmem:s1+$0xC7E0];
	v8 =	vimm.f32 $0.0e+00;
	v6 =	vimm.f32 $0.0e+00;
	v5 =	vimm.f32 $0.0e+00  }
0x16f: {  	v4 =	vld [tilespmem:s1+$0xC7F0];
	s1 =	simm.s32 $0x57F0;
	v9 =	vimm.f32 $0.0e+00;
	v3 =	vimm.f32 $0.0e+00;
	v0 =	vmax.f32 v0, $0.0e+00  }
0x170: {  	s31 =	simm.s32 $0x80;
	s0 =	simm.s32 $0x400;
	v10 =	vld [tilespmem:s1+$0x0];
	v15 =	vmax.f32 v1, $0.0e+00;
	v1 =	vimm.f32 $0.0e+00;
	v0 =	vadd.f32 v0, v2  }
.LBB2_15:
0x171: {  	p1 =	sne.s32 s0, $0x3E00;
	v16 =	vld [tilespmem:s31+$0xC7B0];
	v2 =	vadd.f32 v15, v2;
	v13 =	vmax.f32 v13, $0.0e+00;
	v8 =	vadd.f32 v12, v8  }
0x172: {  	v15 =	vld [tilespmem:s31+$0xC780];
	v12 =	vmax.f32 v14, $0.0e+00;
	v6 =	vadd.f32 v13, v6;
	v5 =	vadd.f32 v11, v5  }
0x173: {  	v13 =	vld [tilespmem:s31+$0xC790];
	v9 =	vadd.f32 v12, v9;
	v3 =	vadd.f32 v7, v3  }
0x174: {  	v14 =	vld [tilespmem:s31+$0xC7A0];
	v1 =	vadd.f32 v4, v1  }
0x175: {  	v4 =	vld [tilespmem:s1+$0xFFFFFFE0]  }
0x176: {  	v17 =	vld [tilespmem:s1+$0xFFFFFFF0];
	v7 =	vadd.f32 v16, v10  }
0x177: {  	v16 =	vld [tilespmem:s1+$0xFFFFFFD0]  }
.Ltmp8:
0x178: {  	v7 =	vmax.f32 v7, $0.0e+00;
	v12 =	vld [tilespmem:s31+$0xC7C0];
	(pc) =	sbr.rel @p1 .LBB2_15-.Ltmp8, $4  }
0x179: {  	v0 =	vadd.f32 v7, v0;
	v11 =	vld [tilespmem:s31+$0xC7D0]  }
0x17a: {  	v18 =	vadd.f32 v13, v4;
	v7 =	vld [tilespmem:s31+$0xC7E0]  }
0x17b: {  	s1 =	sadd.s32 $0x40, s1;
	v13 =	vadd.f32 v14, v17;
	v4 =	vld [tilespmem:s31+$0xC7F0]  }
0x17c: {  	s31 =	sshra.s32 s0, $0x2;
	s0 =	sadd.s32 $0x200, s0;
	v10 =	vld [tilespmem:s1+$0x0];
	v14 =	vadd.f32 v15, v16;
	v15 =	vmax.f32 v18, $0.0e+00  }
0x17d: {  	v16 =	vld [tilespmem:s31+$0xC780]  }
0x17e: {  	v17 =	vld [tilespmem:s31+$0xC790]  }
0x17f: {  	v18 =	vld [tilespmem:s1+$0xFFFFFFD0]  }
0x180: {  	v19 =	vld [tilespmem:s31+$0xC7A0]  }
0x181: {  	v20 =	vld [tilespmem:s1+$0xFFFFFFE0]  }
0x182: {  	v22 =	vld [tilespmem:s31+$0xC7C0]  }
0x183: {  	v8 =	vadd.f32 v12, v8;
	v12 =	vmax.f32 v13, $0.0e+00;
	v13 =	vld [tilespmem:s31+$0xC7D0]  }
0x184: {  	v21 =	vld [tilespmem:s1+$0xFFFFFFF0];
	v2 =	vadd.f32 v15, v2  }
0x185: {  	v14 =	vmax.f32 v14, $0.0e+00;
	v6 =	vadd.f32 v12, v6;
	v5 =	vadd.f32 v11, v5;
	v11 =	vld [tilespmem:s31+$0xC7E0]  }
0x186: {  	v9 =	vadd.f32 v14, v9;
	v15 =	vadd.f32 v16, v18;
	v16 =	vld [tilespmem:s31+$0xC7B0]  }
0x187: {  	v3 =	vadd.f32 v7, v3;
	v8 =	vadd.f32 v22, v8  }
0x188: {  	v12 =	vadd.f32 v17, v20;
	v5 =	vadd.f32 v13, v5;
	v14 =	vmax.f32 v15, $0.0e+00;
	v15 =	vld [tilespmem:s31+$0xC7F0]  }
0x189: {  	[tilespmem:$0xE900] =	vst v8;
	v9 =	vadd.f32 v14, v9;
	v14 =	vadd.f32 v19, v21  }
0x18a: {  	v1 =	vadd.f32 v4, v1;
	v3 =	vadd.f32 v11, v3;
	v12 =	vmax.f32 v12, $0.0e+00;
	[tilespmem:$0xE910] =	vst v5  }
0x18b: {  	v2 =	vadd.f32 v12, v2;
	[tilespmem:$0xEB00] =	vst v9;
	v7 =	vadd.f32 v16, v10;
	v9 =	vmax.f32 v14, $0.0e+00  }
0x18c: {  	[tilespmem:$0xE920] =	vst v3;
	v6 =	vadd.f32 v9, v6  }
0x18d: {  	[tilespmem:$0xEB10] =	vst v2;
	v2 =	vmax.f32 v7, $0.0e+00;
	v1 =	vadd.f32 v15, v1  }
0x18e: {  	v0 =	vadd.f32 v2, v0;
	[tilespmem:$0xEB20] =	vst v6  }
0x18f: {  	[tilespmem:$0xE930] =	vst v1  }
0x190: {  	s0 =	simm.s32 $0x5FB0;
	[tilespmem:$0xEB30] =	vst v0  }
0x191: {  	s1 =	simm.s32 $0x0;
	v0 =	vld [tilespmem:s0+$0x0]  }
0x192: {  	v1 =	vld [tilespmem:s1+$0xD7B0]  }
0x193: {  	v3 =	vld [tilespmem:s1+$0xD780]  }
0x194: {  	v4 =	vld [tilespmem:s1+$0xD790]  }
0x195: {  	v5 =	vld [tilespmem:s1+$0xD7A0]  }
0x196: {  	v6 =	vld [tilespmem:s0+$0xFFFFFFE0]  }
0x197: {  	v8 =	vld [tilespmem:s0+$0xFFFFFFF0]  }
0x198: {  	v9 =	vld [tilespmem:s0+$0xFFFFFFD0];
	_ =	sdelay $0x3  }
0x199: {  	v12 =	vld [tilespmem:s1+$0xD7C0];
	v0 =	vadd.f32 v1, v0;
	v1 =	vadd.f32 v4, v6  }
0x19a: {  	v2 =	vimm.f32 $0.0e+00;
	v11 =	vld [tilespmem:s1+$0xD7D0];
	v13 =	vadd.f32 v5, v8;
	v14 =	vadd.f32 v3, v9  }
0x19b: {  	v7 =	vld [tilespmem:s1+$0xD7E0];
	v8 =	vimm.f32 $0.0e+00;
	v6 =	vimm.f32 $0.0e+00;
	v5 =	vimm.f32 $0.0e+00  }
0x19c: {  	v4 =	vld [tilespmem:s1+$0xD7F0];
	s1 =	simm.s32 $0x5FF0;
	v9 =	vimm.f32 $0.0e+00;
	v3 =	vimm.f32 $0.0e+00;
	v0 =	vmax.f32 v0, $0.0e+00  }
0x19d: {  	s31 =	simm.s32 $0x80;
	s0 =	simm.s32 $0x400;
	v10 =	vld [tilespmem:s1+$0x0];
	v15 =	vmax.f32 v1, $0.0e+00;
	v1 =	vimm.f32 $0.0e+00;
	v0 =	vadd.f32 v0, v2  }
.LBB2_17:
0x19e: {  	p1 =	sne.s32 s0, $0x3E00;
	v16 =	vld [tilespmem:s31+$0xD7B0];
	v2 =	vadd.f32 v15, v2;
	v13 =	vmax.f32 v13, $0.0e+00;
	v8 =	vadd.f32 v12, v8  }
0x19f: {  	v15 =	vld [tilespmem:s31+$0xD780];
	v12 =	vmax.f32 v14, $0.0e+00;
	v6 =	vadd.f32 v13, v6;
	v5 =	vadd.f32 v11, v5  }
0x1a0: {  	v13 =	vld [tilespmem:s31+$0xD790];
	v9 =	vadd.f32 v12, v9;
	v3 =	vadd.f32 v7, v3  }
0x1a1: {  	v14 =	vld [tilespmem:s31+$0xD7A0];
	v1 =	vadd.f32 v4, v1  }
0x1a2: {  	v4 =	vld [tilespmem:s1+$0xFFFFFFE0]  }
0x1a3: {  	v17 =	vld [tilespmem:s1+$0xFFFFFFF0];
	v7 =	vadd.f32 v16, v10  }
0x1a4: {  	v16 =	vld [tilespmem:s1+$0xFFFFFFD0]  }
.Ltmp9:
0x1a5: {  	v7 =	vmax.f32 v7, $0.0e+00;
	v12 =	vld [tilespmem:s31+$0xD7C0];
	(pc) =	sbr.rel @p1 .LBB2_17-.Ltmp9, $4  }
0x1a6: {  	v0 =	vadd.f32 v7, v0;
	v11 =	vld [tilespmem:s31+$0xD7D0]  }
0x1a7: {  	v18 =	vadd.f32 v13, v4;
	v7 =	vld [tilespmem:s31+$0xD7E0]  }
0x1a8: {  	s1 =	sadd.s32 $0x40, s1;
	v13 =	vadd.f32 v14, v17;
	v4 =	vld [tilespmem:s31+$0xD7F0]  }
0x1a9: {  	s31 =	sshra.s32 s0, $0x2;
	s0 =	sadd.s32 $0x200, s0;
	v10 =	vld [tilespmem:s1+$0x0];
	v14 =	vadd.f32 v15, v16;
	v15 =	vmax.f32 v18, $0.0e+00  }
0x1aa: {  	v16 =	vld [tilespmem:s31+$0xD780]  }
0x1ab: {  	v17 =	vld [tilespmem:s31+$0xD790]  }
0x1ac: {  	v18 =	vld [tilespmem:s1+$0xFFFFFFD0]  }
0x1ad: {  	v19 =	vld [tilespmem:s31+$0xD7A0]  }
0x1ae: {  	v20 =	vld [tilespmem:s1+$0xFFFFFFE0]  }
0x1af: {  	v21 =	vld [tilespmem:s1+$0xFFFFFFF0]  }
0x1b0: {  	v22 =	vld [tilespmem:s31+$0xD7C0]  }
0x1b1: {  	v55 =	vld [tilespmem:s31+$0xD7D0]  }
0x1b2: {  	v2 =	vadd.f32 v15, v2;
	v8 =	vadd.f32 v12, v8;
	v54 =	vmax.f32 v13, $0.0e+00;
	v58 =	vld [tilespmem:s31+$0xD7E0]  }
0x1b3: {  	v60 =	vld [tilespmem:s31+$0xD7F0];
	v14 =	vmax.f32 v14, $0.0e+00;
	v6 =	vadd.f32 v54, v6;
	v5 =	vadd.f32 v11, v5  }
0x1b4: {  	v53 =	vld [tilespmem:s31+$0xD7B0];
	v9 =	vadd.f32 v14, v9;
	v3 =	vadd.f32 v7, v3  }
0x1b5: {  	v1 =	vadd.f32 v4, v1;
	v8 =	vadd.f32 v22, v8  }
0x1b6: {  	v52 =	vadd.f32 v16, v18;
	v5 =	vadd.f32 v55, v5  }
0x1b7: {  	v56 =	vadd.f32 v17, v20;
	v3 =	vadd.f32 v58, v3;
	[tilespmem:$0xE940] =	vst v8  }
0x1b8: {  	v59 =	vadd.f32 v19, v21;
	v1 =	vadd.f32 v60, v1;
	v57 =	vmax.f32 v52, $0.0e+00;
	[tilespmem:$0xE950] =	vst v5  }
0x1b9: {  	v61 =	vadd.f32 v53, v10;
	v12 =	vmax.f32 v56, $0.0e+00;
	[tilespmem:$0xE960] =	vst v3;
	v9 =	vadd.f32 v57, v9  }
0x1ba: {  	v62 =	vmax.f32 v59, $0.0e+00;
	[tilespmem:$0xE970] =	vst v1;
	v2 =	vadd.f32 v12, v2  }
0x1bb: {  	s0 =	sadd.s32 s30, s11;
	v63 =	vmax.f32 v61, $0.0e+00;
	v6 =	vadd.f32 v62, v6;
	[tilespmem:$0xEB40] =	vst v9  }
0x1bc: {  	s0 =	sshll.u32 s0, $0x5;
	v0 =	vadd.f32 v63, v0;
	[tilespmem:$0xEB50] =	vst v2  }
0x1bd: {  	s0 =	sand.u32 $0x1FFFFFE0, s0;
	[tilespmem:$0xEB60] =	vst v6  }
0x1be: {  	s31 =	sadd.s32 s2, s0;
	[tilespmem:$0xEB70] =	vst v0  }
0x1bf: {  	[hbm4b:s31+s3] =	stream.linear.scatter [tilespmem:s24], [sflag:$0x2], $0x100, $0x38;
	[tilespmem:$0xEB80] =	vst v63  }
0x1c0: {  	s0 =	sadd.s32 s7, s0  }
0x1c1: {  	[hbm4b:s0+s3] =	stream.linear.scatter [tilespmem:s25], [sflag:$0x2], $0x100, $0x38;
	[tilespmem:$0xEB80] =	vst v63  }
0x1c2: {  	s0 =	sadd.s32 $0x3, s30  }
0x1c3: {  	p1 =	sge.u32 s0, s8  }
0x1c4: {  	s0 =	sshll.u32 @!p1 s0, $0x7  }
0x1c5: {  	s1 =	simm.s32 @!p1 $0x80;
	s30 =	simm.s32 @!p1 $0x4780;
	s0 =	sand.u32 @!p1 $0x3FFFFF80, s0  }
0x1c6: {  	[tilespmem:s30], [sflag:$0x1] =	stream.indirect.gather @!p1 [hbm4b:s5+s1], $0x40, s0, s1, $0xb8;
	[tilespmem:$0xEB80] =	vst v63  }
0x1c7: {  	s29 =	sadd.s32 $0x1, s29;
	s30 =	simm.s32 @!p1 $0xA780  }
0x1c8: {  	[tilespmem:s30], [sflag:$0x1] =	stream.indirect.gather @!p1 [hbm4b:s6+s1], $0x80, s0, s1, $0xb8;
	[tilespmem:$0xEB80] =	vst v63  }
0x1c9: {  	p1 =	sne.s32 s29, $0x27  }
.Ltmp10:
0x1ca: {  	_ = 	snop;
	(pc) =	sbr.rel @p1 .LBB2_2-.Ltmp10, $1  }
0x1cb: {  	_ =	sdelay $0x3  }
.Ltmp11:
0x1cc: {  	(pc) =	sbr.rel @p0 .LBB2_29-.Ltmp11, $1  }
0x1cd: {  	_ =	sdelay $0x3  }
0x1ce: {  	_ =	swait.ge [sflag:s26], $0x100  }
0x1cf: {  	[sflag:s26] =	ssyncset.done $0x0  }
0x1d0: {  	[sflag:s26] =	ssyncadd.s32 $0xFFFFFF00  }
0x1d1: {  	_ =	swait.ge [sflag:s26], $0x100  }
0x1d2: {  	[sflag:s26] =	ssyncset.done $0x0  }
0x1d3: {  	[sflag:s26] =	ssyncadd.s32 $0xFFFFFF00  }
0x1d4: {  	_ =	swait.ge [sflag:s21], $0x2000  }
0x1d5: {  	[sflag:s21] =	ssyncset.done $0x0  }
0x1d6: {  	[sflag:s21] =	ssyncadd.s32 $0xFFFFE000  }
0x1d7: {  	_ =	swait.ge [sflag:s21], $0x4000  }
0x1d8: {  	[sflag:s21] =	ssyncset.done $0x0  }
0x1d9: {  	s0 =	simm.s32 $0x67C0;
	[sflag:s21] =	ssyncadd.s32 $0xFFFFC000  }
0x1da: {  	s1 =	simm.s32 $0x0;
	v0 =	vld [tilespmem:s0+$0xFFFFFFF0]  }
0x1db: {  	v1 =	vld [tilespmem:s1+$0x27B0]  }
0x1dc: {  	v3 =	vld [tilespmem:s1+$0x2780]  }
0x1dd: {  	v4 =	vld [tilespmem:s1+$0x2790]  }
0x1de: {  	v5 =	vld [tilespmem:s1+$0x27A0]  }
0x1df: {  	v6 =	vld [tilespmem:s0+$0xFFFFFFC0]  }
0x1e0: {  	v7 =	vld [tilespmem:s0+$0xFFFFFFD0]  }
0x1e1: {  	v8 =	vld [tilespmem:s0+$0xFFFFFFE0];
	_ =	sdelay $0x2  }
0x1e2: {  	v2 =	vimm.f32 $0.0e+00;
	v12 =	vld [tilespmem:s0+$0x0];
	v0 =	vadd.f32 v0, v1  }
0x1e3: {  	v9 =	vimm.f32 $0.0e+00;
	v11 =	vld [tilespmem:s0+$0x10];
	v1 =	vadd.f32 v6, v3;
	v13 =	vadd.f32 v7, v4  }
0x1e4: {  	v6 =	vld [tilespmem:s0+$0x20];
	v14 =	vadd.f32 v8, v5;
	v7 =	vimm.f32 $0.0e+00;
	v8 =	vimm.f32 $0.0e+00  }
0x1e5: {  	s29 =	simm.s32 $0x6840;
	v4 =	vld [tilespmem:s0+$0x30];
	v5 =	vimm.f32 $0.0e+00;
	v3 =	vimm.f32 $0.0e+00;
	v0 =	vmax.f32 v0, $0.0e+00  }
0x1e6: {  	s1 =	simm.s32 $0x40;
	v10 =	vld [tilespmem:s29+$0xFFFFFFF0];
	s0 =	simm.s32 $0x200;
	v15 =	vmax.f32 v1, $0.0e+00;
	v1 =	vimm.f32 $0.0e+00;
	v0 =	vadd.f32 v0, v2  }
.LBB2_21:
0x1e7: {  	p1 =	sne.s32 s0, $0x1F00;
	v16 =	vld [tilespmem:s1+$0x27B0];
	v2 =	vadd.f32 v15, v2;
	v13 =	vmax.f32 v13, $0.0e+00;
	v9 =	vadd.f32 v12, v9  }
0x1e8: {  	v15 =	vld [tilespmem:s1+$0x2780];
	v7 =	vadd.f32 v13, v7;
	v12 =	vmax.f32 v14, $0.0e+00;
	v8 =	vadd.f32 v11, v8  }
0x1e9: {  	v13 =	vld [tilespmem:s1+$0x2790];
	v5 =	vadd.f32 v12, v5;
	v3 =	vadd.f32 v6, v3  }
0x1ea: {  	v14 =	vld [tilespmem:s1+$0x27A0];
	v1 =	vadd.f32 v4, v1  }
0x1eb: {  	v4 =	vld [tilespmem:s29+$0xFFFFFFC0]  }
0x1ec: {  	v17 =	vld [tilespmem:s29+$0xFFFFFFD0];
	v6 =	vadd.f32 v10, v16  }
0x1ed: {  	v16 =	vld [tilespmem:s29+$0xFFFFFFE0]  }
.Ltmp12:
0x1ee: {  	v6 =	vmax.f32 v6, $0.0e+00;
	v12 =	vld [tilespmem:s29+$0x0];
	(pc) =	sbr.rel @p1 .LBB2_21-.Ltmp12, $4  }
0x1ef: {  	v0 =	vadd.f32 v6, v0;
	v11 =	vld [tilespmem:s29+$0x10]  }
0x1f0: {  	v15 =	vadd.f32 v4, v15;
	v6 =	vld [tilespmem:s29+$0x20]  }
0x1f1: {  	v13 =	vadd.f32 v17, v13;
	v4 =	vld [tilespmem:s29+$0x30];
	s29 =	sadd.s32 $0x80, s29  }
0x1f2: {  	s1 =	sshra.s32 s0, $0x2;
	s0 =	sadd.s32 $0x100, s0;
	v10 =	vld [tilespmem:s29+$0xFFFFFFF0];
	v15 =	vmax.f32 v15, $0.0e+00;
	v14 =	vadd.f32 v16, v14  }
0x1f3: {  	v16 =	vld [tilespmem:s1+$0x2780]  }
0x1f4: {  	v17 =	vld [tilespmem:s1+$0x2790]  }
0x1f5: {  	v18 =	vld [tilespmem:s29+$0xFFFFFFC0]  }
0x1f6: {  	v19 =	vld [tilespmem:s1+$0x27A0]  }
0x1f7: {  	v20 =	vld [tilespmem:s29+$0xFFFFFFD0]  }
0x1f8: {  	v21 =	vld [tilespmem:s29+$0xFFFFFFE0]  }
0x1f9: {  	v2 =	vadd.f32 v15, v2;
	v15 =	vld [tilespmem:s29+$0x0]  }
0x1fa: {  	v8 =	vadd.f32 v11, v8;
	v11 =	vld [tilespmem:s29+$0x10]  }
0x1fb: {  	v9 =	vadd.f32 v12, v9;
	v13 =	vmax.f32 v13, $0.0e+00  }
0x1fc: {  	v7 =	vadd.f32 v13, v7;
	v14 =	vmax.f32 v14, $0.0e+00;
	v12 =	vadd.f32 v18, v16  }
0x1fd: {  	v5 =	vadd.f32 v14, v5;
	v16 =	vld [tilespmem:s1+$0x27B0];
	v13 =	vadd.f32 v20, v17  }
0x1fe: {  	v14 =	vadd.f32 v21, v19;
	v9 =	vadd.f32 v15, v9;
	v15 =	vld [tilespmem:s29+$0x30];
	v12 =	vmax.f32 v12, $0.0e+00  }
0x1ff: {  	v8 =	vadd.f32 v11, v8;
	v2 =	vadd.f32 v12, v2;
	v12 =	vld [tilespmem:s29+$0x20]  }
0x200: {  	v3 =	vadd.f32 v6, v3;
	v13 =	vmax.f32 v13, $0.0e+00;
	[tilespmem:$0xE780] =	vst v9  }
0x201: {  	v1 =	vadd.f32 v4, v1;
	v6 =	vadd.f32 v13, v7;
	v7 =	vmax.f32 v14, $0.0e+00;
	[tilespmem:$0xE790] =	vst v8  }
0x202: {  	v5 =	vadd.f32 v7, v5;
	[tilespmem:$0xE980] =	vst v2;
	v2 =	vadd.f32 v10, v16  }
0x203: {  	[tilespmem:$0xE990] =	vst v6;
	v1 =	vadd.f32 v15, v1  }
0x204: {  	[tilespmem:$0xE9A0] =	vst v5;
	v2 =	vmax.f32 v2, $0.0e+00;
	v3 =	vadd.f32 v12, v3  }
0x205: {  	[tilespmem:$0xE7B0] =	vst v1;
	v0 =	vadd.f32 v2, v0  }
0x206: {  	[tilespmem:$0xE7A0] =	vst v3  }
0x207: {  	s0 =	simm.s32 $0x77F0;
	[tilespmem:$0xE9B0] =	vst v0  }
0x208: {  	s31 =	simm.s32 $0x0;
	v0 =	vld [tilespmem:s0+$0xFFFFFFC0]  }
0x209: {  	v1 =	vld [tilespmem:s31+$0x2FB0]  }
0x20a: {  	v3 =	vld [tilespmem:s31+$0x2F80]  }
0x20b: {  	v4 =	vld [tilespmem:s31+$0x2F90]  }
0x20c: {  	v5 =	vld [tilespmem:s31+$0x2FA0]  }
0x20d: {  	v6 =	vld [tilespmem:s0+$0xFFFFFF90]  }
0x20e: {  	v7 =	vld [tilespmem:s0+$0xFFFFFFA0]  }
0x20f: {  	v8 =	vld [tilespmem:s0+$0xFFFFFFB0];
	_ =	sdelay $0x2  }
0x210: {  	v9 =	vimm.f32 $0.0e+00;
	v12 =	vld [tilespmem:s0+$0xFFFFFFD0];
	v0 =	vadd.f32 v0, v1  }
0x211: {  	v2 =	vimm.f32 $0.0e+00;
	v11 =	vld [tilespmem:s0+$0xFFFFFFE0];
	v1 =	vadd.f32 v6, v3;
	v13 =	vadd.f32 v7, v4  }
0x212: {  	v6 =	vld [tilespmem:s0+$0xFFFFFFF0];
	v14 =	vadd.f32 v8, v5;
	v7 =	vimm.f32 $0.0e+00;
	v8 =	vimm.f32 $0.0e+00  }
0x213: {  	s29 =	simm.s32 $0x7870;
	v4 =	vld [tilespmem:s0+$0x0];
	v5 =	vimm.f32 $0.0e+00;
	v3 =	vimm.f32 $0.0e+00;
	v0 =	vmax.f32 v0, $0.0e+00  }
0x214: {  	s1 =	simm.s32 $0x40;
	v10 =	vld [tilespmem:s29+$0xFFFFFFC0];
	s0 =	simm.s32 $0x200;
	v15 =	vmax.f32 v1, $0.0e+00;
	v1 =	vimm.f32 $0.0e+00;
	v0 =	vadd.f32 v0, v2  }
.LBB2_23:
0x215: {  	p1 =	sne.s32 s0, $0x1F00;
	v16 =	vld [tilespmem:s1+$0x2FB0];
	v2 =	vadd.f32 v15, v2;
	v13 =	vmax.f32 v13, $0.0e+00;
	v9 =	vadd.f32 v12, v9  }
0x216: {  	v15 =	vld [tilespmem:s1+$0x2F80];
	v7 =	vadd.f32 v13, v7;
	v12 =	vmax.f32 v14, $0.0e+00;
	v8 =	vadd.f32 v11, v8  }
0x217: {  	v13 =	vld [tilespmem:s1+$0x2F90];
	v5 =	vadd.f32 v12, v5;
	v3 =	vadd.f32 v6, v3  }
0x218: {  	v14 =	vld [tilespmem:s1+$0x2FA0];
	v1 =	vadd.f32 v4, v1  }
0x219: {  	v4 =	vld [tilespmem:s29+$0xFFFFFF90]  }
0x21a: {  	v17 =	vld [tilespmem:s29+$0xFFFFFFA0];
	v6 =	vadd.f32 v10, v16  }
0x21b: {  	v16 =	vld [tilespmem:s29+$0xFFFFFFB0]  }
.Ltmp13:
0x21c: {  	v6 =	vmax.f32 v6, $0.0e+00;
	v12 =	vld [tilespmem:s29+$0xFFFFFFD0];
	(pc) =	sbr.rel @p1 .LBB2_23-.Ltmp13, $4  }
0x21d: {  	v0 =	vadd.f32 v6, v0;
	v11 =	vld [tilespmem:s29+$0xFFFFFFE0]  }
0x21e: {  	v15 =	vadd.f32 v4, v15;
	v6 =	vld [tilespmem:s29+$0xFFFFFFF0]  }
0x21f: {  	v13 =	vadd.f32 v17, v13;
	v4 =	vld [tilespmem:s29+$0x0];
	s29 =	sadd.s32 $0x80, s29  }
0x220: {  	s1 =	sshra.s32 s0, $0x2;
	s0 =	sadd.s32 $0x100, s0;
	v10 =	vld [tilespmem:s29+$0xFFFFFFC0];
	v15 =	vmax.f32 v15, $0.0e+00;
	v14 =	vadd.f32 v16, v14  }
0x221: {  	v16 =	vld [tilespmem:s1+$0x2F80]  }
0x222: {  	v17 =	vld [tilespmem:s1+$0x2F90]  }
0x223: {  	v18 =	vld [tilespmem:s29+$0xFFFFFF90]  }
0x224: {  	v19 =	vld [tilespmem:s1+$0x2FA0]  }
0x225: {  	v20 =	vld [tilespmem:s29+$0xFFFFFFA0]  }
0x226: {  	v21 =	vld [tilespmem:s29+$0xFFFFFFB0]  }
0x227: {  	v2 =	vadd.f32 v15, v2;
	v15 =	vld [tilespmem:s29+$0xFFFFFFD0]  }
0x228: {  	v8 =	vadd.f32 v11, v8;
	v11 =	vld [tilespmem:s29+$0xFFFFFFE0]  }
0x229: {  	v9 =	vadd.f32 v12, v9;
	v13 =	vmax.f32 v13, $0.0e+00  }
0x22a: {  	v7 =	vadd.f32 v13, v7;
	v14 =	vmax.f32 v14, $0.0e+00;
	v12 =	vadd.f32 v18, v16  }
0x22b: {  	v5 =	vadd.f32 v14, v5;
	v16 =	vld [tilespmem:s1+$0x2FB0];
	v13 =	vadd.f32 v20, v17  }
0x22c: {  	v14 =	vadd.f32 v21, v19;
	v9 =	vadd.f32 v15, v9;
	v15 =	vld [tilespmem:s29+$0x0];
	v12 =	vmax.f32 v12, $0.0e+00  }
0x22d: {  	v8 =	vadd.f32 v11, v8;
	v2 =	vadd.f32 v12, v2;
	v12 =	vld [tilespmem:s29+$0xFFFFFFF0]  }
0x22e: {  	v3 =	vadd.f32 v6, v3;
	v13 =	vmax.f32 v13, $0.0e+00;
	[tilespmem:$0xE7C0] =	vst v9  }
0x22f: {  	v1 =	vadd.f32 v4, v1;
	v6 =	vadd.f32 v13, v7;
	v7 =	vmax.f32 v14, $0.0e+00;
	[tilespmem:$0xE7D0] =	vst v8  }
0x230: {  	v5 =	vadd.f32 v7, v5;
	[tilespmem:$0xE9C0] =	vst v2;
	v2 =	vadd.f32 v10, v16  }
0x231: {  	[tilespmem:$0xE9D0] =	vst v6;
	v1 =	vadd.f32 v15, v1  }
0x232: {  	[tilespmem:$0xE9E0] =	vst v5;
	v2 =	vmax.f32 v2, $0.0e+00;
	v3 =	vadd.f32 v12, v3  }
0x233: {  	[tilespmem:$0xE7F0] =	vst v1;
	v0 =	vadd.f32 v2, v0  }
0x234: {  	[tilespmem:$0xE7E0] =	vst v3  }
0x235: {  	s0 =	simm.s32 $0x87F0;
	[tilespmem:$0xE9F0] =	vst v0  }
0x236: {  	s31 =	simm.s32 $0x0;
	v0 =	vld [tilespmem:s0+$0xFFFFFFC0]  }
0x237: {  	v1 =	vld [tilespmem:s31+$0x37B0]  }
0x238: {  	v3 =	vld [tilespmem:s31+$0x3780]  }
0x239: {  	v4 =	vld [tilespmem:s31+$0x3790]  }
0x23a: {  	v5 =	vld [tilespmem:s31+$0x37A0]  }
0x23b: {  	v6 =	vld [tilespmem:s0+$0xFFFFFF90]  }
0x23c: {  	v7 =	vld [tilespmem:s0+$0xFFFFFFA0]  }
0x23d: {  	v8 =	vld [tilespmem:s0+$0xFFFFFFB0];
	_ =	sdelay $0x2  }
0x23e: {  	v9 =	vimm.f32 $0.0e+00;
	v12 =	vld [tilespmem:s0+$0xFFFFFFD0];
	v0 =	vadd.f32 v0, v1  }
0x23f: {  	v2 =	vimm.f32 $0.0e+00;
	v11 =	vld [tilespmem:s0+$0xFFFFFFE0];
	v1 =	vadd.f32 v6, v3;
	v13 =	vadd.f32 v7, v4  }
0x240: {  	v6 =	vld [tilespmem:s0+$0xFFFFFFF0];
	v14 =	vadd.f32 v8, v5;
	v7 =	vimm.f32 $0.0e+00;
	v8 =	vimm.f32 $0.0e+00  }
0x241: {  	s29 =	simm.s32 $0x8870;
	v4 =	vld [tilespmem:s0+$0x0];
	v5 =	vimm.f32 $0.0e+00;
	v3 =	vimm.f32 $0.0e+00;
	v0 =	vmax.f32 v0, $0.0e+00  }
0x242: {  	s1 =	simm.s32 $0x40;
	v10 =	vld [tilespmem:s29+$0xFFFFFFC0];
	s0 =	simm.s32 $0x200;
	v15 =	vmax.f32 v1, $0.0e+00;
	v1 =	vimm.f32 $0.0e+00;
	v0 =	vadd.f32 v0, v2  }
.LBB2_25:
0x243: {  	p1 =	sne.s32 s0, $0x1F00;
	v16 =	vld [tilespmem:s1+$0x37B0];
	v2 =	vadd.f32 v15, v2;
	v13 =	vmax.f32 v13, $0.0e+00;
	v9 =	vadd.f32 v12, v9  }
0x244: {  	v15 =	vld [tilespmem:s1+$0x3780];
	v7 =	vadd.f32 v13, v7;
	v12 =	vmax.f32 v14, $0.0e+00;
	v8 =	vadd.f32 v11, v8  }
0x245: {  	v13 =	vld [tilespmem:s1+$0x3790];
	v5 =	vadd.f32 v12, v5;
	v3 =	vadd.f32 v6, v3  }
0x246: {  	v14 =	vld [tilespmem:s1+$0x37A0];
	v1 =	vadd.f32 v4, v1  }
0x247: {  	v4 =	vld [tilespmem:s29+$0xFFFFFF90]  }
0x248: {  	v17 =	vld [tilespmem:s29+$0xFFFFFFA0];
	v6 =	vadd.f32 v10, v16  }
0x249: {  	v16 =	vld [tilespmem:s29+$0xFFFFFFB0]  }
.Ltmp14:
0x24a: {  	v6 =	vmax.f32 v6, $0.0e+00;
	v12 =	vld [tilespmem:s29+$0xFFFFFFD0];
	(pc) =	sbr.rel @p1 .LBB2_25-.Ltmp14, $4  }
0x24b: {  	v0 =	vadd.f32 v6, v0;
	v11 =	vld [tilespmem:s29+$0xFFFFFFE0]  }
0x24c: {  	v15 =	vadd.f32 v4, v15;
	v6 =	vld [tilespmem:s29+$0xFFFFFFF0]  }
0x24d: {  	v13 =	vadd.f32 v17, v13;
	v4 =	vld [tilespmem:s29+$0x0];
	s29 =	sadd.s32 $0x80, s29  }
0x24e: {  	s1 =	sshra.s32 s0, $0x2;
	s0 =	sadd.s32 $0x100, s0;
	v10 =	vld [tilespmem:s29+$0xFFFFFFC0];
	v15 =	vmax.f32 v15, $0.0e+00;
	v14 =	vadd.f32 v16, v14  }
0x24f: {  	v16 =	vld [tilespmem:s1+$0x3780]  }
0x250: {  	v17 =	vld [tilespmem:s1+$0x3790]  }
0x251: {  	v18 =	vld [tilespmem:s29+$0xFFFFFF90]  }
0x252: {  	v19 =	vld [tilespmem:s1+$0x37A0]  }
0x253: {  	v20 =	vld [tilespmem:s29+$0xFFFFFFA0]  }
0x254: {  	v21 =	vld [tilespmem:s29+$0xFFFFFFB0]  }
0x255: {  	v2 =	vadd.f32 v15, v2;
	v15 =	vld [tilespmem:s29+$0xFFFFFFD0]  }
0x256: {  	v8 =	vadd.f32 v11, v8;
	v11 =	vld [tilespmem:s29+$0xFFFFFFE0]  }
0x257: {  	v9 =	vadd.f32 v12, v9;
	v13 =	vmax.f32 v13, $0.0e+00  }
0x258: {  	v7 =	vadd.f32 v13, v7;
	v14 =	vmax.f32 v14, $0.0e+00;
	v12 =	vadd.f32 v18, v16  }
0x259: {  	v5 =	vadd.f32 v14, v5;
	v16 =	vld [tilespmem:s1+$0x37B0];
	v13 =	vadd.f32 v20, v17  }
0x25a: {  	v14 =	vadd.f32 v21, v19;
	v9 =	vadd.f32 v15, v9;
	v15 =	vld [tilespmem:s29+$0x0];
	v12 =	vmax.f32 v12, $0.0e+00  }
0x25b: {  	v8 =	vadd.f32 v11, v8;
	v2 =	vadd.f32 v12, v2;
	v12 =	vld [tilespmem:s29+$0xFFFFFFF0]  }
0x25c: {  	v3 =	vadd.f32 v6, v3;
	v13 =	vmax.f32 v13, $0.0e+00;
	[tilespmem:$0xE800] =	vst v9  }
0x25d: {  	v1 =	vadd.f32 v4, v1;
	v6 =	vadd.f32 v13, v7;
	v7 =	vmax.f32 v14, $0.0e+00;
	[tilespmem:$0xE810] =	vst v8  }
0x25e: {  	v5 =	vadd.f32 v7, v5;
	[tilespmem:$0xEA00] =	vst v2;
	v2 =	vadd.f32 v10, v16  }
0x25f: {  	[tilespmem:$0xEA10] =	vst v6;
	v1 =	vadd.f32 v15, v1  }
0x260: {  	[tilespmem:$0xEA20] =	vst v5;
	v2 =	vmax.f32 v2, $0.0e+00;
	v3 =	vadd.f32 v12, v3  }
0x261: {  	[tilespmem:$0xE830] =	vst v1;
	v0 =	vadd.f32 v2, v0  }
0x262: {  	[tilespmem:$0xE820] =	vst v3  }
0x263: {  	s0 =	simm.s32 $0x97F0;
	[tilespmem:$0xEA30] =	vst v0  }
0x264: {  	s31 =	simm.s32 $0x0;
	v0 =	vld [tilespmem:s0+$0xFFFFFFC0]  }
0x265: {  	v1 =	vld [tilespmem:s31+$0x3FB0]  }
0x266: {  	v3 =	vld [tilespmem:s31+$0x3F80]  }
0x267: {  	v4 =	vld [tilespmem:s31+$0x3F90]  }
0x268: {  	v5 =	vld [tilespmem:s31+$0x3FA0]  }
0x269: {  	v6 =	vld [tilespmem:s0+$0xFFFFFF90]  }
0x26a: {  	v7 =	vld [tilespmem:s0+$0xFFFFFFA0]  }
0x26b: {  	v8 =	vld [tilespmem:s0+$0xFFFFFFB0];
	_ =	sdelay $0x2  }
0x26c: {  	v9 =	vimm.f32 $0.0e+00;
	v12 =	vld [tilespmem:s0+$0xFFFFFFD0];
	v0 =	vadd.f32 v0, v1  }
0x26d: {  	v2 =	vimm.f32 $0.0e+00;
	v11 =	vld [tilespmem:s0+$0xFFFFFFE0];
	v1 =	vadd.f32 v6, v3;
	v13 =	vadd.f32 v7, v4  }
0x26e: {  	v6 =	vld [tilespmem:s0+$0xFFFFFFF0];
	v14 =	vadd.f32 v8, v5;
	v7 =	vimm.f32 $0.0e+00;
	v8 =	vimm.f32 $0.0e+00  }
0x26f: {  	s29 =	simm.s32 $0x9870;
	v4 =	vld [tilespmem:s0+$0x0];
	v5 =	vimm.f32 $0.0e+00;
	v3 =	vimm.f32 $0.0e+00;
	v0 =	vmax.f32 v0, $0.0e+00  }
0x270: {  	s1 =	simm.s32 $0x40;
	v10 =	vld [tilespmem:s29+$0xFFFFFFC0];
	s0 =	simm.s32 $0x200;
	v15 =	vmax.f32 v1, $0.0e+00;
	v1 =	vimm.f32 $0.0e+00;
	v0 =	vadd.f32 v0, v2  }
.LBB2_27:
0x271: {  	p1 =	sne.s32 s0, $0x1F00;
	v16 =	vld [tilespmem:s1+$0x3FB0];
	v2 =	vadd.f32 v15, v2;
	v13 =	vmax.f32 v13, $0.0e+00;
	v9 =	vadd.f32 v12, v9  }
0x272: {  	v15 =	vld [tilespmem:s1+$0x3F80];
	v7 =	vadd.f32 v13, v7;
	v12 =	vmax.f32 v14, $0.0e+00;
	v8 =	vadd.f32 v11, v8  }
0x273: {  	v13 =	vld [tilespmem:s1+$0x3F90];
	v5 =	vadd.f32 v12, v5;
	v3 =	vadd.f32 v6, v3  }
0x274: {  	v14 =	vld [tilespmem:s1+$0x3FA0];
	v1 =	vadd.f32 v4, v1  }
0x275: {  	v4 =	vld [tilespmem:s29+$0xFFFFFF90]  }
0x276: {  	v17 =	vld [tilespmem:s29+$0xFFFFFFA0];
	v6 =	vadd.f32 v10, v16  }
0x277: {  	v16 =	vld [tilespmem:s29+$0xFFFFFFB0]  }
.Ltmp15:
0x278: {  	v6 =	vmax.f32 v6, $0.0e+00;
	v12 =	vld [tilespmem:s29+$0xFFFFFFD0];
	(pc) =	sbr.rel @p1 .LBB2_27-.Ltmp15, $4  }
0x279: {  	v0 =	vadd.f32 v6, v0;
	v11 =	vld [tilespmem:s29+$0xFFFFFFE0]  }
0x27a: {  	v15 =	vadd.f32 v4, v15;
	v6 =	vld [tilespmem:s29+$0xFFFFFFF0]  }
0x27b: {  	v13 =	vadd.f32 v17, v13;
	v4 =	vld [tilespmem:s29+$0x0];
	s29 =	sadd.s32 $0x80, s29  }
0x27c: {  	s1 =	sshra.s32 s0, $0x2;
	s0 =	sadd.s32 $0x100, s0;
	v10 =	vld [tilespmem:s29+$0xFFFFFFC0];
	v15 =	vmax.f32 v15, $0.0e+00;
	v14 =	vadd.f32 v16, v14  }
0x27d: {  	v16 =	vld [tilespmem:s1+$0x3F80]  }
0x27e: {  	v17 =	vld [tilespmem:s1+$0x3F90]  }
0x27f: {  	v18 =	vld [tilespmem:s29+$0xFFFFFF90]  }
0x280: {  	v19 =	vld [tilespmem:s1+$0x3FA0]  }
0x281: {  	v20 =	vld [tilespmem:s29+$0xFFFFFFA0]  }
0x282: {  	v21 =	vld [tilespmem:s29+$0xFFFFFFB0]  }
0x283: {  	v53 =	vld [tilespmem:s29+$0xFFFFFFD0]  }
0x284: {  	v56 =	vld [tilespmem:s29+$0xFFFFFFE0]  }
0x285: {  	v2 =	vadd.f32 v15, v2;
	v9 =	vadd.f32 v12, v9;
	v13 =	vmax.f32 v13, $0.0e+00;
	v58 =	vld [tilespmem:s29+$0xFFFFFFF0]  }
0x286: {  	v60 =	vld [tilespmem:s29+$0x0];
	v7 =	vadd.f32 v13, v7;
	v8 =	vadd.f32 v11, v8;
	v14 =	vmax.f32 v14, $0.0e+00  }
0x287: {  	v55 =	vld [tilespmem:s1+$0x3FB0];
	v5 =	vadd.f32 v14, v5;
	v3 =	vadd.f32 v6, v3  }
0x288: {  	v1 =	vadd.f32 v4, v1;
	v9 =	vadd.f32 v53, v9  }
0x289: {  	v54 =	vadd.f32 v18, v16;
	v8 =	vadd.f32 v56, v8  }
0x28a: {  	v57 =	vadd.f32 v20, v17;
	v3 =	vadd.f32 v58, v3;
	[tilespmem:$0xE840] =	vst v9  }
0x28b: {  	v59 =	vadd.f32 v21, v19;
	v1 =	vadd.f32 v60, v1;
	v12 =	vmax.f32 v54, $0.0e+00;
	[tilespmem:$0xE850] =	vst v8  }
0x28c: {  	v62 =	vadd.f32 v10, v55;
	v13 =	vmax.f32 v57, $0.0e+00;
	[tilespmem:$0xE860] =	vst v3;
	v2 =	vadd.f32 v12, v2  }
0x28d: {  	v63 =	vmax.f32 v59, $0.0e+00;
	[tilespmem:$0xE870] =	vst v1;
	v61 =	vadd.f32 v13, v7  }
0x28e: {  	v5 =	vadd.f32 v63, v5;
	[tilespmem:$0xEA40] =	vst v2;
	v2 =	vmax.f32 v62, $0.0e+00  }
0x28f: {  	[tilespmem:$0xEA50] =	vst v61;
	v0 =	vadd.f32 v2, v0  }
.Ltmp16:
0x290: {  	[tilespmem:$0xEA60] =	vst v5;
	(pc) =	sbr.rel .LBB2_29-.Ltmp16, $4  }
0x291: {  	[tilespmem:$0xEA70] =	vst v0  }
0x292: {  	[hbm4b:s12+s3] =	stream.linear.scatter [tilespmem:s22], [sflag:$0x2], $0x100, $0x38;
	[tilespmem:$0xEB80] =	vst v63  }
0x293: {  	_ = 	snop  }
0x294: {  	[hbm4b:s13+s3] =	stream.linear.scatter [tilespmem:s23], [sflag:$0x2], $0x100, $0x38;
	[tilespmem:$0xEB80] =	vst v63  }
.LBB2_30:
0x295: {  	_ =	sfence.sel $0x180000  }
0x296: {  	[bflag:$0x0] =	sbarrier.arrive $0xFFFF  }
0x297: {  	_ =	strace $0x9000004A  }
0x298: {  	s0 =	stileid.u32;
	[bflag:$0x2] =	sbarrier.arrive $0xFFFF  }
0x299: {  	p0 =	sne.s32 s0, $0x0;
	s0 =	rddreg [dreg:$0x2]  }
0x29a: {  	s0 =	sadd.s32 @!p0 $0x100000, s0  }
0x29b: {  	[sflag:s0] =	ssyncadd.tile.s32 @!p0 $0x1;
	_ =	shalt  }
.Lfunc_end2:
_tile_overlayer_lowered:
.L_overlay_start_2:
0x29c: {  	(tag) =	ssettag $0x2  }
0x29d: {  	s0 =	rddreg [dreg:$0x0];
	s2 =	stileid.u32  }
0x29e: {  	s1 =	rddreg [dreg:$0x1];
	p0 =	sne.s32 s2, $0x0  }
0x29f: {  	s3 =	rddreg [dreg:$0x2];
	[bflag:$0x3] =	sbarrier.arrive $0xFFFF;
	s2 =	simm.s32 @!p0 $0x1C03  }
0x2a0: {  	[timem:s3], [sflag:s2] =	dma.local @!p0 [hbm:s0], s1  }
0x2a1: {  	s0 =	simm.s32 @!p0 $0x3  }
0x2a2: {  	_ =	swait.ge @!p0 [sflag:s0], s1  }
0x2a3: {  	s1 =	ssub.s32 @!p0 $0x0, s1;
	[sflag:s0] =	ssyncset.done @!p0 $0x0  }
0x2a4: {  	[sflag:s0] =	ssyncadd.s32 @!p0 s1  }
0x2a5: {  	[bflag:$0x3] =	sbarrier.arrive $0xFFFF  }
0x2a6: {  	_ =	shalt  }

// kernel: kernel.7.cloned.1.call-start
scs
__scs_entry_jumppad:
0x0: {  	(pc) =	sbr.rel $0x88, $3  }
0x1: {  	(tag) =	ssettag $0x0;
	lr =	simm.s32 $0x1  }
0x2: {  	[smem:$0x3F94] =	sst lr;
	_ =	strace $0xD0000000  }
0x3: {  	_ = 	snop  }
0x4: {  	_ = 	snop  }
0x5: {  	_ = 	snop  }
0x6: {  	_ = 	snop  }
0x7: {  	_ = 	snop  }
__scs_overlays_trampoline_lowered:
0x8: {  	[smem:$0x3FA3] =	sst s0  }
0x9: {  	[smem:$0x3FA4] =	sst s1  }
0xa: {  	[smem:$0x3FA5] =	sst s2  }
0xb: {  	[smem:$0x3FA6] =	sst s3  }
0xc: {  	[smem:$0x3FA7] =	sst s4  }
0xd: {  	[smem:$0x3FA8] =	sst s5  }
0xe: {  	[smem:$0x3FA9] =	sst s6  }
0xf: {  	[smem:$0x3FAA] =	sst s7  }
0x10: {  	[smem:$0x3FAB] =	sst s8  }
0x11: {  	[smem:$0x3FAC] =	sst s9;
	s0 =	simm.s32 @!p0 $0x0  }
0x12: {  	s1 =	sld [smem:$0x3F92];
	s0 =	simm.s32 @p0 $0x1  }
0x13: {  	[smem:$0x3FAD] =	sst s0;
	s0 =	simm.s32 @!p1 $0x0  }
0x14: {  	s2 =	sld [smem:$0x3F91];
	s0 =	simm.s32 @p1 $0x1  }
0x15: {  	[smem:$0x3FAE] =	sst s0;
	s0 =	simm.s32 @!p2 $0x0  }
0x16: {  	s3 =	sld [smem:$0x3FDB];
	s0 =	simm.s32 @p2 $0x1  }
0x17: {  	s4 =	simm.s32 $0x1BF5;
	[smem:$0x3FB0] =	sst s0  }
0x18: {  	s0 =	sld [smem:$0x3F93];
	_ =	swait.ge [sflag:s4], $0x0  }
0x19: {  	s7 =	sld [smem:$0x3F94]  }
0x1a: {  	s8 =	sadd.s32 $0xFFFFE003, lr  }
0x1b: {  	s9 =	sadd.s32 $0xFFFFFEF7, lr;
	s5 =	simm.s32 $0xFFFFFFFF;
	p2 =	slt.u32 s8, $0xFFFFF086  }
0x1c: {  	p1 =	slt.u32 s9, $0xF7A;
	s5 =	simm.s32 @!p2 $0x0  }
0x1d: {  	s5 =	simm.s32 @p1 $0x1;
	p0 =	seq.s32 s7, s2  }
0x1e: {  	s7 =	smul.u32 @!p0 $0xF7A, s2;
	p2 =	seq.s32 @!p0 s5, $0x0  }
0x1f: {  	s9 =	smul.u32 $0xF7A, s1;
	s8 =	simm.s32 @!p0 $0x1BF5;
	p2 =	por !p2, p0  }
0x20: {  	[sflag:s8] =	ssyncset.s32 @!p0 $0xFFFFF086;
	s6 =	sadd.s32 @!p0 s3, s7;
	s7 =	simm.s32 @!p0 $0x108  }
0x21: {  	s3 =	sadd.s32 s3, s9;
	s6 =	sadd.s32 @!p0 $0x88, s6;
	s7 =	simm.s32 @p2 $0x1082  }
0x22: {  	[simem:s7], [sflag:s8] =	dma.local @!p0 [hbm:s6], $0xF7A  }
0x23: {  	s9 =	sor.u32 $0xD0000000, s2;
	s6 =	simm.s32 $0x108;
	_ =	swait.ge @!p0 [sflag:s8], $0x0  }
0x24: {  	s3 =	sadd.s32 $0x88, s3;
	s6 =	simm.s32 @!p1 $0x1082;
	[sflag:s4] =	ssyncset.s32 $0xFFFFF086  }
0x25: {  	[simem:s6], [sflag:s4] =	dma.local [hbm:s3], $0xF7A  }
0x26: {  	[smem:$0x3F94] =	sst s1;
	(tag) =	ssettag s2;
	_ =	strace s9  }
0x27: {  	s1 =	sld [smem:$0x3FA4]  }
0x28: {  	s2 =	sld [smem:$0x3FA5]  }
0x29: {  	s4 =	sld [smem:$0x3FA7]  }
0x2a: {  	p0 =	seq.s32 s5, $0x0;
	s5 =	sld [smem:$0x3FA8]  }
0x2b: {  	s6 =	sld [smem:$0x3FA9]  }
0x2c: {  	s7 =	sld [smem:$0x3FAA]  }
0x2d: {  	s3 =	simm.s32 $0x108;
	s8 =	sld [smem:$0x3FAB]  }
0x2e: {  	s3 =	simm.s32 @!p0 $0x1082;
	s9 =	sld [smem:$0x3FAC]  }
0x2f: {  	lr =	sadd.s32 s0, s3;
	s0 =	sld [smem:$0x3FA3]  }
0x30: {  	s3 =	sld [smem:$0x3FA6]  }
0x31: {  	[smem:$0x3FAF] =	sst s10  }
0x32: {  	s10 =	sld [smem:$0x3FAD];
	_ =	sdelay $0x3  }
0x33: {  	p0 =	seq.s32 s10, $0x1;
	s10 =	sld [smem:$0x3FAF];
	_ =	sdelay $0x3  }
0x34: {  	[smem:$0x3FAF] =	sst s10  }
0x35: {  	s10 =	sld [smem:$0x3FAE];
	_ =	sdelay $0x3  }
0x36: {  	p1 =	seq.s32 s10, $0x1;
	s10 =	sld [smem:$0x3FAF];
	_ =	sdelay $0x3  }
0x37: {  	[smem:$0x3FAF] =	sst s10  }
0x38: {  	s10 =	sld [smem:$0x3FB0]  }
0x39: {  	_ = 	snop;
	(pc) =	sbr.ind lr, $3  }
0x3a: {  	_ = 	snop  }
0x3b: {  	_ = 	snop  }
0x3c: {  	p2 =	seq.s32 s10, $0x1;
	s10 =	sld [smem:$0x3FAF]  }
0x3d: {  	_ =	shalt  }
0x3e: {  	_ =	shalt  }
0x3f: {  	_ =	shalt  }
0x40: {  	_ =	shalt  }
0x41: {  	_ =	shalt  }
0x42: {  	_ =	shalt  }
0x43: {  	_ =	shalt  }
0x44: {  	_ =	shalt  }
0x45: {  	_ =	shalt  }
0x46: {  	_ =	shalt  }
0x47: {  	_ =	shalt  }
0x48: {  	_ =	shalt  }
0x49: {  	_ =	shalt  }
0x4a: {  	_ =	shalt  }
0x4b: {  	_ =	shalt  }
0x4c: {  	_ =	shalt  }
0x4d: {  	_ =	shalt  }
0x4e: {  	_ =	shalt  }
0x4f: {  	_ =	shalt  }
0x50: {  	_ =	shalt  }
0x51: {  	_ =	shalt  }
0x52: {  	_ =	shalt  }
0x53: {  	_ =	shalt  }
0x54: {  	_ =	shalt  }
0x55: {  	_ =	shalt  }
0x56: {  	_ =	shalt  }
0x57: {  	_ =	shalt  }
0x58: {  	_ =	shalt  }
0x59: {  	_ =	shalt  }
0x5a: {  	_ =	shalt  }
0x5b: {  	_ =	shalt  }
0x5c: {  	_ =	shalt  }
0x5d: {  	_ =	shalt  }
0x5e: {  	_ =	shalt  }
0x5f: {  	_ =	shalt  }
0x60: {  	_ =	shalt  }
0x61: {  	_ =	shalt  }
0x62: {  	_ =	shalt  }
0x63: {  	_ =	shalt  }
0x64: {  	_ =	shalt  }
0x65: {  	_ =	shalt  }
0x66: {  	_ =	shalt  }
0x67: {  	_ =	shalt  }
0x68: {  	_ =	shalt  }
0x69: {  	_ =	shalt  }
0x6a: {  	_ =	shalt  }
0x6b: {  	_ =	shalt  }
0x6c: {  	_ =	shalt  }
0x6d: {  	_ =	shalt  }
0x6e: {  	_ =	shalt  }
0x6f: {  	_ =	shalt  }
0x70: {  	_ =	shalt  }
0x71: {  	_ =	shalt  }
0x72: {  	_ =	shalt  }
0x73: {  	_ =	shalt  }
0x74: {  	_ =	shalt  }
0x75: {  	_ =	shalt  }
0x76: {  	_ =	shalt  }
0x77: {  	_ =	shalt  }
0x78: {  	_ =	shalt  }
0x79: {  	_ =	shalt  }
0x7a: {  	_ =	shalt  }
0x7b: {  	_ =	shalt  }
0x7c: {  	_ =	shalt  }
0x7d: {  	_ =	shalt  }
0x7e: {  	_ =	shalt  }
0x7f: {  	_ =	shalt  }
0x80: {  	_ =	shalt  }
0x81: {  	_ =	shalt  }
0x82: {  	_ =	shalt  }
0x83: {  	_ =	shalt  }
0x84: {  	_ =	shalt  }
0x85: {  	_ =	shalt  }
0x86: {  	_ =	shalt  }
0x87: {  	_ =	shalt  }
.Lfunc_end0:
.L_simem_size_0:
called_computation_lowered:
.L_overlay_start_0:
0x88: {  	s2 =	sld [smem:$0x3FD9]  }
0x89: {  	s3 =	sld [smem:$0x3FFE];
	_ =	sdelay $0x1  }
0x8a: {  	s1 =	srdreg.scid  }
0x8b: {  	s0 =	sand.u32 $0x1, s1  }
0x8c: {  	s17 =	sshll.u32 s0, $0xA;
	s2 =	sadd.s32 s3, s2  }
0x8d: {  	s2 =	sadd.s32 s2, s17  }
0x8e: {  	[smem:$0x3FBB] =	sst s2  }
0x8f: {  	_ = 	snop  }
0x90: {  	s2 =	sld [smem:$0x3FD0];
	(tm) =	ssettm $0x1  }
0x91: {  	s18 =	sld [smem:$0x3FFB];
	_ =	sdelay $0x3  }
0x92: {  	_ =	strace s18  }
0x93: {  	s3 =	sld [smem:$0x3FFC];
	_ =	sdelay $0x3  }
0x94: {  	_ =	strace s3  }
0x95: {  	s3 =	sld [smem:$0x3FFD];
	_ =	sdelay $0x3  }
0x96: {  	_ =	strace s3  }
0x97: {  	_ =	strace $0x8FFFFFFF  }
0x98: {  	s19 =	sld [smem:$0x3FDB];
	_ =	sdelay $0x1  }
0x99: {  	s4 =	simm.s32 $_scs_section_size  }
0x9a: {  	s5 =	simm.s32 $_size__tile_overlayer_lowered;
	s6 =	simm.s32 $_tile_overlayer_lowered  }
0x9b: {  	s22 =	simm.s32 $0x1BFF;
	s21 =	sshll.u32 s6, $0x1;
	s3 =	sadd.s32 s4, s19  }
0x9c: {  	s7 =	simm.s32 $0x0;
	s20 =	sshll.u32 s5, $0x1;
	s5 =	sadd.s32 s21, s3  }
0x9d: {  	[timem:s7], [sflag:s22] =	dma.local [hbm:s5], s20  }
0x9e: {  	_ =	swait.ge [sflag:s22], s20  }
0x9f: {  	s4 =	ssub.s32 $0x0, s20;
	[sflag:s22] =	ssyncset.done $0x0  }
0xa0: {  	[sflag:s22] =	ssyncadd.s32 s4;
	_ =	sdelay $0x1  }
0xa1: {  	s23 =	simm.s32 $0x1B8B  }
0xa2: {  	_ =	swait.ge [sflag:s23], $0x1  }
0xa3: {  	[sflag:s23] =	ssyncset.done $0x0  }
0xa4: {  	s25 =	simm.s32 $0x1B8E;
	s24 =	sld [smem:$0x3FFE];
	[sflag:s23] =	ssyncadd.s32 $0xFFFFFFFF  }
0xa5: {  	s26 =	simm.s32 $execute0_lowered;
	[smem:$0x3FD2] =	sst s25  }
0xa6: {  	s5 =	sshll.u32 s26, $0x1;
	_ =	strace $0x80000046;
	[dreg:$0x1] =	wrdreg $0xFFFFFFFF  }
0xa7: {  	s28 =	simm.s32 $_size_execute0_lowered;
	s3 =	sadd.s32 s3, s5;
	[dreg:$0x0] =	wrdreg $0x0  }
0xa8: {  	s5 =	sshll.u32 s28, $0x1;
	[dreg:$0x2] =	wrdreg s3  }
0xa9: {  	[dreg:$0x3] =	wrdreg s5  }
0xaa: {  	[dreg:$0x4] =	wrdreg $0xC0  }
0xab: {  	_ =	task [dreg:s7], $0x5FFFF  }
0xac: {  	[dreg:$0x1] =	wrdreg $0xFFFFFFFF  }
0xad: {  	[dreg:$0x0] =	wrdreg $0x60  }
0xae: {  	[dreg:$0x2] =	wrdreg s2  }
0xaf: {  	[dreg:$0x3] =	wrdreg s24  }
0xb0: {  	[dreg:$0x4] =	wrdreg $0x9  }
0xb1: {  	_ =	task.clear_ibuf [dreg:s7], $0x5FFFF;
	_ =	strace $0x90000046  }
0xb2: {  	s29 =	simm.s32 $0x9;
	_ =	strace $0x80000048  }
0xb3: {  	_ =	swait.ge [sflag:s29], $0x1  }
0xb4: {  	[sflag:s29] =	ssyncadd.s32 $0xFFFFFFFF  }
0xb5: {  	_ =	strace $0x90000048  }
0xb6: {  	_ =	sfence  }
0xb7: {  	s30 =	sld [smem:$0x0];
	_ =	sdelay $0x2  }
0xb8: {  	s31 =	sshll.u32 s1, $0xD;
	s1 =	sshrl.u32 s1, $0x2  }
0xb9: {  	s3 =	sand.u32 $0x4000, s31;
	s1 =	sadd.s32 s1, s30  }
0xba: {  	s0 =	sor.u32 s3, s0;
	s1 =	sshll.u32 s1, $0x11  }
0xbb: {  	s0 =	sor.u32 s1, s0  }
0xbc: {  	s0 =	sadd.s32 $0x8F2B, s0  }
0xbd: {  	[sflag:s0] =	ssyncadd.remote.s32 $0x1  }
0xbe: {  	_ =	sfence.sel $0xFFFF  }
0xbf: {  	[dreg:$0x0] =	wrdreg $0xFFFFFFFF;
	(pc) =	sbr.abs _section_cstart, $3  }
0xc0: {  	[dreg:$0x1] =	wrdreg $0xFFFFFFFF  }
0xc1: {  	_ =	task.clear_ibuf [dreg:s7], $0x2FFFF;
	_ =	strace $0x9FFFFFFF  }
0xc2: {  	(tm) =	ssettm $0x7FFFFFFF  }
0xc3: {  	_ =	shalt  }
tec
execute0_lowered:
.L_overlay_start_1:
0x0: {  	(tag) =	ssettag $0x1  }
0x1: {  	s1 =	srdreg.scid;
	s2 =	rddreg [dreg:$0x0]  }
0x2: {  	s0 =	stileid.u32;
	s5 =	rddreg [dreg:$0x1]  }
0x3: {  	s14 =	simm.s32 $0x3;
	s15 =	simm.s32 $0x2780;
	s16 =	simm.s32 $0x80  }
0x4: {  	s17 =	simm.s32 $0x4F00;
	s18 =	simm.s32 $0x8F00;
	s19 =	simm.s32 $0x6F00  }
0x5: {  	s20 =	simm.s32 $0x2800;
	s21 =	simm.s32 $0xAF00;
	s22 =	simm.s32 $0x1  }
0x6: {  	s23 =	simm.s32 $0xCF00;
	s24 =	simm.s32 $0xEF00;
	s25 =	simm.s32 $0x2  }
0x7: {  	s26 =	simm.s32 $0x0;
	s1 =	sand.u32 $0x1, s1;
	s3 =	sshll.u32 s0, $0x1  }
0x8: {  	p0 =	slt.u32 s0, $0x2;
	s4 =	sor.u32 s1, s3;
	s1 =	ssub.s32 $0x2, s1  }
0x9: {  	s3 =	simm.s32 $0x0;
	s6 =	smul.u32 $0x4E, s4;
	s31 =	sshrl.u32 s1, $0x1  }
0xa: {  	s4 =	smin.u32 s4, $0x4;
	[smem:$0x7FF] =	sst s3;
	s1 =	ssub.s32 s1, s31  }
0xb: {  	_ =	strace $0x80000047;
	s4 =	sadd.s32 s4, s6;
	s13 =	smax.u32 s1, $0x1  }
.Ltmp0:
0xc: {  	s6 =	sshll.u32 s4, $0x4;
	s11 =	sshll.u32 s4, $0xA;
	(pc) =	sbr.rel .LBB2_1-.Ltmp0, $4  }
0xd: {  	s10 =	sadd.s32 s6, s5;
	s5 =	sadd.s32 $0x17400, s5;
	s6 =	simm.s32 $0x4F  }
0xe: {  	s6 =	simm.s32 @!p0 $0x4E;
	s7 =	sadd.s32 $0x3A00, s10;
	s8 =	sadd.s32 $0xD640, s10  }
0xf: {  	s9 =	sadd.s32 $0x3EE0, s10;
	s12 =	sadd.s32 s11, s5;
	s10 =	sadd.s32 $0xDB20, s10  }
0x10: {  	s11 =	sadd.s32 $0x1, s4;
	p0 =	sgt.u32 s0, $0x1;
	s12 =	sadd.s32 $0x13800, s12  }
.LBB2_11:
0x11: {  	s26 =	sadd.s32 $0x1, s26  }
0x12: {  	_ =	swait.ge [sflag:s25], $0x2000;
	p1 =	sne.s32 s26, s13  }
.Ltmp1:
0x13: {  	[sflag:s25] =	ssyncset.done $0x0;
	(pc) =	sbr.rel @!p1 .LBB2_12-.Ltmp1, $4  }
0x14: {  	[sflag:s25] =	ssyncadd.s32 $0xFFFFE000  }
0x15: {  	_ =	swait.ge [sflag:s25], $0x2000  }
0x16: {  	[sflag:s25] =	ssyncset.done $0x0  }
0x17: {  	[sflag:s25] =	ssyncadd.s32 $0xFFFFE000  }
.LBB2_1:
0x18: {  	[tilespmem:s3], [sflag:$0x3] =	stream.linear.gather [hbm4b:s7+s3], $0x2700, $0x38;
	[tilespmem:$0x10F00] =	vst v63  }
0x19: {  	_ =	swait.ge [sflag:s14], $0x2700  }
0x1a: {  	[sflag:s14] =	ssyncset.done $0x0  }
0x1b: {  	[sflag:s14] =	ssyncadd.s32 $0xFFFFD900  }
0x1c: {  	[tilespmem:s15], [sflag:$0x3] =	stream.linear.gather [hbm4b:s8+s3], $0x2700, $0x38;
	[tilespmem:$0x10F00] =	vst v63  }
0x1d: {  	_ =	swait.ge [sflag:s14], $0x2700  }
0x1e: {  	[sflag:s14] =	ssyncset.done $0x0  }
0x1f: {  	s1 =	simm.s32 @!p0 $0x0;
	s28 =	simm.s32 @!p0 $0x2700;
	[sflag:s14] =	ssyncadd.s32 $0xFFFFD900  }
0x20: {  	[tilespmem:s28], [sflag:$0x3] =	stream.linear.gather @!p0 [hbm4b:s9+s1], $0x80, $0x38;
	[tilespmem:$0x10F00] =	vst v63  }
0x21: {  	s28 =	simm.s32 @!p0 $0x3  }
0x22: {  	_ =	swait.ge @!p0 [sflag:s28], $0x80  }
0x23: {  	[sflag:s28] =	ssyncset.done @!p0 $0x0  }
0x24: {  	s29 =	simm.s32 @!p0 $0x4E80;
	[sflag:s28] =	ssyncadd.s32 @!p0 $0xFFFFFF80  }
0x25: {  	[tilespmem:s29], [sflag:$0x3] =	stream.linear.gather @!p0 [hbm4b:s10+s1], $0x80, $0x38;
	[tilespmem:$0x10F00] =	vst v63  }
0x26: {  	_ =	swait.ge @!p0 [sflag:s28], $0x80  }
0x27: {  	[sflag:s28] =	ssyncset.done @!p0 $0x0  }
0x28: {  	[sflag:s28] =	ssyncadd.s32 @!p0 $0xFFFFFF80  }
0x29: {  	[tilespmem:s17], [sflag:$0x1] =	stream.indirect.gather [hbm4b:s2+s16], $0x40, s3, s16, $0xb8;
	[tilespmem:$0x10F00] =	vst v63  }
0x2a: {  	_ = 	snop  }
0x2b: {  	[tilespmem:s18], [sflag:$0x1] =	stream.indirect.gather [hbm4b:s2+s16], $0x40, s15, s16, $0xb8;
	[tilespmem:$0x10F00] =	vst v63  }
0x2c: {  	_ = 	snop  }
0x2d: {  	[tilespmem:s19], [sflag:$0x1] =	stream.indirect.gather [hbm4b:s2+s16], $0x40, s16, s16, $0xb8;
	[tilespmem:$0x10F00] =	vst v63  }
0x2e: {  	s28 =	simm.s32 $0x0  }
0x2f: {  	[tilespmem:s21], [sflag:$0x1] =	stream.indirect.gather [hbm4b:s2+s16], $0x40, s20, s16, $0xb8;
	[tilespmem:$0x10F00] =	vst v63  }
.LBB2_2:
0x30: {  	p1 =	seq.s32 s28, $0x0  }
0x31: {  	s1 =	simm.s32 @!p1 $0x2  }
0x32: {  	_ =	swait.ge @!p1 [sflag:s1], $0x2000  }
0x33: {  	[sflag:s1] =	ssyncset.done @!p1 $0x0  }
0x34: {  	[sflag:s1] =	ssyncadd.s32 @!p1 $0xFFFFE000  }
0x35: {  	_ =	swait.ge [sflag:s22], $0x2000  }
0x36: {  	[sflag:s22] =	ssyncset.done $0x0  }
0x37: {  	[sflag:s22] =	ssyncadd.s32 $0xFFFFE000  }
0x38: {  	_ =	swait.ge [sflag:s22], $0x2000  }
0x39: {  	[sflag:s22] =	ssyncset.done $0x0  }
0x3a: {  	s30 =	simm.s32 $0x0;
	[sflag:s22] =	ssyncadd.s32 $0xFFFFE000  }
0x3b: {  	v0 =	vld [tilespmem:s30+$0x4F70]  }
0x3c: {  	v1 =	vld [tilespmem:s30+$0x8F70]  }
0x3d: {  	v2 =	vld [tilespmem:s30+$0x4F00]  }
0x3e: {  	v3 =	vld [tilespmem:s30+$0x8F00]  }
0x3f: {  	v4 =	vld [tilespmem:s30+$0x4F10]  }
0x40: {  	v5 =	vld [tilespmem:s30+$0x8F10]  }
0x41: {  	v6 =	vld [tilespmem:s30+$0x4F20]  }
0x42: {  	v7 =	vld [tilespmem:s30+$0x4F30]  }
0x43: {  	v0 =	vadd.f32 v1, v0;
	v1 =	vld [tilespmem:s30+$0x8F20]  }
0x44: {  	v8 =	vld [tilespmem:s30+$0x8F30]  }
0x45: {  	v9 =	vld [tilespmem:s30+$0x8F40];
	v2 =	vadd.f32 v3, v2  }
0x46: {  	[tilespmem:s30+$0xCF70] =	vst v0;
	v0 =	vadd.f32 v5, v4;
	v5 =	vld [tilespmem:s30+$0x4F40]  }
0x47: {  	v3 =	vld [tilespmem:s30+$0x8F50];
	[tilespmem:s30+$0xCF00] =	vst v2  }
0x48: {  	v2 =	vld [tilespmem:s30+$0x4F50];
	[tilespmem:s30+$0xCF10] =	vst v0;
	v0 =	vadd.f32 v1, v6  }
0x49: {  	v4 =	vld [tilespmem:s30+$0x8F60];
	v6 =	vadd.f32 v8, v7  }
0x4a: {  	s31 =	simm.s32 $0x80;
	[tilespmem:s30+$0xCF20] =	vst v0;
	v0 =	vld [tilespmem:s30+$0x4F60]  }
0x4b: {  	s29 =	sshll.u32 s28, $0x1;
	s1 =	simm.s32 $0x400;
	v5 =	vadd.f32 v9, v5;
	v1 =	vld [tilespmem:s31+$0x4F70];
	[tilespmem:s30+$0xCF30] =	vst v6  }
.LBB2_3:
0x4c: {  	p2 =	sne.s32 s1, $0x7E00;
	v6 =	vld [tilespmem:s31+$0x8F70]  }
0x4d: {  	v7 =	vld [tilespmem:s31+$0x4F00];
	[tilespmem:s30+$0xCF40] =	vst v5;
	v2 =	vadd.f32 v3, v2  }
0x4e: {  	v3 =	vld [tilespmem:s31+$0x8F00]  }
0x4f: {  	v5 =	vld [tilespmem:s31+$0x4F10];
	[tilespmem:s30+$0xCF50] =	vst v2;
	v0 =	vadd.f32 v4, v0  }
0x50: {  	v2 =	vld [tilespmem:s31+$0x8F10]  }
0x51: {  	v4 =	vld [tilespmem:s31+$0x4F20];
	v1 =	vadd.f32 v6, v1;
	[tilespmem:s30+$0xCF60] =	vst v0;
	s30 =	smov.u32 s31  }
0x52: {  	v0 =	vld [tilespmem:s30+$0x8F20]  }
0x53: {  	v3 =	vadd.f32 v3, v7;
	v6 =	vld [tilespmem:s30+$0x4F30];
	[tilespmem:s30+$0xCF70] =	vst v1  }
0x54: {  	v1 =	vld [tilespmem:s30+$0x8F30]  }
0x55: {  	[tilespmem:s30+$0xCF00] =	vst v3;
	v2 =	vadd.f32 v2, v5;
	v5 =	vld [tilespmem:s30+$0x4F40]  }
0x56: {  	v7 =	vld [tilespmem:s30+$0x8F40]  }
.Ltmp2:
0x57: {  	[tilespmem:s30+$0xCF10] =	vst v2;
	v0 =	vadd.f32 v0, v4;
	v2 =	vld [tilespmem:s30+$0x4F50];
	(pc) =	sbr.rel @p2 .LBB2_3-.Ltmp2, $4  }
0x58: {  	v3 =	vld [tilespmem:s30+$0x8F50]  }
0x59: {  	[tilespmem:s30+$0xCF20] =	vst v0;
	v6 =	vadd.f32 v1, v6;
	v0 =	vld [tilespmem:s30+$0x4F60]  }
0x5a: {  	s31 =	sshra.s32 s1, $0x2;
	v4 =	vld [tilespmem:s30+$0x8F60]  }
0x5b: {  	s1 =	sadd.s32 $0x200, s1;
	v1 =	vld [tilespmem:s31+$0x4F70];
	[tilespmem:s30+$0xCF30] =	vst v6;
	v5 =	vadd.f32 v7, v5  }
0x5c: {  	v6 =	vld [tilespmem:s31+$0x8F70]  }
0x5d: {  	v7 =	vld [tilespmem:s31+$0x4F00];
	[tilespmem:s30+$0xCF40] =	vst v5;
	v2 =	vadd.f32 v3, v2  }
0x5e: {  	v3 =	vld [tilespmem:s31+$0x8F00]  }
0x5f: {  	v5 =	vld [tilespmem:s31+$0x4F10];
	[tilespmem:s30+$0xCF50] =	vst v2;
	v0 =	vadd.f32 v4, v0  }
0x60: {  	v2 =	vld [tilespmem:s31+$0x8F10]  }
0x61: {  	v4 =	vld [tilespmem:s31+$0x4F20];
	[tilespmem:s30+$0xCF60] =	vst v0  }
0x62: {  	v0 =	vadd.f32 v6, v1;
	v1 =	vld [tilespmem:s31+$0x8F20]  }
0x63: {  	v6 =	vld [tilespmem:s31+$0x4F30]  }
0x64: {  	v3 =	vadd.f32 v3, v7;
	[tilespmem:s31+$0xCF70] =	vst v0;
	v0 =	vld [tilespmem:s31+$0x8F30]  }
0x65: {  	v7 =	vld [tilespmem:s31+$0x8F60]  }
0x66: {  	[tilespmem:s31+$0xCF00] =	vst v3;
	v2 =	vadd.f32 v2, v5;
	v3 =	vld [tilespmem:s31+$0x4F40]  }
0x67: {  	v5 =	vld [tilespmem:s31+$0x8F40]  }
0x68: {  	[tilespmem:s31+$0xCF10] =	vst v2;
	v1 =	vadd.f32 v1, v4;
	v2 =	vld [tilespmem:s31+$0x4F50]  }
0x69: {  	v4 =	vld [tilespmem:s31+$0x8F50]  }
0x6a: {  	[tilespmem:s31+$0xCF20] =	vst v1;
	v1 =	vld [tilespmem:s31+$0x4F60];
	_ =	sdelay $0x1  }
0x6b: {  	v0 =	vadd.f32 v0, v6  }
0x6c: {  	v3 =	vadd.f32 v5, v3  }
0x6d: {  	s1 =	sadd.s32 s4, s29;
	[tilespmem:s31+$0xCF30] =	vst v0;
	v0 =	vadd.f32 v4, v2  }
0x6e: {  	s1 =	sshll.u32 s1, $0xA;
	[tilespmem:s31+$0xCF40] =	vst v3;
	v1 =	vadd.f32 v7, v1  }
0x6f: {  	s1 =	sand.u32 $0x1FFFFC00, s1;
	[tilespmem:s31+$0xCF50] =	vst v0  }
0x70: {  	s1 =	sadd.s32 s5, s1;
	[tilespmem:s31+$0xCF60] =	vst v1  }
0x71: {  	[hbm4b:s1+s3] =	stream.linear.scatter [tilespmem:s23], [sflag:$0x2], $0x2000, $0x38;
	[tilespmem:$0x10F00] =	vst v63  }
0x72: {  	s1 =	sadd.s32 $0x2, s29  }
0x73: {  	p2 =	sge.u32 s1, s6  }
0x74: {  	s1 =	sshll.u32 @!p2 s1, $0x7;
	s30 =	simm.s32 @!p2 $0x80;
	s31 =	simm.s32 @!p2 $0x4F00  }
0x75: {  	[tilespmem:s31], [sflag:$0x1] =	stream.indirect.gather @!p2 [hbm4b:s2+s30], $0x40, s1, s30, $0xb8;
	[tilespmem:$0x10F00] =	vst v63  }
0x76: {  	s1 =	sadd.s32 @!p2 $0x2780, s1;
	s31 =	simm.s32 @!p2 $0x8F00  }
0x77: {  	[tilespmem:s31], [sflag:$0x1] =	stream.indirect.gather @!p2 [hbm4b:s2+s30], $0x40, s1, s30, $0xb8;
	[tilespmem:$0x10F00] =	vst v63  }
0x78: {  	s1 =	simm.s32 @!p1 $0x2  }
0x79: {  	_ =	swait.ge @!p1 [sflag:s1], $0x2000  }
0x7a: {  	[sflag:s1] =	ssyncset.done @!p1 $0x0  }
0x7b: {  	[sflag:s1] =	ssyncadd.s32 @!p1 $0xFFFFE000  }
0x7c: {  	_ =	swait.ge [sflag:s22], $0x2000  }
0x7d: {  	[sflag:s22] =	ssyncset.done $0x0  }
0x7e: {  	[sflag:s22] =	ssyncadd.s32 $0xFFFFE000  }
0x7f: {  	_ =	swait.ge [sflag:s22], $0x2000  }
0x80: {  	[sflag:s22] =	ssyncset.done $0x0  }
0x81: {  	s30 =	simm.s32 $0x0;
	[sflag:s22] =	ssyncadd.s32 $0xFFFFE000  }
0x82: {  	v0 =	vld [tilespmem:s30+$0x6F70]  }
0x83: {  	v1 =	vld [tilespmem:s30+$0xAF70]  }
0x84: {  	v2 =	vld [tilespmem:s30+$0x6F00]  }
0x85: {  	v3 =	vld [tilespmem:s30+$0xAF00]  }
0x86: {  	v4 =	vld [tilespmem:s30+$0x6F10]  }
0x87: {  	v5 =	vld [tilespmem:s30+$0xAF10]  }
0x88: {  	v6 =	vld [tilespmem:s30+$0x6F20]  }
0x89: {  	v7 =	vld [tilespmem:s30+$0x6F30]  }
0x8a: {  	v0 =	vadd.f32 v1, v0;
	v1 =	vld [tilespmem:s30+$0xAF20]  }
0x8b: {  	v8 =	vld [tilespmem:s30+$0xAF30]  }
0x8c: {  	v9 =	vld [tilespmem:s30+$0xAF40];
	v2 =	vadd.f32 v3, v2  }
0x8d: {  	[tilespmem:s30+$0xEF70] =	vst v0;
	v0 =	vadd.f32 v5, v4;
	v5 =	vld [tilespmem:s30+$0x6F40]  }
0x8e: {  	v3 =	vld [tilespmem:s30+$0xAF50];
	[tilespmem:s30+$0xEF00] =	vst v2  }
0x8f: {  	v2 =	vld [tilespmem:s30+$0x6F50];
	[tilespmem:s30+$0xEF10] =	vst v0;
	v0 =	vadd.f32 v1, v6  }
0x90: {  	v4 =	vld [tilespmem:s30+$0xAF60];
	v6 =	vadd.f32 v8, v7  }
0x91: {  	s31 =	simm.s32 $0x80;
	[tilespmem:s30+$0xEF20] =	vst v0;
	v0 =	vld [tilespmem:s30+$0x6F60]  }
0x92: {  	s1 =	simm.s32 $0x400;
	v5 =	vadd.f32 v9, v5;
	v1 =	vld [tilespmem:s31+$0x6F70];
	[tilespmem:s30+$0xEF30] =	vst v6  }
.LBB2_5:
0x93: {  	p1 =	sne.s32 s1, $0x7E00;
	v6 =	vld [tilespmem:s31+$0xAF70]  }
0x94: {  	v7 =	vld [tilespmem:s31+$0x6F00];
	[tilespmem:s30+$0xEF40] =	vst v5;
	v2 =	vadd.f32 v3, v2  }
0x95: {  	v3 =	vld [tilespmem:s31+$0xAF00]  }
0x96: {  	v5 =	vld [tilespmem:s31+$0x6F10];
	[tilespmem:s30+$0xEF50] =	vst v2;
	v0 =	vadd.f32 v4, v0  }
0x97: {  	v2 =	vld [tilespmem:s31+$0xAF10]  }
0x98: {  	v4 =	vld [tilespmem:s31+$0x6F20];
	v1 =	vadd.f32 v6, v1;
	[tilespmem:s30+$0xEF60] =	vst v0;
	s30 =	smov.u32 s31  }
0x99: {  	v0 =	vld [tilespmem:s30+$0xAF20]  }
0x9a: {  	v3 =	vadd.f32 v3, v7;
	v6 =	vld [tilespmem:s30+$0x6F30];
	[tilespmem:s30+$0xEF70] =	vst v1  }
0x9b: {  	v1 =	vld [tilespmem:s30+$0xAF30]  }
0x9c: {  	[tilespmem:s30+$0xEF00] =	vst v3;
	v2 =	vadd.f32 v2, v5;
	v5 =	vld [tilespmem:s30+$0x6F40]  }
0x9d: {  	v7 =	vld [tilespmem:s30+$0xAF40]  }
.Ltmp3:
0x9e: {  	[tilespmem:s30+$0xEF10] =	vst v2;
	v0 =	vadd.f32 v0, v4;
	v2 =	vld [tilespmem:s30+$0x6F50];
	(pc) =	sbr.rel @p1 .LBB2_5-.Ltmp3, $4  }
0x9f: {  	v3 =	vld [tilespmem:s30+$0xAF50]  }
0xa0: {  	[tilespmem:s30+$0xEF20] =	vst v0;
	v6 =	vadd.f32 v1, v6;
	v0 =	vld [tilespmem:s30+$0x6F60]  }
0xa1: {  	s31 =	sshra.s32 s1, $0x2;
	v4 =	vld [tilespmem:s30+$0xAF60]  }
0xa2: {  	s1 =	sadd.s32 $0x200, s1;
	v1 =	vld [tilespmem:s31+$0x6F70];
	[tilespmem:s30+$0xEF30] =	vst v6;
	v5 =	vadd.f32 v7, v5  }
0xa3: {  	v6 =	vld [tilespmem:s31+$0xAF70]  }
0xa4: {  	v7 =	vld [tilespmem:s31+$0x6F00];
	[tilespmem:s30+$0xEF40] =	vst v5;
	v2 =	vadd.f32 v3, v2  }
0xa5: {  	v51 =	vld [tilespmem:s31+$0xAF00]  }
0xa6: {  	v5 =	vld [tilespmem:s31+$0x6F10];
	[tilespmem:s30+$0xEF50] =	vst v2;
	v0 =	vadd.f32 v4, v0  }
0xa7: {  	v2 =	vld [tilespmem:s31+$0xAF10]  }
0xa8: {  	v52 =	vld [tilespmem:s31+$0x6F20];
	[tilespmem:s30+$0xEF60] =	vst v0  }
0xa9: {  	v54 =	vld [tilespmem:s31+$0xAF20]  }
0xaa: {  	v55 =	vld [tilespmem:s31+$0x6F30]  }
0xab: {  	v56 =	vld [tilespmem:s31+$0xAF30]  }
0xac: {  	v57 =	vld [tilespmem:s31+$0x6F40]  }
0xad: {  	v58 =	vld [tilespmem:s31+$0xAF40]  }
0xae: {  	v59 =	vld [tilespmem:s31+$0x6F50]  }
0xaf: {  	v53 =	vadd.f32 v6, v1;
	v60 =	vld [tilespmem:s31+$0xAF50]  }
0xb0: {  	v61 =	vld [tilespmem:s31+$0x6F60];
	v3 =	vadd.f32 v51, v7  }
0xb1: {  	v62 =	vld [tilespmem:s31+$0xAF60];
	[tilespmem:s31+$0xEF70] =	vst v53;
	v2 =	vadd.f32 v2, v5  }
0xb2: {  	[tilespmem:s31+$0xEF00] =	vst v3;
	v1 =	vadd.f32 v54, v52  }
0xb3: {  	[tilespmem:s31+$0xEF10] =	vst v2;
	v0 =	vadd.f32 v56, v55  }
0xb4: {  	v3 =	vadd.f32 v58, v57;
	[tilespmem:s31+$0xEF20] =	vst v1  }
0xb5: {  	s1 =	sadd.s32 s29, s11;
	v63 =	vadd.f32 v60, v59;
	[tilespmem:s31+$0xEF30] =	vst v0  }
0xb6: {  	s1 =	sshll.u32 s1, $0xA;
	[tilespmem:s31+$0xEF40] =	vst v3;
	v1 =	vadd.f32 v62, v61  }
0xb7: {  	s1 =	sand.u32 $0x1FFFFC00, s1;
	[tilespmem:s31+$0xEF50] =	vst v63  }
0xb8: {  	s1 =	sadd.s32 s5, s1;
	[tilespmem:s31+$0xEF60] =	vst v1  }
0xb9: {  	[hbm4b:s1+s3] =	stream.linear.scatter [tilespmem:s24], [sflag:$0x2], $0x2000, $0x38;
	[tilespmem:$0x10F00] =	vst v63  }
0xba: {  	s1 =	sadd.s32 $0x3, s29  }
0xbb: {  	p1 =	sge.u32 s1, s6  }
0xbc: {  	s1 =	sshll.u32 @!p1 s1, $0x7;
	s29 =	simm.s32 @!p1 $0x80;
	s30 =	simm.s32 @!p1 $0x6F00  }
0xbd: {  	[tilespmem:s30], [sflag:$0x1] =	stream.indirect.gather @!p1 [hbm4b:s2+s29], $0x40, s1, s29, $0xb8;
	[tilespmem:$0x10F00] =	vst v63  }
0xbe: {  	s28 =	sadd.s32 $0x1, s28;
	s1 =	sadd.s32 @!p1 $0x2780, s1;
	s30 =	simm.s32 @!p1 $0xAF00  }
0xbf: {  	[tilespmem:s30], [sflag:$0x1] =	stream.indirect.gather @!p1 [hbm4b:s2+s29], $0x40, s1, s29, $0xb8;
	[tilespmem:$0x10F00] =	vst v63  }
0xc0: {  	p1 =	sne.s32 s28, $0x27  }
.Ltmp4:
0xc1: {  	_ = 	snop;
	(pc) =	sbr.rel @p1 .LBB2_2-.Ltmp4, $1  }
0xc2: {  	_ =	sdelay $0x3  }
.Ltmp5:
0xc3: {  	(pc) =	sbr.rel @p0 .LBB2_11-.Ltmp5, $1  }
0xc4: {  	_ =	sdelay $0x3  }
0xc5: {  	_ =	swait.ge [sflag:s25], $0x2000  }
0xc6: {  	[sflag:s25] =	ssyncset.done $0x0  }
0xc7: {  	[sflag:s25] =	ssyncadd.s32 $0xFFFFE000  }
0xc8: {  	_ =	swait.ge [sflag:s22], $0x2000  }
0xc9: {  	[sflag:s22] =	ssyncset.done $0x0  }
0xca: {  	[sflag:s22] =	ssyncadd.s32 $0xFFFFE000  }
0xcb: {  	_ =	swait.ge [sflag:s22], $0x2000  }
0xcc: {  	[sflag:s22] =	ssyncset.done $0x0  }
0xcd: {  	s28 =	simm.s32 $0x0;
	[sflag:s22] =	ssyncadd.s32 $0xFFFFE000  }
0xce: {  	v0 =	vld [tilespmem:s28+$0x4F70]  }
0xcf: {  	v1 =	vld [tilespmem:s28+$0x8F70]  }
0xd0: {  	v2 =	vld [tilespmem:s28+$0x4F00]  }
0xd1: {  	v3 =	vld [tilespmem:s28+$0x8F00]  }
0xd2: {  	v4 =	vld [tilespmem:s28+$0x4F10]  }
0xd3: {  	v5 =	vld [tilespmem:s28+$0x8F10]  }
0xd4: {  	v6 =	vld [tilespmem:s28+$0x4F20]  }
0xd5: {  	v7 =	vld [tilespmem:s28+$0x4F30]  }
0xd6: {  	v0 =	vadd.f32 v1, v0;
	v1 =	vld [tilespmem:s28+$0x8F20]  }
0xd7: {  	v8 =	vld [tilespmem:s28+$0x8F30]  }
0xd8: {  	v9 =	vld [tilespmem:s28+$0x8F40];
	v2 =	vadd.f32 v3, v2  }
0xd9: {  	[tilespmem:s28+$0xCF70] =	vst v0;
	v0 =	vadd.f32 v5, v4;
	v5 =	vld [tilespmem:s28+$0x4F40]  }
0xda: {  	v3 =	vld [tilespmem:s28+$0x8F50];
	[tilespmem:s28+$0xCF00] =	vst v2  }
0xdb: {  	v2 =	vld [tilespmem:s28+$0x4F50];
	[tilespmem:s28+$0xCF10] =	vst v0;
	v0 =	vadd.f32 v1, v6  }
0xdc: {  	v4 =	vld [tilespmem:s28+$0x8F60];
	v6 =	vadd.f32 v8, v7  }
0xdd: {  	s29 =	simm.s32 $0x80;
	[tilespmem:s28+$0xCF20] =	vst v0;
	v0 =	vld [tilespmem:s28+$0x4F60]  }
0xde: {  	s1 =	simm.s32 $0x400;
	v5 =	vadd.f32 v9, v5;
	v1 =	vld [tilespmem:s29+$0x4F70];
	[tilespmem:s28+$0xCF30] =	vst v6  }
.LBB2_9:
0xdf: {  	p1 =	sne.s32 s1, $0x7E00;
	v6 =	vld [tilespmem:s29+$0x8F70]  }
0xe0: {  	v7 =	vld [tilespmem:s29+$0x4F00];
	[tilespmem:s28+$0xCF40] =	vst v5;
	v2 =	vadd.f32 v3, v2  }
0xe1: {  	v3 =	vld [tilespmem:s29+$0x8F00]  }
0xe2: {  	v5 =	vld [tilespmem:s29+$0x4F10];
	[tilespmem:s28+$0xCF50] =	vst v2;
	v0 =	vadd.f32 v4, v0  }
0xe3: {  	v2 =	vld [tilespmem:s29+$0x8F10]  }
0xe4: {  	v4 =	vld [tilespmem:s29+$0x4F20];
	v1 =	vadd.f32 v6, v1;
	[tilespmem:s28+$0xCF60] =	vst v0;
	s28 =	smov.u32 s29  }
0xe5: {  	v0 =	vld [tilespmem:s28+$0x8F20]  }
0xe6: {  	v3 =	vadd.f32 v3, v7;
	v6 =	vld [tilespmem:s28+$0x4F30];
	[tilespmem:s28+$0xCF70] =	vst v1  }
0xe7: {  	v1 =	vld [tilespmem:s28+$0x8F30]  }
0xe8: {  	[tilespmem:s28+$0xCF00] =	vst v3;
	v2 =	vadd.f32 v2, v5;
	v5 =	vld [tilespmem:s28+$0x4F40]  }
0xe9: {  	v7 =	vld [tilespmem:s28+$0x8F40]  }
.Ltmp6:
0xea: {  	[tilespmem:s28+$0xCF10] =	vst v2;
	v0 =	vadd.f32 v0, v4;
	v2 =	vld [tilespmem:s28+$0x4F50];
	(pc) =	sbr.rel @p1 .LBB2_9-.Ltmp6, $4  }
0xeb: {  	v3 =	vld [tilespmem:s28+$0x8F50]  }
0xec: {  	[tilespmem:s28+$0xCF20] =	vst v0;
	v6 =	vadd.f32 v1, v6;
	v0 =	vld [tilespmem:s28+$0x4F60]  }
0xed: {  	s29 =	sshra.s32 s1, $0x2;
	v4 =	vld [tilespmem:s28+$0x8F60]  }
0xee: {  	s1 =	sadd.s32 $0x200, s1;
	v1 =	vld [tilespmem:s29+$0x4F70];
	[tilespmem:s28+$0xCF30] =	vst v6;
	v5 =	vadd.f32 v7, v5  }
0xef: {  	v6 =	vld [tilespmem:s29+$0x8F70]  }
0xf0: {  	v7 =	vld [tilespmem:s29+$0x4F00];
	[tilespmem:s28+$0xCF40] =	vst v5;
	v2 =	vadd.f32 v3, v2  }
0xf1: {  	v51 =	vld [tilespmem:s29+$0x8F00]  }
0xf2: {  	v5 =	vld [tilespmem:s29+$0x4F10];
	[tilespmem:s28+$0xCF50] =	vst v2;
	v0 =	vadd.f32 v4, v0  }
0xf3: {  	v2 =	vld [tilespmem:s29+$0x8F10]  }
0xf4: {  	v52 =	vld [tilespmem:s29+$0x4F20];
	[tilespmem:s28+$0xCF60] =	vst v0  }
0xf5: {  	v54 =	vld [tilespmem:s29+$0x8F20]  }
0xf6: {  	v55 =	vld [tilespmem:s29+$0x4F30]  }
0xf7: {  	v56 =	vld [tilespmem:s29+$0x8F30]  }
0xf8: {  	v57 =	vld [tilespmem:s29+$0x4F40]  }
0xf9: {  	v58 =	vld [tilespmem:s29+$0x8F40]  }
0xfa: {  	v59 =	vld [tilespmem:s29+$0x4F50]  }
0xfb: {  	v53 =	vadd.f32 v6, v1;
	v60 =	vld [tilespmem:s29+$0x8F50]  }
0xfc: {  	v61 =	vld [tilespmem:s29+$0x4F60];
	v3 =	vadd.f32 v51, v7  }
0xfd: {  	v62 =	vld [tilespmem:s29+$0x8F60];
	[tilespmem:s29+$0xCF70] =	vst v53;
	v2 =	vadd.f32 v2, v5  }
0xfe: {  	[tilespmem:s29+$0xCF00] =	vst v3;
	v1 =	vadd.f32 v54, v52  }
0xff: {  	[tilespmem:s29+$0xCF10] =	vst v2;
	v0 =	vadd.f32 v56, v55  }
0x100: {  	v3 =	vadd.f32 v58, v57;
	[tilespmem:s29+$0xCF20] =	vst v1  }
.Ltmp7:
0x101: {  	v63 =	vadd.f32 v60, v59;
	[tilespmem:s29+$0xCF30] =	vst v0;
	(pc) =	sbr.rel .LBB2_11-.Ltmp7, $4  }
0x102: {  	[tilespmem:s29+$0xCF40] =	vst v3;
	v1 =	vadd.f32 v62, v61  }
0x103: {  	[tilespmem:s29+$0xCF50] =	vst v63  }
0x104: {  	[tilespmem:s29+$0xCF60] =	vst v1  }
0x105: {  	[hbm4b:s12+s3] =	stream.linear.scatter [tilespmem:s23], [sflag:$0x2], $0x2000, $0x38;
	[tilespmem:$0x10F00] =	vst v63  }
.LBB2_12:
0x106: {  	_ =	sfence.sel $0x180000  }
0x107: {  	[bflag:$0x0] =	sbarrier.arrive $0xFFFF  }
0x108: {  	_ =	strace $0x90000047  }
0x109: {  	[bflag:$0x2] =	sbarrier.arrive $0xFFFF  }
0x10a: {  	p0 =	sne.s32 s0, $0x0;
	s0 =	rddreg [dreg:$0x2]  }
0x10b: {  	s0 =	sadd.s32 @!p0 $0x100000, s0  }
0x10c: {  	[sflag:s0] =	ssyncadd.tile.s32 @!p0 $0x1;
	_ =	shalt  }
.Lfunc_end2:
_tile_overlayer_lowered:
.L_overlay_start_2:
0x10d: {  	(tag) =	ssettag $0x2  }
0x10e: {  	s0 =	rddreg [dreg:$0x0];
	s2 =	stileid.u32  }
0x10f: {  	s1 =	rddreg [dreg:$0x1];
	p0 =	sne.s32 s2, $0x0  }
0x110: {  	s3 =	rddreg [dreg:$0x2];
	[bflag:$0x3] =	sbarrier.arrive $0xFFFF;
	s2 =	simm.s32 @!p0 $0x1C03  }
0x111: {  	[timem:s3], [sflag:s2] =	dma.local @!p0 [hbm:s0], s1  }
0x112: {  	s0 =	simm.s32 @!p0 $0x3  }
0x113: {  	_ =	swait.ge @!p0 [sflag:s0], s1  }
0x114: {  	s1 =	ssub.s32 @!p0 $0x0, s1;
	[sflag:s0] =	ssyncset.done @!p0 $0x0  }
0x115: {  	[sflag:s0] =	ssyncadd.s32 @!p0 s1  }
0x116: {  	[bflag:$0x3] =	sbarrier.arrive $0xFFFF  }
0x117: {  	_ =	shalt  }

</sc_bundles>
